<compile_context>
chip_gen: v7x
topology: tpu7x:2x2x1
jax: 0.10.2.dev20260603
libtpu: 0.0.44.dev20260713+nightly
codegen_flags: <defaults>
</compile_context>

<pallas_src>
import functools

import jax
import jax.numpy as jnp
from jax import lax
from jax.experimental import pallas as pl
from jax.experimental.pallas import tpu as pltpu
import jax.experimental.pallas.tpu_sc as plsc

N_NODES = 50000
NPAD = 50176
E_ACT = 800000
EPAD = 819200
ROWS = EPAD // 128
RPK = ROWS // 8
CR = 20
CE = CR * 128
NCHUNK = RPK // CR
NB = NCHUNK // 4
ROWS2 = ROWS + 3 * CR
EALL = ROWS2 * 128
TOL = 1e-4
MAX_ITER = 12
EPS = 1e-12


def _mesh():
    return plsc.VectorSubcoreMesh(core_axis_name="c", subcore_axis_name="s")


def _worker_ids():
    c = lax.axis_index("c")
    s = lax.axis_index("s")
    b = 2 * c + s // 8
    k = s % 8
    return b, k


def _zero_vmem(ref):
    @functools.partial(plsc.parallel_loop, 0, NPAD // 16, unroll=8)
    def _(i):
        ref[pl.ds(i * 16, 16)] = jnp.zeros((16,), jnp.float32)


def _sc_lap(p_all, src1d, dst1d):

    @functools.partial(
        pl.kernel,
        out_type=jax.ShapeDtypeStruct((8, 4, NPAD), jnp.float32),
        mesh=_mesh(),
        compiler_params=pltpu.CompilerParams(needs_layout_passes=False),
        scratch_types=[
            pltpu.VMEM((NPAD,), jnp.float32),
            pltpu.VMEM((NPAD,), jnp.float32),
            pltpu.VMEM((4, CE), jnp.int32),
            pltpu.VMEM((4, CE), jnp.int32),
            pltpu.SemaphoreType.DMA((4,)),
            pltpu.SemaphoreType.DMA((4,)),
        ],
    )
    def k(p_hbm, src_hbm, dst_hbm, out_hbm, ploc, acc, idxs, idxd, sem_s,
          sem_d):
        b, kk = _worker_ids()
        e_base = kk * RPK * 128

        def start(ci, sl):
            e0 = e_base + ci * CE
            pltpu.async_copy(src_hbm.at[pl.ds(e0, CE)], idxs.at[sl],
                             sem_s.at[sl])
            pltpu.async_copy(dst_hbm.at[pl.ds(e0, CE)], idxd.at[sl],
                             sem_d.at[sl])

        def wait(sl):
            pltpu.make_async_copy(src_hbm.at[pl.ds(0, CE)], idxs.at[sl],
                                  sem_s.at[sl]).wait()
            pltpu.make_async_copy(dst_hbm.at[pl.ds(0, CE)], idxd.at[sl],
                                  sem_d.at[sl]).wait()

        def compute(sl):
            @functools.partial(plsc.parallel_loop, 0, CE // 16, unroll=8)
            def _(gi):
                off = gi * 16
                iv_d = idxd[sl, pl.ds(off, 16)]
                iv_s = idxs[sl, pl.ds(off, 16)]
                pd = plsc.load_gather(ploc, [iv_d])
                ps = plsc.load_gather(ploc, [iv_s])
                gv = pd - ps
                plsc.addupdate_scatter(acc, [iv_d], gv)
                plsc.addupdate_scatter(acc, [iv_s], -gv)

        pltpu.sync_copy(p_hbm.at[b], ploc)
        _zero_vmem(acc)
        start(0, 0)
        start(1, 1)
        start(2, 2)

        def body(i, carry):
            ci = 4 * i
            wait(0)
            compute(0)
            start(ci + 3, 3)
            wait(1)
            compute(1)
            start(ci + 4, 0)
            wait(2)
            compute(2)
            start(ci + 5, 1)
            wait(3)
            compute(3)
            start(ci + 6, 2)
            return carry

        lax.fori_loop(0, NB, body, 0)
        wait(0)
        wait(1)
        wait(2)
        plsc.subcore_barrier()
        pltpu.sync_copy(acc, out_hbm.at[kk].at[b])

    return k(p_all, src1d, dst1d)


def _sc_rhs(src1d, dst1d, u2d):

    @functools.partial(
        pl.kernel,
        out_type=jax.ShapeDtypeStruct((8, 4, NPAD), jnp.float32),
        mesh=_mesh(),
        compiler_params=pltpu.CompilerParams(needs_layout_passes=False),
        scratch_types=[
            pltpu.VMEM((NPAD,), jnp.float32),
            pltpu.VMEM((4, CE), jnp.int32),
            pltpu.VMEM((4, CE), jnp.int32),
            pltpu.VMEM((4, CE), jnp.float32),
            pltpu.SemaphoreType.DMA((4,)),
            pltpu.SemaphoreType.DMA((4,)),
            pltpu.SemaphoreType.DMA((4,)),
        ],
    )
    def k(src_hbm, dst_hbm, u_hbm, out_hbm, acc, idxs, idxd, ubuf, sem_s,
          sem_d, sem_u):
        b, kk = _worker_ids()
        e_base = kk * RPK * 128

        def start(ci, sl):
            e0 = e_base + ci * CE
            pltpu.async_copy(src_hbm.at[pl.ds(e0, CE)], idxs.at[sl],
                             sem_s.at[sl])
            pltpu.async_copy(dst_hbm.at[pl.ds(e0, CE)], idxd.at[sl],
                             sem_d.at[sl])
            pltpu.async_copy(u_hbm.at[b].at[pl.ds(e0, CE)], ubuf.at[sl],
                             sem_u.at[sl])

        def wait(sl):
            pltpu.make_async_copy(src_hbm.at[pl.ds(0, CE)], idxs.at[sl],
                                  sem_s.at[sl]).wait()
            pltpu.make_async_copy(dst_hbm.at[pl.ds(0, CE)], idxd.at[sl],
                                  sem_d.at[sl]).wait()
            pltpu.make_async_copy(u_hbm.at[b].at[pl.ds(0, CE)], ubuf.at[sl],
                                  sem_u.at[sl]).wait()

        def compute(sl):
            @functools.partial(plsc.parallel_loop, 0, CE // 16, unroll=8)
            def _(gi):
                off = gi * 16
                iv_d = idxd[sl, pl.ds(off, 16)]
                iv_s = idxs[sl, pl.ds(off, 16)]
                uv = ubuf[sl, pl.ds(off, 16)]
                plsc.addupdate_scatter(acc, [iv_d], uv)
                plsc.addupdate_scatter(acc, [iv_s], -uv)

        _zero_vmem(acc)
        start(0, 0)
        start(1, 1)
        start(2, 2)

        def body(i, carry):
            ci = 4 * i
            wait(0)
            compute(0)
            start(ci + 3, 3)
            wait(1)
            compute(1)
            start(ci + 4, 0)
            wait(2)
            compute(2)
            start(ci + 5, 1)
            wait(3)
            compute(3)
            start(ci + 6, 2)
            return carry

        lax.fori_loop(0, NB, body, 0)
        wait(0)
        wait(1)
        wait(2)
        plsc.subcore_barrier()
        pltpu.sync_copy(acc, out_hbm.at[kk].at[b])

    return k(src1d, dst1d, u2d)


def _sc_final(xzm, src1d, dst1d, u2d):

    @functools.partial(
        pl.kernel,
        out_type=jax.ShapeDtypeStruct((4, EPAD), jnp.float32),
        mesh=_mesh(),
        compiler_params=pltpu.CompilerParams(needs_layout_passes=False),
        scratch_types=[
            pltpu.VMEM((NPAD,), jnp.float32),
            pltpu.VMEM((4, CE), jnp.int32),
            pltpu.VMEM((4, CE), jnp.int32),
            pltpu.VMEM((4, CE), jnp.float32),
            pltpu.VMEM((4, CE), jnp.float32),
            pltpu.SemaphoreType.DMA((4,)),
            pltpu.SemaphoreType.DMA((4,)),
            pltpu.SemaphoreType.DMA((4,)),
            pltpu.SemaphoreType.DMA((4,)),
        ],
    )
    def k(x_hbm, src_hbm, dst_hbm, u_hbm, out_hbm, xloc, idxs, idxd, ubuf,
          obuf, sem_s, sem_d, sem_u, sem_o):
        b, kk = _worker_ids()
        e_base = kk * RPK * 128

        def start(ci, sl):
            e0 = e_base + ci * CE
            pltpu.async_copy(src_hbm.at[pl.ds(e0, CE)], idxs.at[sl],
                             sem_s.at[sl])
            pltpu.async_copy(dst_hbm.at[pl.ds(e0, CE)], idxd.at[sl],
                             sem_d.at[sl])
            pltpu.async_copy(u_hbm.at[b].at[pl.ds(e0, CE)], ubuf.at[sl],
                             sem_u.at[sl])

        def wait(sl):
            pltpu.make_async_copy(src_hbm.at[pl.ds(0, CE)], idxs.at[sl],
                                  sem_s.at[sl]).wait()
            pltpu.make_async_copy(dst_hbm.at[pl.ds(0, CE)], idxd.at[sl],
                                  sem_d.at[sl]).wait()
            pltpu.make_async_copy(u_hbm.at[b].at[pl.ds(0, CE)], ubuf.at[sl],
                                  sem_u.at[sl]).wait()

        def out_start(ci, sl):
            pltpu.async_copy(obuf.at[sl],
                             out_hbm.at[b].at[pl.ds(e_base + ci * CE, CE)],
                             sem_o.at[sl])

        def wait_out(sl):
            pltpu.make_async_copy(obuf.at[sl], out_hbm.at[b].at[pl.ds(0, CE)],
                                  sem_o.at[sl]).wait()

        def compute(sl):
            @functools.partial(plsc.parallel_loop, 0, CE // 16, unroll=8)
            def _(gi):
                off = gi * 16
                iv_d = idxd[sl, pl.ds(off, 16)]
                iv_s = idxs[sl, pl.ds(off, 16)]
                xv = (plsc.load_gather(xloc, [iv_d])
                      - plsc.load_gather(xloc, [iv_s]))
                obuf[sl, pl.ds(off, 16)] = ubuf[sl, pl.ds(off, 16)] - xv

        pltpu.sync_copy(x_hbm.at[b], xloc)
        start(0, 0)
        start(1, 1)
        start(2, 2)

        def body(i, carry):
            ci = 4 * i

            @pl.when(i > 0)
            def _():
                wait_out(0)

            wait(0)

            @pl.when(i > 0)
            def _():
                out_start(ci - 1, 3)

            compute(0)
            start(ci + 3, 3)

            @pl.when(i > 0)
            def _():
                wait_out(1)

            wait(1)
            out_start(ci, 0)
            compute(1)
            start(ci + 4, 0)

            @pl.when(i > 0)
            def _():
                wait_out(2)

            wait(2)
            out_start(ci + 1, 1)
            compute(2)
            start(ci + 5, 1)

            @pl.when(i > 0)
            def _():
                wait_out(3)

            wait(3)
            out_start(ci + 2, 2)
            compute(3)
            start(ci + 6, 2)
            return carry

        lax.fori_loop(0, NB, body, 0)
        wait(0)
        wait(1)
        wait(2)
        out_start(NCHUNK - 1, 3)
        wait_out(0)
        wait_out(1)
        wait_out(2)
        wait_out(3)

    return k(xzm, src1d, dst1d, u2d)


def _mask4():
    return (lax.broadcasted_iota(jnp.int32, (4, NPAD), 1) < N_NODES).astype(
        jnp.float32)


def _tc_init(parts):

    def body(parts_ref, r_ref, rs_ref, rn_ref):
        mask = _mask4()
        div = jnp.sum(parts_ref[...], axis=0)
        m = jnp.sum(div, axis=1, keepdims=True) * (1.0 / N_NODES)
        rhs = (div - m) * mask
        rn = jnp.sum(rhs * rhs, axis=1, keepdims=True)
        m2 = jnp.sum(rhs, axis=1, keepdims=True) * (1.0 / N_NODES)
        r0 = (rhs - m2) * mask
        rs0 = jnp.sum(r0 * r0, axis=1, keepdims=True)
        r_ref[...] = r0
        rs_ref[...] = jnp.broadcast_to(rs0, (4, 128))
        rn_ref[...] = jnp.broadcast_to(rn, (4, 128))

    return pl.pallas_call(
        body,
        out_shape=(
            jax.ShapeDtypeStruct((4, NPAD), jnp.float32),
            jax.ShapeDtypeStruct((4, 128), jnp.float32),
            jax.ShapeDtypeStruct((4, 128), jnp.float32),
        ),
    )(parts)


def _tc_dense(parts, x, r, p, rs_old, done, rhs_norm):

    def body(parts_ref, x_ref, r_ref, p_ref, rs_ref, done_ref, rn_ref,
             xo_ref, ro_ref, po_ref, rso_ref, do_ref):
        mask = _mask4()
        ap_raw = jnp.sum(parts_ref[...], axis=0)
        m = jnp.sum(ap_raw, axis=1, keepdims=True) * (1.0 / N_NODES)
        Ap = (ap_raw - m) * mask
        pvec = p_ref[...]
        denom = jnp.sum(pvec * Ap, axis=1, keepdims=True)
        rs_o = rs_ref[:, :1]
        active = (rs_o > EPS) & (jnp.abs(denom) > EPS)
        safe_denom = jnp.where(active, denom, 1.0)
        alpha = jnp.where(active, rs_o / safe_denom, 0.0)
        x_new = x_ref[...] + alpha * pvec
        r_raw = r_ref[...] - alpha * Ap
        m2 = jnp.sum(r_raw, axis=1, keepdims=True) * (1.0 / N_NODES)
        r_new = (r_raw - m2) * mask
        rs_new = jnp.sum(r_new * r_new, axis=1, keepdims=True)
        rel = rs_new / jnp.clip(rn_ref[:, :1], EPS, None)
        ats = TOL * TOL
        conv = (jnp.max(rs_new) < ats) & (jnp.max(rel) < ats)
        safe_rs_o = jnp.where(active, rs_o, 1.0)
        beta = jnp.where(active, rs_new / safe_rs_o, 0.0)
        p_new = r_new + beta * pvec
        done_b = done_ref[:, :1] > 0.5
        xo_ref[...] = jnp.where(done_b, x_ref[...], x_new)
        ro_ref[...] = jnp.where(done_b, r_ref[...], r_new)
        po_ref[...] = jnp.where(done_b, pvec, p_new)
        rso_ref[...] = jnp.broadcast_to(jnp.where(done_b, rs_o, rs_new),
                                        (4, 128))
        do_ref[...] = jnp.maximum(done_ref[...],
                                  jnp.where(conv, 1.0, 0.0))

    return pl.pallas_call(
        body,
        out_shape=(
            jax.ShapeDtypeStruct((4, NPAD), jnp.float32),
            jax.ShapeDtypeStruct((4, NPAD), jnp.float32),
            jax.ShapeDtypeStruct((4, NPAD), jnp.float32),
            jax.ShapeDtypeStruct((4, 128), jnp.float32),
            jax.ShapeDtypeStruct((4, 128), jnp.float32),
        ),
    )(parts, x, r, p, rs_old, done, rhs_norm)


def _tc_zeromean(x):
    def body(x_ref, o_ref):
        mask = _mask4()
        m = jnp.sum(x_ref[...], axis=1, keepdims=True) * (1.0 / N_NODES)
        o_ref[...] = (x_ref[...] - m) * mask

    return pl.pallas_call(
        body, out_shape=jax.ShapeDtypeStruct((4, NPAD), jnp.float32))(x)


def kernel(u_raw, edge_index):
    src = edge_index[0]
    dst = edge_index[1]
    pad_e = EALL - E_ACT
    src1d = jnp.concatenate([src, jnp.zeros((pad_e,), jnp.int32)])
    dst1d = jnp.concatenate([dst, jnp.zeros((pad_e,), jnp.int32)])
    u2d = jnp.pad(u_raw, ((0, 0), (0, pad_e)))

    parts0 = _sc_rhs(src1d, dst1d, u2d)
    r0, rs0, rn = _tc_init(parts0)
    x = jnp.zeros_like(r0)
    done0 = jnp.zeros((4, 128), jnp.float32)

    def it(_, st):
        x, r, p, rs, done = st
        parts = _sc_lap(p, src1d, dst1d)
        return _tc_dense(parts, x, r, p, rs, done, rn)

    x, r, p, rs, done = lax.fori_loop(
        0, MAX_ITER, it, (x, r0, r0, rs0, done0))
    xzm = _tc_zeromean(x)
    out = _sc_final(xzm, src1d, dst1d, u2d)
    return out[:, :E_ACT]

# --- scband reference (transcript-rebuilt; emitter-appended) ---
"""Pipeline reference for scband-leray-projector-88441966559593 (READ-ONLY COPY).

The authoritative reference and input builder live on the scoring server;
editing this copy changes nothing except your own understanding.
"""

import jax, jax.numpy as jnp
import numpy as np

N_NODES = 50000
N_EDGES = 800000
BATCH = 4
TOL = 1e-4
MAX_ITER = 12


def setup_inputs(seed: int = 0) -> dict:
    key = jax.random.key(seed)
    k1, k2 = jax.random.split(key)
    u_raw = jax.random.normal(k1, (BATCH, N_EDGES), dtype=jnp.float32)
    edge_index = jax.random.randint(k2, (2, N_EDGES), 0, N_NODES, dtype=jnp.int32)
    return {"u_raw": u_raw, "edge_index": edge_index}


def _zero_mean(x):
    return x - x.mean(axis=-1, keepdims=True)


def _gradient(p, src, dst):
    # edge field from node field: (Gp)_e = p[dst_e] - p[src_e]
    return jnp.take(p, dst, axis=-1) - jnp.take(p, src, axis=-1)


def _divergence(u, src, dst, n_nodes):
    # div = G^T u : node field from edge field (scatter-add)
    out = jnp.zeros(u.shape[:-1] + (n_nodes,), dtype=u.dtype)
    out = out.at[:, dst].add(u)
    out = out.at[:, src].add(-u)
    return out


def _laplacian_apply(p, src, dst, n_nodes):
    return _divergence(_gradient(p, src, dst), src, dst, n_nodes)


def _cg(rhs, src, dst, n_nodes, tol, max_iter):
    eps = 1e-12
    rhs = _zero_mean(rhs)
    x = jnp.zeros_like(rhs)
    r = rhs - _laplacian_apply(x, src, dst, n_nodes)
    r = _zero_mean(r)
    p = r
    rs_old = (r * r).sum(axis=-1, keepdims=True)
    rhs_norm = (rhs * rhs).sum(axis=-1, keepdims=True)
    abs_tol_sq = tol * tol

    def body(_, state):
        x, r, p, rs_old, done = state
        Ap = _zero_mean(_laplacian_apply(p, src, dst, n_nodes))
        denom = (p * Ap).sum(axis=-1, keepdims=True)
        active = (rs_old > eps) & (jnp.abs(denom) > eps)
        safe_denom = jnp.where(active, denom, jnp.ones_like(denom))
        alpha = jnp.where(active, rs_old / safe_denom, jnp.zeros_like(rs_old))
        x_new = x + alpha * p
        r_new = r - alpha * Ap
        r_new = _zero_mean(r_new)
        rs_new = (r_new * r_new).sum(axis=-1, keepdims=True)
        rel = rs_new / jnp.clip(rhs_norm, eps, None)
        conv = (rs_new.max() < abs_tol_sq) & (rel.max() < abs_tol_sq)
        safe_rs_old = jnp.where(active, rs_old, jnp.ones_like(rs_old))
        beta = jnp.where(active, rs_new / safe_rs_old, jnp.zeros_like(rs_new))
        p_new = r_new + beta * p
        x_out = jnp.where(done, x, x_new)
        r_out = jnp.where(done, r, r_new)
        p_out = jnp.where(done, p, p_new)
        rs_out = jnp.where(done, rs_old, rs_new)
        done_out = done | conv
        return (x_out, r_out, p_out, rs_out, done_out)

    done0 = jnp.zeros((), dtype=jnp.bool_)
    x, r, p, rs_old, done = jax.lax.fori_loop(
        0, max_iter, body, (x, r, p, rs_old, done0)
    )
    return _zero_mean(x)


def reference(u_raw, edge_index):
    src = edge_index[0]
    dst = edge_index[1]
    rhs = _divergence(u_raw, src, dst, N_NODES)
    p = _cg(rhs, src, dst, N_NODES, TOL, MAX_ITER)
    u_proj = u_raw - _gradient(p, src, dst)
    return u_proj

if __name__ == "__main__":
    import jax
    _d = setup_inputs()
    print(jax.jit(kernel)(*tuple(_d.values())))

</pallas_src>

<mosaic_0001>
#map = affine_map<(d0, d1) -> (0, 0)>
#map1 = affine_map<(d0, d1) -> (0)>
module attributes {stable_mosaic.version = 14 : i64} {
  func.func @k(%arg0: i32, %arg1: i32, %arg2: memref<4x50176xf32, #tpu.memory_space<hbm>>, %arg3: memref<826880xi32, #tpu.memory_space<hbm>>, %arg4: memref<826880xi32, #tpu.memory_space<hbm>>, %arg5: memref<4x826880xf32, #tpu.memory_space<hbm>>, %arg6: memref<4x819200xf32, #tpu.memory_space<hbm>>, %arg7: memref<50176xf32, #tpu.memory_space<vmem>>, %arg8: memref<4x2560xi32, #tpu.memory_space<vmem>>, %arg9: memref<4x2560xi32, #tpu.memory_space<vmem>>, %arg10: memref<4x2560xf32, #tpu.memory_space<vmem>>, %arg11: memref<4x2560xf32, #tpu.memory_space<vmem>>, %arg12: memref<4x!tpu.dma_semaphore, #tpu.memory_space<semaphore_mem>>, %arg13: memref<4x!tpu.dma_semaphore, #tpu.memory_space<semaphore_mem>>, %arg14: memref<4x!tpu.dma_semaphore, #tpu.memory_space<semaphore_mem>>, %arg15: memref<4x!tpu.dma_semaphore, #tpu.memory_space<semaphore_mem>>) attributes {dimension_semantics = [#tpu.dimension_semantics<core_parallel>, #tpu.dimension_semantics<subcore_parallel>], iteration_bounds = array<i64: 2, 16>, scalar_prefetch = 0 : i64, scratch_operands = 9 : i64, tpu.core_type = #tpu.core_type<sc_vector_subcore>, window_params = [{transform_indices = #map}, {transform_indices = #map1}, {transform_indices = #map1}, {transform_indices = #map}, {transform_indices = #map}]} {
    %mul3A = arith.constant 2 : i32
    %mul3A_0 = arith.muli %mul3A, %arg0 : i32
    %jit3A = arith.constant 8 : i32
    %div3A = arith.divsi %arg1, %jit3A : i32
    %sign3A = arith.constant 0 : i32
    %sign3A_1 = arith.cmpi sgt, %arg1, %sign3A : i32
    %sign3A_2 = arith.extui %sign3A_1 : i1 to i32
    %sign3A_3 = arith.constant 0 : i32
    %sign3A_4 = arith.cmpi slt, %arg1, %sign3A_3 : i32
    %sign3A_5 = arith.extui %sign3A_4 : i1 to i32
    %sign3A_6 = arith.subi %sign3A_2, %sign3A_5 : i32
    %sign3A_7 = arith.constant 0 : i32
    %sign3A_8 = arith.cmpi sgt, %jit3A, %sign3A_7 : i32
    %sign3A_9 = arith.extui %sign3A_8 : i1 to i32
    %sign3A_10 = arith.constant 0 : i32
    %sign3A_11 = arith.cmpi slt, %jit3A, %sign3A_10 : i32
    %sign3A_12 = arith.extui %sign3A_11 : i1 to i32
    %sign3A_13 = arith.subi %sign3A_9, %sign3A_12 : i32
    %ne3A = arith.cmpi ne, %sign3A_6, %sign3A_13 : i32
    %rem3A = arith.remsi %arg1, %jit3A : i32
    %ne3A_14 = arith.constant 0 : i32
    %ne3A_15 = arith.cmpi ne, %rem3A, %ne3A_14 : i32
    %and3A = arith.andi %ne3A, %ne3A_15 : i1
    %sub3A = arith.constant 1 : i32
    %sub3A_16 = arith.subi %div3A, %sub3A : i32
    %select_n3A = arith.select %and3A, %sub3A_16, %div3A : i32
    %add3A = arith.addi %mul3A_0, %select_n3A : i32
    %jit3A_17 = arith.constant 8 : i32
    %eq3A = arith.constant 0 : i32
    %eq3A_18 = arith.cmpi eq, %jit3A_17, %eq3A : i32
    %jit3A_19 = arith.constant 1 : i32
    %select_n3A_20 = arith.select %eq3A_18, %jit3A_19, %jit3A_17 : i32
    %rem3A_21 = arith.remsi %arg1, %select_n3A_20 : i32
    %ne3A_22 = arith.constant 0 : i32
    %ne3A_23 = arith.cmpi ne, %rem3A_21, %ne3A_22 : i32
    %lt3A = arith.constant 0 : i32
    %lt3A_24 = arith.cmpi slt, %rem3A_21, %lt3A : i32
    %lt3A_25 = arith.constant 0 : i32
    %lt3A_26 = arith.cmpi slt, %select_n3A_20, %lt3A_25 : i32
    %ne3A_27 = arith.xori %lt3A_24, %lt3A_26 : i1
    %and3A_28 = arith.andi %ne3A_27, %ne3A_23 : i1
    %add3A_29 = arith.addi %rem3A_21, %select_n3A_20 : i32
    %select_n3A_30 = arith.select %and3A_28, %add3A_29, %rem3A_21 : i32
    %mul3A_31 = arith.constant 800 : i32
    %mul3A_32 = arith.muli %select_n3A_30, %mul3A_31 : i32
    %mul3A_33 = arith.constant 128 : i32
    %mul3A_34 = arith.muli %mul3A_32, %mul3A_33 : i32
    "tpu.region"() ({
      %run_scoped3A = tpu.sem_alloc : memref<!tpu.dma_semaphore, #tpu.memory_space<semaphore_mem>>
      %dma_start3A_414 = arith.constant 0 : i32
      %dma_start3A_415 = tpu.memref_slice %arg2[%add3A, %dma_start3A_414] : memref<4x50176xf32, #tpu.memory_space<hbm>> -> memref<1x50176xf32, #tpu.memory_space<hbm>>
      %dma_start3A_416 = tpu.memref_squeeze %dma_start3A_415 : memref<1x50176xf32, #tpu.memory_space<hbm>> -> memref<50176xf32, #tpu.memory_space<hbm>>
      %dma_start3A_417 = arith.constant 0 : i32
      %dma_start3A_418 = tpu.memref_slice %arg2[%add3A, %dma_start3A_417] : memref<4x50176xf32, #tpu.memory_space<hbm>> -> memref<1x50176xf32, #tpu.memory_space<hbm>>
      %dma_start3A_419 = tpu.memref_squeeze %dma_start3A_418 : memref<1x50176xf32, #tpu.memory_space<hbm>> -> memref<50176xf32, #tpu.memory_space<hbm>>
      tpu.enqueue_dma source(%dma_start3A_419 : memref<50176xf32, #tpu.memory_space<hbm>>) target(%arg7 : memref<50176xf32, #tpu.memory_space<vmem>>) target_semaphore(%run_scoped3A : memref<!tpu.dma_semaphore, #tpu.memory_space<semaphore_mem>>)
      %dma_wait3A_420 = arith.constant 0 : i32
      %dma_wait3A_421 = tpu.memref_slice %arg2[%add3A, %dma_wait3A_420] : memref<4x50176xf32, #tpu.memory_space<hbm>> -> memref<1x50176xf32, #tpu.memory_space<hbm>>
      %dma_wait3A_422 = tpu.memref_squeeze %dma_wait3A_421 : memref<1x50176xf32, #tpu.memory_space<hbm>> -> memref<50176xf32, #tpu.memory_space<hbm>>
      %dma_wait3A_423 = arith.constant 0 : i32
      %dma_wait3A_424 = tpu.memref_slice %arg2[%add3A, %dma_wait3A_423] : memref<4x50176xf32, #tpu.memory_space<hbm>> -> memref<1x50176xf32, #tpu.memory_space<hbm>>
      %dma_wait3A_425 = tpu.memref_squeeze %dma_wait3A_424 : memref<1x50176xf32, #tpu.memory_space<hbm>> -> memref<50176xf32, #tpu.memory_space<hbm>>
      tpu.wait_dma2 semaphore(%run_scoped3A : memref<!tpu.dma_semaphore, #tpu.memory_space<semaphore_mem>>) src(%dma_wait3A_425 : memref<50176xf32, #tpu.memory_space<hbm>>) dst(%arg7 : memref<50176xf32, #tpu.memory_space<vmem>>)
      tpu.yield
    }) : () -> ()
    %add3A_35 = arith.constant 0 : i32
    %add3A_36 = arith.addi %mul3A_34, %add3A_35 : i32
    %dma_start3A = arith.constant 0 : i32
    %dma_start3A_37 = arith.constant 0 : i32
    %dma_start3A_38 = arith.constant 0 : i32
    %dma_start3A_39 = tpu.memref_slice %arg8[%dma_start3A, %dma_start3A_38] : memref<4x2560xi32, #tpu.memory_space<vmem>> -> memref<1x2560xi32, #tpu.memory_space<vmem>>
    %dma_start3A_40 = tpu.memref_squeeze %dma_start3A_39 : memref<1x2560xi32, #tpu.memory_space<vmem>> -> memref<2560xi32, #tpu.memory_space<vmem>>
    %dma_start3A_41 = tpu.memref_slice %arg3[%add3A_36] : memref<826880xi32, #tpu.memory_space<hbm>> -> memref<2560xi32, #tpu.memory_space<hbm>>
    %dma_start3A_42 = tpu.memref_slice %arg12[%dma_start3A_37] : memref<4x!tpu.dma_semaphore, #tpu.memory_space<semaphore_mem>> -> memref<1x!tpu.dma_semaphore, #tpu.memory_space<semaphore_mem>>
    %dma_start3A_43 = tpu.memref_squeeze %dma_start3A_42 : memref<1x!tpu.dma_semaphore, #tpu.memory_space<semaphore_mem>> -> memref<!tpu.dma_semaphore, #tpu.memory_space<semaphore_mem>>
    %dma_start3A_44 = arith.constant 0 : i32
    %dma_start3A_45 = tpu.memref_slice %arg8[%dma_start3A, %dma_start3A_44] : memref<4x2560xi32, #tpu.memory_space<vmem>> -> memref<1x2560xi32, #tpu.memory_space<vmem>>
    %dma_start3A_46 = tpu.memref_squeeze %dma_start3A_45 : memref<1x2560xi32, #tpu.memory_space<vmem>> -> memref<2560xi32, #tpu.memory_space<vmem>>
    %dma_start3A_47 = tpu.memref_slice %arg3[%add3A_36] : memref<826880xi32, #tpu.memory_space<hbm>> -> memref<2560xi32, #tpu.memory_space<hbm>>
    tpu.enqueue_dma source(%dma_start3A_47 : memref<2560xi32, #tpu.memory_space<hbm>>) target(%dma_start3A_46 : memref<2560xi32, #tpu.memory_space<vmem>>) target_semaphore(%dma_start3A_43 : memref<!tpu.dma_semaphore, #tpu.memory_space<semaphore_mem>>)
    %dma_start3A_48 = arith.constant 0 : i32
    %dma_start3A_49 = arith.constant 0 : i32
    %dma_start3A_50 = arith.constant 0 : i32
    %dma_start3A_51 = tpu.memref_slice %arg9[%dma_start3A_48, %dma_start3A_50] : memref<4x2560xi32, #tpu.memory_space<vmem>> -> memref<1x2560xi32, #tpu.memory_space<vmem>>
    %dma_start3A_52 = tpu.memref_squeeze %dma_start3A_51 : memref<1x2560xi32, #tpu.memory_space<vmem>> -> memref<2560xi32, #tpu.memory_space<vmem>>
    %dma_start3A_53 = tpu.memref_slice %arg4[%add3A_36] : memref<826880xi32, #tpu.memory_space<hbm>> -> memref<2560xi32, #tpu.memory_space<hbm>>
    %dma_start3A_54 = tpu.memref_slice %arg13[%dma_start3A_49] : memref<4x!tpu.dma_semaphore, #tpu.memory_space<semaphore_mem>> -> memref<1x!tpu.dma_semaphore, #tpu.memory_space<semaphore_mem>>
    %dma_start3A_55 = tpu.memref_squeeze %dma_start3A_54 : memref<1x!tpu.dma_semaphore, #tpu.memory_space<semaphore_mem>> -> memref<!tpu.dma_semaphore, #tpu.memory_space<semaphore_mem>>
    %dma_start3A_56 = arith.constant 0 : i32
    %dma_start3A_57 = tpu.memref_slice %arg9[%dma_start3A_48, %dma_start3A_56] : memref<4x2560xi32, #tpu.memory_space<vmem>> -> memref<1x2560xi32, #tpu.memory_space<vmem>>
    %dma_start3A_58 = tpu.memref_squeeze %dma_start3A_57 : memref<1x2560xi32, #tpu.memory_space<vmem>> -> memref<2560xi32, #tpu.memory_space<vmem>>
    %dma_start3A_59 = tpu.memref_slice %arg4[%add3A_36] : memref<826880xi32, #tpu.memory_space<hbm>> -> memref<2560xi32, #tpu.memory_space<hbm>>
    tpu.enqueue_dma source(%dma_start3A_59 : memref<2560xi32, #tpu.memory_space<hbm>>) target(%dma_start3A_58 : memref<2560xi32, #tpu.memory_space<vmem>>) target_semaphore(%dma_start3A_55 : memref<!tpu.dma_semaphore, #tpu.memory_space<semaphore_mem>>)
    %dma_start3A_60 = arith.constant 0 : i32
    %dma_start3A_61 = arith.constant 0 : i32
    %dma_start3A_62 = arith.constant 0 : i32
    %dma_start3A_63 = tpu.memref_slice %arg10[%dma_start3A_60, %dma_start3A_62] : memref<4x2560xf32, #tpu.memory_space<vmem>> -> memref<1x2560xf32, #tpu.memory_space<vmem>>
    %dma_start3A_64 = tpu.memref_squeeze %dma_start3A_63 : memref<1x2560xf32, #tpu.memory_space<vmem>> -> memref<2560xf32, #tpu.memory_space<vmem>>
    %dma_start3A_65 = arith.constant 0 : i32
    %dma_start3A_66 = tpu.memref_slice %arg5[%add3A, %dma_start3A_65] : memref<4x826880xf32, #tpu.memory_space<hbm>> -> memref<1x826880xf32, #tpu.memory_space<hbm>>
    %dma_start3A_67 = tpu.memref_squeeze %dma_start3A_66 : memref<1x826880xf32, #tpu.memory_space<hbm>> -> memref<826880xf32, #tpu.memory_space<hbm>>
    %dma_start3A_68 = tpu.memref_slice %dma_start3A_67[%add3A_36] : memref<826880xf32, #tpu.memory_space<hbm>> -> memref<2560xf32, #tpu.memory_space<hbm>>
    %dma_start3A_69 = tpu.memref_slice %arg14[%dma_start3A_61] : memref<4x!tpu.dma_semaphore, #tpu.memory_space<semaphore_mem>> -> memref<1x!tpu.dma_semaphore, #tpu.memory_space<semaphore_mem>>
    %dma_start3A_70 = tpu.memref_squeeze %dma_start3A_69 : memref<1x!tpu.dma_semaphore, #tpu.memory_space<semaphore_mem>> -> memref<!tpu.dma_semaphore, #tpu.memory_space<semaphore_mem>>
    %dma_start3A_71 = arith.constant 0 : i32
    %dma_start3A_72 = tpu.memref_slice %arg10[%dma_start3A_60, %dma_start3A_71] : memref<4x2560xf32, #tpu.memory_space<vmem>> -> memref<1x2560xf32, #tpu.memory_space<vmem>>
    %dma_start3A_73 = tpu.memref_squeeze %dma_start3A_72 : memref<1x2560xf32, #tpu.memory_space<vmem>> -> memref<2560xf32, #tpu.memory_space<vmem>>
    %dma_start3A_74 = arith.constant 0 : i32
    %dma_start3A_75 = tpu.memref_slice %arg5[%add3A, %dma_start3A_74] : memref<4x826880xf32, #tpu.memory_space<hbm>> -> memref<1x826880xf32, #tpu.memory_space<hbm>>
    %dma_start3A_76 = tpu.memref_squeeze %dma_start3A_75 : memref<1x826880xf32, #tpu.memory_space<hbm>> -> memref<826880xf32, #tpu.memory_space<hbm>>
    %dma_start3A_77 = tpu.memref_slice %dma_start3A_76[%add3A_36] : memref<826880xf32, #tpu.memory_space<hbm>> -> memref<2560xf32, #tpu.memory_space<hbm>>
    tpu.enqueue_dma source(%dma_start3A_77 : memref<2560xf32, #tpu.memory_space<hbm>>) target(%dma_start3A_73 : memref<2560xf32, #tpu.memory_space<vmem>>) target_semaphore(%dma_start3A_70 : memref<!tpu.dma_semaphore, #tpu.memory_space<semaphore_mem>>)
    %add3A_78 = arith.constant 2560 : i32
    %add3A_79 = arith.addi %mul3A_34, %add3A_78 : i32
    %dma_start3A_80 = arith.constant 1 : i32
    %dma_start3A_81 = arith.constant 1 : i32
    %dma_start3A_82 = arith.constant 0 : i32
    %dma_start3A_83 = tpu.memref_slice %arg8[%dma_start3A_80, %dma_start3A_82] : memref<4x2560xi32, #tpu.memory_space<vmem>> -> memref<1x2560xi32, #tpu.memory_space<vmem>>
    %dma_start3A_84 = tpu.memref_squeeze %dma_start3A_83 : memref<1x2560xi32, #tpu.memory_space<vmem>> -> memref<2560xi32, #tpu.memory_space<vmem>>
    %dma_start3A_85 = tpu.memref_slice %arg3[%add3A_79] : memref<826880xi32, #tpu.memory_space<hbm>> -> memref<2560xi32, #tpu.memory_space<hbm>>
    %dma_start3A_86 = tpu.memref_slice %arg12[%dma_start3A_81] : memref<4x!tpu.dma_semaphore, #tpu.memory_space<semaphore_mem>> -> memref<1x!tpu.dma_semaphore, #tpu.memory_space<semaphore_mem>>
    %dma_start3A_87 = tpu.memref_squeeze %dma_start3A_86 : memref<1x!tpu.dma_semaphore, #tpu.memory_space<semaphore_mem>> -> memref<!tpu.dma_semaphore, #tpu.memory_space<semaphore_mem>>
    %dma_start3A_88 = arith.constant 0 : i32
    %dma_start3A_89 = tpu.memref_slice %arg8[%dma_start3A_80, %dma_start3A_88] : memref<4x2560xi32, #tpu.memory_space<vmem>> -> memref<1x2560xi32, #tpu.memory_space<vmem>>
    %dma_start3A_90 = tpu.memref_squeeze %dma_start3A_89 : memref<1x2560xi32, #tpu.memory_space<vmem>> -> memref<2560xi32, #tpu.memory_space<vmem>>
    %dma_start3A_91 = tpu.memref_slice %arg3[%add3A_79] : memref<826880xi32, #tpu.memory_space<hbm>> -> memref<2560xi32, #tpu.memory_space<hbm>>
    tpu.enqueue_dma source(%dma_start3A_91 : memref<2560xi32, #tpu.memory_space<hbm>>) target(%dma_start3A_90 : memref<2560xi32, #tpu.memory_space<vmem>>) target_semaphore(%dma_start3A_87 : memref<!tpu.dma_semaphore, #tpu.memory_space<semaphore_mem>>)
    %dma_start3A_92 = arith.constant 1 : i32
    %dma_start3A_93 = arith.constant 1 : i32
    %dma_start3A_94 = arith.constant 0 : i32
    %dma_start3A_95 = tpu.memref_slice %arg9[%dma_start3A_92, %dma_start3A_94] : memref<4x2560xi32, #tpu.memory_space<vmem>> -> memref<1x2560xi32, #tpu.memory_space<vmem>>
    %dma_start3A_96 = tpu.memref_squeeze %dma_start3A_95 : memref<1x2560xi32, #tpu.memory_space<vmem>> -> memref<2560xi32, #tpu.memory_space<vmem>>
    %dma_start3A_97 = tpu.memref_slice %arg4[%add3A_79] : memref<826880xi32, #tpu.memory_space<hbm>> -> memref<2560xi32, #tpu.memory_space<hbm>>
    %dma_start3A_98 = tpu.memref_slice %arg13[%dma_start3A_93] : memref<4x!tpu.dma_semaphore, #tpu.memory_space<semaphore_mem>> -> memref<1x!tpu.dma_semaphore, #tpu.memory_space<semaphore_mem>>
    %dma_start3A_99 = tpu.memref_squeeze %dma_start3A_98 : memref<1x!tpu.dma_semaphore, #tpu.memory_space<semaphore_mem>> -> memref<!tpu.dma_semaphore, #tpu.memory_space<semaphore_mem>>
    %dma_start3A_100 = arith.constant 0 : i32
    %dma_start3A_101 = tpu.memref_slice %arg9[%dma_start3A_92, %dma_start3A_100] : memref<4x2560xi32, #tpu.memory_space<vmem>> -> memref<1x2560xi32, #tpu.memory_space<vmem>>
    %dma_start3A_102 = tpu.memref_squeeze %dma_start3A_101 : memref<1x2560xi32, #tpu.memory_space<vmem>> -> memref<2560xi32, #tpu.memory_space<vmem>>
    %dma_start3A_103 = tpu.memref_slice %arg4[%add3A_79] : memref<826880xi32, #tpu.memory_space<hbm>> -> memref<2560xi32, #tpu.memory_space<hbm>>
    tpu.enqueue_dma source(%dma_start3A_103 : memref<2560xi32, #tpu.memory_space<hbm>>) target(%dma_start3A_102 : memref<2560xi32, #tpu.memory_space<vmem>>) target_semaphore(%dma_start3A_99 : memref<!tpu.dma_semaphore, #tpu.memory_space<semaphore_mem>>)
    %dma_start3A_104 = arith.constant 1 : i32
    %dma_start3A_105 = arith.constant 1 : i32
    %dma_start3A_106 = arith.constant 0 : i32
    %dma_start3A_107 = tpu.memref_slice %arg10[%dma_start3A_104, %dma_start3A_106] : memref<4x2560xf32, #tpu.memory_space<vmem>> -> memref<1x2560xf32, #tpu.memory_space<vmem>>
    %dma_start3A_108 = tpu.memref_squeeze %dma_start3A_107 : memref<1x2560xf32, #tpu.memory_space<vmem>> -> memref<2560xf32, #tpu.memory_space<vmem>>
    %dma_start3A_109 = arith.constant 0 : i32
    %dma_start3A_110 = tpu.memref_slice %arg5[%add3A, %dma_start3A_109] : memref<4x826880xf32, #tpu.memory_space<hbm>> -> memref<1x826880xf32, #tpu.memory_space<hbm>>
    %dma_start3A_111 = tpu.memref_squeeze %dma_start3A_110 : memref<1x826880xf32, #tpu.memory_space<hbm>> -> memref<826880xf32, #tpu.memory_space<hbm>>
    %dma_start3A_112 = tpu.memref_slice %dma_start3A_111[%add3A_79] : memref<826880xf32, #tpu.memory_space<hbm>> -> memref<2560xf32, #tpu.memory_space<hbm>>
    %dma_start3A_113 = tpu.memref_slice %arg14[%dma_start3A_105] : memref<4x!tpu.dma_semaphore, #tpu.memory_space<semaphore_mem>> -> memref<1x!tpu.dma_semaphore, #tpu.memory_space<semaphore_mem>>
    %dma_start3A_114 = tpu.memref_squeeze %dma_start3A_113 : memref<1x!tpu.dma_semaphore, #tpu.memory_space<semaphore_mem>> -> memref<!tpu.dma_semaphore, #tpu.memory_space<semaphore_mem>>
    %dma_start3A_115 = arith.constant 0 : i32
    %dma_start3A_116 = tpu.memref_slice %arg10[%dma_start3A_104, %dma_start3A_115] : memref<4x2560xf32, #tpu.memory_space<vmem>> -> memref<1x2560xf32, #tpu.memory_space<vmem>>
    %dma_start3A_117 = tpu.memref_squeeze %dma_start3A_116 : memref<1x2560xf32, #tpu.memory_space<vmem>> -> memref<2560xf32, #tpu.memory_space<vmem>>
    %dma_start3A_118 = arith.constant 0 : i32
    %dma_start3A_119 = tpu.memref_slice %arg5[%add3A, %dma_start3A_118] : memref<4x826880xf32, #tpu.memory_space<hbm>> -> memref<1x826880xf32, #tpu.memory_space<hbm>>
    %dma_start3A_120 = tpu.memref_squeeze %dma_start3A_119 : memref<1x826880xf32, #tpu.memory_space<hbm>> -> memref<826880xf32, #tpu.memory_space<hbm>>
    %dma_start3A_121 = tpu.memref_slice %dma_start3A_120[%add3A_79] : memref<826880xf32, #tpu.memory_space<hbm>> -> memref<2560xf32, #tpu.memory_space<hbm>>
    tpu.enqueue_dma source(%dma_start3A_121 : memref<2560xf32, #tpu.memory_space<hbm>>) target(%dma_start3A_117 : memref<2560xf32, #tpu.memory_space<vmem>>) target_semaphore(%dma_start3A_114 : memref<!tpu.dma_semaphore, #tpu.memory_space<semaphore_mem>>)
    %add3A_122 = arith.constant 5120 : i32
    %add3A_123 = arith.addi %mul3A_34, %add3A_122 : i32
    %dma_start3A_124 = arith.constant 2 : i32
    %dma_start3A_125 = arith.constant 2 : i32
    %dma_start3A_126 = arith.constant 0 : i32
    %dma_start3A_127 = tpu.memref_slice %arg8[%dma_start3A_124, %dma_start3A_126] : memref<4x2560xi32, #tpu.memory_space<vmem>> -> memref<1x2560xi32, #tpu.memory_space<vmem>>
    %dma_start3A_128 = tpu.memref_squeeze %dma_start3A_127 : memref<1x2560xi32, #tpu.memory_space<vmem>> -> memref<2560xi32, #tpu.memory_space<vmem>>
    %dma_start3A_129 = tpu.memref_slice %arg3[%add3A_123] : memref<826880xi32, #tpu.memory_space<hbm>> -> memref<2560xi32, #tpu.memory_space<hbm>>
    %dma_start3A_130 = tpu.memref_slice %arg12[%dma_start3A_125] : memref<4x!tpu.dma_semaphore, #tpu.memory_space<semaphore_mem>> -> memref<1x!tpu.dma_semaphore, #tpu.memory_space<semaphore_mem>>
    %dma_start3A_131 = tpu.memref_squeeze %dma_start3A_130 : memref<1x!tpu.dma_semaphore, #tpu.memory_space<semaphore_mem>> -> memref<!tpu.dma_semaphore, #tpu.memory_space<semaphore_mem>>
    %dma_start3A_132 = arith.constant 0 : i32
    %dma_start3A_133 = tpu.memref_slice %arg8[%dma_start3A_124, %dma_start3A_132] : memref<4x2560xi32, #tpu.memory_space<vmem>> -> memref<1x2560xi32, #tpu.memory_space<vmem>>
    %dma_start3A_134 = tpu.memref_squeeze %dma_start3A_133 : memref<1x2560xi32, #tpu.memory_space<vmem>> -> memref<2560xi32, #tpu.memory_space<vmem>>
    %dma_start3A_135 = tpu.memref_slice %arg3[%add3A_123] : memref<826880xi32, #tpu.memory_space<hbm>> -> memref<2560xi32, #tpu.memory_space<hbm>>
    tpu.enqueue_dma source(%dma_start3A_135 : memref<2560xi32, #tpu.memory_space<hbm>>) target(%dma_start3A_134 : memref<2560xi32, #tpu.memory_space<vmem>>) target_semaphore(%dma_start3A_131 : memref<!tpu.dma_semaphore, #tpu.memory_space<semaphore_mem>>)
    %dma_start3A_136 = arith.constant 2 : i32
    %dma_start3A_137 = arith.constant 2 : i32
    %dma_start3A_138 = arith.constant 0 : i32
    %dma_start3A_139 = tpu.memref_slice %arg9[%dma_start3A_136, %dma_start3A_138] : memref<4x2560xi32, #tpu.memory_space<vmem>> -> memref<1x2560xi32, #tpu.memory_space<vmem>>
    %dma_start3A_140 = tpu.memref_squeeze %dma_start3A_139 : memref<1x2560xi32, #tpu.memory_space<vmem>> -> memref<2560xi32, #tpu.memory_space<vmem>>
    %dma_start3A_141 = tpu.memref_slice %arg4[%add3A_123] : memref<826880xi32, #tpu.memory_space<hbm>> -> memref<2560xi32, #tpu.memory_space<hbm>>
    %dma_start3A_142 = tpu.memref_slice %arg13[%dma_start3A_137] : memref<4x!tpu.dma_semaphore, #tpu.memory_space<semaphore_mem>> -> memref<1x!tpu.dma_semaphore, #tpu.memory_space<semaphore_mem>>
    %dma_start3A_143 = tpu.memref_squeeze %dma_start3A_142 : memref<1x!tpu.dma_semaphore, #tpu.memory_space<semaphore_mem>> -> memref<!tpu.dma_semaphore, #tpu.memory_space<semaphore_mem>>
    %dma_start3A_144 = arith.constant 0 : i32
    %dma_start3A_145 = tpu.memref_slice %arg9[%dma_start3A_136, %dma_start3A_144] : memref<4x2560xi32, #tpu.memory_space<vmem>> -> memref<1x2560xi32, #tpu.memory_space<vmem>>
    %dma_start3A_146 = tpu.memref_squeeze %dma_start3A_145 : memref<1x2560xi32, #tpu.memory_space<vmem>> -> memref<2560xi32, #tpu.memory_space<vmem>>
    %dma_start3A_147 = tpu.memref_slice %arg4[%add3A_123] : memref<826880xi32, #tpu.memory_space<hbm>> -> memref<2560xi32, #tpu.memory_space<hbm>>
    tpu.enqueue_dma source(%dma_start3A_147 : memref<2560xi32, #tpu.memory_space<hbm>>) target(%dma_start3A_146 : memref<2560xi32, #tpu.memory_space<vmem>>) target_semaphore(%dma_start3A_143 : memref<!tpu.dma_semaphore, #tpu.memory_space<semaphore_mem>>)
    %dma_start3A_148 = arith.constant 2 : i32
    %dma_start3A_149 = arith.constant 2 : i32
    %dma_start3A_150 = arith.constant 0 : i32
    %dma_start3A_151 = tpu.memref_slice %arg10[%dma_start3A_148, %dma_start3A_150] : memref<4x2560xf32, #tpu.memory_space<vmem>> -> memref<1x2560xf32, #tpu.memory_space<vmem>>
    %dma_start3A_152 = tpu.memref_squeeze %dma_start3A_151 : memref<1x2560xf32, #tpu.memory_space<vmem>> -> memref<2560xf32, #tpu.memory_space<vmem>>
    %dma_start3A_153 = arith.constant 0 : i32
    %dma_start3A_154 = tpu.memref_slice %arg5[%add3A, %dma_start3A_153] : memref<4x826880xf32, #tpu.memory_space<hbm>> -> memref<1x826880xf32, #tpu.memory_space<hbm>>
    %dma_start3A_155 = tpu.memref_squeeze %dma_start3A_154 : memref<1x826880xf32, #tpu.memory_space<hbm>> -> memref<826880xf32, #tpu.memory_space<hbm>>
    %dma_start3A_156 = tpu.memref_slice %dma_start3A_155[%add3A_123] : memref<826880xf32, #tpu.memory_space<hbm>> -> memref<2560xf32, #tpu.memory_space<hbm>>
    %dma_start3A_157 = tpu.memref_slice %arg14[%dma_start3A_149] : memref<4x!tpu.dma_semaphore, #tpu.memory_space<semaphore_mem>> -> memref<1x!tpu.dma_semaphore, #tpu.memory_space<semaphore_mem>>
    %dma_start3A_158 = tpu.memref_squeeze %dma_start3A_157 : memref<1x!tpu.dma_semaphore, #tpu.memory_space<semaphore_mem>> -> memref<!tpu.dma_semaphore, #tpu.memory_space<semaphore_mem>>
    %dma_start3A_159 = arith.constant 0 : i32
    %dma_start3A_160 = tpu.memref_slice %arg10[%dma_start3A_148, %dma_start3A_159] : memref<4x2560xf32, #tpu.memory_space<vmem>> -> memref<1x2560xf32, #tpu.memory_space<vmem>>
    %dma_start3A_161 = tpu.memref_squeeze %dma_start3A_160 : memref<1x2560xf32, #tpu.memory_space<vmem>> -> memref<2560xf32, #tpu.memory_space<vmem>>
    %dma_start3A_162 = arith.constant 0 : i32
    %dma_start3A_163 = tpu.memref_slice %arg5[%add3A, %dma_start3A_162] : memref<4x826880xf32, #tpu.memory_space<hbm>> -> memref<1x826880xf32, #tpu.memory_space<hbm>>
    %dma_start3A_164 = tpu.memref_squeeze %dma_start3A_163 : memref<1x826880xf32, #tpu.memory_space<hbm>> -> memref<826880xf32, #tpu.memory_space<hbm>>
    %dma_start3A_165 = tpu.memref_slice %dma_start3A_164[%add3A_123] : memref<826880xf32, #tpu.memory_space<hbm>> -> memref<2560xf32, #tpu.memory_space<hbm>>
    tpu.enqueue_dma source(%dma_start3A_165 : memref<2560xf32, #tpu.memory_space<hbm>>) target(%dma_start3A_161 : memref<2560xf32, #tpu.memory_space<vmem>>) target_semaphore(%dma_start3A_158 : memref<!tpu.dma_semaphore, #tpu.memory_space<semaphore_mem>>)
    %scan3A = arith.constant 0 : i32
    %scan3A_166 = arith.constant 0 : i32
    %scan3A_167 = arith.constant 10 : i32
    %scan3A_168 = arith.addi %scan3A_166, %scan3A_167 : i32
    %scan3A_169 = arith.constant 1 : i32
    scf.for %scan3A_414 = %scan3A_166 to %scan3A_168 step %scan3A_169  : i32 {
      %mul3A_415 = arith.constant 4 : i32
      %mul3A_416 = arith.muli %mul3A_415, %scan3A_414 : i32
      %gt3A = arith.constant 0 : i32
      %gt3A_417 = arith.cmpi sgt, %scan3A_414, %gt3A : i32
      %convert_element_type3A = arith.extui %gt3A_417 : i1 to i32
      %cond3A = arith.constant 0 : i32
      %cond3A_418 = arith.cmpi ne, %convert_element_type3A, %cond3A : i32
      scf.if %cond3A_418 {
        %dma_wait3A_886 = arith.constant 0 : i32
        %dma_wait3A_887 = arith.constant 0 : i32
        %dma_wait3A_888 = arith.constant 0 : i32
        %dma_wait3A_889 = tpu.memref_slice %arg11[%dma_wait3A_886, %dma_wait3A_888] : memref<4x2560xf32, #tpu.memory_space<vmem>> -> memref<1x2560xf32, #tpu.memory_space<vmem>>
        %dma_wait3A_890 = tpu.memref_squeeze %dma_wait3A_889 : memref<1x2560xf32, #tpu.memory_space<vmem>> -> memref<2560xf32, #tpu.memory_space<vmem>>
        %dma_wait3A_891 = arith.constant 0 : i32
        %dma_wait3A_892 = tpu.memref_slice %arg6[%add3A, %dma_wait3A_891] : memref<4x819200xf32, #tpu.memory_space<hbm>> -> memref<1x819200xf32, #tpu.memory_space<hbm>>
        %dma_wait3A_893 = tpu.memref_squeeze %dma_wait3A_892 : memref<1x819200xf32, #tpu.memory_space<hbm>> -> memref<819200xf32, #tpu.memory_space<hbm>>
        %dma_wait3A_894 = arith.constant 0 : i32
        %dma_wait3A_895 = tpu.memref_slice %dma_wait3A_893[%dma_wait3A_894] : memref<819200xf32, #tpu.memory_space<hbm>> -> memref<2560xf32, #tpu.memory_space<hbm>>
        %dma_wait3A_896 = tpu.memref_slice %arg15[%dma_wait3A_887] : memref<4x!tpu.dma_semaphore, #tpu.memory_space<semaphore_mem>> -> memref<1x!tpu.dma_semaphore, #tpu.memory_space<semaphore_mem>>
        %dma_wait3A_897 = tpu.memref_squeeze %dma_wait3A_896 : memref<1x!tpu.dma_semaphore, #tpu.memory_space<semaphore_mem>> -> memref<!tpu.dma_semaphore, #tpu.memory_space<semaphore_mem>>
        %dma_wait3A_898 = arith.constant 0 : i32
        %dma_wait3A_899 = tpu.memref_slice %arg6[%add3A, %dma_wait3A_898] : memref<4x819200xf32, #tpu.memory_space<hbm>> -> memref<1x819200xf32, #tpu.memory_space<hbm>>
        %dma_wait3A_900 = tpu.memref_squeeze %dma_wait3A_899 : memref<1x819200xf32, #tpu.memory_space<hbm>> -> memref<819200xf32, #tpu.memory_space<hbm>>
        %dma_wait3A_901 = arith.constant 0 : i32
        %dma_wait3A_902 = tpu.memref_slice %dma_wait3A_900[%dma_wait3A_901] : memref<819200xf32, #tpu.memory_space<hbm>> -> memref<2560xf32, #tpu.memory_space<hbm>>
        %dma_wait3A_903 = arith.constant 0 : i32
        %dma_wait3A_904 = tpu.memref_slice %arg11[%dma_wait3A_886, %dma_wait3A_903] : memref<4x2560xf32, #tpu.memory_space<vmem>> -> memref<1x2560xf32, #tpu.memory_space<vmem>>
        %dma_wait3A_905 = tpu.memref_squeeze %dma_wait3A_904 : memref<1x2560xf32, #tpu.memory_space<vmem>> -> memref<2560xf32, #tpu.memory_space<vmem>>
        tpu.wait_dma2 semaphore(%dma_wait3A_897 : memref<!tpu.dma_semaphore, #tpu.memory_space<semaphore_mem>>) src(%dma_wait3A_905 : memref<2560xf32, #tpu.memory_space<vmem>>) dst(%dma_wait3A_902 : memref<2560xf32, #tpu.memory_space<hbm>>)
      } else {
      }
      %dma_wait3A_419 = arith.constant 0 : i32
      %dma_wait3A_420 = arith.constant 0 : i32
      %dma_wait3A_421 = arith.constant 0 : i32
      %dma_wait3A_422 = tpu.memref_slice %arg8[%dma_wait3A_419, %dma_wait3A_421] : memref<4x2560xi32, #tpu.memory_space<vmem>> -> memref<1x2560xi32, #tpu.memory_space<vmem>>
      %dma_wait3A_423 = tpu.memref_squeeze %dma_wait3A_422 : memref<1x2560xi32, #tpu.memory_space<vmem>> -> memref<2560xi32, #tpu.memory_space<vmem>>
      %dma_wait3A_424 = arith.constant 0 : i32
      %dma_wait3A_425 = tpu.memref_slice %arg3[%dma_wait3A_424] : memref<826880xi32, #tpu.memory_space<hbm>> -> memref<2560xi32, #tpu.memory_space<hbm>>
      %dma_wait3A_426 = tpu.memref_slice %arg12[%dma_wait3A_420] : memref<4x!tpu.dma_semaphore, #tpu.memory_space<semaphore_mem>> -> memref<1x!tpu.dma_semaphore, #tpu.memory_space<semaphore_mem>>
      %dma_wait3A_427 = tpu.memref_squeeze %dma_wait3A_426 : memref<1x!tpu.dma_semaphore, #tpu.memory_space<semaphore_mem>> -> memref<!tpu.dma_semaphore, #tpu.memory_space<semaphore_mem>>
      %dma_wait3A_428 = arith.constant 0 : i32
      %dma_wait3A_429 = tpu.memref_slice %arg8[%dma_wait3A_419, %dma_wait3A_428] : memref<4x2560xi32, #tpu.memory_space<vmem>> -> memref<1x2560xi32, #tpu.memory_space<vmem>>
      %dma_wait3A_430 = tpu.memref_squeeze %dma_wait3A_429 : memref<1x2560xi32, #tpu.memory_space<vmem>> -> memref<2560xi32, #tpu.memory_space<vmem>>
      %dma_wait3A_431 = arith.constant 0 : i32
      %dma_wait3A_432 = tpu.memref_slice %arg3[%dma_wait3A_431] : memref<826880xi32, #tpu.memory_space<hbm>> -> memref<2560xi32, #tpu.memory_space<hbm>>
      tpu.wait_dma2 semaphore(%dma_wait3A_427 : memref<!tpu.dma_semaphore, #tpu.memory_space<semaphore_mem>>) src(%dma_wait3A_432 : memref<2560xi32, #tpu.memory_space<hbm>>) dst(%dma_wait3A_430 : memref<2560xi32, #tpu.memory_space<vmem>>)
      %dma_wait3A_433 = arith.constant 0 : i32
      %dma_wait3A_434 = arith.constant 0 : i32
      %dma_wait3A_435 = arith.constant 0 : i32
      %dma_wait3A_436 = tpu.memref_slice %arg9[%dma_wait3A_433, %dma_wait3A_435] : memref<4x2560xi32, #tpu.memory_space<vmem>> -> memref<1x2560xi32, #tpu.memory_space<vmem>>
      %dma_wait3A_437 = tpu.memref_squeeze %dma_wait3A_436 : memref<1x2560xi32, #tpu.memory_space<vmem>> -> memref<2560xi32, #tpu.memory_space<vmem>>
      %dma_wait3A_438 = arith.constant 0 : i32
      %dma_wait3A_439 = tpu.memref_slice %arg4[%dma_wait3A_438] : memref<826880xi32, #tpu.memory_space<hbm>> -> memref<2560xi32, #tpu.memory_space<hbm>>
      %dma_wait3A_440 = tpu.memref_slice %arg13[%dma_wait3A_434] : memref<4x!tpu.dma_semaphore, #tpu.memory_space<semaphore_mem>> -> memref<1x!tpu.dma_semaphore, #tpu.memory_space<semaphore_mem>>
      %dma_wait3A_441 = tpu.memref_squeeze %dma_wait3A_440 : memref<1x!tpu.dma_semaphore, #tpu.memory_space<semaphore_mem>> -> memref<!tpu.dma_semaphore, #tpu.memory_space<semaphore_mem>>
      %dma_wait3A_442 = arith.constant 0 : i32
      %dma_wait3A_443 = tpu.memref_slice %arg9[%dma_wait3A_433, %dma_wait3A_442] : memref<4x2560xi32, #tpu.memory_space<vmem>> -> memref<1x2560xi32, #tpu.memory_space<vmem>>
      %dma_wait3A_444 = tpu.memref_squeeze %dma_wait3A_443 : memref<1x2560xi32, #tpu.memory_space<vmem>> -> memref<2560xi32, #tpu.memory_space<vmem>>
      %dma_wait3A_445 = arith.constant 0 : i32
      %dma_wait3A_446 = tpu.memref_slice %arg4[%dma_wait3A_445] : memref<826880xi32, #tpu.memory_space<hbm>> -> memref<2560xi32, #tpu.memory_space<hbm>>
      tpu.wait_dma2 semaphore(%dma_wait3A_441 : memref<!tpu.dma_semaphore, #tpu.memory_space<semaphore_mem>>) src(%dma_wait3A_446 : memref<2560xi32, #tpu.memory_space<hbm>>) dst(%dma_wait3A_444 : memref<2560xi32, #tpu.memory_space<vmem>>)
      %dma_wait3A_447 = arith.constant 0 : i32
      %dma_wait3A_448 = arith.constant 0 : i32
      %dma_wait3A_449 = arith.constant 0 : i32
      %dma_wait3A_450 = tpu.memref_slice %arg10[%dma_wait3A_447, %dma_wait3A_449] : memref<4x2560xf32, #tpu.memory_space<vmem>> -> memref<1x2560xf32, #tpu.memory_space<vmem>>
      %dma_wait3A_451 = tpu.memref_squeeze %dma_wait3A_450 : memref<1x2560xf32, #tpu.memory_space<vmem>> -> memref<2560xf32, #tpu.memory_space<vmem>>
      %dma_wait3A_452 = arith.constant 0 : i32
      %dma_wait3A_453 = tpu.memref_slice %arg5[%add3A, %dma_wait3A_452] : memref<4x826880xf32, #tpu.memory_space<hbm>> -> memref<1x826880xf32, #tpu.memory_space<hbm>>
      %dma_wait3A_454 = tpu.memref_squeeze %dma_wait3A_453 : memref<1x826880xf32, #tpu.memory_space<hbm>> -> memref<826880xf32, #tpu.memory_space<hbm>>
      %dma_wait3A_455 = arith.constant 0 : i32
      %dma_wait3A_456 = tpu.memref_slice %dma_wait3A_454[%dma_wait3A_455] : memref<826880xf32, #tpu.memory_space<hbm>> -> memref<2560xf32, #tpu.memory_space<hbm>>
      %dma_wait3A_457 = tpu.memref_slice %arg14[%dma_wait3A_448] : memref<4x!tpu.dma_semaphore, #tpu.memory_space<semaphore_mem>> -> memref<1x!tpu.dma_semaphore, #tpu.memory_space<semaphore_mem>>
      %dma_wait3A_458 = tpu.memref_squeeze %dma_wait3A_457 : memref<1x!tpu.dma_semaphore, #tpu.memory_space<semaphore_mem>> -> memref<!tpu.dma_semaphore, #tpu.memory_space<semaphore_mem>>
      %dma_wait3A_459 = arith.constant 0 : i32
      %dma_wait3A_460 = tpu.memref_slice %arg10[%dma_wait3A_447, %dma_wait3A_459] : memref<4x2560xf32, #tpu.memory_space<vmem>> -> memref<1x2560xf32, #tpu.memory_space<vmem>>
      %dma_wait3A_461 = tpu.memref_squeeze %dma_wait3A_460 : memref<1x2560xf32, #tpu.memory_space<vmem>> -> memref<2560xf32, #tpu.memory_space<vmem>>
      %dma_wait3A_462 = arith.constant 0 : i32
      %dma_wait3A_463 = tpu.memref_slice %arg5[%add3A, %dma_wait3A_462] : memref<4x826880xf32, #tpu.memory_space<hbm>> -> memref<1x826880xf32, #tpu.memory_space<hbm>>
      %dma_wait3A_464 = tpu.memref_squeeze %dma_wait3A_463 : memref<1x826880xf32, #tpu.memory_space<hbm>> -> memref<826880xf32, #tpu.memory_space<hbm>>
      %dma_wait3A_465 = arith.constant 0 : i32
      %dma_wait3A_466 = tpu.memref_slice %dma_wait3A_464[%dma_wait3A_465] : memref<826880xf32, #tpu.memory_space<hbm>> -> memref<2560xf32, #tpu.memory_space<hbm>>
      tpu.wait_dma2 semaphore(%dma_wait3A_458 : memref<!tpu.dma_semaphore, #tpu.memory_space<semaphore_mem>>) src(%dma_wait3A_466 : memref<2560xf32, #tpu.memory_space<hbm>>) dst(%dma_wait3A_461 : memref<2560xf32, #tpu.memory_space<vmem>>)
      %gt3A_467 = arith.constant 0 : i32
      %gt3A_468 = arith.cmpi sgt, %scan3A_414, %gt3A_467 : i32
      %convert_element_type3A_469 = arith.extui %gt3A_468 : i1 to i32
      %cond3A_470 = arith.constant 0 : i32
      %cond3A_471 = arith.cmpi ne, %convert_element_type3A_469, %cond3A_470 : i32
      scf.if %cond3A_471 {
        %sub3A_886 = arith.constant 1 : i32
        %sub3A_887 = arith.subi %mul3A_416, %sub3A_886 : i32
        %mul3A_888 = arith.constant 2560 : i32
        %mul3A_889 = arith.muli %sub3A_887, %mul3A_888 : i32
        %add3A_890 = arith.addi %mul3A_34, %mul3A_889 : i32
        %dma_start3A_891 = arith.constant 3 : i32
        %dma_start3A_892 = arith.constant 3 : i32
        %dma_start3A_893 = arith.constant 0 : i32
        %dma_start3A_894 = tpu.memref_slice %arg11[%dma_start3A_891, %dma_start3A_893] : memref<4x2560xf32, #tpu.memory_space<vmem>> -> memref<1x2560xf32, #tpu.memory_space<vmem>>
        %dma_start3A_895 = tpu.memref_squeeze %dma_start3A_894 : memref<1x2560xf32, #tpu.memory_space<vmem>> -> memref<2560xf32, #tpu.memory_space<vmem>>
        %dma_start3A_896 = arith.constant 0 : i32
        %dma_start3A_897 = tpu.memref_slice %arg6[%add3A, %dma_start3A_896] : memref<4x819200xf32, #tpu.memory_space<hbm>> -> memref<1x819200xf32, #tpu.memory_space<hbm>>
        %dma_start3A_898 = tpu.memref_squeeze %dma_start3A_897 : memref<1x819200xf32, #tpu.memory_space<hbm>> -> memref<819200xf32, #tpu.memory_space<hbm>>
        %dma_start3A_899 = tpu.memref_slice %dma_start3A_898[%add3A_890] : memref<819200xf32, #tpu.memory_space<hbm>> -> memref<2560xf32, #tpu.memory_space<hbm>>
        %dma_start3A_900 = tpu.memref_slice %arg15[%dma_start3A_892] : memref<4x!tpu.dma_semaphore, #tpu.memory_space<semaphore_mem>> -> memref<1x!tpu.dma_semaphore, #tpu.memory_space<semaphore_mem>>
        %dma_start3A_901 = tpu.memref_squeeze %dma_start3A_900 : memref<1x!tpu.dma_semaphore, #tpu.memory_space<semaphore_mem>> -> memref<!tpu.dma_semaphore, #tpu.memory_space<semaphore_mem>>
        %dma_start3A_902 = arith.constant 0 : i32
        %dma_start3A_903 = tpu.memref_slice %arg6[%add3A, %dma_start3A_902] : memref<4x819200xf32, #tpu.memory_space<hbm>> -> memref<1x819200xf32, #tpu.memory_space<hbm>>
        %dma_start3A_904 = tpu.memref_squeeze %dma_start3A_903 : memref<1x819200xf32, #tpu.memory_space<hbm>> -> memref<819200xf32, #tpu.memory_space<hbm>>
        %dma_start3A_905 = tpu.memref_slice %dma_start3A_904[%add3A_890] : memref<819200xf32, #tpu.memory_space<hbm>> -> memref<2560xf32, #tpu.memory_space<hbm>>
        %dma_start3A_906 = arith.constant 0 : i32
        %dma_start3A_907 = tpu.memref_slice %arg11[%dma_start3A_891, %dma_start3A_906] : memref<4x2560xf32, #tpu.memory_space<vmem>> -> memref<1x2560xf32, #tpu.memory_space<vmem>>
        %dma_start3A_908 = tpu.memref_squeeze %dma_start3A_907 : memref<1x2560xf32, #tpu.memory_space<vmem>> -> memref<2560xf32, #tpu.memory_space<vmem>>
        tpu.enqueue_dma source(%dma_start3A_908 : memref<2560xf32, #tpu.memory_space<vmem>>) target(%dma_start3A_905 : memref<2560xf32, #tpu.memory_space<hbm>>) target_semaphore(%dma_start3A_901 : memref<!tpu.dma_semaphore, #tpu.memory_space<semaphore_mem>>)
      } else {
      }
      %add3A_472 = arith.constant 3 : i32
      %add3A_473 = arith.addi %mul3A_416, %add3A_472 : i32
      %mul3A_474 = arith.constant 2560 : i32
      %mul3A_475 = arith.muli %add3A_473, %mul3A_474 : i32
      %add3A_476 = arith.addi %mul3A_34, %mul3A_475 : i32
      %dma_start3A_477 = arith.constant 3 : i32
      %dma_start3A_478 = arith.constant 3 : i32
      %dma_start3A_479 = arith.constant 0 : i32
      %dma_start3A_480 = tpu.memref_slice %arg8[%dma_start3A_477, %dma_start3A_479] : memref<4x2560xi32, #tpu.memory_space<vmem>> -> memref<1x2560xi32, #tpu.memory_space<vmem>>
      %dma_start3A_481 = tpu.memref_squeeze %dma_start3A_480 : memref<1x2560xi32, #tpu.memory_space<vmem>> -> memref<2560xi32, #tpu.memory_space<vmem>>
      %dma_start3A_482 = tpu.memref_slice %arg3[%add3A_476] : memref<826880xi32, #tpu.memory_space<hbm>> -> memref<2560xi32, #tpu.memory_space<hbm>>
      %dma_start3A_483 = tpu.memref_slice %arg12[%dma_start3A_478] : memref<4x!tpu.dma_semaphore, #tpu.memory_space<semaphore_mem>> -> memref<1x!tpu.dma_semaphore, #tpu.memory_space<semaphore_mem>>
      %dma_start3A_484 = tpu.memref_squeeze %dma_start3A_483 : memref<1x!tpu.dma_semaphore, #tpu.memory_space<semaphore_mem>> -> memref<!tpu.dma_semaphore, #tpu.memory_space<semaphore_mem>>
      %dma_start3A_485 = arith.constant 0 : i32
      %dma_start3A_486 = tpu.memref_slice %arg8[%dma_start3A_477, %dma_start3A_485] : memref<4x2560xi32, #tpu.memory_space<vmem>> -> memref<1x2560xi32, #tpu.memory_space<vmem>>
      %dma_start3A_487 = tpu.memref_squeeze %dma_start3A_486 : memref<1x2560xi32, #tpu.memory_space<vmem>> -> memref<2560xi32, #tpu.memory_space<vmem>>
      %dma_start3A_488 = tpu.memref_slice %arg3[%add3A_476] : memref<826880xi32, #tpu.memory_space<hbm>> -> memref<2560xi32, #tpu.memory_space<hbm>>
      tpu.enqueue_dma source(%dma_start3A_488 : memref<2560xi32, #tpu.memory_space<hbm>>) target(%dma_start3A_487 : memref<2560xi32, #tpu.memory_space<vmem>>) target_semaphore(%dma_start3A_484 : memref<!tpu.dma_semaphore, #tpu.memory_space<semaphore_mem>>)
      %dma_start3A_489 = arith.constant 3 : i32
      %dma_start3A_490 = arith.constant 3 : i32
      %dma_start3A_491 = arith.constant 0 : i32
      %dma_start3A_492 = tpu.memref_slice %arg9[%dma_start3A_489, %dma_start3A_491] : memref<4x2560xi32, #tpu.memory_space<vmem>> -> memref<1x2560xi32, #tpu.memory_space<vmem>>
      %dma_start3A_493 = tpu.memref_squeeze %dma_start3A_492 : memref<1x2560xi32, #tpu.memory_space<vmem>> -> memref<2560xi32, #tpu.memory_space<vmem>>
      %dma_start3A_494 = tpu.memref_slice %arg4[%add3A_476] : memref<826880xi32, #tpu.memory_space<hbm>> -> memref<2560xi32, #tpu.memory_space<hbm>>
      %dma_start3A_495 = tpu.memref_slice %arg13[%dma_start3A_490] : memref<4x!tpu.dma_semaphore, #tpu.memory_space<semaphore_mem>> -> memref<1x!tpu.dma_semaphore, #tpu.memory_space<semaphore_mem>>
      %dma_start3A_496 = tpu.memref_squeeze %dma_start3A_495 : memref<1x!tpu.dma_semaphore, #tpu.memory_space<semaphore_mem>> -> memref<!tpu.dma_semaphore, #tpu.memory_space<semaphore_mem>>
      %dma_start3A_497 = arith.constant 0 : i32
      %dma_start3A_498 = tpu.memref_slice %arg9[%dma_start3A_489, %dma_start3A_497] : memref<4x2560xi32, #tpu.memory_space<vmem>> -> memref<1x2560xi32, #tpu.memory_space<vmem>>
      %dma_start3A_499 = tpu.memref_squeeze %dma_start3A_498 : memref<1x2560xi32, #tpu.memory_space<vmem>> -> memref<2560xi32, #tpu.memory_space<vmem>>
      %dma_start3A_500 = tpu.memref_slice %arg4[%add3A_476] : memref<826880xi32, #tpu.memory_space<hbm>> -> memref<2560xi32, #tpu.memory_space<hbm>>
      tpu.enqueue_dma source(%dma_start3A_500 : memref<2560xi32, #tpu.memory_space<hbm>>) target(%dma_start3A_499 : memref<2560xi32, #tpu.memory_space<vmem>>) target_semaphore(%dma_start3A_496 : memref<!tpu.dma_semaphore, #tpu.memory_space<semaphore_mem>>)
      %dma_start3A_501 = arith.constant 3 : i32
      %dma_start3A_502 = arith.constant 3 : i32
      %dma_start3A_503 = arith.constant 0 : i32
      %dma_start3A_504 = tpu.memref_slice %arg10[%dma_start3A_501, %dma_start3A_503] : memref<4x2560xf32, #tpu.memory_space<vmem>> -> memref<1x2560xf32, #tpu.memory_space<vmem>>
      %dma_start3A_505 = tpu.memref_squeeze %dma_start3A_504 : memref<1x2560xf32, #tpu.memory_space<vmem>> -> memref<2560xf32, #tpu.memory_space<vmem>>
      %dma_start3A_506 = arith.constant 0 : i32
      %dma_start3A_507 = tpu.memref_slice %arg5[%add3A, %dma_start3A_506] : memref<4x826880xf32, #tpu.memory_space<hbm>> -> memref<1x826880xf32, #tpu.memory_space<hbm>>
      %dma_start3A_508 = tpu.memref_squeeze %dma_start3A_507 : memref<1x826880xf32, #tpu.memory_space<hbm>> -> memref<826880xf32, #tpu.memory_space<hbm>>
      %dma_start3A_509 = tpu.memref_slice %dma_start3A_508[%add3A_476] : memref<826880xf32, #tpu.memory_space<hbm>> -> memref<2560xf32, #tpu.memory_space<hbm>>
      %dma_start3A_510 = tpu.memref_slice %arg14[%dma_start3A_502] : memref<4x!tpu.dma_semaphore, #tpu.memory_space<semaphore_mem>> -> memref<1x!tpu.dma_semaphore, #tpu.memory_space<semaphore_mem>>
      %dma_start3A_511 = tpu.memref_squeeze %dma_start3A_510 : memref<1x!tpu.dma_semaphore, #tpu.memory_space<semaphore_mem>> -> memref<!tpu.dma_semaphore, #tpu.memory_space<semaphore_mem>>
      %dma_start3A_512 = arith.constant 0 : i32
      %dma_start3A_513 = tpu.memref_slice %arg10[%dma_start3A_501, %dma_start3A_512] : memref<4x2560xf32, #tpu.memory_space<vmem>> -> memref<1x2560xf32, #tpu.memory_space<vmem>>
      %dma_start3A_514 = tpu.memref_squeeze %dma_start3A_513 : memref<1x2560xf32, #tpu.memory_space<vmem>> -> memref<2560xf32, #tpu.memory_space<vmem>>
      %dma_start3A_515 = arith.constant 0 : i32
      %dma_start3A_516 = tpu.memref_slice %arg5[%add3A, %dma_start3A_515] : memref<4x826880xf32, #tpu.memory_space<hbm>> -> memref<1x826880xf32, #tpu.memory_space<hbm>>
      %dma_start3A_517 = tpu.memref_squeeze %dma_start3A_516 : memref<1x826880xf32, #tpu.memory_space<hbm>> -> memref<826880xf32, #tpu.memory_space<hbm>>
      %dma_start3A_518 = tpu.memref_slice %dma_start3A_517[%add3A_476] : memref<826880xf32, #tpu.memory_space<hbm>> -> memref<2560xf32, #tpu.memory_space<hbm>>
      tpu.enqueue_dma source(%dma_start3A_518 : memref<2560xf32, #tpu.memory_space<hbm>>) target(%dma_start3A_514 : memref<2560xf32, #tpu.memory_space<vmem>>) target_semaphore(%dma_start3A_511 : memref<!tpu.dma_semaphore, #tpu.memory_space<semaphore_mem>>)
      %gt3A_519 = arith.constant 0 : i32
      %gt3A_520 = arith.cmpi sgt, %scan3A_414, %gt3A_519 : i32
      %convert_element_type3A_521 = arith.extui %gt3A_520 : i1 to i32
      %cond3A_522 = arith.constant 0 : i32
      %cond3A_523 = arith.cmpi ne, %convert_element_type3A_521, %cond3A_522 : i32
      scf.if %cond3A_523 {
        %dma_wait3A_886 = arith.constant 1 : i32
        %dma_wait3A_887 = arith.constant 1 : i32
        %dma_wait3A_888 = arith.constant 0 : i32
        %dma_wait3A_889 = tpu.memref_slice %arg11[%dma_wait3A_886, %dma_wait3A_888] : memref<4x2560xf32, #tpu.memory_space<vmem>> -> memref<1x2560xf32, #tpu.memory_space<vmem>>
        %dma_wait3A_890 = tpu.memref_squeeze %dma_wait3A_889 : memref<1x2560xf32, #tpu.memory_space<vmem>> -> memref<2560xf32, #tpu.memory_space<vmem>>
        %dma_wait3A_891 = arith.constant 0 : i32
        %dma_wait3A_892 = tpu.memref_slice %arg6[%add3A, %dma_wait3A_891] : memref<4x819200xf32, #tpu.memory_space<hbm>> -> memref<1x819200xf32, #tpu.memory_space<hbm>>
        %dma_wait3A_893 = tpu.memref_squeeze %dma_wait3A_892 : memref<1x819200xf32, #tpu.memory_space<hbm>> -> memref<819200xf32, #tpu.memory_space<hbm>>
        %dma_wait3A_894 = arith.constant 0 : i32
        %dma_wait3A_895 = tpu.memref_slice %dma_wait3A_893[%dma_wait3A_894] : memref<819200xf32, #tpu.memory_space<hbm>> -> memref<2560xf32, #tpu.memory_space<hbm>>
        %dma_wait3A_896 = tpu.memref_slice %arg15[%dma_wait3A_887] : memref<4x!tpu.dma_semaphore, #tpu.memory_space<semaphore_mem>> -> memref<1x!tpu.dma_semaphore, #tpu.memory_space<semaphore_mem>>
        %dma_wait3A_897 = tpu.memref_squeeze %dma_wait3A_896 : memref<1x!tpu.dma_semaphore, #tpu.memory_space<semaphore_mem>> -> memref<!tpu.dma_semaphore, #tpu.memory_space<semaphore_mem>>
        %dma_wait3A_898 = arith.constant 0 : i32
        %dma_wait3A_899 = tpu.memref_slice %arg6[%add3A, %dma_wait3A_898] : memref<4x819200xf32, #tpu.memory_space<hbm>> -> memref<1x819200xf32, #tpu.memory_space<hbm>>
        %dma_wait3A_900 = tpu.memref_squeeze %dma_wait3A_899 : memref<1x819200xf32, #tpu.memory_space<hbm>> -> memref<819200xf32, #tpu.memory_space<hbm>>
        %dma_wait3A_901 = arith.constant 0 : i32
        %dma_wait3A_902 = tpu.memref_slice %dma_wait3A_900[%dma_wait3A_901] : memref<819200xf32, #tpu.memory_space<hbm>> -> memref<2560xf32, #tpu.memory_space<hbm>>
        %dma_wait3A_903 = arith.constant 0 : i32
        %dma_wait3A_904 = tpu.memref_slice %arg11[%dma_wait3A_886, %dma_wait3A_903] : memref<4x2560xf32, #tpu.memory_space<vmem>> -> memref<1x2560xf32, #tpu.memory_space<vmem>>
        %dma_wait3A_905 = tpu.memref_squeeze %dma_wait3A_904 : memref<1x2560xf32, #tpu.memory_space<vmem>> -> memref<2560xf32, #tpu.memory_space<vmem>>
        tpu.wait_dma2 semaphore(%dma_wait3A_897 : memref<!tpu.dma_semaphore, #tpu.memory_space<semaphore_mem>>) src(%dma_wait3A_905 : memref<2560xf32, #tpu.memory_space<vmem>>) dst(%dma_wait3A_902 : memref<2560xf32, #tpu.memory_space<hbm>>)
      } else {
      }
      %dma_wait3A_524 = arith.constant 1 : i32
      %dma_wait3A_525 = arith.constant 1 : i32
      %dma_wait3A_526 = arith.constant 0 : i32
      %dma_wait3A_527 = tpu.memref_slice %arg8[%dma_wait3A_524, %dma_wait3A_526] : memref<4x2560xi32, #tpu.memory_space<vmem>> -> memref<1x2560xi32, #tpu.memory_space<vmem>>
      %dma_wait3A_528 = tpu.memref_squeeze %dma_wait3A_527 : memref<1x2560xi32, #tpu.memory_space<vmem>> -> memref<2560xi32, #tpu.memory_space<vmem>>
      %dma_wait3A_529 = arith.constant 0 : i32
      %dma_wait3A_530 = tpu.memref_slice %arg3[%dma_wait3A_529] : memref<826880xi32, #tpu.memory_space<hbm>> -> memref<2560xi32, #tpu.memory_space<hbm>>
      %dma_wait3A_531 = tpu.memref_slice %arg12[%dma_wait3A_525] : memref<4x!tpu.dma_semaphore, #tpu.memory_space<semaphore_mem>> -> memref<1x!tpu.dma_semaphore, #tpu.memory_space<semaphore_mem>>
      %dma_wait3A_532 = tpu.memref_squeeze %dma_wait3A_531 : memref<1x!tpu.dma_semaphore, #tpu.memory_space<semaphore_mem>> -> memref<!tpu.dma_semaphore, #tpu.memory_space<semaphore_mem>>
      %dma_wait3A_533 = arith.constant 0 : i32
      %dma_wait3A_534 = tpu.memref_slice %arg8[%dma_wait3A_524, %dma_wait3A_533] : memref<4x2560xi32, #tpu.memory_space<vmem>> -> memref<1x2560xi32, #tpu.memory_space<vmem>>
      %dma_wait3A_535 = tpu.memref_squeeze %dma_wait3A_534 : memref<1x2560xi32, #tpu.memory_space<vmem>> -> memref<2560xi32, #tpu.memory_space<vmem>>
      %dma_wait3A_536 = arith.constant 0 : i32
      %dma_wait3A_537 = tpu.memref_slice %arg3[%dma_wait3A_536] : memref<826880xi32, #tpu.memory_space<hbm>> -> memref<2560xi32, #tpu.memory_space<hbm>>
      tpu.wait_dma2 semaphore(%dma_wait3A_532 : memref<!tpu.dma_semaphore, #tpu.memory_space<semaphore_mem>>) src(%dma_wait3A_537 : memref<2560xi32, #tpu.memory_space<hbm>>) dst(%dma_wait3A_535 : memref<2560xi32, #tpu.memory_space<vmem>>)
      %dma_wait3A_538 = arith.constant 1 : i32
      %dma_wait3A_539 = arith.constant 1 : i32
      %dma_wait3A_540 = arith.constant 0 : i32
      %dma_wait3A_541 = tpu.memref_slice %arg9[%dma_wait3A_538, %dma_wait3A_540] : memref<4x2560xi32, #tpu.memory_space<vmem>> -> memref<1x2560xi32, #tpu.memory_space<vmem>>
      %dma_wait3A_542 = tpu.memref_squeeze %dma_wait3A_541 : memref<1x2560xi32, #tpu.memory_space<vmem>> -> memref<2560xi32, #tpu.memory_space<vmem>>
      %dma_wait3A_543 = arith.constant 0 : i32
      %dma_wait3A_544 = tpu.memref_slice %arg4[%dma_wait3A_543] : memref<826880xi32, #tpu.memory_space<hbm>> -> memref<2560xi32, #tpu.memory_space<hbm>>
      %dma_wait3A_545 = tpu.memref_slice %arg13[%dma_wait3A_539] : memref<4x!tpu.dma_semaphore, #tpu.memory_space<semaphore_mem>> -> memref<1x!tpu.dma_semaphore, #tpu.memory_space<semaphore_mem>>
      %dma_wait3A_546 = tpu.memref_squeeze %dma_wait3A_545 : memref<1x!tpu.dma_semaphore, #tpu.memory_space<semaphore_mem>> -> memref<!tpu.dma_semaphore, #tpu.memory_space<semaphore_mem>>
      %dma_wait3A_547 = arith.constant 0 : i32
      %dma_wait3A_548 = tpu.memref_slice %arg9[%dma_wait3A_538, %dma_wait3A_547] : memref<4x2560xi32, #tpu.memory_space<vmem>> -> memref<1x2560xi32, #tpu.memory_space<vmem>>
      %dma_wait3A_549 = tpu.memref_squeeze %dma_wait3A_548 : memref<1x2560xi32, #tpu.memory_space<vmem>> -> memref<2560xi32, #tpu.memory_space<vmem>>
      %dma_wait3A_550 = arith.constant 0 : i32
      %dma_wait3A_551 = tpu.memref_slice %arg4[%dma_wait3A_550] : memref<826880xi32, #tpu.memory_space<hbm>> -> memref<2560xi32, #tpu.memory_space<hbm>>
      tpu.wait_dma2 semaphore(%dma_wait3A_546 : memref<!tpu.dma_semaphore, #tpu.memory_space<semaphore_mem>>) src(%dma_wait3A_551 : memref<2560xi32, #tpu.memory_space<hbm>>) dst(%dma_wait3A_549 : memref<2560xi32, #tpu.memory_space<vmem>>)
      %dma_wait3A_552 = arith.constant 1 : i32
      %dma_wait3A_553 = arith.constant 1 : i32
      %dma_wait3A_554 = arith.constant 0 : i32
      %dma_wait3A_555 = tpu.memref_slice %arg10[%dma_wait3A_552, %dma_wait3A_554] : memref<4x2560xf32, #tpu.memory_space<vmem>> -> memref<1x2560xf32, #tpu.memory_space<vmem>>
      %dma_wait3A_556 = tpu.memref_squeeze %dma_wait3A_555 : memref<1x2560xf32, #tpu.memory_space<vmem>> -> memref<2560xf32, #tpu.memory_space<vmem>>
      %dma_wait3A_557 = arith.constant 0 : i32
      %dma_wait3A_558 = tpu.memref_slice %arg5[%add3A, %dma_wait3A_557] : memref<4x826880xf32, #tpu.memory_space<hbm>> -> memref<1x826880xf32, #tpu.memory_space<hbm>>
      %dma_wait3A_559 = tpu.memref_squeeze %dma_wait3A_558 : memref<1x826880xf32, #tpu.memory_space<hbm>> -> memref<826880xf32, #tpu.memory_space<hbm>>
      %dma_wait3A_560 = arith.constant 0 : i32
      %dma_wait3A_561 = tpu.memref_slice %dma_wait3A_559[%dma_wait3A_560] : memref<826880xf32, #tpu.memory_space<hbm>> -> memref<2560xf32, #tpu.memory_space<hbm>>
      %dma_wait3A_562 = tpu.memref_slice %arg14[%dma_wait3A_553] : memref<4x!tpu.dma_semaphore, #tpu.memory_space<semaphore_mem>> -> memref<1x!tpu.dma_semaphore, #tpu.memory_space<semaphore_mem>>
      %dma_wait3A_563 = tpu.memref_squeeze %dma_wait3A_562 : memref<1x!tpu.dma_semaphore, #tpu.memory_space<semaphore_mem>> -> memref<!tpu.dma_semaphore, #tpu.memory_space<semaphore_mem>>
      %dma_wait3A_564 = arith.constant 0 : i32
      %dma_wait3A_565 = tpu.memref_slice %arg10[%dma_wait3A_552, %dma_wait3A_564] : memref<4x2560xf32, #tpu.memory_space<vmem>> -> memref<1x2560xf32, #tpu.memory_space<vmem>>
      %dma_wait3A_566 = tpu.memref_squeeze %dma_wait3A_565 : memref<1x2560xf32, #tpu.memory_space<vmem>> -> memref<2560xf32, #tpu.memory_space<vmem>>
      %dma_wait3A_567 = arith.constant 0 : i32
      %dma_wait3A_568 = tpu.memref_slice %arg5[%add3A, %dma_wait3A_567] : memref<4x826880xf32, #tpu.memory_space<hbm>> -> memref<1x826880xf32, #tpu.memory_space<hbm>>
      %dma_wait3A_569 = tpu.memref_squeeze %dma_wait3A_568 : memref<1x826880xf32, #tpu.memory_space<hbm>> -> memref<826880xf32, #tpu.memory_space<hbm>>
      %dma_wait3A_570 = arith.constant 0 : i32
      %dma_wait3A_571 = tpu.memref_slice %dma_wait3A_569[%dma_wait3A_570] : memref<826880xf32, #tpu.memory_space<hbm>> -> memref<2560xf32, #tpu.memory_space<hbm>>
      tpu.wait_dma2 semaphore(%dma_wait3A_563 : memref<!tpu.dma_semaphore, #tpu.memory_space<semaphore_mem>>) src(%dma_wait3A_571 : memref<2560xf32, #tpu.memory_space<hbm>>) dst(%dma_wait3A_566 : memref<2560xf32, #tpu.memory_space<vmem>>)
      %mul3A_572 = arith.constant 2560 : i32
      %mul3A_573 = arith.muli %mul3A_416, %mul3A_572 : i32
      %add3A_574 = arith.addi %mul3A_34, %mul3A_573 : i32
      %dma_start3A_575 = arith.constant 0 : i32
      %dma_start3A_576 = arith.constant 0 : i32
      %dma_start3A_577 = arith.constant 0 : i32
      %dma_start3A_578 = tpu.memref_slice %arg11[%dma_start3A_575, %dma_start3A_577] : memref<4x2560xf32, #tpu.memory_space<vmem>> -> memref<1x2560xf32, #tpu.memory_space<vmem>>
      %dma_start3A_579 = tpu.memref_squeeze %dma_start3A_578 : memref<1x2560xf32, #tpu.memory_space<vmem>> -> memref<2560xf32, #tpu.memory_space<vmem>>
      %dma_start3A_580 = arith.constant 0 : i32
      %dma_start3A_581 = tpu.memref_slice %arg6[%add3A, %dma_start3A_580] : memref<4x819200xf32, #tpu.memory_space<hbm>> -> memref<1x819200xf32, #tpu.memory_space<hbm>>
      %dma_start3A_582 = tpu.memref_squeeze %dma_start3A_581 : memref<1x819200xf32, #tpu.memory_space<hbm>> -> memref<819200xf32, #tpu.memory_space<hbm>>
      %dma_start3A_583 = tpu.memref_slice %dma_start3A_582[%add3A_574] : memref<819200xf32, #tpu.memory_space<hbm>> -> memref<2560xf32, #tpu.memory_space<hbm>>
      %dma_start3A_584 = tpu.memref_slice %arg15[%dma_start3A_576] : memref<4x!tpu.dma_semaphore, #tpu.memory_space<semaphore_mem>> -> memref<1x!tpu.dma_semaphore, #tpu.memory_space<semaphore_mem>>
      %dma_start3A_585 = tpu.memref_squeeze %dma_start3A_584 : memref<1x!tpu.dma_semaphore, #tpu.memory_space<semaphore_mem>> -> memref<!tpu.dma_semaphore, #tpu.memory_space<semaphore_mem>>
      %dma_start3A_586 = arith.constant 0 : i32
      %dma_start3A_587 = tpu.memref_slice %arg6[%add3A, %dma_start3A_586] : memref<4x819200xf32, #tpu.memory_space<hbm>> -> memref<1x819200xf32, #tpu.memory_space<hbm>>
      %dma_start3A_588 = tpu.memref_squeeze %dma_start3A_587 : memref<1x819200xf32, #tpu.memory_space<hbm>> -> memref<819200xf32, #tpu.memory_space<hbm>>
      %dma_start3A_589 = tpu.memref_slice %dma_start3A_588[%add3A_574] : memref<819200xf32, #tpu.memory_space<hbm>> -> memref<2560xf32, #tpu.memory_space<hbm>>
      %dma_start3A_590 = arith.constant 0 : i32
      %dma_start3A_591 = tpu.memref_slice %arg11[%dma_start3A_575, %dma_start3A_590] : memref<4x2560xf32, #tpu.memory_space<vmem>> -> memref<1x2560xf32, #tpu.memory_space<vmem>>
      %dma_start3A_592 = tpu.memref_squeeze %dma_start3A_591 : memref<1x2560xf32, #tpu.memory_space<vmem>> -> memref<2560xf32, #tpu.memory_space<vmem>>
      tpu.enqueue_dma source(%dma_start3A_592 : memref<2560xf32, #tpu.memory_space<vmem>>) target(%dma_start3A_589 : memref<2560xf32, #tpu.memory_space<hbm>>) target_semaphore(%dma_start3A_585 : memref<!tpu.dma_semaphore, #tpu.memory_space<semaphore_mem>>)
      %add3A_593 = arith.constant 4 : i32
      %add3A_594 = arith.addi %mul3A_416, %add3A_593 : i32
      %mul3A_595 = arith.constant 2560 : i32
      %mul3A_596 = arith.muli %add3A_594, %mul3A_595 : i32
      %add3A_597 = arith.addi %mul3A_34, %mul3A_596 : i32
      %dma_start3A_598 = arith.constant 0 : i32
      %dma_start3A_599 = arith.constant 0 : i32
      %dma_start3A_600 = arith.constant 0 : i32
      %dma_start3A_601 = tpu.memref_slice %arg8[%dma_start3A_598, %dma_start3A_600] : memref<4x2560xi32, #tpu.memory_space<vmem>> -> memref<1x2560xi32, #tpu.memory_space<vmem>>
      %dma_start3A_602 = tpu.memref_squeeze %dma_start3A_601 : memref<1x2560xi32, #tpu.memory_space<vmem>> -> memref<2560xi32, #tpu.memory_space<vmem>>
      %dma_start3A_603 = tpu.memref_slice %arg3[%add3A_597] : memref<826880xi32, #tpu.memory_space<hbm>> -> memref<2560xi32, #tpu.memory_space<hbm>>
      %dma_start3A_604 = tpu.memref_slice %arg12[%dma_start3A_599] : memref<4x!tpu.dma_semaphore, #tpu.memory_space<semaphore_mem>> -> memref<1x!tpu.dma_semaphore, #tpu.memory_space<semaphore_mem>>
      %dma_start3A_605 = tpu.memref_squeeze %dma_start3A_604 : memref<1x!tpu.dma_semaphore, #tpu.memory_space<semaphore_mem>> -> memref<!tpu.dma_semaphore, #tpu.memory_space<semaphore_mem>>
      %dma_start3A_606 = arith.constant 0 : i32
      %dma_start3A_607 = tpu.memref_slice %arg8[%dma_start3A_598, %dma_start3A_606] : memref<4x2560xi32, #tpu.memory_space<vmem>> -> memref<1x2560xi32, #tpu.memory_space<vmem>>
      %dma_start3A_608 = tpu.memref_squeeze %dma_start3A_607 : memref<1x2560xi32, #tpu.memory_space<vmem>> -> memref<2560xi32, #tpu.memory_space<vmem>>
      %dma_start3A_609 = tpu.memref_slice %arg3[%add3A_597] : memref<826880xi32, #tpu.memory_space<hbm>> -> memref<2560xi32, #tpu.memory_space<hbm>>
      tpu.enqueue_dma source(%dma_start3A_609 : memref<2560xi32, #tpu.memory_space<hbm>>) target(%dma_start3A_608 : memref<2560xi32, #tpu.memory_space<vmem>>) target_semaphore(%dma_start3A_605 : memref<!tpu.dma_semaphore, #tpu.memory_space<semaphore_mem>>)
      %dma_start3A_610 = arith.constant 0 : i32
      %dma_start3A_611 = arith.constant 0 : i32
      %dma_start3A_612 = arith.constant 0 : i32
      %dma_start3A_613 = tpu.memref_slice %arg9[%dma_start3A_610, %dma_start3A_612] : memref<4x2560xi32, #tpu.memory_space<vmem>> -> memref<1x2560xi32, #tpu.memory_space<vmem>>
      %dma_start3A_614 = tpu.memref_squeeze %dma_start3A_613 : memref<1x2560xi32, #tpu.memory_space<vmem>> -> memref<2560xi32, #tpu.memory_space<vmem>>
      %dma_start3A_615 = tpu.memref_slice %arg4[%add3A_597] : memref<826880xi32, #tpu.memory_space<hbm>> -> memref<2560xi32, #tpu.memory_space<hbm>>
      %dma_start3A_616 = tpu.memref_slice %arg13[%dma_start3A_611] : memref<4x!tpu.dma_semaphore, #tpu.memory_space<semaphore_mem>> -> memref<1x!tpu.dma_semaphore, #tpu.memory_space<semaphore_mem>>
      %dma_start3A_617 = tpu.memref_squeeze %dma_start3A_616 : memref<1x!tpu.dma_semaphore, #tpu.memory_space<semaphore_mem>> -> memref<!tpu.dma_semaphore, #tpu.memory_space<semaphore_mem>>
      %dma_start3A_618 = arith.constant 0 : i32
      %dma_start3A_619 = tpu.memref_slice %arg9[%dma_start3A_610, %dma_start3A_618] : memref<4x2560xi32, #tpu.memory_space<vmem>> -> memref<1x2560xi32, #tpu.memory_space<vmem>>
      %dma_start3A_620 = tpu.memref_squeeze %dma_start3A_619 : memref<1x2560xi32, #tpu.memory_space<vmem>> -> memref<2560xi32, #tpu.memory_space<vmem>>
      %dma_start3A_621 = tpu.memref_slice %arg4[%add3A_597] : memref<826880xi32, #tpu.memory_space<hbm>> -> memref<2560xi32, #tpu.memory_space<hbm>>
      tpu.enqueue_dma source(%dma_start3A_621 : memref<2560xi32, #tpu.memory_space<hbm>>) target(%dma_start3A_620 : memref<2560xi32, #tpu.memory_space<vmem>>) target_semaphore(%dma_start3A_617 : memref<!tpu.dma_semaphore, #tpu.memory_space<semaphore_mem>>)
      %dma_start3A_622 = arith.constant 0 : i32
      %dma_start3A_623 = arith.constant 0 : i32
      %dma_start3A_624 = arith.constant 0 : i32
      %dma_start3A_625 = tpu.memref_slice %arg10[%dma_start3A_622, %dma_start3A_624] : memref<4x2560xf32, #tpu.memory_space<vmem>> -> memref<1x2560xf32, #tpu.memory_space<vmem>>
      %dma_start3A_626 = tpu.memref_squeeze %dma_start3A_625 : memref<1x2560xf32, #tpu.memory_space<vmem>> -> memref<2560xf32, #tpu.memory_space<vmem>>
      %dma_start3A_627 = arith.constant 0 : i32
      %dma_start3A_628 = tpu.memref_slice %arg5[%add3A, %dma_start3A_627] : memref<4x826880xf32, #tpu.memory_space<hbm>> -> memref<1x826880xf32, #tpu.memory_space<hbm>>
      %dma_start3A_629 = tpu.memref_squeeze %dma_start3A_628 : memref<1x826880xf32, #tpu.memory_space<hbm>> -> memref<826880xf32, #tpu.memory_space<hbm>>
      %dma_start3A_630 = tpu.memref_slice %dma_start3A_629[%add3A_597] : memref<826880xf32, #tpu.memory_space<hbm>> -> memref<2560xf32, #tpu.memory_space<hbm>>
      %dma_start3A_631 = tpu.memref_slice %arg14[%dma_start3A_623] : memref<4x!tpu.dma_semaphore, #tpu.memory_space<semaphore_mem>> -> memref<1x!tpu.dma_semaphore, #tpu.memory_space<semaphore_mem>>
      %dma_start3A_632 = tpu.memref_squeeze %dma_start3A_631 : memref<1x!tpu.dma_semaphore, #tpu.memory_space<semaphore_mem>> -> memref<!tpu.dma_semaphore, #tpu.memory_space<semaphore_mem>>
      %dma_start3A_633 = arith.constant 0 : i32
      %dma_start3A_634 = tpu.memref_slice %arg10[%dma_start3A_622, %dma_start3A_633] : memref<4x2560xf32, #tpu.memory_space<vmem>> -> memref<1x2560xf32, #tpu.memory_space<vmem>>
      %dma_start3A_635 = tpu.memref_squeeze %dma_start3A_634 : memref<1x2560xf32, #tpu.memory_space<vmem>> -> memref<2560xf32, #tpu.memory_space<vmem>>
      %dma_start3A_636 = arith.constant 0 : i32
      %dma_start3A_637 = tpu.memref_slice %arg5[%add3A, %dma_start3A_636] : memref<4x826880xf32, #tpu.memory_space<hbm>> -> memref<1x826880xf32, #tpu.memory_space<hbm>>
      %dma_start3A_638 = tpu.memref_squeeze %dma_start3A_637 : memref<1x826880xf32, #tpu.memory_space<hbm>> -> memref<826880xf32, #tpu.memory_space<hbm>>
      %dma_start3A_639 = tpu.memref_slice %dma_start3A_638[%add3A_597] : memref<826880xf32, #tpu.memory_space<hbm>> -> memref<2560xf32, #tpu.memory_space<hbm>>
      tpu.enqueue_dma source(%dma_start3A_639 : memref<2560xf32, #tpu.memory_space<hbm>>) target(%dma_start3A_635 : memref<2560xf32, #tpu.memory_space<vmem>>) target_semaphore(%dma_start3A_632 : memref<!tpu.dma_semaphore, #tpu.memory_space<semaphore_mem>>)
      %gt3A_640 = arith.constant 0 : i32
      %gt3A_641 = arith.cmpi sgt, %scan3A_414, %gt3A_640 : i32
      %convert_element_type3A_642 = arith.extui %gt3A_641 : i1 to i32
      %cond3A_643 = arith.constant 0 : i32
      %cond3A_644 = arith.cmpi ne, %convert_element_type3A_642, %cond3A_643 : i32
      scf.if %cond3A_644 {
        %dma_wait3A_886 = arith.constant 2 : i32
        %dma_wait3A_887 = arith.constant 2 : i32
        %dma_wait3A_888 = arith.constant 0 : i32
        %dma_wait3A_889 = tpu.memref_slice %arg11[%dma_wait3A_886, %dma_wait3A_888] : memref<4x2560xf32, #tpu.memory_space<vmem>> -> memref<1x2560xf32, #tpu.memory_space<vmem>>
        %dma_wait3A_890 = tpu.memref_squeeze %dma_wait3A_889 : memref<1x2560xf32, #tpu.memory_space<vmem>> -> memref<2560xf32, #tpu.memory_space<vmem>>
        %dma_wait3A_891 = arith.constant 0 : i32
        %dma_wait3A_892 = tpu.memref_slice %arg6[%add3A, %dma_wait3A_891] : memref<4x819200xf32, #tpu.memory_space<hbm>> -> memref<1x819200xf32, #tpu.memory_space<hbm>>
        %dma_wait3A_893 = tpu.memref_squeeze %dma_wait3A_892 : memref<1x819200xf32, #tpu.memory_space<hbm>> -> memref<819200xf32, #tpu.memory_space<hbm>>
        %dma_wait3A_894 = arith.constant 0 : i32
        %dma_wait3A_895 = tpu.memref_slice %dma_wait3A_893[%dma_wait3A_894] : memref<819200xf32, #tpu.memory_space<hbm>> -> memref<2560xf32, #tpu.memory_space<hbm>>
        %dma_wait3A_896 = tpu.memref_slice %arg15[%dma_wait3A_887] : memref<4x!tpu.dma_semaphore, #tpu.memory_space<semaphore_mem>> -> memref<1x!tpu.dma_semaphore, #tpu.memory_space<semaphore_mem>>
        %dma_wait3A_897 = tpu.memref_squeeze %dma_wait3A_896 : memref<1x!tpu.dma_semaphore, #tpu.memory_space<semaphore_mem>> -> memref<!tpu.dma_semaphore, #tpu.memory_space<semaphore_mem>>
        %dma_wait3A_898 = arith.constant 0 : i32
        %dma_wait3A_899 = tpu.memref_slice %arg6[%add3A, %dma_wait3A_898] : memref<4x819200xf32, #tpu.memory_space<hbm>> -> memref<1x819200xf32, #tpu.memory_space<hbm>>
        %dma_wait3A_900 = tpu.memref_squeeze %dma_wait3A_899 : memref<1x819200xf32, #tpu.memory_space<hbm>> -> memref<819200xf32, #tpu.memory_space<hbm>>
        %dma_wait3A_901 = arith.constant 0 : i32
        %dma_wait3A_902 = tpu.memref_slice %dma_wait3A_900[%dma_wait3A_901] : memref<819200xf32, #tpu.memory_space<hbm>> -> memref<2560xf32, #tpu.memory_space<hbm>>
        %dma_wait3A_903 = arith.constant 0 : i32
        %dma_wait3A_904 = tpu.memref_slice %arg11[%dma_wait3A_886, %dma_wait3A_903] : memref<4x2560xf32, #tpu.memory_space<vmem>> -> memref<1x2560xf32, #tpu.memory_space<vmem>>
        %dma_wait3A_905 = tpu.memref_squeeze %dma_wait3A_904 : memref<1x2560xf32, #tpu.memory_space<vmem>> -> memref<2560xf32, #tpu.memory_space<vmem>>
        tpu.wait_dma2 semaphore(%dma_wait3A_897 : memref<!tpu.dma_semaphore, #tpu.memory_space<semaphore_mem>>) src(%dma_wait3A_905 : memref<2560xf32, #tpu.memory_space<vmem>>) dst(%dma_wait3A_902 : memref<2560xf32, #tpu.memory_space<hbm>>)
      } else {
      }
      %dma_wait3A_645 = arith.constant 2 : i32
      %dma_wait3A_646 = arith.constant 2 : i32
      %dma_wait3A_647 = arith.constant 0 : i32
      %dma_wait3A_648 = tpu.memref_slice %arg8[%dma_wait3A_645, %dma_wait3A_647] : memref<4x2560xi32, #tpu.memory_space<vmem>> -> memref<1x2560xi32, #tpu.memory_space<vmem>>
      %dma_wait3A_649 = tpu.memref_squeeze %dma_wait3A_648 : memref<1x2560xi32, #tpu.memory_space<vmem>> -> memref<2560xi32, #tpu.memory_space<vmem>>
      %dma_wait3A_650 = arith.constant 0 : i32
      %dma_wait3A_651 = tpu.memref_slice %arg3[%dma_wait3A_650] : memref<826880xi32, #tpu.memory_space<hbm>> -> memref<2560xi32, #tpu.memory_space<hbm>>
      %dma_wait3A_652 = tpu.memref_slice %arg12[%dma_wait3A_646] : memref<4x!tpu.dma_semaphore, #tpu.memory_space<semaphore_mem>> -> memref<1x!tpu.dma_semaphore, #tpu.memory_space<semaphore_mem>>
      %dma_wait3A_653 = tpu.memref_squeeze %dma_wait3A_652 : memref<1x!tpu.dma_semaphore, #tpu.memory_space<semaphore_mem>> -> memref<!tpu.dma_semaphore, #tpu.memory_space<semaphore_mem>>
      %dma_wait3A_654 = arith.constant 0 : i32
      %dma_wait3A_655 = tpu.memref_slice %arg8[%dma_wait3A_645, %dma_wait3A_654] : memref<4x2560xi32, #tpu.memory_space<vmem>> -> memref<1x2560xi32, #tpu.memory_space<vmem>>
      %dma_wait3A_656 = tpu.memref_squeeze %dma_wait3A_655 : memref<1x2560xi32, #tpu.memory_space<vmem>> -> memref<2560xi32, #tpu.memory_space<vmem>>
      %dma_wait3A_657 = arith.constant 0 : i32
      %dma_wait3A_658 = tpu.memref_slice %arg3[%dma_wait3A_657] : memref<826880xi32, #tpu.memory_space<hbm>> -> memref<2560xi32, #tpu.memory_space<hbm>>
      tpu.wait_dma2 semaphore(%dma_wait3A_653 : memref<!tpu.dma_semaphore, #tpu.memory_space<semaphore_mem>>) src(%dma_wait3A_658 : memref<2560xi32, #tpu.memory_space<hbm>>) dst(%dma_wait3A_656 : memref<2560xi32, #tpu.memory_space<vmem>>)
      %dma_wait3A_659 = arith.constant 2 : i32
      %dma_wait3A_660 = arith.constant 2 : i32
      %dma_wait3A_661 = arith.constant 0 : i32
      %dma_wait3A_662 = tpu.memref_slice %arg9[%dma_wait3A_659, %dma_wait3A_661] : memref<4x2560xi32, #tpu.memory_space<vmem>> -> memref<1x2560xi32, #tpu.memory_space<vmem>>
      %dma_wait3A_663 = tpu.memref_squeeze %dma_wait3A_662 : memref<1x2560xi32, #tpu.memory_space<vmem>> -> memref<2560xi32, #tpu.memory_space<vmem>>
      %dma_wait3A_664 = arith.constant 0 : i32
      %dma_wait3A_665 = tpu.memref_slice %arg4[%dma_wait3A_664] : memref<826880xi32, #tpu.memory_space<hbm>> -> memref<2560xi32, #tpu.memory_space<hbm>>
      %dma_wait3A_666 = tpu.memref_slice %arg13[%dma_wait3A_660] : memref<4x!tpu.dma_semaphore, #tpu.memory_space<semaphore_mem>> -> memref<1x!tpu.dma_semaphore, #tpu.memory_space<semaphore_mem>>
      %dma_wait3A_667 = tpu.memref_squeeze %dma_wait3A_666 : memref<1x!tpu.dma_semaphore, #tpu.memory_space<semaphore_mem>> -> memref<!tpu.dma_semaphore, #tpu.memory_space<semaphore_mem>>
      %dma_wait3A_668 = arith.constant 0 : i32
      %dma_wait3A_669 = tpu.memref_slice %arg9[%dma_wait3A_659, %dma_wait3A_668] : memref<4x2560xi32, #tpu.memory_space<vmem>> -> memref<1x2560xi32, #tpu.memory_space<vmem>>
      %dma_wait3A_670 = tpu.memref_squeeze %dma_wait3A_669 : memref<1x2560xi32, #tpu.memory_space<vmem>> -> memref<2560xi32, #tpu.memory_space<vmem>>
      %dma_wait3A_671 = arith.constant 0 : i32
      %dma_wait3A_672 = tpu.memref_slice %arg4[%dma_wait3A_671] : memref<826880xi32, #tpu.memory_space<hbm>> -> memref<2560xi32, #tpu.memory_space<hbm>>
      tpu.wait_dma2 semaphore(%dma_wait3A_667 : memref<!tpu.dma_semaphore, #tpu.memory_space<semaphore_mem>>) src(%dma_wait3A_672 : memref<2560xi32, #tpu.memory_space<hbm>>) dst(%dma_wait3A_670 : memref<2560xi32, #tpu.memory_space<vmem>>)
      %dma_wait3A_673 = arith.constant 2 : i32
      %dma_wait3A_674 = arith.constant 2 : i32
      %dma_wait3A_675 = arith.constant 0 : i32
      %dma_wait3A_676 = tpu.memref_slice %arg10[%dma_wait3A_673, %dma_wait3A_675] : memref<4x2560xf32, #tpu.memory_space<vmem>> -> memref<1x2560xf32, #tpu.memory_space<vmem>>
      %dma_wait3A_677 = tpu.memref_squeeze %dma_wait3A_676 : memref<1x2560xf32, #tpu.memory_space<vmem>> -> memref<2560xf32, #tpu.memory_space<vmem>>
      %dma_wait3A_678 = arith.constant 0 : i32
      %dma_wait3A_679 = tpu.memref_slice %arg5[%add3A, %dma_wait3A_678] : memref<4x826880xf32, #tpu.memory_space<hbm>> -> memref<1x826880xf32, #tpu.memory_space<hbm>>
      %dma_wait3A_680 = tpu.memref_squeeze %dma_wait3A_679 : memref<1x826880xf32, #tpu.memory_space<hbm>> -> memref<826880xf32, #tpu.memory_space<hbm>>
      %dma_wait3A_681 = arith.constant 0 : i32
      %dma_wait3A_682 = tpu.memref_slice %dma_wait3A_680[%dma_wait3A_681] : memref<826880xf32, #tpu.memory_space<hbm>> -> memref<2560xf32, #tpu.memory_space<hbm>>
      %dma_wait3A_683 = tpu.memref_slice %arg14[%dma_wait3A_674] : memref<4x!tpu.dma_semaphore, #tpu.memory_space<semaphore_mem>> -> memref<1x!tpu.dma_semaphore, #tpu.memory_space<semaphore_mem>>
      %dma_wait3A_684 = tpu.memref_squeeze %dma_wait3A_683 : memref<1x!tpu.dma_semaphore, #tpu.memory_space<semaphore_mem>> -> memref<!tpu.dma_semaphore, #tpu.memory_space<semaphore_mem>>
      %dma_wait3A_685 = arith.constant 0 : i32
      %dma_wait3A_686 = tpu.memref_slice %arg10[%dma_wait3A_673, %dma_wait3A_685] : memref<4x2560xf32, #tpu.memory_space<vmem>> -> memref<1x2560xf32, #tpu.memory_space<vmem>>
      %dma_wait3A_687 = tpu.memref_squeeze %dma_wait3A_686 : memref<1x2560xf32, #tpu.memory_space<vmem>> -> memref<2560xf32, #tpu.memory_space<vmem>>
      %dma_wait3A_688 = arith.constant 0 : i32
      %dma_wait3A_689 = tpu.memref_slice %arg5[%add3A, %dma_wait3A_688] : memref<4x826880xf32, #tpu.memory_space<hbm>> -> memref<1x826880xf32, #tpu.memory_space<hbm>>
      %dma_wait3A_690 = tpu.memref_squeeze %dma_wait3A_689 : memref<1x826880xf32, #tpu.memory_space<hbm>> -> memref<826880xf32, #tpu.memory_space<hbm>>
      %dma_wait3A_691 = arith.constant 0 : i32
      %dma_wait3A_692 = tpu.memref_slice %dma_wait3A_690[%dma_wait3A_691] : memref<826880xf32, #tpu.memory_space<hbm>> -> memref<2560xf32, #tpu.memory_space<hbm>>
      tpu.wait_dma2 semaphore(%dma_wait3A_684 : memref<!tpu.dma_semaphore, #tpu.memory_space<semaphore_mem>>) src(%dma_wait3A_692 : memref<2560xf32, #tpu.memory_space<hbm>>) dst(%dma_wait3A_687 : memref<2560xf32, #tpu.memory_space<vmem>>)
      %add3A_693 = arith.constant 1 : i32
      %add3A_694 = arith.addi %mul3A_416, %add3A_693 : i32
      %mul3A_695 = arith.constant 2560 : i32
      %mul3A_696 = arith.muli %add3A_694, %mul3A_695 : i32
      %add3A_697 = arith.addi %mul3A_34, %mul3A_696 : i32
      %dma_start3A_698 = arith.constant 1 : i32
      %dma_start3A_699 = arith.constant 1 : i32
      %dma_start3A_700 = arith.constant 0 : i32
      %dma_start3A_701 = tpu.memref_slice %arg11[%dma_start3A_698, %dma_start3A_700] : memref<4x2560xf32, #tpu.memory_space<vmem>> -> memref<1x2560xf32, #tpu.memory_space<vmem>>
      %dma_start3A_702 = tpu.memref_squeeze %dma_start3A_701 : memref<1x2560xf32, #tpu.memory_space<vmem>> -> memref<2560xf32, #tpu.memory_space<vmem>>
      %dma_start3A_703 = arith.constant 0 : i32
      %dma_start3A_704 = tpu.memref_slice %arg6[%add3A, %dma_start3A_703] : memref<4x819200xf32, #tpu.memory_space<hbm>> -> memref<1x819200xf32, #tpu.memory_space<hbm>>
      %dma_start3A_705 = tpu.memref_squeeze %dma_start3A_704 : memref<1x819200xf32, #tpu.memory_space<hbm>> -> memref<819200xf32, #tpu.memory_space<hbm>>
      %dma_start3A_706 = tpu.memref_slice %dma_start3A_705[%add3A_697] : memref<819200xf32, #tpu.memory_space<hbm>> -> memref<2560xf32, #tpu.memory_space<hbm>>
      %dma_start3A_707 = tpu.memref_slice %arg15[%dma_start3A_699] : memref<4x!tpu.dma_semaphore, #tpu.memory_space<semaphore_mem>> -> memref<1x!tpu.dma_semaphore, #tpu.memory_space<semaphore_mem>>
      %dma_start3A_708 = tpu.memref_squeeze %dma_start3A_707 : memref<1x!tpu.dma_semaphore, #tpu.memory_space<semaphore_mem>> -> memref<!tpu.dma_semaphore, #tpu.memory_space<semaphore_mem>>
      %dma_start3A_709 = arith.constant 0 : i32
      %dma_start3A_710 = tpu.memref_slice %arg6[%add3A, %dma_start3A_709] : memref<4x819200xf32, #tpu.memory_space<hbm>> -> memref<1x819200xf32, #tpu.memory_space<hbm>>
      %dma_start3A_711 = tpu.memref_squeeze %dma_start3A_710 : memref<1x819200xf32, #tpu.memory_space<hbm>> -> memref<819200xf32, #tpu.memory_space<hbm>>
      %dma_start3A_712 = tpu.memref_slice %dma_start3A_711[%add3A_697] : memref<819200xf32, #tpu.memory_space<hbm>> -> memref<2560xf32, #tpu.memory_space<hbm>>
      %dma_start3A_713 = arith.constant 0 : i32
      %dma_start3A_714 = tpu.memref_slice %arg11[%dma_start3A_698, %dma_start3A_713] : memref<4x2560xf32, #tpu.memory_space<vmem>> -> memref<1x2560xf32, #tpu.memory_space<vmem>>
      %dma_start3A_715 = tpu.memref_squeeze %dma_start3A_714 : memref<1x2560xf32, #tpu.memory_space<vmem>> -> memref<2560xf32, #tpu.memory_space<vmem>>
      tpu.enqueue_dma source(%dma_start3A_715 : memref<2560xf32, #tpu.memory_space<vmem>>) target(%dma_start3A_712 : memref<2560xf32, #tpu.memory_space<hbm>>) target_semaphore(%dma_start3A_708 : memref<!tpu.dma_semaphore, #tpu.memory_space<semaphore_mem>>)
      %add3A_716 = arith.constant 5 : i32
      %add3A_717 = arith.addi %mul3A_416, %add3A_716 : i32
      %mul3A_718 = arith.constant 2560 : i32
      %mul3A_719 = arith.muli %add3A_717, %mul3A_718 : i32
      %add3A_720 = arith.addi %mul3A_34, %mul3A_719 : i32
      %dma_start3A_721 = arith.constant 1 : i32
      %dma_start3A_722 = arith.constant 1 : i32
      %dma_start3A_723 = arith.constant 0 : i32
      %dma_start3A_724 = tpu.memref_slice %arg8[%dma_start3A_721, %dma_start3A_723] : memref<4x2560xi32, #tpu.memory_space<vmem>> -> memref<1x2560xi32, #tpu.memory_space<vmem>>
      %dma_start3A_725 = tpu.memref_squeeze %dma_start3A_724 : memref<1x2560xi32, #tpu.memory_space<vmem>> -> memref<2560xi32, #tpu.memory_space<vmem>>
      %dma_start3A_726 = tpu.memref_slice %arg3[%add3A_720] : memref<826880xi32, #tpu.memory_space<hbm>> -> memref<2560xi32, #tpu.memory_space<hbm>>
      %dma_start3A_727 = tpu.memref_slice %arg12[%dma_start3A_722] : memref<4x!tpu.dma_semaphore, #tpu.memory_space<semaphore_mem>> -> memref<1x!tpu.dma_semaphore, #tpu.memory_space<semaphore_mem>>
      %dma_start3A_728 = tpu.memref_squeeze %dma_start3A_727 : memref<1x!tpu.dma_semaphore, #tpu.memory_space<semaphore_mem>> -> memref<!tpu.dma_semaphore, #tpu.memory_space<semaphore_mem>>
      %dma_start3A_729 = arith.constant 0 : i32
      %dma_start3A_730 = tpu.memref_slice %arg8[%dma_start3A_721, %dma_start3A_729] : memref<4x2560xi32, #tpu.memory_space<vmem>> -> memref<1x2560xi32, #tpu.memory_space<vmem>>
      %dma_start3A_731 = tpu.memref_squeeze %dma_start3A_730 : memref<1x2560xi32, #tpu.memory_space<vmem>> -> memref<2560xi32, #tpu.memory_space<vmem>>
      %dma_start3A_732 = tpu.memref_slice %arg3[%add3A_720] : memref<826880xi32, #tpu.memory_space<hbm>> -> memref<2560xi32, #tpu.memory_space<hbm>>
      tpu.enqueue_dma source(%dma_start3A_732 : memref<2560xi32, #tpu.memory_space<hbm>>) target(%dma_start3A_731 : memref<2560xi32, #tpu.memory_space<vmem>>) target_semaphore(%dma_start3A_728 : memref<!tpu.dma_semaphore, #tpu.memory_space<semaphore_mem>>)
      %dma_start3A_733 = arith.constant 1 : i32
      %dma_start3A_734 = arith.constant 1 : i32
      %dma_start3A_735 = arith.constant 0 : i32
      %dma_start3A_736 = tpu.memref_slice %arg9[%dma_start3A_733, %dma_start3A_735] : memref<4x2560xi32, #tpu.memory_space<vmem>> -> memref<1x2560xi32, #tpu.memory_space<vmem>>
      %dma_start3A_737 = tpu.memref_squeeze %dma_start3A_736 : memref<1x2560xi32, #tpu.memory_space<vmem>> -> memref<2560xi32, #tpu.memory_space<vmem>>
      %dma_start3A_738 = tpu.memref_slice %arg4[%add3A_720] : memref<826880xi32, #tpu.memory_space<hbm>> -> memref<2560xi32, #tpu.memory_space<hbm>>
      %dma_start3A_739 = tpu.memref_slice %arg13[%dma_start3A_734] : memref<4x!tpu.dma_semaphore, #tpu.memory_space<semaphore_mem>> -> memref<1x!tpu.dma_semaphore, #tpu.memory_space<semaphore_mem>>
      %dma_start3A_740 = tpu.memref_squeeze %dma_start3A_739 : memref<1x!tpu.dma_semaphore, #tpu.memory_space<semaphore_mem>> -> memref<!tpu.dma_semaphore, #tpu.memory_space<semaphore_mem>>
      %dma_start3A_741 = arith.constant 0 : i32
      %dma_start3A_742 = tpu.memref_slice %arg9[%dma_start3A_733, %dma_start3A_741] : memref<4x2560xi32, #tpu.memory_space<vmem>> -> memref<1x2560xi32, #tpu.memory_space<vmem>>
      %dma_start3A_743 = tpu.memref_squeeze %dma_start3A_742 : memref<1x2560xi32, #tpu.memory_space<vmem>> -> memref<2560xi32, #tpu.memory_space<vmem>>
      %dma_start3A_744 = tpu.memref_slice %arg4[%add3A_720] : memref<826880xi32, #tpu.memory_space<hbm>> -> memref<2560xi32, #tpu.memory_space<hbm>>
      tpu.enqueue_dma source(%dma_start3A_744 : memref<2560xi32, #tpu.memory_space<hbm>>) target(%dma_start3A_743 : memref<2560xi32, #tpu.memory_space<vmem>>) target_semaphore(%dma_start3A_740 : memref<!tpu.dma_semaphore, #tpu.memory_space<semaphore_mem>>)
      %dma_start3A_745 = arith.constant 1 : i32
      %dma_start3A_746 = arith.constant 1 : i32
      %dma_start3A_747 = arith.constant 0 : i32
      %dma_start3A_748 = tpu.memref_slice %arg10[%dma_start3A_745, %dma_start3A_747] : memref<4x2560xf32, #tpu.memory_space<vmem>> -> memref<1x2560xf32, #tpu.memory_space<vmem>>
      %dma_start3A_749 = tpu.memref_squeeze %dma_start3A_748 : memref<1x2560xf32, #tpu.memory_space<vmem>> -> memref<2560xf32, #tpu.memory_space<vmem>>
      %dma_start3A_750 = arith.constant 0 : i32
      %dma_start3A_751 = tpu.memref_slice %arg5[%add3A, %dma_start3A_750] : memref<4x826880xf32, #tpu.memory_space<hbm>> -> memref<1x826880xf32, #tpu.memory_space<hbm>>
      %dma_start3A_752 = tpu.memref_squeeze %dma_start3A_751 : memref<1x826880xf32, #tpu.memory_space<hbm>> -> memref<826880xf32, #tpu.memory_space<hbm>>
      %dma_start3A_753 = tpu.memref_slice %dma_start3A_752[%add3A_720] : memref<826880xf32, #tpu.memory_space<hbm>> -> memref<2560xf32, #tpu.memory_space<hbm>>
      %dma_start3A_754 = tpu.memref_slice %arg14[%dma_start3A_746] : memref<4x!tpu.dma_semaphore, #tpu.memory_space<semaphore_mem>> -> memref<1x!tpu.dma_semaphore, #tpu.memory_space<semaphore_mem>>
      %dma_start3A_755 = tpu.memref_squeeze %dma_start3A_754 : memref<1x!tpu.dma_semaphore, #tpu.memory_space<semaphore_mem>> -> memref<!tpu.dma_semaphore, #tpu.memory_space<semaphore_mem>>
      %dma_start3A_756 = arith.constant 0 : i32
      %dma_start3A_757 = tpu.memref_slice %arg10[%dma_start3A_745, %dma_start3A_756] : memref<4x2560xf32, #tpu.memory_space<vmem>> -> memref<1x2560xf32, #tpu.memory_space<vmem>>
      %dma_start3A_758 = tpu.memref_squeeze %dma_start3A_757 : memref<1x2560xf32, #tpu.memory_space<vmem>> -> memref<2560xf32, #tpu.memory_space<vmem>>
      %dma_start3A_759 = arith.constant 0 : i32
      %dma_start3A_760 = tpu.memref_slice %arg5[%add3A, %dma_start3A_759] : memref<4x826880xf32, #tpu.memory_space<hbm>> -> memref<1x826880xf32, #tpu.memory_space<hbm>>
      %dma_start3A_761 = tpu.memref_squeeze %dma_start3A_760 : memref<1x826880xf32, #tpu.memory_space<hbm>> -> memref<826880xf32, #tpu.memory_space<hbm>>
      %dma_start3A_762 = tpu.memref_slice %dma_start3A_761[%add3A_720] : memref<826880xf32, #tpu.memory_space<hbm>> -> memref<2560xf32, #tpu.memory_space<hbm>>
      tpu.enqueue_dma source(%dma_start3A_762 : memref<2560xf32, #tpu.memory_space<hbm>>) target(%dma_start3A_758 : memref<2560xf32, #tpu.memory_space<vmem>>) target_semaphore(%dma_start3A_755 : memref<!tpu.dma_semaphore, #tpu.memory_space<semaphore_mem>>)
      %gt3A_763 = arith.constant 0 : i32
      %gt3A_764 = arith.cmpi sgt, %scan3A_414, %gt3A_763 : i32
      %convert_element_type3A_765 = arith.extui %gt3A_764 : i1 to i32
      %cond3A_766 = arith.constant 0 : i32
      %cond3A_767 = arith.cmpi ne, %convert_element_type3A_765, %cond3A_766 : i32
      scf.if %cond3A_767 {
        %dma_wait3A_886 = arith.constant 3 : i32
        %dma_wait3A_887 = arith.constant 3 : i32
        %dma_wait3A_888 = arith.constant 0 : i32
        %dma_wait3A_889 = tpu.memref_slice %arg11[%dma_wait3A_886, %dma_wait3A_888] : memref<4x2560xf32, #tpu.memory_space<vmem>> -> memref<1x2560xf32, #tpu.memory_space<vmem>>
        %dma_wait3A_890 = tpu.memref_squeeze %dma_wait3A_889 : memref<1x2560xf32, #tpu.memory_space<vmem>> -> memref<2560xf32, #tpu.memory_space<vmem>>
        %dma_wait3A_891 = arith.constant 0 : i32
        %dma_wait3A_892 = tpu.memref_slice %arg6[%add3A, %dma_wait3A_891] : memref<4x819200xf32, #tpu.memory_space<hbm>> -> memref<1x819200xf32, #tpu.memory_space<hbm>>
        %dma_wait3A_893 = tpu.memref_squeeze %dma_wait3A_892 : memref<1x819200xf32, #tpu.memory_space<hbm>> -> memref<819200xf32, #tpu.memory_space<hbm>>
        %dma_wait3A_894 = arith.constant 0 : i32
        %dma_wait3A_895 = tpu.memref_slice %dma_wait3A_893[%dma_wait3A_894] : memref<819200xf32, #tpu.memory_space<hbm>> -> memref<2560xf32, #tpu.memory_space<hbm>>
        %dma_wait3A_896 = tpu.memref_slice %arg15[%dma_wait3A_887] : memref<4x!tpu.dma_semaphore, #tpu.memory_space<semaphore_mem>> -> memref<1x!tpu.dma_semaphore, #tpu.memory_space<semaphore_mem>>
        %dma_wait3A_897 = tpu.memref_squeeze %dma_wait3A_896 : memref<1x!tpu.dma_semaphore, #tpu.memory_space<semaphore_mem>> -> memref<!tpu.dma_semaphore, #tpu.memory_space<semaphore_mem>>
        %dma_wait3A_898 = arith.constant 0 : i32
        %dma_wait3A_899 = tpu.memref_slice %arg6[%add3A, %dma_wait3A_898] : memref<4x819200xf32, #tpu.memory_space<hbm>> -> memref<1x819200xf32, #tpu.memory_space<hbm>>
        %dma_wait3A_900 = tpu.memref_squeeze %dma_wait3A_899 : memref<1x819200xf32, #tpu.memory_space<hbm>> -> memref<819200xf32, #tpu.memory_space<hbm>>
        %dma_wait3A_901 = arith.constant 0 : i32
        %dma_wait3A_902 = tpu.memref_slice %dma_wait3A_900[%dma_wait3A_901] : memref<819200xf32, #tpu.memory_space<hbm>> -> memref<2560xf32, #tpu.memory_space<hbm>>
        %dma_wait3A_903 = arith.constant 0 : i32
        %dma_wait3A_904 = tpu.memref_slice %arg11[%dma_wait3A_886, %dma_wait3A_903] : memref<4x2560xf32, #tpu.memory_space<vmem>> -> memref<1x2560xf32, #tpu.memory_space<vmem>>
        %dma_wait3A_905 = tpu.memref_squeeze %dma_wait3A_904 : memref<1x2560xf32, #tpu.memory_space<vmem>> -> memref<2560xf32, #tpu.memory_space<vmem>>
        tpu.wait_dma2 semaphore(%dma_wait3A_897 : memref<!tpu.dma_semaphore, #tpu.memory_space<semaphore_mem>>) src(%dma_wait3A_905 : memref<2560xf32, #tpu.memory_space<vmem>>) dst(%dma_wait3A_902 : memref<2560xf32, #tpu.memory_space<hbm>>)
      } else {
      }
      %dma_wait3A_768 = arith.constant 3 : i32
      %dma_wait3A_769 = arith.constant 3 : i32
      %dma_wait3A_770 = arith.constant 0 : i32
      %dma_wait3A_771 = tpu.memref_slice %arg8[%dma_wait3A_768, %dma_wait3A_770] : memref<4x2560xi32, #tpu.memory_space<vmem>> -> memref<1x2560xi32, #tpu.memory_space<vmem>>
      %dma_wait3A_772 = tpu.memref_squeeze %dma_wait3A_771 : memref<1x2560xi32, #tpu.memory_space<vmem>> -> memref<2560xi32, #tpu.memory_space<vmem>>
      %dma_wait3A_773 = arith.constant 0 : i32
      %dma_wait3A_774 = tpu.memref_slice %arg3[%dma_wait3A_773] : memref<826880xi32, #tpu.memory_space<hbm>> -> memref<2560xi32, #tpu.memory_space<hbm>>
      %dma_wait3A_775 = tpu.memref_slice %arg12[%dma_wait3A_769] : memref<4x!tpu.dma_semaphore, #tpu.memory_space<semaphore_mem>> -> memref<1x!tpu.dma_semaphore, #tpu.memory_space<semaphore_mem>>
      %dma_wait3A_776 = tpu.memref_squeeze %dma_wait3A_775 : memref<1x!tpu.dma_semaphore, #tpu.memory_space<semaphore_mem>> -> memref<!tpu.dma_semaphore, #tpu.memory_space<semaphore_mem>>
      %dma_wait3A_777 = arith.constant 0 : i32
      %dma_wait3A_778 = tpu.memref_slice %arg8[%dma_wait3A_768, %dma_wait3A_777] : memref<4x2560xi32, #tpu.memory_space<vmem>> -> memref<1x2560xi32, #tpu.memory_space<vmem>>
      %dma_wait3A_779 = tpu.memref_squeeze %dma_wait3A_778 : memref<1x2560xi32, #tpu.memory_space<vmem>> -> memref<2560xi32, #tpu.memory_space<vmem>>
      %dma_wait3A_780 = arith.constant 0 : i32
      %dma_wait3A_781 = tpu.memref_slice %arg3[%dma_wait3A_780] : memref<826880xi32, #tpu.memory_space<hbm>> -> memref<2560xi32, #tpu.memory_space<hbm>>
      tpu.wait_dma2 semaphore(%dma_wait3A_776 : memref<!tpu.dma_semaphore, #tpu.memory_space<semaphore_mem>>) src(%dma_wait3A_781 : memref<2560xi32, #tpu.memory_space<hbm>>) dst(%dma_wait3A_779 : memref<2560xi32, #tpu.memory_space<vmem>>)
      %dma_wait3A_782 = arith.constant 3 : i32
      %dma_wait3A_783 = arith.constant 3 : i32
      %dma_wait3A_784 = arith.constant 0 : i32
      %dma_wait3A_785 = tpu.memref_slice %arg9[%dma_wait3A_782, %dma_wait3A_784] : memref<4x2560xi32, #tpu.memory_space<vmem>> -> memref<1x2560xi32, #tpu.memory_space<vmem>>
      %dma_wait3A_786 = tpu.memref_squeeze %dma_wait3A_785 : memref<1x2560xi32, #tpu.memory_space<vmem>> -> memref<2560xi32, #tpu.memory_space<vmem>>
      %dma_wait3A_787 = arith.constant 0 : i32
      %dma_wait3A_788 = tpu.memref_slice %arg4[%dma_wait3A_787] : memref<826880xi32, #tpu.memory_space<hbm>> -> memref<2560xi32, #tpu.memory_space<hbm>>
      %dma_wait3A_789 = tpu.memref_slice %arg13[%dma_wait3A_783] : memref<4x!tpu.dma_semaphore, #tpu.memory_space<semaphore_mem>> -> memref<1x!tpu.dma_semaphore, #tpu.memory_space<semaphore_mem>>
      %dma_wait3A_790 = tpu.memref_squeeze %dma_wait3A_789 : memref<1x!tpu.dma_semaphore, #tpu.memory_space<semaphore_mem>> -> memref<!tpu.dma_semaphore, #tpu.memory_space<semaphore_mem>>
      %dma_wait3A_791 = arith.constant 0 : i32
      %dma_wait3A_792 = tpu.memref_slice %arg9[%dma_wait3A_782, %dma_wait3A_791] : memref<4x2560xi32, #tpu.memory_space<vmem>> -> memref<1x2560xi32, #tpu.memory_space<vmem>>
      %dma_wait3A_793 = tpu.memref_squeeze %dma_wait3A_792 : memref<1x2560xi32, #tpu.memory_space<vmem>> -> memref<2560xi32, #tpu.memory_space<vmem>>
      %dma_wait3A_794 = arith.constant 0 : i32
      %dma_wait3A_795 = tpu.memref_slice %arg4[%dma_wait3A_794] : memref<826880xi32, #tpu.memory_space<hbm>> -> memref<2560xi32, #tpu.memory_space<hbm>>
      tpu.wait_dma2 semaphore(%dma_wait3A_790 : memref<!tpu.dma_semaphore, #tpu.memory_space<semaphore_mem>>) src(%dma_wait3A_795 : memref<2560xi32, #tpu.memory_space<hbm>>) dst(%dma_wait3A_793 : memref<2560xi32, #tpu.memory_space<vmem>>)
      %dma_wait3A_796 = arith.constant 3 : i32
      %dma_wait3A_797 = arith.constant 3 : i32
      %dma_wait3A_798 = arith.constant 0 : i32
      %dma_wait3A_799 = tpu.memref_slice %arg10[%dma_wait3A_796, %dma_wait3A_798] : memref<4x2560xf32, #tpu.memory_space<vmem>> -> memref<1x2560xf32, #tpu.memory_space<vmem>>
      %dma_wait3A_800 = tpu.memref_squeeze %dma_wait3A_799 : memref<1x2560xf32, #tpu.memory_space<vmem>> -> memref<2560xf32, #tpu.memory_space<vmem>>
      %dma_wait3A_801 = arith.constant 0 : i32
      %dma_wait3A_802 = tpu.memref_slice %arg5[%add3A, %dma_wait3A_801] : memref<4x826880xf32, #tpu.memory_space<hbm>> -> memref<1x826880xf32, #tpu.memory_space<hbm>>
      %dma_wait3A_803 = tpu.memref_squeeze %dma_wait3A_802 : memref<1x826880xf32, #tpu.memory_space<hbm>> -> memref<826880xf32, #tpu.memory_space<hbm>>
      %dma_wait3A_804 = arith.constant 0 : i32
      %dma_wait3A_805 = tpu.memref_slice %dma_wait3A_803[%dma_wait3A_804] : memref<826880xf32, #tpu.memory_space<hbm>> -> memref<2560xf32, #tpu.memory_space<hbm>>
      %dma_wait3A_806 = tpu.memref_slice %arg14[%dma_wait3A_797] : memref<4x!tpu.dma_semaphore, #tpu.memory_space<semaphore_mem>> -> memref<1x!tpu.dma_semaphore, #tpu.memory_space<semaphore_mem>>
      %dma_wait3A_807 = tpu.memref_squeeze %dma_wait3A_806 : memref<1x!tpu.dma_semaphore, #tpu.memory_space<semaphore_mem>> -> memref<!tpu.dma_semaphore, #tpu.memory_space<semaphore_mem>>
      %dma_wait3A_808 = arith.constant 0 : i32
      %dma_wait3A_809 = tpu.memref_slice %arg10[%dma_wait3A_796, %dma_wait3A_808] : memref<4x2560xf32, #tpu.memory_space<vmem>> -> memref<1x2560xf32, #tpu.memory_space<vmem>>
      %dma_wait3A_810 = tpu.memref_squeeze %dma_wait3A_809 : memref<1x2560xf32, #tpu.memory_space<vmem>> -> memref<2560xf32, #tpu.memory_space<vmem>>
      %dma_wait3A_811 = arith.constant 0 : i32
      %dma_wait3A_812 = tpu.memref_slice %arg5[%add3A, %dma_wait3A_811] : memref<4x826880xf32, #tpu.memory_space<hbm>> -> memref<1x826880xf32, #tpu.memory_space<hbm>>
      %dma_wait3A_813 = tpu.memref_squeeze %dma_wait3A_812 : memref<1x826880xf32, #tpu.memory_space<hbm>> -> memref<826880xf32, #tpu.memory_space<hbm>>
      %dma_wait3A_814 = arith.constant 0 : i32
      %dma_wait3A_815 = tpu.memref_slice %dma_wait3A_813[%dma_wait3A_814] : memref<826880xf32, #tpu.memory_space<hbm>> -> memref<2560xf32, #tpu.memory_space<hbm>>
      tpu.wait_dma2 semaphore(%dma_wait3A_807 : memref<!tpu.dma_semaphore, #tpu.memory_space<semaphore_mem>>) src(%dma_wait3A_815 : memref<2560xf32, #tpu.memory_space<hbm>>) dst(%dma_wait3A_810 : memref<2560xf32, #tpu.memory_space<vmem>>)
      %add3A_816 = arith.constant 2 : i32
      %add3A_817 = arith.addi %mul3A_416, %add3A_816 : i32
      %mul3A_818 = arith.constant 2560 : i32
      %mul3A_819 = arith.muli %add3A_817, %mul3A_818 : i32
      %add3A_820 = arith.addi %mul3A_34, %mul3A_819 : i32
      %dma_start3A_821 = arith.constant 2 : i32
      %dma_start3A_822 = arith.constant 2 : i32
      %dma_start3A_823 = arith.constant 0 : i32
      %dma_start3A_824 = tpu.memref_slice %arg11[%dma_start3A_821, %dma_start3A_823] : memref<4x2560xf32, #tpu.memory_space<vmem>> -> memref<1x2560xf32, #tpu.memory_space<vmem>>
      %dma_start3A_825 = tpu.memref_squeeze %dma_start3A_824 : memref<1x2560xf32, #tpu.memory_space<vmem>> -> memref<2560xf32, #tpu.memory_space<vmem>>
      %dma_start3A_826 = arith.constant 0 : i32
      %dma_start3A_827 = tpu.memref_slice %arg6[%add3A, %dma_start3A_826] : memref<4x819200xf32, #tpu.memory_space<hbm>> -> memref<1x819200xf32, #tpu.memory_space<hbm>>
      %dma_start3A_828 = tpu.memref_squeeze %dma_start3A_827 : memref<1x819200xf32, #tpu.memory_space<hbm>> -> memref<819200xf32, #tpu.memory_space<hbm>>
      %dma_start3A_829 = tpu.memref_slice %dma_start3A_828[%add3A_820] : memref<819200xf32, #tpu.memory_space<hbm>> -> memref<2560xf32, #tpu.memory_space<hbm>>
      %dma_start3A_830 = tpu.memref_slice %arg15[%dma_start3A_822] : memref<4x!tpu.dma_semaphore, #tpu.memory_space<semaphore_mem>> -> memref<1x!tpu.dma_semaphore, #tpu.memory_space<semaphore_mem>>
      %dma_start3A_831 = tpu.memref_squeeze %dma_start3A_830 : memref<1x!tpu.dma_semaphore, #tpu.memory_space<semaphore_mem>> -> memref<!tpu.dma_semaphore, #tpu.memory_space<semaphore_mem>>
      %dma_start3A_832 = arith.constant 0 : i32
      %dma_start3A_833 = tpu.memref_slice %arg6[%add3A, %dma_start3A_832] : memref<4x819200xf32, #tpu.memory_space<hbm>> -> memref<1x819200xf32, #tpu.memory_space<hbm>>
      %dma_start3A_834 = tpu.memref_squeeze %dma_start3A_833 : memref<1x819200xf32, #tpu.memory_space<hbm>> -> memref<819200xf32, #tpu.memory_space<hbm>>
      %dma_start3A_835 = tpu.memref_slice %dma_start3A_834[%add3A_820] : memref<819200xf32, #tpu.memory_space<hbm>> -> memref<2560xf32, #tpu.memory_space<hbm>>
      %dma_start3A_836 = arith.constant 0 : i32
      %dma_start3A_837 = tpu.memref_slice %arg11[%dma_start3A_821, %dma_start3A_836] : memref<4x2560xf32, #tpu.memory_space<vmem>> -> memref<1x2560xf32, #tpu.memory_space<vmem>>
      %dma_start3A_838 = tpu.memref_squeeze %dma_start3A_837 : memref<1x2560xf32, #tpu.memory_space<vmem>> -> memref<2560xf32, #tpu.memory_space<vmem>>
      tpu.enqueue_dma source(%dma_start3A_838 : memref<2560xf32, #tpu.memory_space<vmem>>) target(%dma_start3A_835 : memref<2560xf32, #tpu.memory_space<hbm>>) target_semaphore(%dma_start3A_831 : memref<!tpu.dma_semaphore, #tpu.memory_space<semaphore_mem>>)
      %add3A_839 = arith.constant 6 : i32
      %add3A_840 = arith.addi %mul3A_416, %add3A_839 : i32
      %mul3A_841 = arith.constant 2560 : i32
      %mul3A_842 = arith.muli %add3A_840, %mul3A_841 : i32
      %add3A_843 = arith.addi %mul3A_34, %mul3A_842 : i32
      %dma_start3A_844 = arith.constant 2 : i32
      %dma_start3A_845 = arith.constant 2 : i32
      %dma_start3A_846 = arith.constant 0 : i32
      %dma_start3A_847 = tpu.memref_slice %arg8[%dma_start3A_844, %dma_start3A_846] : memref<4x2560xi32, #tpu.memory_space<vmem>> -> memref<1x2560xi32, #tpu.memory_space<vmem>>
      %dma_start3A_848 = tpu.memref_squeeze %dma_start3A_847 : memref<1x2560xi32, #tpu.memory_space<vmem>> -> memref<2560xi32, #tpu.memory_space<vmem>>
      %dma_start3A_849 = tpu.memref_slice %arg3[%add3A_843] : memref<826880xi32, #tpu.memory_space<hbm>> -> memref<2560xi32, #tpu.memory_space<hbm>>
      %dma_start3A_850 = tpu.memref_slice %arg12[%dma_start3A_845] : memref<4x!tpu.dma_semaphore, #tpu.memory_space<semaphore_mem>> -> memref<1x!tpu.dma_semaphore, #tpu.memory_space<semaphore_mem>>
      %dma_start3A_851 = tpu.memref_squeeze %dma_start3A_850 : memref<1x!tpu.dma_semaphore, #tpu.memory_space<semaphore_mem>> -> memref<!tpu.dma_semaphore, #tpu.memory_space<semaphore_mem>>
      %dma_start3A_852 = arith.constant 0 : i32
      %dma_start3A_853 = tpu.memref_slice %arg8[%dma_start3A_844, %dma_start3A_852] : memref<4x2560xi32, #tpu.memory_space<vmem>> -> memref<1x2560xi32, #tpu.memory_space<vmem>>
      %dma_start3A_854 = tpu.memref_squeeze %dma_start3A_853 : memref<1x2560xi32, #tpu.memory_space<vmem>> -> memref<2560xi32, #tpu.memory_space<vmem>>
      %dma_start3A_855 = tpu.memref_slice %arg3[%add3A_843] : memref<826880xi32, #tpu.memory_space<hbm>> -> memref<2560xi32, #tpu.memory_space<hbm>>
      tpu.enqueue_dma source(%dma_start3A_855 : memref<2560xi32, #tpu.memory_space<hbm>>) target(%dma_start3A_854 : memref<2560xi32, #tpu.memory_space<vmem>>) target_semaphore(%dma_start3A_851 : memref<!tpu.dma_semaphore, #tpu.memory_space<semaphore_mem>>)
      %dma_start3A_856 = arith.constant 2 : i32
      %dma_start3A_857 = arith.constant 2 : i32
      %dma_start3A_858 = arith.constant 0 : i32
      %dma_start3A_859 = tpu.memref_slice %arg9[%dma_start3A_856, %dma_start3A_858] : memref<4x2560xi32, #tpu.memory_space<vmem>> -> memref<1x2560xi32, #tpu.memory_space<vmem>>
      %dma_start3A_860 = tpu.memref_squeeze %dma_start3A_859 : memref<1x2560xi32, #tpu.memory_space<vmem>> -> memref<2560xi32, #tpu.memory_space<vmem>>
      %dma_start3A_861 = tpu.memref_slice %arg4[%add3A_843] : memref<826880xi32, #tpu.memory_space<hbm>> -> memref<2560xi32, #tpu.memory_space<hbm>>
      %dma_start3A_862 = tpu.memref_slice %arg13[%dma_start3A_857] : memref<4x!tpu.dma_semaphore, #tpu.memory_space<semaphore_mem>> -> memref<1x!tpu.dma_semaphore, #tpu.memory_space<semaphore_mem>>
      %dma_start3A_863 = tpu.memref_squeeze %dma_start3A_862 : memref<1x!tpu.dma_semaphore, #tpu.memory_space<semaphore_mem>> -> memref<!tpu.dma_semaphore, #tpu.memory_space<semaphore_mem>>
      %dma_start3A_864 = arith.constant 0 : i32
      %dma_start3A_865 = tpu.memref_slice %arg9[%dma_start3A_856, %dma_start3A_864] : memref<4x2560xi32, #tpu.memory_space<vmem>> -> memref<1x2560xi32, #tpu.memory_space<vmem>>
      %dma_start3A_866 = tpu.memref_squeeze %dma_start3A_865 : memref<1x2560xi32, #tpu.memory_space<vmem>> -> memref<2560xi32, #tpu.memory_space<vmem>>
      %dma_start3A_867 = tpu.memref_slice %arg4[%add3A_843] : memref<826880xi32, #tpu.memory_space<hbm>> -> memref<2560xi32, #tpu.memory_space<hbm>>
      tpu.enqueue_dma source(%dma_start3A_867 : memref<2560xi32, #tpu.memory_space<hbm>>) target(%dma_start3A_866 : memref<2560xi32, #tpu.memory_space<vmem>>) target_semaphore(%dma_start3A_863 : memref<!tpu.dma_semaphore, #tpu.memory_space<semaphore_mem>>)
      %dma_start3A_868 = arith.constant 2 : i32
      %dma_start3A_869 = arith.constant 2 : i32
      %dma_start3A_870 = arith.constant 0 : i32
      %dma_start3A_871 = tpu.memref_slice %arg10[%dma_start3A_868, %dma_start3A_870] : memref<4x2560xf32, #tpu.memory_space<vmem>> -> memref<1x2560xf32, #tpu.memory_space<vmem>>
      %dma_start3A_872 = tpu.memref_squeeze %dma_start3A_871 : memref<1x2560xf32, #tpu.memory_space<vmem>> -> memref<2560xf32, #tpu.memory_space<vmem>>
      %dma_start3A_873 = arith.constant 0 : i32
      %dma_start3A_874 = tpu.memref_slice %arg5[%add3A, %dma_start3A_873] : memref<4x826880xf32, #tpu.memory_space<hbm>> -> memref<1x826880xf32, #tpu.memory_space<hbm>>
      %dma_start3A_875 = tpu.memref_squeeze %dma_start3A_874 : memref<1x826880xf32, #tpu.memory_space<hbm>> -> memref<826880xf32, #tpu.memory_space<hbm>>
      %dma_start3A_876 = tpu.memref_slice %dma_start3A_875[%add3A_843] : memref<826880xf32, #tpu.memory_space<hbm>> -> memref<2560xf32, #tpu.memory_space<hbm>>
      %dma_start3A_877 = tpu.memref_slice %arg14[%dma_start3A_869] : memref<4x!tpu.dma_semaphore, #tpu.memory_space<semaphore_mem>> -> memref<1x!tpu.dma_semaphore, #tpu.memory_space<semaphore_mem>>
      %dma_start3A_878 = tpu.memref_squeeze %dma_start3A_877 : memref<1x!tpu.dma_semaphore, #tpu.memory_space<semaphore_mem>> -> memref<!tpu.dma_semaphore, #tpu.memory_space<semaphore_mem>>
      %dma_start3A_879 = arith.constant 0 : i32
      %dma_start3A_880 = tpu.memref_slice %arg10[%dma_start3A_868, %dma_start3A_879] : memref<4x2560xf32, #tpu.memory_space<vmem>> -> memref<1x2560xf32, #tpu.memory_space<vmem>>
      %dma_start3A_881 = tpu.memref_squeeze %dma_start3A_880 : memref<1x2560xf32, #tpu.memory_space<vmem>> -> memref<2560xf32, #tpu.memory_space<vmem>>
      %dma_start3A_882 = arith.constant 0 : i32
      %dma_start3A_883 = tpu.memref_slice %arg5[%add3A, %dma_start3A_882] : memref<4x826880xf32, #tpu.memory_space<hbm>> -> memref<1x826880xf32, #tpu.memory_space<hbm>>
      %dma_start3A_884 = tpu.memref_squeeze %dma_start3A_883 : memref<1x826880xf32, #tpu.memory_space<hbm>> -> memref<826880xf32, #tpu.memory_space<hbm>>
      %dma_start3A_885 = tpu.memref_slice %dma_start3A_884[%add3A_843] : memref<826880xf32, #tpu.memory_space<hbm>> -> memref<2560xf32, #tpu.memory_space<hbm>>
      tpu.enqueue_dma source(%dma_start3A_885 : memref<2560xf32, #tpu.memory_space<hbm>>) target(%dma_start3A_881 : memref<2560xf32, #tpu.memory_space<vmem>>) target_semaphore(%dma_start3A_878 : memref<!tpu.dma_semaphore, #tpu.memory_space<semaphore_mem>>)
    }
    %scan3A_170 = arith.constant 10 : i32
    %dma_wait3A = arith.constant 0 : i32
    %dma_wait3A_171 = arith.constant 0 : i32
    %dma_wait3A_172 = arith.constant 0 : i32
    %dma_wait3A_173 = tpu.memref_slice %arg8[%dma_wait3A, %dma_wait3A_172] : memref<4x2560xi32, #tpu.memory_space<vmem>> -> memref<1x2560xi32, #tpu.memory_space<vmem>>
    %dma_wait3A_174 = tpu.memref_squeeze %dma_wait3A_173 : memref<1x2560xi32, #tpu.memory_space<vmem>> -> memref<2560xi32, #tpu.memory_space<vmem>>
    %dma_wait3A_175 = arith.constant 0 : i32
    %dma_wait3A_176 = tpu.memref_slice %arg3[%dma_wait3A_175] : memref<826880xi32, #tpu.memory_space<hbm>> -> memref<2560xi32, #tpu.memory_space<hbm>>
    %dma_wait3A_177 = tpu.memref_slice %arg12[%dma_wait3A_171] : memref<4x!tpu.dma_semaphore, #tpu.memory_space<semaphore_mem>> -> memref<1x!tpu.dma_semaphore, #tpu.memory_space<semaphore_mem>>
    %dma_wait3A_178 = tpu.memref_squeeze %dma_wait3A_177 : memref<1x!tpu.dma_semaphore, #tpu.memory_space<semaphore_mem>> -> memref<!tpu.dma_semaphore, #tpu.memory_space<semaphore_mem>>
    %dma_wait3A_179 = arith.constant 0 : i32
    %dma_wait3A_180 = tpu.memref_slice %arg8[%dma_wait3A, %dma_wait3A_179] : memref<4x2560xi32, #tpu.memory_space<vmem>> -> memref<1x2560xi32, #tpu.memory_space<vmem>>
    %dma_wait3A_181 = tpu.memref_squeeze %dma_wait3A_180 : memref<1x2560xi32, #tpu.memory_space<vmem>> -> memref<2560xi32, #tpu.memory_space<vmem>>
    %dma_wait3A_182 = arith.constant 0 : i32
    %dma_wait3A_183 = tpu.memref_slice %arg3[%dma_wait3A_182] : memref<826880xi32, #tpu.memory_space<hbm>> -> memref<2560xi32, #tpu.memory_space<hbm>>
    tpu.wait_dma2 semaphore(%dma_wait3A_178 : memref<!tpu.dma_semaphore, #tpu.memory_space<semaphore_mem>>) src(%dma_wait3A_183 : memref<2560xi32, #tpu.memory_space<hbm>>) dst(%dma_wait3A_181 : memref<2560xi32, #tpu.memory_space<vmem>>)
    %dma_wait3A_184 = arith.constant 0 : i32
    %dma_wait3A_185 = arith.constant 0 : i32
    %dma_wait3A_186 = arith.constant 0 : i32
    %dma_wait3A_187 = tpu.memref_slice %arg9[%dma_wait3A_184, %dma_wait3A_186] : memref<4x2560xi32, #tpu.memory_space<vmem>> -> memref<1x2560xi32, #tpu.memory_space<vmem>>
    %dma_wait3A_188 = tpu.memref_squeeze %dma_wait3A_187 : memref<1x2560xi32, #tpu.memory_space<vmem>> -> memref<2560xi32, #tpu.memory_space<vmem>>
    %dma_wait3A_189 = arith.constant 0 : i32
    %dma_wait3A_190 = tpu.memref_slice %arg4[%dma_wait3A_189] : memref<826880xi32, #tpu.memory_space<hbm>> -> memref<2560xi32, #tpu.memory_space<hbm>>
    %dma_wait3A_191 = tpu.memref_slice %arg13[%dma_wait3A_185] : memref<4x!tpu.dma_semaphore, #tpu.memory_space<semaphore_mem>> -> memref<1x!tpu.dma_semaphore, #tpu.memory_space<semaphore_mem>>
    %dma_wait3A_192 = tpu.memref_squeeze %dma_wait3A_191 : memref<1x!tpu.dma_semaphore, #tpu.memory_space<semaphore_mem>> -> memref<!tpu.dma_semaphore, #tpu.memory_space<semaphore_mem>>
    %dma_wait3A_193 = arith.constant 0 : i32
    %dma_wait3A_194 = tpu.memref_slice %arg9[%dma_wait3A_184, %dma_wait3A_193] : memref<4x2560xi32, #tpu.memory_space<vmem>> -> memref<1x2560xi32, #tpu.memory_space<vmem>>
    %dma_wait3A_195 = tpu.memref_squeeze %dma_wait3A_194 : memref<1x2560xi32, #tpu.memory_space<vmem>> -> memref<2560xi32, #tpu.memory_space<vmem>>
    %dma_wait3A_196 = arith.constant 0 : i32
    %dma_wait3A_197 = tpu.memref_slice %arg4[%dma_wait3A_196] : memref<826880xi32, #tpu.memory_space<hbm>> -> memref<2560xi32, #tpu.memory_space<hbm>>
    tpu.wait_dma2 semaphore(%dma_wait3A_192 : memref<!tpu.dma_semaphore, #tpu.memory_space<semaphore_mem>>) src(%dma_wait3A_197 : memref<2560xi32, #tpu.memory_space<hbm>>) dst(%dma_wait3A_195 : memref<2560xi32, #tpu.memory_space<vmem>>)
    %dma_wait3A_198 = arith.constant 0 : i32
    %dma_wait3A_199 = arith.constant 0 : i32
    %dma_wait3A_200 = arith.constant 0 : i32
    %dma_wait3A_201 = tpu.memref_slice %arg10[%dma_wait3A_198, %dma_wait3A_200] : memref<4x2560xf32, #tpu.memory_space<vmem>> -> memref<1x2560xf32, #tpu.memory_space<vmem>>
    %dma_wait3A_202 = tpu.memref_squeeze %dma_wait3A_201 : memref<1x2560xf32, #tpu.memory_space<vmem>> -> memref<2560xf32, #tpu.memory_space<vmem>>
    %dma_wait3A_203 = arith.constant 0 : i32
    %dma_wait3A_204 = tpu.memref_slice %arg5[%add3A, %dma_wait3A_203] : memref<4x826880xf32, #tpu.memory_space<hbm>> -> memref<1x826880xf32, #tpu.memory_space<hbm>>
    %dma_wait3A_205 = tpu.memref_squeeze %dma_wait3A_204 : memref<1x826880xf32, #tpu.memory_space<hbm>> -> memref<826880xf32, #tpu.memory_space<hbm>>
    %dma_wait3A_206 = arith.constant 0 : i32
    %dma_wait3A_207 = tpu.memref_slice %dma_wait3A_205[%dma_wait3A_206] : memref<826880xf32, #tpu.memory_space<hbm>> -> memref<2560xf32, #tpu.memory_space<hbm>>
    %dma_wait3A_208 = tpu.memref_slice %arg14[%dma_wait3A_199] : memref<4x!tpu.dma_semaphore, #tpu.memory_space<semaphore_mem>> -> memref<1x!tpu.dma_semaphore, #tpu.memory_space<semaphore_mem>>
    %dma_wait3A_209 = tpu.memref_squeeze %dma_wait3A_208 : memref<1x!tpu.dma_semaphore, #tpu.memory_space<semaphore_mem>> -> memref<!tpu.dma_semaphore, #tpu.memory_space<semaphore_mem>>
    %dma_wait3A_210 = arith.constant 0 : i32
    %dma_wait3A_211 = tpu.memref_slice %arg10[%dma_wait3A_198, %dma_wait3A_210] : memref<4x2560xf32, #tpu.memory_space<vmem>> -> memref<1x2560xf32, #tpu.memory_space<vmem>>
    %dma_wait3A_212 = tpu.memref_squeeze %dma_wait3A_211 : memref<1x2560xf32, #tpu.memory_space<vmem>> -> memref<2560xf32, #tpu.memory_space<vmem>>
    %dma_wait3A_213 = arith.constant 0 : i32
    %dma_wait3A_214 = tpu.memref_slice %arg5[%add3A, %dma_wait3A_213] : memref<4x826880xf32, #tpu.memory_space<hbm>> -> memref<1x826880xf32, #tpu.memory_space<hbm>>
    %dma_wait3A_215 = tpu.memref_squeeze %dma_wait3A_214 : memref<1x826880xf32, #tpu.memory_space<hbm>> -> memref<826880xf32, #tpu.memory_space<hbm>>
    %dma_wait3A_216 = arith.constant 0 : i32
    %dma_wait3A_217 = tpu.memref_slice %dma_wait3A_215[%dma_wait3A_216] : memref<826880xf32, #tpu.memory_space<hbm>> -> memref<2560xf32, #tpu.memory_space<hbm>>
    tpu.wait_dma2 semaphore(%dma_wait3A_209 : memref<!tpu.dma_semaphore, #tpu.memory_space<semaphore_mem>>) src(%dma_wait3A_217 : memref<2560xf32, #tpu.memory_space<hbm>>) dst(%dma_wait3A_212 : memref<2560xf32, #tpu.memory_space<vmem>>)
    %dma_wait3A_218 = arith.constant 1 : i32
    %dma_wait3A_219 = arith.constant 1 : i32
    %dma_wait3A_220 = arith.constant 0 : i32
    %dma_wait3A_221 = tpu.memref_slice %arg8[%dma_wait3A_218, %dma_wait3A_220] : memref<4x2560xi32, #tpu.memory_space<vmem>> -> memref<1x2560xi32, #tpu.memory_space<vmem>>
    %dma_wait3A_222 = tpu.memref_squeeze %dma_wait3A_221 : memref<1x2560xi32, #tpu.memory_space<vmem>> -> memref<2560xi32, #tpu.memory_space<vmem>>
    %dma_wait3A_223 = arith.constant 0 : i32
    %dma_wait3A_224 = tpu.memref_slice %arg3[%dma_wait3A_223] : memref<826880xi32, #tpu.memory_space<hbm>> -> memref<2560xi32, #tpu.memory_space<hbm>>
    %dma_wait3A_225 = tpu.memref_slice %arg12[%dma_wait3A_219] : memref<4x!tpu.dma_semaphore, #tpu.memory_space<semaphore_mem>> -> memref<1x!tpu.dma_semaphore, #tpu.memory_space<semaphore_mem>>
    %dma_wait3A_226 = tpu.memref_squeeze %dma_wait3A_225 : memref<1x!tpu.dma_semaphore, #tpu.memory_space<semaphore_mem>> -> memref<!tpu.dma_semaphore, #tpu.memory_space<semaphore_mem>>
    %dma_wait3A_227 = arith.constant 0 : i32
    %dma_wait3A_228 = tpu.memref_slice %arg8[%dma_wait3A_218, %dma_wait3A_227] : memref<4x2560xi32, #tpu.memory_space<vmem>> -> memref<1x2560xi32, #tpu.memory_space<vmem>>
    %dma_wait3A_229 = tpu.memref_squeeze %dma_wait3A_228 : memref<1x2560xi32, #tpu.memory_space<vmem>> -> memref<2560xi32, #tpu.memory_space<vmem>>
    %dma_wait3A_230 = arith.constant 0 : i32
    %dma_wait3A_231 = tpu.memref_slice %arg3[%dma_wait3A_230] : memref<826880xi32, #tpu.memory_space<hbm>> -> memref<2560xi32, #tpu.memory_space<hbm>>
    tpu.wait_dma2 semaphore(%dma_wait3A_226 : memref<!tpu.dma_semaphore, #tpu.memory_space<semaphore_mem>>) src(%dma_wait3A_231 : memref<2560xi32, #tpu.memory_space<hbm>>) dst(%dma_wait3A_229 : memref<2560xi32, #tpu.memory_space<vmem>>)
    %dma_wait3A_232 = arith.constant 1 : i32
    %dma_wait3A_233 = arith.constant 1 : i32
    %dma_wait3A_234 = arith.constant 0 : i32
    %dma_wait3A_235 = tpu.memref_slice %arg9[%dma_wait3A_232, %dma_wait3A_234] : memref<4x2560xi32, #tpu.memory_space<vmem>> -> memref<1x2560xi32, #tpu.memory_space<vmem>>
    %dma_wait3A_236 = tpu.memref_squeeze %dma_wait3A_235 : memref<1x2560xi32, #tpu.memory_space<vmem>> -> memref<2560xi32, #tpu.memory_space<vmem>>
    %dma_wait3A_237 = arith.constant 0 : i32
    %dma_wait3A_238 = tpu.memref_slice %arg4[%dma_wait3A_237] : memref<826880xi32, #tpu.memory_space<hbm>> -> memref<2560xi32, #tpu.memory_space<hbm>>
    %dma_wait3A_239 = tpu.memref_slice %arg13[%dma_wait3A_233] : memref<4x!tpu.dma_semaphore, #tpu.memory_space<semaphore_mem>> -> memref<1x!tpu.dma_semaphore, #tpu.memory_space<semaphore_mem>>
    %dma_wait3A_240 = tpu.memref_squeeze %dma_wait3A_239 : memref<1x!tpu.dma_semaphore, #tpu.memory_space<semaphore_mem>> -> memref<!tpu.dma_semaphore, #tpu.memory_space<semaphore_mem>>
    %dma_wait3A_241 = arith.constant 0 : i32
    %dma_wait3A_242 = tpu.memref_slice %arg9[%dma_wait3A_232, %dma_wait3A_241] : memref<4x2560xi32, #tpu.memory_space<vmem>> -> memref<1x2560xi32, #tpu.memory_space<vmem>>
    %dma_wait3A_243 = tpu.memref_squeeze %dma_wait3A_242 : memref<1x2560xi32, #tpu.memory_space<vmem>> -> memref<2560xi32, #tpu.memory_space<vmem>>
    %dma_wait3A_244 = arith.constant 0 : i32
    %dma_wait3A_245 = tpu.memref_slice %arg4[%dma_wait3A_244] : memref<826880xi32, #tpu.memory_space<hbm>> -> memref<2560xi32, #tpu.memory_space<hbm>>
    tpu.wait_dma2 semaphore(%dma_wait3A_240 : memref<!tpu.dma_semaphore, #tpu.memory_space<semaphore_mem>>) src(%dma_wait3A_245 : memref<2560xi32, #tpu.memory_space<hbm>>) dst(%dma_wait3A_243 : memref<2560xi32, #tpu.memory_space<vmem>>)
    %dma_wait3A_246 = arith.constant 1 : i32
    %dma_wait3A_247 = arith.constant 1 : i32
    %dma_wait3A_248 = arith.constant 0 : i32
    %dma_wait3A_249 = tpu.memref_slice %arg10[%dma_wait3A_246, %dma_wait3A_248] : memref<4x2560xf32, #tpu.memory_space<vmem>> -> memref<1x2560xf32, #tpu.memory_space<vmem>>
    %dma_wait3A_250 = tpu.memref_squeeze %dma_wait3A_249 : memref<1x2560xf32, #tpu.memory_space<vmem>> -> memref<2560xf32, #tpu.memory_space<vmem>>
    %dma_wait3A_251 = arith.constant 0 : i32
    %dma_wait3A_252 = tpu.memref_slice %arg5[%add3A, %dma_wait3A_251] : memref<4x826880xf32, #tpu.memory_space<hbm>> -> memref<1x826880xf32, #tpu.memory_space<hbm>>
    %dma_wait3A_253 = tpu.memref_squeeze %dma_wait3A_252 : memref<1x826880xf32, #tpu.memory_space<hbm>> -> memref<826880xf32, #tpu.memory_space<hbm>>
    %dma_wait3A_254 = arith.constant 0 : i32
    %dma_wait3A_255 = tpu.memref_slice %dma_wait3A_253[%dma_wait3A_254] : memref<826880xf32, #tpu.memory_space<hbm>> -> memref<2560xf32, #tpu.memory_space<hbm>>
    %dma_wait3A_256 = tpu.memref_slice %arg14[%dma_wait3A_247] : memref<4x!tpu.dma_semaphore, #tpu.memory_space<semaphore_mem>> -> memref<1x!tpu.dma_semaphore, #tpu.memory_space<semaphore_mem>>
    %dma_wait3A_257 = tpu.memref_squeeze %dma_wait3A_256 : memref<1x!tpu.dma_semaphore, #tpu.memory_space<semaphore_mem>> -> memref<!tpu.dma_semaphore, #tpu.memory_space<semaphore_mem>>
    %dma_wait3A_258 = arith.constant 0 : i32
    %dma_wait3A_259 = tpu.memref_slice %arg10[%dma_wait3A_246, %dma_wait3A_258] : memref<4x2560xf32, #tpu.memory_space<vmem>> -> memref<1x2560xf32, #tpu.memory_space<vmem>>
    %dma_wait3A_260 = tpu.memref_squeeze %dma_wait3A_259 : memref<1x2560xf32, #tpu.memory_space<vmem>> -> memref<2560xf32, #tpu.memory_space<vmem>>
    %dma_wait3A_261 = arith.constant 0 : i32
    %dma_wait3A_262 = tpu.memref_slice %arg5[%add3A, %dma_wait3A_261] : memref<4x826880xf32, #tpu.memory_space<hbm>> -> memref<1x826880xf32, #tpu.memory_space<hbm>>
    %dma_wait3A_263 = tpu.memref_squeeze %dma_wait3A_262 : memref<1x826880xf32, #tpu.memory_space<hbm>> -> memref<826880xf32, #tpu.memory_space<hbm>>
    %dma_wait3A_264 = arith.constant 0 : i32
    %dma_wait3A_265 = tpu.memref_slice %dma_wait3A_263[%dma_wait3A_264] : memref<826880xf32, #tpu.memory_space<hbm>> -> memref<2560xf32, #tpu.memory_space<hbm>>
    tpu.wait_dma2 semaphore(%dma_wait3A_257 : memref<!tpu.dma_semaphore, #tpu.memory_space<semaphore_mem>>) src(%dma_wait3A_265 : memref<2560xf32, #tpu.memory_space<hbm>>) dst(%dma_wait3A_260 : memref<2560xf32, #tpu.memory_space<vmem>>)
    %dma_wait3A_266 = arith.constant 2 : i32
    %dma_wait3A_267 = arith.constant 2 : i32
    %dma_wait3A_268 = arith.constant 0 : i32
    %dma_wait3A_269 = tpu.memref_slice %arg8[%dma_wait3A_266, %dma_wait3A_268] : memref<4x2560xi32, #tpu.memory_space<vmem>> -> memref<1x2560xi32, #tpu.memory_space<vmem>>
    %dma_wait3A_270 = tpu.memref_squeeze %dma_wait3A_269 : memref<1x2560xi32, #tpu.memory_space<vmem>> -> memref<2560xi32, #tpu.memory_space<vmem>>
    %dma_wait3A_271 = arith.constant 0 : i32
    %dma_wait3A_272 = tpu.memref_slice %arg3[%dma_wait3A_271] : memref<826880xi32, #tpu.memory_space<hbm>> -> memref<2560xi32, #tpu.memory_space<hbm>>
    %dma_wait3A_273 = tpu.memref_slice %arg12[%dma_wait3A_267] : memref<4x!tpu.dma_semaphore, #tpu.memory_space<semaphore_mem>> -> memref<1x!tpu.dma_semaphore, #tpu.memory_space<semaphore_mem>>
    %dma_wait3A_274 = tpu.memref_squeeze %dma_wait3A_273 : memref<1x!tpu.dma_semaphore, #tpu.memory_space<semaphore_mem>> -> memref<!tpu.dma_semaphore, #tpu.memory_space<semaphore_mem>>
    %dma_wait3A_275 = arith.constant 0 : i32
    %dma_wait3A_276 = tpu.memref_slice %arg8[%dma_wait3A_266, %dma_wait3A_275] : memref<4x2560xi32, #tpu.memory_space<vmem>> -> memref<1x2560xi32, #tpu.memory_space<vmem>>
    %dma_wait3A_277 = tpu.memref_squeeze %dma_wait3A_276 : memref<1x2560xi32, #tpu.memory_space<vmem>> -> memref<2560xi32, #tpu.memory_space<vmem>>
    %dma_wait3A_278 = arith.constant 0 : i32
    %dma_wait3A_279 = tpu.memref_slice %arg3[%dma_wait3A_278] : memref<826880xi32, #tpu.memory_space<hbm>> -> memref<2560xi32, #tpu.memory_space<hbm>>
    tpu.wait_dma2 semaphore(%dma_wait3A_274 : memref<!tpu.dma_semaphore, #tpu.memory_space<semaphore_mem>>) src(%dma_wait3A_279 : memref<2560xi32, #tpu.memory_space<hbm>>) dst(%dma_wait3A_277 : memref<2560xi32, #tpu.memory_space<vmem>>)
    %dma_wait3A_280 = arith.constant 2 : i32
    %dma_wait3A_281 = arith.constant 2 : i32
    %dma_wait3A_282 = arith.constant 0 : i32
    %dma_wait3A_283 = tpu.memref_slice %arg9[%dma_wait3A_280, %dma_wait3A_282] : memref<4x2560xi32, #tpu.memory_space<vmem>> -> memref<1x2560xi32, #tpu.memory_space<vmem>>
    %dma_wait3A_284 = tpu.memref_squeeze %dma_wait3A_283 : memref<1x2560xi32, #tpu.memory_space<vmem>> -> memref<2560xi32, #tpu.memory_space<vmem>>
    %dma_wait3A_285 = arith.constant 0 : i32
    %dma_wait3A_286 = tpu.memref_slice %arg4[%dma_wait3A_285] : memref<826880xi32, #tpu.memory_space<hbm>> -> memref<2560xi32, #tpu.memory_space<hbm>>
    %dma_wait3A_287 = tpu.memref_slice %arg13[%dma_wait3A_281] : memref<4x!tpu.dma_semaphore, #tpu.memory_space<semaphore_mem>> -> memref<1x!tpu.dma_semaphore, #tpu.memory_space<semaphore_mem>>
    %dma_wait3A_288 = tpu.memref_squeeze %dma_wait3A_287 : memref<1x!tpu.dma_semaphore, #tpu.memory_space<semaphore_mem>> -> memref<!tpu.dma_semaphore, #tpu.memory_space<semaphore_mem>>
    %dma_wait3A_289 = arith.constant 0 : i32
    %dma_wait3A_290 = tpu.memref_slice %arg9[%dma_wait3A_280, %dma_wait3A_289] : memref<4x2560xi32, #tpu.memory_space<vmem>> -> memref<1x2560xi32, #tpu.memory_space<vmem>>
    %dma_wait3A_291 = tpu.memref_squeeze %dma_wait3A_290 : memref<1x2560xi32, #tpu.memory_space<vmem>> -> memref<2560xi32, #tpu.memory_space<vmem>>
    %dma_wait3A_292 = arith.constant 0 : i32
    %dma_wait3A_293 = tpu.memref_slice %arg4[%dma_wait3A_292] : memref<826880xi32, #tpu.memory_space<hbm>> -> memref<2560xi32, #tpu.memory_space<hbm>>
    tpu.wait_dma2 semaphore(%dma_wait3A_288 : memref<!tpu.dma_semaphore, #tpu.memory_space<semaphore_mem>>) src(%dma_wait3A_293 : memref<2560xi32, #tpu.memory_space<hbm>>) dst(%dma_wait3A_291 : memref<2560xi32, #tpu.memory_space<vmem>>)
    %dma_wait3A_294 = arith.constant 2 : i32
    %dma_wait3A_295 = arith.constant 2 : i32
    %dma_wait3A_296 = arith.constant 0 : i32
    %dma_wait3A_297 = tpu.memref_slice %arg10[%dma_wait3A_294, %dma_wait3A_296] : memref<4x2560xf32, #tpu.memory_space<vmem>> -> memref<1x2560xf32, #tpu.memory_space<vmem>>
    %dma_wait3A_298 = tpu.memref_squeeze %dma_wait3A_297 : memref<1x2560xf32, #tpu.memory_space<vmem>> -> memref<2560xf32, #tpu.memory_space<vmem>>
    %dma_wait3A_299 = arith.constant 0 : i32
    %dma_wait3A_300 = tpu.memref_slice %arg5[%add3A, %dma_wait3A_299] : memref<4x826880xf32, #tpu.memory_space<hbm>> -> memref<1x826880xf32, #tpu.memory_space<hbm>>
    %dma_wait3A_301 = tpu.memref_squeeze %dma_wait3A_300 : memref<1x826880xf32, #tpu.memory_space<hbm>> -> memref<826880xf32, #tpu.memory_space<hbm>>
    %dma_wait3A_302 = arith.constant 0 : i32
    %dma_wait3A_303 = tpu.memref_slice %dma_wait3A_301[%dma_wait3A_302] : memref<826880xf32, #tpu.memory_space<hbm>> -> memref<2560xf32, #tpu.memory_space<hbm>>
    %dma_wait3A_304 = tpu.memref_slice %arg14[%dma_wait3A_295] : memref<4x!tpu.dma_semaphore, #tpu.memory_space<semaphore_mem>> -> memref<1x!tpu.dma_semaphore, #tpu.memory_space<semaphore_mem>>
    %dma_wait3A_305 = tpu.memref_squeeze %dma_wait3A_304 : memref<1x!tpu.dma_semaphore, #tpu.memory_space<semaphore_mem>> -> memref<!tpu.dma_semaphore, #tpu.memory_space<semaphore_mem>>
    %dma_wait3A_306 = arith.constant 0 : i32
    %dma_wait3A_307 = tpu.memref_slice %arg10[%dma_wait3A_294, %dma_wait3A_306] : memref<4x2560xf32, #tpu.memory_space<vmem>> -> memref<1x2560xf32, #tpu.memory_space<vmem>>
    %dma_wait3A_308 = tpu.memref_squeeze %dma_wait3A_307 : memref<1x2560xf32, #tpu.memory_space<vmem>> -> memref<2560xf32, #tpu.memory_space<vmem>>
    %dma_wait3A_309 = arith.constant 0 : i32
    %dma_wait3A_310 = tpu.memref_slice %arg5[%add3A, %dma_wait3A_309] : memref<4x826880xf32, #tpu.memory_space<hbm>> -> memref<1x826880xf32, #tpu.memory_space<hbm>>
    %dma_wait3A_311 = tpu.memref_squeeze %dma_wait3A_310 : memref<1x826880xf32, #tpu.memory_space<hbm>> -> memref<826880xf32, #tpu.memory_space<hbm>>
    %dma_wait3A_312 = arith.constant 0 : i32
    %dma_wait3A_313 = tpu.memref_slice %dma_wait3A_311[%dma_wait3A_312] : memref<826880xf32, #tpu.memory_space<hbm>> -> memref<2560xf32, #tpu.memory_space<hbm>>
    tpu.wait_dma2 semaphore(%dma_wait3A_305 : memref<!tpu.dma_semaphore, #tpu.memory_space<semaphore_mem>>) src(%dma_wait3A_313 : memref<2560xf32, #tpu.memory_space<hbm>>) dst(%dma_wait3A_308 : memref<2560xf32, #tpu.memory_space<vmem>>)
    %add3A_314 = arith.constant 99840 : i32
    %add3A_315 = arith.addi %mul3A_34, %add3A_314 : i32
    %dma_start3A_316 = arith.constant 3 : i32
    %dma_start3A_317 = arith.constant 3 : i32
    %dma_start3A_318 = arith.constant 0 : i32
    %dma_start3A_319 = tpu.memref_slice %arg11[%dma_start3A_316, %dma_start3A_318] : memref<4x2560xf32, #tpu.memory_space<vmem>> -> memref<1x2560xf32, #tpu.memory_space<vmem>>
    %dma_start3A_320 = tpu.memref_squeeze %dma_start3A_319 : memref<1x2560xf32, #tpu.memory_space<vmem>> -> memref<2560xf32, #tpu.memory_space<vmem>>
    %dma_start3A_321 = arith.constant 0 : i32
    %dma_start3A_322 = tpu.memref_slice %arg6[%add3A, %dma_start3A_321] : memref<4x819200xf32, #tpu.memory_space<hbm>> -> memref<1x819200xf32, #tpu.memory_space<hbm>>
    %dma_start3A_323 = tpu.memref_squeeze %dma_start3A_322 : memref<1x819200xf32, #tpu.memory_space<hbm>> -> memref<819200xf32, #tpu.memory_space<hbm>>
    %dma_start3A_324 = tpu.memref_slice %dma_start3A_323[%add3A_315] : memref<819200xf32, #tpu.memory_space<hbm>> -> memref<2560xf32, #tpu.memory_space<hbm>>
    %dma_start3A_325 = tpu.memref_slice %arg15[%dma_start3A_317] : memref<4x!tpu.dma_semaphore, #tpu.memory_space<semaphore_mem>> -> memref<1x!tpu.dma_semaphore, #tpu.memory_space<semaphore_mem>>
    %dma_start3A_326 = tpu.memref_squeeze %dma_start3A_325 : memref<1x!tpu.dma_semaphore, #tpu.memory_space<semaphore_mem>> -> memref<!tpu.dma_semaphore, #tpu.memory_space<semaphore_mem>>
    %dma_start3A_327 = arith.constant 0 : i32
    %dma_start3A_328 = tpu.memref_slice %arg6[%add3A, %dma_start3A_327] : memref<4x819200xf32, #tpu.memory_space<hbm>> -> memref<1x819200xf32, #tpu.memory_space<hbm>>
    %dma_start3A_329 = tpu.memref_squeeze %dma_start3A_328 : memref<1x819200xf32, #tpu.memory_space<hbm>> -> memref<819200xf32, #tpu.memory_space<hbm>>
    %dma_start3A_330 = tpu.memref_slice %dma_start3A_329[%add3A_315] : memref<819200xf32, #tpu.memory_space<hbm>> -> memref<2560xf32, #tpu.memory_space<hbm>>
    %dma_start3A_331 = arith.constant 0 : i32
    %dma_start3A_332 = tpu.memref_slice %arg11[%dma_start3A_316, %dma_start3A_331] : memref<4x2560xf32, #tpu.memory_space<vmem>> -> memref<1x2560xf32, #tpu.memory_space<vmem>>
    %dma_start3A_333 = tpu.memref_squeeze %dma_start3A_332 : memref<1x2560xf32, #tpu.memory_space<vmem>> -> memref<2560xf32, #tpu.memory_space<vmem>>
    tpu.enqueue_dma source(%dma_start3A_333 : memref<2560xf32, #tpu.memory_space<vmem>>) target(%dma_start3A_330 : memref<2560xf32, #tpu.memory_space<hbm>>) target_semaphore(%dma_start3A_326 : memref<!tpu.dma_semaphore, #tpu.memory_space<semaphore_mem>>)
    %dma_wait3A_334 = arith.constant 0 : i32
    %dma_wait3A_335 = arith.constant 0 : i32
    %dma_wait3A_336 = arith.constant 0 : i32
    %dma_wait3A_337 = tpu.memref_slice %arg11[%dma_wait3A_334, %dma_wait3A_336] : memref<4x2560xf32, #tpu.memory_space<vmem>> -> memref<1x2560xf32, #tpu.memory_space<vmem>>
    %dma_wait3A_338 = tpu.memref_squeeze %dma_wait3A_337 : memref<1x2560xf32, #tpu.memory_space<vmem>> -> memref<2560xf32, #tpu.memory_space<vmem>>
    %dma_wait3A_339 = arith.constant 0 : i32
    %dma_wait3A_340 = tpu.memref_slice %arg6[%add3A, %dma_wait3A_339] : memref<4x819200xf32, #tpu.memory_space<hbm>> -> memref<1x819200xf32, #tpu.memory_space<hbm>>
    %dma_wait3A_341 = tpu.memref_squeeze %dma_wait3A_340 : memref<1x819200xf32, #tpu.memory_space<hbm>> -> memref<819200xf32, #tpu.memory_space<hbm>>
    %dma_wait3A_342 = arith.constant 0 : i32
    %dma_wait3A_343 = tpu.memref_slice %dma_wait3A_341[%dma_wait3A_342] : memref<819200xf32, #tpu.memory_space<hbm>> -> memref<2560xf32, #tpu.memory_space<hbm>>
    %dma_wait3A_344 = tpu.memref_slice %arg15[%dma_wait3A_335] : memref<4x!tpu.dma_semaphore, #tpu.memory_space<semaphore_mem>> -> memref<1x!tpu.dma_semaphore, #tpu.memory_space<semaphore_mem>>
    %dma_wait3A_345 = tpu.memref_squeeze %dma_wait3A_344 : memref<1x!tpu.dma_semaphore, #tpu.memory_space<semaphore_mem>> -> memref<!tpu.dma_semaphore, #tpu.memory_space<semaphore_mem>>
    %dma_wait3A_346 = arith.constant 0 : i32
    %dma_wait3A_347 = tpu.memref_slice %arg6[%add3A, %dma_wait3A_346] : memref<4x819200xf32, #tpu.memory_space<hbm>> -> memref<1x819200xf32, #tpu.memory_space<hbm>>
    %dma_wait3A_348 = tpu.memref_squeeze %dma_wait3A_347 : memref<1x819200xf32, #tpu.memory_space<hbm>> -> memref<819200xf32, #tpu.memory_space<hbm>>
    %dma_wait3A_349 = arith.constant 0 : i32
    %dma_wait3A_350 = tpu.memref_slice %dma_wait3A_348[%dma_wait3A_349] : memref<819200xf32, #tpu.memory_space<hbm>> -> memref<2560xf32, #tpu.memory_space<hbm>>
    %dma_wait3A_351 = arith.constant 0 : i32
    %dma_wait3A_352 = tpu.memref_slice %arg11[%dma_wait3A_334, %dma_wait3A_351] : memref<4x2560xf32, #tpu.memory_space<vmem>> -> memref<1x2560xf32, #tpu.memory_space<vmem>>
    %dma_wait3A_353 = tpu.memref_squeeze %dma_wait3A_352 : memref<1x2560xf32, #tpu.memory_space<vmem>> -> memref<2560xf32, #tpu.memory_space<vmem>>
    tpu.wait_dma2 semaphore(%dma_wait3A_345 : memref<!tpu.dma_semaphore, #tpu.memory_space<semaphore_mem>>) src(%dma_wait3A_353 : memref<2560xf32, #tpu.memory_space<vmem>>) dst(%dma_wait3A_350 : memref<2560xf32, #tpu.memory_space<hbm>>)
    %dma_wait3A_354 = arith.constant 1 : i32
    %dma_wait3A_355 = arith.constant 1 : i32
    %dma_wait3A_356 = arith.constant 0 : i32
    %dma_wait3A_357 = tpu.memref_slice %arg11[%dma_wait3A_354, %dma_wait3A_356] : memref<4x2560xf32, #tpu.memory_space<vmem>> -> memref<1x2560xf32, #tpu.memory_space<vmem>>
    %dma_wait3A_358 = tpu.memref_squeeze %dma_wait3A_357 : memref<1x2560xf32, #tpu.memory_space<vmem>> -> memref<2560xf32, #tpu.memory_space<vmem>>
    %dma_wait3A_359 = arith.constant 0 : i32
    %dma_wait3A_360 = tpu.memref_slice %arg6[%add3A, %dma_wait3A_359] : memref<4x819200xf32, #tpu.memory_space<hbm>> -> memref<1x819200xf32, #tpu.memory_space<hbm>>
    %dma_wait3A_361 = tpu.memref_squeeze %dma_wait3A_360 : memref<1x819200xf32, #tpu.memory_space<hbm>> -> memref<819200xf32, #tpu.memory_space<hbm>>
    %dma_wait3A_362 = arith.constant 0 : i32
    %dma_wait3A_363 = tpu.memref_slice %dma_wait3A_361[%dma_wait3A_362] : memref<819200xf32, #tpu.memory_space<hbm>> -> memref<2560xf32, #tpu.memory_space<hbm>>
    %dma_wait3A_364 = tpu.memref_slice %arg15[%dma_wait3A_355] : memref<4x!tpu.dma_semaphore, #tpu.memory_space<semaphore_mem>> -> memref<1x!tpu.dma_semaphore, #tpu.memory_space<semaphore_mem>>
    %dma_wait3A_365 = tpu.memref_squeeze %dma_wait3A_364 : memref<1x!tpu.dma_semaphore, #tpu.memory_space<semaphore_mem>> -> memref<!tpu.dma_semaphore, #tpu.memory_space<semaphore_mem>>
    %dma_wait3A_366 = arith.constant 0 : i32
    %dma_wait3A_367 = tpu.memref_slice %arg6[%add3A, %dma_wait3A_366] : memref<4x819200xf32, #tpu.memory_space<hbm>> -> memref<1x819200xf32, #tpu.memory_space<hbm>>
    %dma_wait3A_368 = tpu.memref_squeeze %dma_wait3A_367 : memref<1x819200xf32, #tpu.memory_space<hbm>> -> memref<819200xf32, #tpu.memory_space<hbm>>
    %dma_wait3A_369 = arith.constant 0 : i32
    %dma_wait3A_370 = tpu.memref_slice %dma_wait3A_368[%dma_wait3A_369] : memref<819200xf32, #tpu.memory_space<hbm>> -> memref<2560xf32, #tpu.memory_space<hbm>>
    %dma_wait3A_371 = arith.constant 0 : i32
    %dma_wait3A_372 = tpu.memref_slice %arg11[%dma_wait3A_354, %dma_wait3A_371] : memref<4x2560xf32, #tpu.memory_space<vmem>> -> memref<1x2560xf32, #tpu.memory_space<vmem>>
    %dma_wait3A_373 = tpu.memref_squeeze %dma_wait3A_372 : memref<1x2560xf32, #tpu.memory_space<vmem>> -> memref<2560xf32, #tpu.memory_space<vmem>>
    tpu.wait_dma2 semaphore(%dma_wait3A_365 : memref<!tpu.dma_semaphore, #tpu.memory_space<semaphore_mem>>) src(%dma_wait3A_373 : memref<2560xf32, #tpu.memory_space<vmem>>) dst(%dma_wait3A_370 : memref<2560xf32, #tpu.memory_space<hbm>>)
    %dma_wait3A_374 = arith.constant 2 : i32
    %dma_wait3A_375 = arith.constant 2 : i32
    %dma_wait3A_376 = arith.constant 0 : i32
    %dma_wait3A_377 = tpu.memref_slice %arg11[%dma_wait3A_374, %dma_wait3A_376] : memref<4x2560xf32, #tpu.memory_space<vmem>> -> memref<1x2560xf32, #tpu.memory_space<vmem>>
    %dma_wait3A_378 = tpu.memref_squeeze %dma_wait3A_377 : memref<1x2560xf32, #tpu.memory_space<vmem>> -> memref<2560xf32, #tpu.memory_space<vmem>>
    %dma_wait3A_379 = arith.constant 0 : i32
    %dma_wait3A_380 = tpu.memref_slice %arg6[%add3A, %dma_wait3A_379] : memref<4x819200xf32, #tpu.memory_space<hbm>> -> memref<1x819200xf32, #tpu.memory_space<hbm>>
    %dma_wait3A_381 = tpu.memref_squeeze %dma_wait3A_380 : memref<1x819200xf32, #tpu.memory_space<hbm>> -> memref<819200xf32, #tpu.memory_space<hbm>>
    %dma_wait3A_382 = arith.constant 0 : i32
    %dma_wait3A_383 = tpu.memref_slice %dma_wait3A_381[%dma_wait3A_382] : memref<819200xf32, #tpu.memory_space<hbm>> -> memref<2560xf32, #tpu.memory_space<hbm>>
    %dma_wait3A_384 = tpu.memref_slice %arg15[%dma_wait3A_375] : memref<4x!tpu.dma_semaphore, #tpu.memory_space<semaphore_mem>> -> memref<1x!tpu.dma_semaphore, #tpu.memory_space<semaphore_mem>>
    %dma_wait3A_385 = tpu.memref_squeeze %dma_wait3A_384 : memref<1x!tpu.dma_semaphore, #tpu.memory_space<semaphore_mem>> -> memref<!tpu.dma_semaphore, #tpu.memory_space<semaphore_mem>>
    %dma_wait3A_386 = arith.constant 0 : i32
    %dma_wait3A_387 = tpu.memref_slice %arg6[%add3A, %dma_wait3A_386] : memref<4x819200xf32, #tpu.memory_space<hbm>> -> memref<1x819200xf32, #tpu.memory_space<hbm>>
    %dma_wait3A_388 = tpu.memref_squeeze %dma_wait3A_387 : memref<1x819200xf32, #tpu.memory_space<hbm>> -> memref<819200xf32, #tpu.memory_space<hbm>>
    %dma_wait3A_389 = arith.constant 0 : i32
    %dma_wait3A_390 = tpu.memref_slice %dma_wait3A_388[%dma_wait3A_389] : memref<819200xf32, #tpu.memory_space<hbm>> -> memref<2560xf32, #tpu.memory_space<hbm>>
    %dma_wait3A_391 = arith.constant 0 : i32
    %dma_wait3A_392 = tpu.memref_slice %arg11[%dma_wait3A_374, %dma_wait3A_391] : memref<4x2560xf32, #tpu.memory_space<vmem>> -> memref<1x2560xf32, #tpu.memory_space<vmem>>
    %dma_wait3A_393 = tpu.memref_squeeze %dma_wait3A_392 : memref<1x2560xf32, #tpu.memory_space<vmem>> -> memref<2560xf32, #tpu.memory_space<vmem>>
    tpu.wait_dma2 semaphore(%dma_wait3A_385 : memref<!tpu.dma_semaphore, #tpu.memory_space<semaphore_mem>>) src(%dma_wait3A_393 : memref<2560xf32, #tpu.memory_space<vmem>>) dst(%dma_wait3A_390 : memref<2560xf32, #tpu.memory_space<hbm>>)
    %dma_wait3A_394 = arith.constant 3 : i32
    %dma_wait3A_395 = arith.constant 3 : i32
    %dma_wait3A_396 = arith.constant 0 : i32
    %dma_wait3A_397 = tpu.memref_slice %arg11[%dma_wait3A_394, %dma_wait3A_396] : memref<4x2560xf32, #tpu.memory_space<vmem>> -> memref<1x2560xf32, #tpu.memory_space<vmem>>
    %dma_wait3A_398 = tpu.memref_squeeze %dma_wait3A_397 : memref<1x2560xf32, #tpu.memory_space<vmem>> -> memref<2560xf32, #tpu.memory_space<vmem>>
    %dma_wait3A_399 = arith.constant 0 : i32
    %dma_wait3A_400 = tpu.memref_slice %arg6[%add3A, %dma_wait3A_399] : memref<4x819200xf32, #tpu.memory_space<hbm>> -> memref<1x819200xf32, #tpu.memory_space<hbm>>
    %dma_wait3A_401 = tpu.memref_squeeze %dma_wait3A_400 : memref<1x819200xf32, #tpu.memory_space<hbm>> -> memref<819200xf32, #tpu.memory_space<hbm>>
    %dma_wait3A_402 = arith.constant 0 : i32
    %dma_wait3A_403 = tpu.memref_slice %dma_wait3A_401[%dma_wait3A_402] : memref<819200xf32, #tpu.memory_space<hbm>> -> memref<2560xf32, #tpu.memory_space<hbm>>
    %dma_wait3A_404 = tpu.memref_slice %arg15[%dma_wait3A_395] : memref<4x!tpu.dma_semaphore, #tpu.memory_space<semaphore_mem>> -> memref<1x!tpu.dma_semaphore, #tpu.memory_space<semaphore_mem>>
    %dma_wait3A_405 = tpu.memref_squeeze %dma_wait3A_404 : memref<1x!tpu.dma_semaphore, #tpu.memory_space<semaphore_mem>> -> memref<!tpu.dma_semaphore, #tpu.memory_space<semaphore_mem>>
    %dma_wait3A_406 = arith.constant 0 : i32
    %dma_wait3A_407 = tpu.memref_slice %arg6[%add3A, %dma_wait3A_406] : memref<4x819200xf32, #tpu.memory_space<hbm>> -> memref<1x819200xf32, #tpu.memory_space<hbm>>
    %dma_wait3A_408 = tpu.memref_squeeze %dma_wait3A_407 : memref<1x819200xf32, #tpu.memory_space<hbm>> -> memref<819200xf32, #tpu.memory_space<hbm>>
    %dma_wait3A_409 = arith.constant 0 : i32
    %dma_wait3A_410 = tpu.memref_slice %dma_wait3A_408[%dma_wait3A_409] : memref<819200xf32, #tpu.memory_space<hbm>> -> memref<2560xf32, #tpu.memory_space<hbm>>
    %dma_wait3A_411 = arith.constant 0 : i32
    %dma_wait3A_412 = tpu.memref_slice %arg11[%dma_wait3A_394, %dma_wait3A_411] : memref<4x2560xf32, #tpu.memory_space<vmem>> -> memref<1x2560xf32, #tpu.memory_space<vmem>>
    %dma_wait3A_413 = tpu.memref_squeeze %dma_wait3A_412 : memref<1x2560xf32, #tpu.memory_space<vmem>> -> memref<2560xf32, #tpu.memory_space<vmem>>
    tpu.wait_dma2 semaphore(%dma_wait3A_405 : memref<!tpu.dma_semaphore, #tpu.memory_space<semaphore_mem>>) src(%dma_wait3A_413 : memref<2560xf32, #tpu.memory_space<vmem>>) dst(%dma_wait3A_410 : memref<2560xf32, #tpu.memory_space<hbm>>)
    return
  }
}

#map = affine_map<(d0, d1) -> (0)>
#map1 = affine_map<(d0, d1) -> (0, 0)>
#map2 = affine_map<(d0, d1) -> (0, 0, 0)>
module attributes {stable_mosaic.version = 14 : i64} {
  func.func @k(%arg0: i32, %arg1: i32, %arg2: memref<826880xi32, #tpu.memory_space<hbm>>, %arg3: memref<826880xi32, #tpu.memory_space<hbm>>, %arg4: memref<4x826880xf32, #tpu.memory_space<hbm>>, %arg5: memref<8x4x50176xf32, #tpu.memory_space<hbm>>, %arg6: memref<50176xf32, #tpu.memory_space<vmem>>, %arg7: memref<4x2560xi32, #tpu.memory_space<vmem>>, %arg8: memref<4x2560xi32, #tpu.memory_space<vmem>>, %arg9: memref<4x2560xf32, #tpu.memory_space<vmem>>, %arg10: memref<4x!tpu.dma_semaphore, #tpu.memory_space<semaphore_mem>>, %arg11: memref<4x!tpu.dma_semaphore, #tpu.memory_space<semaphore_mem>>, %arg12: memref<4x!tpu.dma_semaphore, #tpu.memory_space<semaphore_mem>>) attributes {dimension_semantics = [#tpu.dimension_semantics<core_parallel>, #tpu.dimension_semantics<subcore_parallel>], iteration_bounds = array<i64: 2, 16>, scalar_prefetch = 0 : i64, scratch_operands = 7 : i64, tpu.core_type = #tpu.core_type<sc_vector_subcore>, window_params = [{transform_indices = #map}, {transform_indices = #map}, {transform_indices = #map1}, {transform_indices = #map2}]} {
    %mul3A = arith.constant 2 : i32
    %mul3A_0 = arith.muli %mul3A, %arg0 : i32
    %jit3A = arith.constant 8 : i32
    %div3A = arith.divsi %arg1, %jit3A : i32
    %sign3A = arith.constant 0 : i32
    %sign3A_1 = arith.cmpi sgt, %arg1, %sign3A : i32
    %sign3A_2 = arith.extui %sign3A_1 : i1 to i32
    %sign3A_3 = arith.constant 0 : i32
    %sign3A_4 = arith.cmpi slt, %arg1, %sign3A_3 : i32
    %sign3A_5 = arith.extui %sign3A_4 : i1 to i32
    %sign3A_6 = arith.subi %sign3A_2, %sign3A_5 : i32
    %sign3A_7 = arith.constant 0 : i32
    %sign3A_8 = arith.cmpi sgt, %jit3A, %sign3A_7 : i32
    %sign3A_9 = arith.extui %sign3A_8 : i1 to i32
    %sign3A_10 = arith.constant 0 : i32
    %sign3A_11 = arith.cmpi slt, %jit3A, %sign3A_10 : i32
    %sign3A_12 = arith.extui %sign3A_11 : i1 to i32
    %sign3A_13 = arith.subi %sign3A_9, %sign3A_12 : i32
    %ne3A = arith.cmpi ne, %sign3A_6, %sign3A_13 : i32
    %rem3A = arith.remsi %arg1, %jit3A : i32
    %ne3A_14 = arith.constant 0 : i32
    %ne3A_15 = arith.cmpi ne, %rem3A, %ne3A_14 : i32
    %and3A = arith.andi %ne3A, %ne3A_15 : i1
    %sub3A = arith.constant 1 : i32
    %sub3A_16 = arith.subi %div3A, %sub3A : i32
    %select_n3A = arith.select %and3A, %sub3A_16, %div3A : i32
    %add3A = arith.addi %mul3A_0, %select_n3A : i32
    %jit3A_17 = arith.constant 8 : i32
    %eq3A = arith.constant 0 : i32
    %eq3A_18 = arith.cmpi eq, %jit3A_17, %eq3A : i32
    %jit3A_19 = arith.constant 1 : i32
    %select_n3A_20 = arith.select %eq3A_18, %jit3A_19, %jit3A_17 : i32
    %rem3A_21 = arith.remsi %arg1, %select_n3A_20 : i32
    %ne3A_22 = arith.constant 0 : i32
    %ne3A_23 = arith.cmpi ne, %rem3A_21, %ne3A_22 : i32
    %lt3A = arith.constant 0 : i32
    %lt3A_24 = arith.cmpi slt, %rem3A_21, %lt3A : i32
    %lt3A_25 = arith.constant 0 : i32
    %lt3A_26 = arith.cmpi slt, %select_n3A_20, %lt3A_25 : i32
    %ne3A_27 = arith.xori %lt3A_24, %lt3A_26 : i1
    %and3A_28 = arith.andi %ne3A_27, %ne3A_23 : i1
    %add3A_29 = arith.addi %rem3A_21, %select_n3A_20 : i32
    %select_n3A_30 = arith.select %and3A_28, %add3A_29, %rem3A_21 : i32
    %mul3A_31 = arith.constant 800 : i32
    %mul3A_32 = arith.muli %select_n3A_30, %mul3A_31 : i32
    %mul3A_33 = arith.constant 128 : i32
    %mul3A_34 = arith.muli %mul3A_32, %mul3A_33 : i32
    %add3A_35 = arith.constant 0 : i32
    %add3A_36 = arith.addi %mul3A_34, %add3A_35 : i32
    %dma_start3A = arith.constant 0 : i32
    %dma_start3A_37 = arith.constant 0 : i32
    %dma_start3A_38 = arith.constant 0 : i32
    %dma_start3A_39 = tpu.memref_slice %arg7[%dma_start3A, %dma_start3A_38] : memref<4x2560xi32, #tpu.memory_space<vmem>> -> memref<1x2560xi32, #tpu.memory_space<vmem>>
    %dma_start3A_40 = tpu.memref_squeeze %dma_start3A_39 : memref<1x2560xi32, #tpu.memory_space<vmem>> -> memref<2560xi32, #tpu.memory_space<vmem>>
    %dma_start3A_41 = tpu.memref_slice %arg2[%add3A_36] : memref<826880xi32, #tpu.memory_space<hbm>> -> memref<2560xi32, #tpu.memory_space<hbm>>
    %dma_start3A_42 = tpu.memref_slice %arg10[%dma_start3A_37] : memref<4x!tpu.dma_semaphore, #tpu.memory_space<semaphore_mem>> -> memref<1x!tpu.dma_semaphore, #tpu.memory_space<semaphore_mem>>
    %dma_start3A_43 = tpu.memref_squeeze %dma_start3A_42 : memref<1x!tpu.dma_semaphore, #tpu.memory_space<semaphore_mem>> -> memref<!tpu.dma_semaphore, #tpu.memory_space<semaphore_mem>>
    %dma_start3A_44 = arith.constant 0 : i32
    %dma_start3A_45 = tpu.memref_slice %arg7[%dma_start3A, %dma_start3A_44] : memref<4x2560xi32, #tpu.memory_space<vmem>> -> memref<1x2560xi32, #tpu.memory_space<vmem>>
    %dma_start3A_46 = tpu.memref_squeeze %dma_start3A_45 : memref<1x2560xi32, #tpu.memory_space<vmem>> -> memref<2560xi32, #tpu.memory_space<vmem>>
    %dma_start3A_47 = tpu.memref_slice %arg2[%add3A_36] : memref<826880xi32, #tpu.memory_space<hbm>> -> memref<2560xi32, #tpu.memory_space<hbm>>
    tpu.enqueue_dma source(%dma_start3A_47 : memref<2560xi32, #tpu.memory_space<hbm>>) target(%dma_start3A_46 : memref<2560xi32, #tpu.memory_space<vmem>>) target_semaphore(%dma_start3A_43 : memref<!tpu.dma_semaphore, #tpu.memory_space<semaphore_mem>>)
    %dma_start3A_48 = arith.constant 0 : i32
    %dma_start3A_49 = arith.constant 0 : i32
    %dma_start3A_50 = arith.constant 0 : i32
    %dma_start3A_51 = tpu.memref_slice %arg8[%dma_start3A_48, %dma_start3A_50] : memref<4x2560xi32, #tpu.memory_space<vmem>> -> memref<1x2560xi32, #tpu.memory_space<vmem>>
    %dma_start3A_52 = tpu.memref_squeeze %dma_start3A_51 : memref<1x2560xi32, #tpu.memory_space<vmem>> -> memref<2560xi32, #tpu.memory_space<vmem>>
    %dma_start3A_53 = tpu.memref_slice %arg3[%add3A_36] : memref<826880xi32, #tpu.memory_space<hbm>> -> memref<2560xi32, #tpu.memory_space<hbm>>
    %dma_start3A_54 = tpu.memref_slice %arg11[%dma_start3A_49] : memref<4x!tpu.dma_semaphore, #tpu.memory_space<semaphore_mem>> -> memref<1x!tpu.dma_semaphore, #tpu.memory_space<semaphore_mem>>
    %dma_start3A_55 = tpu.memref_squeeze %dma_start3A_54 : memref<1x!tpu.dma_semaphore, #tpu.memory_space<semaphore_mem>> -> memref<!tpu.dma_semaphore, #tpu.memory_space<semaphore_mem>>
    %dma_start3A_56 = arith.constant 0 : i32
    %dma_start3A_57 = tpu.memref_slice %arg8[%dma_start3A_48, %dma_start3A_56] : memref<4x2560xi32, #tpu.memory_space<vmem>> -> memref<1x2560xi32, #tpu.memory_space<vmem>>
    %dma_start3A_58 = tpu.memref_squeeze %dma_start3A_57 : memref<1x2560xi32, #tpu.memory_space<vmem>> -> memref<2560xi32, #tpu.memory_space<vmem>>
    %dma_start3A_59 = tpu.memref_slice %arg3[%add3A_36] : memref<826880xi32, #tpu.memory_space<hbm>> -> memref<2560xi32, #tpu.memory_space<hbm>>
    tpu.enqueue_dma source(%dma_start3A_59 : memref<2560xi32, #tpu.memory_space<hbm>>) target(%dma_start3A_58 : memref<2560xi32, #tpu.memory_space<vmem>>) target_semaphore(%dma_start3A_55 : memref<!tpu.dma_semaphore, #tpu.memory_space<semaphore_mem>>)
    %dma_start3A_60 = arith.constant 0 : i32
    %dma_start3A_61 = arith.constant 0 : i32
    %dma_start3A_62 = arith.constant 0 : i32
    %dma_start3A_63 = tpu.memref_slice %arg9[%dma_start3A_60, %dma_start3A_62] : memref<4x2560xf32, #tpu.memory_space<vmem>> -> memref<1x2560xf32, #tpu.memory_space<vmem>>
    %dma_start3A_64 = tpu.memref_squeeze %dma_start3A_63 : memref<1x2560xf32, #tpu.memory_space<vmem>> -> memref<2560xf32, #tpu.memory_space<vmem>>
    %dma_start3A_65 = arith.constant 0 : i32
    %dma_start3A_66 = tpu.memref_slice %arg4[%add3A, %dma_start3A_65] : memref<4x826880xf32, #tpu.memory_space<hbm>> -> memref<1x826880xf32, #tpu.memory_space<hbm>>
    %dma_start3A_67 = tpu.memref_squeeze %dma_start3A_66 : memref<1x826880xf32, #tpu.memory_space<hbm>> -> memref<826880xf32, #tpu.memory_space<hbm>>
    %dma_start3A_68 = tpu.memref_slice %dma_start3A_67[%add3A_36] : memref<826880xf32, #tpu.memory_space<hbm>> -> memref<2560xf32, #tpu.memory_space<hbm>>
    %dma_start3A_69 = tpu.memref_slice %arg12[%dma_start3A_61] : memref<4x!tpu.dma_semaphore, #tpu.memory_space<semaphore_mem>> -> memref<1x!tpu.dma_semaphore, #tpu.memory_space<semaphore_mem>>
    %dma_start3A_70 = tpu.memref_squeeze %dma_start3A_69 : memref<1x!tpu.dma_semaphore, #tpu.memory_space<semaphore_mem>> -> memref<!tpu.dma_semaphore, #tpu.memory_space<semaphore_mem>>
    %dma_start3A_71 = arith.constant 0 : i32
    %dma_start3A_72 = tpu.memref_slice %arg9[%dma_start3A_60, %dma_start3A_71] : memref<4x2560xf32, #tpu.memory_space<vmem>> -> memref<1x2560xf32, #tpu.memory_space<vmem>>
    %dma_start3A_73 = tpu.memref_squeeze %dma_start3A_72 : memref<1x2560xf32, #tpu.memory_space<vmem>> -> memref<2560xf32, #tpu.memory_space<vmem>>
    %dma_start3A_74 = arith.constant 0 : i32
    %dma_start3A_75 = tpu.memref_slice %arg4[%add3A, %dma_start3A_74] : memref<4x826880xf32, #tpu.memory_space<hbm>> -> memref<1x826880xf32, #tpu.memory_space<hbm>>
    %dma_start3A_76 = tpu.memref_squeeze %dma_start3A_75 : memref<1x826880xf32, #tpu.memory_space<hbm>> -> memref<826880xf32, #tpu.memory_space<hbm>>
    %dma_start3A_77 = tpu.memref_slice %dma_start3A_76[%add3A_36] : memref<826880xf32, #tpu.memory_space<hbm>> -> memref<2560xf32, #tpu.memory_space<hbm>>
    tpu.enqueue_dma source(%dma_start3A_77 : memref<2560xf32, #tpu.memory_space<hbm>>) target(%dma_start3A_73 : memref<2560xf32, #tpu.memory_space<vmem>>) target_semaphore(%dma_start3A_70 : memref<!tpu.dma_semaphore, #tpu.memory_space<semaphore_mem>>)
    %add3A_78 = arith.constant 2560 : i32
    %add3A_79 = arith.addi %mul3A_34, %add3A_78 : i32
    %dma_start3A_80 = arith.constant 1 : i32
    %dma_start3A_81 = arith.constant 1 : i32
    %dma_start3A_82 = arith.constant 0 : i32
    %dma_start3A_83 = tpu.memref_slice %arg7[%dma_start3A_80, %dma_start3A_82] : memref<4x2560xi32, #tpu.memory_space<vmem>> -> memref<1x2560xi32, #tpu.memory_space<vmem>>
    %dma_start3A_84 = tpu.memref_squeeze %dma_start3A_83 : memref<1x2560xi32, #tpu.memory_space<vmem>> -> memref<2560xi32, #tpu.memory_space<vmem>>
    %dma_start3A_85 = tpu.memref_slice %arg2[%add3A_79] : memref<826880xi32, #tpu.memory_space<hbm>> -> memref<2560xi32, #tpu.memory_space<hbm>>
    %dma_start3A_86 = tpu.memref_slice %arg10[%dma_start3A_81] : memref<4x!tpu.dma_semaphore, #tpu.memory_space<semaphore_mem>> -> memref<1x!tpu.dma_semaphore, #tpu.memory_space<semaphore_mem>>
    %dma_start3A_87 = tpu.memref_squeeze %dma_start3A_86 : memref<1x!tpu.dma_semaphore, #tpu.memory_space<semaphore_mem>> -> memref<!tpu.dma_semaphore, #tpu.memory_space<semaphore_mem>>
    %dma_start3A_88 = arith.constant 0 : i32
    %dma_start3A_89 = tpu.memref_slice %arg7[%dma_start3A_80, %dma_start3A_88] : memref<4x2560xi32, #tpu.memory_space<vmem>> -> memref<1x2560xi32, #tpu.memory_space<vmem>>
    %dma_start3A_90 = tpu.memref_squeeze %dma_start3A_89 : memref<1x2560xi32, #tpu.memory_space<vmem>> -> memref<2560xi32, #tpu.memory_space<vmem>>
    %dma_start3A_91 = tpu.memref_slice %arg2[%add3A_79] : memref<826880xi32, #tpu.memory_space<hbm>> -> memref<2560xi32, #tpu.memory_space<hbm>>
    tpu.enqueue_dma source(%dma_start3A_91 : memref<2560xi32, #tpu.memory_space<hbm>>) target(%dma_start3A_90 : memref<2560xi32, #tpu.memory_space<vmem>>) target_semaphore(%dma_start3A_87 : memref<!tpu.dma_semaphore, #tpu.memory_space<semaphore_mem>>)
    %dma_start3A_92 = arith.constant 1 : i32
    %dma_start3A_93 = arith.constant 1 : i32
    %dma_start3A_94 = arith.constant 0 : i32
    %dma_start3A_95 = tpu.memref_slice %arg8[%dma_start3A_92, %dma_start3A_94] : memref<4x2560xi32, #tpu.memory_space<vmem>> -> memref<1x2560xi32, #tpu.memory_space<vmem>>
    %dma_start3A_96 = tpu.memref_squeeze %dma_start3A_95 : memref<1x2560xi32, #tpu.memory_space<vmem>> -> memref<2560xi32, #tpu.memory_space<vmem>>
    %dma_start3A_97 = tpu.memref_slice %arg3[%add3A_79] : memref<826880xi32, #tpu.memory_space<hbm>> -> memref<2560xi32, #tpu.memory_space<hbm>>
    %dma_start3A_98 = tpu.memref_slice %arg11[%dma_start3A_93] : memref<4x!tpu.dma_semaphore, #tpu.memory_space<semaphore_mem>> -> memref<1x!tpu.dma_semaphore, #tpu.memory_space<semaphore_mem>>
    %dma_start3A_99 = tpu.memref_squeeze %dma_start3A_98 : memref<1x!tpu.dma_semaphore, #tpu.memory_space<semaphore_mem>> -> memref<!tpu.dma_semaphore, #tpu.memory_space<semaphore_mem>>
    %dma_start3A_100 = arith.constant 0 : i32
    %dma_start3A_101 = tpu.memref_slice %arg8[%dma_start3A_92, %dma_start3A_100] : memref<4x2560xi32, #tpu.memory_space<vmem>> -> memref<1x2560xi32, #tpu.memory_space<vmem>>
    %dma_start3A_102 = tpu.memref_squeeze %dma_start3A_101 : memref<1x2560xi32, #tpu.memory_space<vmem>> -> memref<2560xi32, #tpu.memory_space<vmem>>
    %dma_start3A_103 = tpu.memref_slice %arg3[%add3A_79] : memref<826880xi32, #tpu.memory_space<hbm>> -> memref<2560xi32, #tpu.memory_space<hbm>>
    tpu.enqueue_dma source(%dma_start3A_103 : memref<2560xi32, #tpu.memory_space<hbm>>) target(%dma_start3A_102 : memref<2560xi32, #tpu.memory_space<vmem>>) target_semaphore(%dma_start3A_99 : memref<!tpu.dma_semaphore, #tpu.memory_space<semaphore_mem>>)
    %dma_start3A_104 = arith.constant 1 : i32
    %dma_start3A_105 = arith.constant 1 : i32
    %dma_start3A_106 = arith.constant 0 : i32
    %dma_start3A_107 = tpu.memref_slice %arg9[%dma_start3A_104, %dma_start3A_106] : memref<4x2560xf32, #tpu.memory_space<vmem>> -> memref<1x2560xf32, #tpu.memory_space<vmem>>
    %dma_start3A_108 = tpu.memref_squeeze %dma_start3A_107 : memref<1x2560xf32, #tpu.memory_space<vmem>> -> memref<2560xf32, #tpu.memory_space<vmem>>
    %dma_start3A_109 = arith.constant 0 : i32
    %dma_start3A_110 = tpu.memref_slice %arg4[%add3A, %dma_start3A_109] : memref<4x826880xf32, #tpu.memory_space<hbm>> -> memref<1x826880xf32, #tpu.memory_space<hbm>>
    %dma_start3A_111 = tpu.memref_squeeze %dma_start3A_110 : memref<1x826880xf32, #tpu.memory_space<hbm>> -> memref<826880xf32, #tpu.memory_space<hbm>>
    %dma_start3A_112 = tpu.memref_slice %dma_start3A_111[%add3A_79] : memref<826880xf32, #tpu.memory_space<hbm>> -> memref<2560xf32, #tpu.memory_space<hbm>>
    %dma_start3A_113 = tpu.memref_slice %arg12[%dma_start3A_105] : memref<4x!tpu.dma_semaphore, #tpu.memory_space<semaphore_mem>> -> memref<1x!tpu.dma_semaphore, #tpu.memory_space<semaphore_mem>>
    %dma_start3A_114 = tpu.memref_squeeze %dma_start3A_113 : memref<1x!tpu.dma_semaphore, #tpu.memory_space<semaphore_mem>> -> memref<!tpu.dma_semaphore, #tpu.memory_space<semaphore_mem>>
    %dma_start3A_115 = arith.constant 0 : i32
    %dma_start3A_116 = tpu.memref_slice %arg9[%dma_start3A_104, %dma_start3A_115] : memref<4x2560xf32, #tpu.memory_space<vmem>> -> memref<1x2560xf32, #tpu.memory_space<vmem>>
    %dma_start3A_117 = tpu.memref_squeeze %dma_start3A_116 : memref<1x2560xf32, #tpu.memory_space<vmem>> -> memref<2560xf32, #tpu.memory_space<vmem>>
    %dma_start3A_118 = arith.constant 0 : i32
    %dma_start3A_119 = tpu.memref_slice %arg4[%add3A, %dma_start3A_118] : memref<4x826880xf32, #tpu.memory_space<hbm>> -> memref<1x826880xf32, #tpu.memory_space<hbm>>
    %dma_start3A_120 = tpu.memref_squeeze %dma_start3A_119 : memref<1x826880xf32, #tpu.memory_space<hbm>> -> memref<826880xf32, #tpu.memory_space<hbm>>
    %dma_start3A_121 = tpu.memref_slice %dma_start3A_120[%add3A_79] : memref<826880xf32, #tpu.memory_space<hbm>> -> memref<2560xf32, #tpu.memory_space<hbm>>
    tpu.enqueue_dma source(%dma_start3A_121 : memref<2560xf32, #tpu.memory_space<hbm>>) target(%dma_start3A_117 : memref<2560xf32, #tpu.memory_space<vmem>>) target_semaphore(%dma_start3A_114 : memref<!tpu.dma_semaphore, #tpu.memory_space<semaphore_mem>>)
    %add3A_122 = arith.constant 5120 : i32
    %add3A_123 = arith.addi %mul3A_34, %add3A_122 : i32
    %dma_start3A_124 = arith.constant 2 : i32
    %dma_start3A_125 = arith.constant 2 : i32
    %dma_start3A_126 = arith.constant 0 : i32
    %dma_start3A_127 = tpu.memref_slice %arg7[%dma_start3A_124, %dma_start3A_126] : memref<4x2560xi32, #tpu.memory_space<vmem>> -> memref<1x2560xi32, #tpu.memory_space<vmem>>
    %dma_start3A_128 = tpu.memref_squeeze %dma_start3A_127 : memref<1x2560xi32, #tpu.memory_space<vmem>> -> memref<2560xi32, #tpu.memory_space<vmem>>
    %dma_start3A_129 = tpu.memref_slice %arg2[%add3A_123] : memref<826880xi32, #tpu.memory_space<hbm>> -> memref<2560xi32, #tpu.memory_space<hbm>>
    %dma_start3A_130 = tpu.memref_slice %arg10[%dma_start3A_125] : memref<4x!tpu.dma_semaphore, #tpu.memory_space<semaphore_mem>> -> memref<1x!tpu.dma_semaphore, #tpu.memory_space<semaphore_mem>>
    %dma_start3A_131 = tpu.memref_squeeze %dma_start3A_130 : memref<1x!tpu.dma_semaphore, #tpu.memory_space<semaphore_mem>> -> memref<!tpu.dma_semaphore, #tpu.memory_space<semaphore_mem>>
    %dma_start3A_132 = arith.constant 0 : i32
    %dma_start3A_133 = tpu.memref_slice %arg7[%dma_start3A_124, %dma_start3A_132] : memref<4x2560xi32, #tpu.memory_space<vmem>> -> memref<1x2560xi32, #tpu.memory_space<vmem>>
    %dma_start3A_134 = tpu.memref_squeeze %dma_start3A_133 : memref<1x2560xi32, #tpu.memory_space<vmem>> -> memref<2560xi32, #tpu.memory_space<vmem>>
    %dma_start3A_135 = tpu.memref_slice %arg2[%add3A_123] : memref<826880xi32, #tpu.memory_space<hbm>> -> memref<2560xi32, #tpu.memory_space<hbm>>
    tpu.enqueue_dma source(%dma_start3A_135 : memref<2560xi32, #tpu.memory_space<hbm>>) target(%dma_start3A_134 : memref<2560xi32, #tpu.memory_space<vmem>>) target_semaphore(%dma_start3A_131 : memref<!tpu.dma_semaphore, #tpu.memory_space<semaphore_mem>>)
    %dma_start3A_136 = arith.constant 2 : i32
    %dma_start3A_137 = arith.constant 2 : i32
    %dma_start3A_138 = arith.constant 0 : i32
    %dma_start3A_139 = tpu.memref_slice %arg8[%dma_start3A_136, %dma_start3A_138] : memref<4x2560xi32, #tpu.memory_space<vmem>> -> memref<1x2560xi32, #tpu.memory_space<vmem>>
    %dma_start3A_140 = tpu.memref_squeeze %dma_start3A_139 : memref<1x2560xi32, #tpu.memory_space<vmem>> -> memref<2560xi32, #tpu.memory_space<vmem>>
    %dma_start3A_141 = tpu.memref_slice %arg3[%add3A_123] : memref<826880xi32, #tpu.memory_space<hbm>> -> memref<2560xi32, #tpu.memory_space<hbm>>
    %dma_start3A_142 = tpu.memref_slice %arg11[%dma_start3A_137] : memref<4x!tpu.dma_semaphore, #tpu.memory_space<semaphore_mem>> -> memref<1x!tpu.dma_semaphore, #tpu.memory_space<semaphore_mem>>
    %dma_start3A_143 = tpu.memref_squeeze %dma_start3A_142 : memref<1x!tpu.dma_semaphore, #tpu.memory_space<semaphore_mem>> -> memref<!tpu.dma_semaphore, #tpu.memory_space<semaphore_mem>>
    %dma_start3A_144 = arith.constant 0 : i32
    %dma_start3A_145 = tpu.memref_slice %arg8[%dma_start3A_136, %dma_start3A_144] : memref<4x2560xi32, #tpu.memory_space<vmem>> -> memref<1x2560xi32, #tpu.memory_space<vmem>>
    %dma_start3A_146 = tpu.memref_squeeze %dma_start3A_145 : memref<1x2560xi32, #tpu.memory_space<vmem>> -> memref<2560xi32, #tpu.memory_space<vmem>>
    %dma_start3A_147 = tpu.memref_slice %arg3[%add3A_123] : memref<826880xi32, #tpu.memory_space<hbm>> -> memref<2560xi32, #tpu.memory_space<hbm>>
    tpu.enqueue_dma source(%dma_start3A_147 : memref<2560xi32, #tpu.memory_space<hbm>>) target(%dma_start3A_146 : memref<2560xi32, #tpu.memory_space<vmem>>) target_semaphore(%dma_start3A_143 : memref<!tpu.dma_semaphore, #tpu.memory_space<semaphore_mem>>)
    %dma_start3A_148 = arith.constant 2 : i32
    %dma_start3A_149 = arith.constant 2 : i32
    %dma_start3A_150 = arith.constant 0 : i32
    %dma_start3A_151 = tpu.memref_slice %arg9[%dma_start3A_148, %dma_start3A_150] : memref<4x2560xf32, #tpu.memory_space<vmem>> -> memref<1x2560xf32, #tpu.memory_space<vmem>>
    %dma_start3A_152 = tpu.memref_squeeze %dma_start3A_151 : memref<1x2560xf32, #tpu.memory_space<vmem>> -> memref<2560xf32, #tpu.memory_space<vmem>>
    %dma_start3A_153 = arith.constant 0 : i32
    %dma_start3A_154 = tpu.memref_slice %arg4[%add3A, %dma_start3A_153] : memref<4x826880xf32, #tpu.memory_space<hbm>> -> memref<1x826880xf32, #tpu.memory_space<hbm>>
    %dma_start3A_155 = tpu.memref_squeeze %dma_start3A_154 : memref<1x826880xf32, #tpu.memory_space<hbm>> -> memref<826880xf32, #tpu.memory_space<hbm>>
    %dma_start3A_156 = tpu.memref_slice %dma_start3A_155[%add3A_123] : memref<826880xf32, #tpu.memory_space<hbm>> -> memref<2560xf32, #tpu.memory_space<hbm>>
    %dma_start3A_157 = tpu.memref_slice %arg12[%dma_start3A_149] : memref<4x!tpu.dma_semaphore, #tpu.memory_space<semaphore_mem>> -> memref<1x!tpu.dma_semaphore, #tpu.memory_space<semaphore_mem>>
    %dma_start3A_158 = tpu.memref_squeeze %dma_start3A_157 : memref<1x!tpu.dma_semaphore, #tpu.memory_space<semaphore_mem>> -> memref<!tpu.dma_semaphore, #tpu.memory_space<semaphore_mem>>
    %dma_start3A_159 = arith.constant 0 : i32
    %dma_start3A_160 = tpu.memref_slice %arg9[%dma_start3A_148, %dma_start3A_159] : memref<4x2560xf32, #tpu.memory_space<vmem>> -> memref<1x2560xf32, #tpu.memory_space<vmem>>
    %dma_start3A_161 = tpu.memref_squeeze %dma_start3A_160 : memref<1x2560xf32, #tpu.memory_space<vmem>> -> memref<2560xf32, #tpu.memory_space<vmem>>
    %dma_start3A_162 = arith.constant 0 : i32
    %dma_start3A_163 = tpu.memref_slice %arg4[%add3A, %dma_start3A_162] : memref<4x826880xf32, #tpu.memory_space<hbm>> -> memref<1x826880xf32, #tpu.memory_space<hbm>>
    %dma_start3A_164 = tpu.memref_squeeze %dma_start3A_163 : memref<1x826880xf32, #tpu.memory_space<hbm>> -> memref<826880xf32, #tpu.memory_space<hbm>>
    %dma_start3A_165 = tpu.memref_slice %dma_start3A_164[%add3A_123] : memref<826880xf32, #tpu.memory_space<hbm>> -> memref<2560xf32, #tpu.memory_space<hbm>>
    tpu.enqueue_dma source(%dma_start3A_165 : memref<2560xf32, #tpu.memory_space<hbm>>) target(%dma_start3A_161 : memref<2560xf32, #tpu.memory_space<vmem>>) target_semaphore(%dma_start3A_158 : memref<!tpu.dma_semaphore, #tpu.memory_space<semaphore_mem>>)
    %scan3A = arith.constant 0 : i32
    %scan3A_166 = arith.constant 0 : i32
    %scan3A_167 = arith.constant 10 : i32
    %scan3A_168 = arith.addi %scan3A_166, %scan3A_167 : i32
    %scan3A_169 = arith.constant 1 : i32
    scf.for %scan3A_314 = %scan3A_166 to %scan3A_168 step %scan3A_169  : i32 {
      %mul3A_315 = arith.constant 4 : i32
      %mul3A_316 = arith.muli %mul3A_315, %scan3A_314 : i32
      %dma_wait3A_317 = arith.constant 0 : i32
      %dma_wait3A_318 = arith.constant 0 : i32
      %dma_wait3A_319 = arith.constant 0 : i32
      %dma_wait3A_320 = tpu.memref_slice %arg7[%dma_wait3A_317, %dma_wait3A_319] : memref<4x2560xi32, #tpu.memory_space<vmem>> -> memref<1x2560xi32, #tpu.memory_space<vmem>>
      %dma_wait3A_321 = tpu.memref_squeeze %dma_wait3A_320 : memref<1x2560xi32, #tpu.memory_space<vmem>> -> memref<2560xi32, #tpu.memory_space<vmem>>
      %dma_wait3A_322 = arith.constant 0 : i32
      %dma_wait3A_323 = tpu.memref_slice %arg2[%dma_wait3A_322] : memref<826880xi32, #tpu.memory_space<hbm>> -> memref<2560xi32, #tpu.memory_space<hbm>>
      %dma_wait3A_324 = tpu.memref_slice %arg10[%dma_wait3A_318] : memref<4x!tpu.dma_semaphore, #tpu.memory_space<semaphore_mem>> -> memref<1x!tpu.dma_semaphore, #tpu.memory_space<semaphore_mem>>
      %dma_wait3A_325 = tpu.memref_squeeze %dma_wait3A_324 : memref<1x!tpu.dma_semaphore, #tpu.memory_space<semaphore_mem>> -> memref<!tpu.dma_semaphore, #tpu.memory_space<semaphore_mem>>
      %dma_wait3A_326 = arith.constant 0 : i32
      %dma_wait3A_327 = tpu.memref_slice %arg7[%dma_wait3A_317, %dma_wait3A_326] : memref<4x2560xi32, #tpu.memory_space<vmem>> -> memref<1x2560xi32, #tpu.memory_space<vmem>>
      %dma_wait3A_328 = tpu.memref_squeeze %dma_wait3A_327 : memref<1x2560xi32, #tpu.memory_space<vmem>> -> memref<2560xi32, #tpu.memory_space<vmem>>
      %dma_wait3A_329 = arith.constant 0 : i32
      %dma_wait3A_330 = tpu.memref_slice %arg2[%dma_wait3A_329] : memref<826880xi32, #tpu.memory_space<hbm>> -> memref<2560xi32, #tpu.memory_space<hbm>>
      tpu.wait_dma2 semaphore(%dma_wait3A_325 : memref<!tpu.dma_semaphore, #tpu.memory_space<semaphore_mem>>) src(%dma_wait3A_330 : memref<2560xi32, #tpu.memory_space<hbm>>) dst(%dma_wait3A_328 : memref<2560xi32, #tpu.memory_space<vmem>>)
      %dma_wait3A_331 = arith.constant 0 : i32
      %dma_wait3A_332 = arith.constant 0 : i32
      %dma_wait3A_333 = arith.constant 0 : i32
      %dma_wait3A_334 = tpu.memref_slice %arg8[%dma_wait3A_331, %dma_wait3A_333] : memref<4x2560xi32, #tpu.memory_space<vmem>> -> memref<1x2560xi32, #tpu.memory_space<vmem>>
      %dma_wait3A_335 = tpu.memref_squeeze %dma_wait3A_334 : memref<1x2560xi32, #tpu.memory_space<vmem>> -> memref<2560xi32, #tpu.memory_space<vmem>>
      %dma_wait3A_336 = arith.constant 0 : i32
      %dma_wait3A_337 = tpu.memref_slice %arg3[%dma_wait3A_336] : memref<826880xi32, #tpu.memory_space<hbm>> -> memref<2560xi32, #tpu.memory_space<hbm>>
      %dma_wait3A_338 = tpu.memref_slice %arg11[%dma_wait3A_332] : memref<4x!tpu.dma_semaphore, #tpu.memory_space<semaphore_mem>> -> memref<1x!tpu.dma_semaphore, #tpu.memory_space<semaphore_mem>>
      %dma_wait3A_339 = tpu.memref_squeeze %dma_wait3A_338 : memref<1x!tpu.dma_semaphore, #tpu.memory_space<semaphore_mem>> -> memref<!tpu.dma_semaphore, #tpu.memory_space<semaphore_mem>>
      %dma_wait3A_340 = arith.constant 0 : i32
      %dma_wait3A_341 = tpu.memref_slice %arg8[%dma_wait3A_331, %dma_wait3A_340] : memref<4x2560xi32, #tpu.memory_space<vmem>> -> memref<1x2560xi32, #tpu.memory_space<vmem>>
      %dma_wait3A_342 = tpu.memref_squeeze %dma_wait3A_341 : memref<1x2560xi32, #tpu.memory_space<vmem>> -> memref<2560xi32, #tpu.memory_space<vmem>>
      %dma_wait3A_343 = arith.constant 0 : i32
      %dma_wait3A_344 = tpu.memref_slice %arg3[%dma_wait3A_343] : memref<826880xi32, #tpu.memory_space<hbm>> -> memref<2560xi32, #tpu.memory_space<hbm>>
      tpu.wait_dma2 semaphore(%dma_wait3A_339 : memref<!tpu.dma_semaphore, #tpu.memory_space<semaphore_mem>>) src(%dma_wait3A_344 : memref<2560xi32, #tpu.memory_space<hbm>>) dst(%dma_wait3A_342 : memref<2560xi32, #tpu.memory_space<vmem>>)
      %dma_wait3A_345 = arith.constant 0 : i32
      %dma_wait3A_346 = arith.constant 0 : i32
      %dma_wait3A_347 = arith.constant 0 : i32
      %dma_wait3A_348 = tpu.memref_slice %arg9[%dma_wait3A_345, %dma_wait3A_347] : memref<4x2560xf32, #tpu.memory_space<vmem>> -> memref<1x2560xf32, #tpu.memory_space<vmem>>
      %dma_wait3A_349 = tpu.memref_squeeze %dma_wait3A_348 : memref<1x2560xf32, #tpu.memory_space<vmem>> -> memref<2560xf32, #tpu.memory_space<vmem>>
      %dma_wait3A_350 = arith.constant 0 : i32
      %dma_wait3A_351 = tpu.memref_slice %arg4[%add3A, %dma_wait3A_350] : memref<4x826880xf32, #tpu.memory_space<hbm>> -> memref<1x826880xf32, #tpu.memory_space<hbm>>
      %dma_wait3A_352 = tpu.memref_squeeze %dma_wait3A_351 : memref<1x826880xf32, #tpu.memory_space<hbm>> -> memref<826880xf32, #tpu.memory_space<hbm>>
      %dma_wait3A_353 = arith.constant 0 : i32
      %dma_wait3A_354 = tpu.memref_slice %dma_wait3A_352[%dma_wait3A_353] : memref<826880xf32, #tpu.memory_space<hbm>> -> memref<2560xf32, #tpu.memory_space<hbm>>
      %dma_wait3A_355 = tpu.memref_slice %arg12[%dma_wait3A_346] : memref<4x!tpu.dma_semaphore, #tpu.memory_space<semaphore_mem>> -> memref<1x!tpu.dma_semaphore, #tpu.memory_space<semaphore_mem>>
      %dma_wait3A_356 = tpu.memref_squeeze %dma_wait3A_355 : memref<1x!tpu.dma_semaphore, #tpu.memory_space<semaphore_mem>> -> memref<!tpu.dma_semaphore, #tpu.memory_space<semaphore_mem>>
      %dma_wait3A_357 = arith.constant 0 : i32
      %dma_wait3A_358 = tpu.memref_slice %arg9[%dma_wait3A_345, %dma_wait3A_357] : memref<4x2560xf32, #tpu.memory_space<vmem>> -> memref<1x2560xf32, #tpu.memory_space<vmem>>
      %dma_wait3A_359 = tpu.memref_squeeze %dma_wait3A_358 : memref<1x2560xf32, #tpu.memory_space<vmem>> -> memref<2560xf32, #tpu.memory_space<vmem>>
      %dma_wait3A_360 = arith.constant 0 : i32
      %dma_wait3A_361 = tpu.memref_slice %arg4[%add3A, %dma_wait3A_360] : memref<4x826880xf32, #tpu.memory_space<hbm>> -> memref<1x826880xf32, #tpu.memory_space<hbm>>
      %dma_wait3A_362 = tpu.memref_squeeze %dma_wait3A_361 : memref<1x826880xf32, #tpu.memory_space<hbm>> -> memref<826880xf32, #tpu.memory_space<hbm>>
      %dma_wait3A_363 = arith.constant 0 : i32
      %dma_wait3A_364 = tpu.memref_slice %dma_wait3A_362[%dma_wait3A_363] : memref<826880xf32, #tpu.memory_space<hbm>> -> memref<2560xf32, #tpu.memory_space<hbm>>
      tpu.wait_dma2 semaphore(%dma_wait3A_356 : memref<!tpu.dma_semaphore, #tpu.memory_space<semaphore_mem>>) src(%dma_wait3A_364 : memref<2560xf32, #tpu.memory_space<hbm>>) dst(%dma_wait3A_359 : memref<2560xf32, #tpu.memory_space<vmem>>)
      %add3A_365 = arith.constant 3 : i32
      %add3A_366 = arith.addi %mul3A_316, %add3A_365 : i32
      %mul3A_367 = arith.constant 2560 : i32
      %mul3A_368 = arith.muli %add3A_366, %mul3A_367 : i32
      %add3A_369 = arith.addi %mul3A_34, %mul3A_368 : i32
      %dma_start3A_370 = arith.constant 3 : i32
      %dma_start3A_371 = arith.constant 3 : i32
      %dma_start3A_372 = arith.constant 0 : i32
      %dma_start3A_373 = tpu.memref_slice %arg7[%dma_start3A_370, %dma_start3A_372] : memref<4x2560xi32, #tpu.memory_space<vmem>> -> memref<1x2560xi32, #tpu.memory_space<vmem>>
      %dma_start3A_374 = tpu.memref_squeeze %dma_start3A_373 : memref<1x2560xi32, #tpu.memory_space<vmem>> -> memref<2560xi32, #tpu.memory_space<vmem>>
      %dma_start3A_375 = tpu.memref_slice %arg2[%add3A_369] : memref<826880xi32, #tpu.memory_space<hbm>> -> memref<2560xi32, #tpu.memory_space<hbm>>
      %dma_start3A_376 = tpu.memref_slice %arg10[%dma_start3A_371] : memref<4x!tpu.dma_semaphore, #tpu.memory_space<semaphore_mem>> -> memref<1x!tpu.dma_semaphore, #tpu.memory_space<semaphore_mem>>
      %dma_start3A_377 = tpu.memref_squeeze %dma_start3A_376 : memref<1x!tpu.dma_semaphore, #tpu.memory_space<semaphore_mem>> -> memref<!tpu.dma_semaphore, #tpu.memory_space<semaphore_mem>>
      %dma_start3A_378 = arith.constant 0 : i32
      %dma_start3A_379 = tpu.memref_slice %arg7[%dma_start3A_370, %dma_start3A_378] : memref<4x2560xi32, #tpu.memory_space<vmem>> -> memref<1x2560xi32, #tpu.memory_space<vmem>>
      %dma_start3A_380 = tpu.memref_squeeze %dma_start3A_379 : memref<1x2560xi32, #tpu.memory_space<vmem>> -> memref<2560xi32, #tpu.memory_space<vmem>>
      %dma_start3A_381 = tpu.memref_slice %arg2[%add3A_369] : memref<826880xi32, #tpu.memory_space<hbm>> -> memref<2560xi32, #tpu.memory_space<hbm>>
      tpu.enqueue_dma source(%dma_start3A_381 : memref<2560xi32, #tpu.memory_space<hbm>>) target(%dma_start3A_380 : memref<2560xi32, #tpu.memory_space<vmem>>) target_semaphore(%dma_start3A_377 : memref<!tpu.dma_semaphore, #tpu.memory_space<semaphore_mem>>)
      %dma_start3A_382 = arith.constant 3 : i32
      %dma_start3A_383 = arith.constant 3 : i32
      %dma_start3A_384 = arith.constant 0 : i32
      %dma_start3A_385 = tpu.memref_slice %arg8[%dma_start3A_382, %dma_start3A_384] : memref<4x2560xi32, #tpu.memory_space<vmem>> -> memref<1x2560xi32, #tpu.memory_space<vmem>>
      %dma_start3A_386 = tpu.memref_squeeze %dma_start3A_385 : memref<1x2560xi32, #tpu.memory_space<vmem>> -> memref<2560xi32, #tpu.memory_space<vmem>>
      %dma_start3A_387 = tpu.memref_slice %arg3[%add3A_369] : memref<826880xi32, #tpu.memory_space<hbm>> -> memref<2560xi32, #tpu.memory_space<hbm>>
      %dma_start3A_388 = tpu.memref_slice %arg11[%dma_start3A_383] : memref<4x!tpu.dma_semaphore, #tpu.memory_space<semaphore_mem>> -> memref<1x!tpu.dma_semaphore, #tpu.memory_space<semaphore_mem>>
      %dma_start3A_389 = tpu.memref_squeeze %dma_start3A_388 : memref<1x!tpu.dma_semaphore, #tpu.memory_space<semaphore_mem>> -> memref<!tpu.dma_semaphore, #tpu.memory_space<semaphore_mem>>
      %dma_start3A_390 = arith.constant 0 : i32
      %dma_start3A_391 = tpu.memref_slice %arg8[%dma_start3A_382, %dma_start3A_390] : memref<4x2560xi32, #tpu.memory_space<vmem>> -> memref<1x2560xi32, #tpu.memory_space<vmem>>
      %dma_start3A_392 = tpu.memref_squeeze %dma_start3A_391 : memref<1x2560xi32, #tpu.memory_space<vmem>> -> memref<2560xi32, #tpu.memory_space<vmem>>
      %dma_start3A_393 = tpu.memref_slice %arg3[%add3A_369] : memref<826880xi32, #tpu.memory_space<hbm>> -> memref<2560xi32, #tpu.memory_space<hbm>>
      tpu.enqueue_dma source(%dma_start3A_393 : memref<2560xi32, #tpu.memory_space<hbm>>) target(%dma_start3A_392 : memref<2560xi32, #tpu.memory_space<vmem>>) target_semaphore(%dma_start3A_389 : memref<!tpu.dma_semaphore, #tpu.memory_space<semaphore_mem>>)
      %dma_start3A_394 = arith.constant 3 : i32
      %dma_start3A_395 = arith.constant 3 : i32
      %dma_start3A_396 = arith.constant 0 : i32
      %dma_start3A_397 = tpu.memref_slice %arg9[%dma_start3A_394, %dma_start3A_396] : memref<4x2560xf32, #tpu.memory_space<vmem>> -> memref<1x2560xf32, #tpu.memory_space<vmem>>
      %dma_start3A_398 = tpu.memref_squeeze %dma_start3A_397 : memref<1x2560xf32, #tpu.memory_space<vmem>> -> memref<2560xf32, #tpu.memory_space<vmem>>
      %dma_start3A_399 = arith.constant 0 : i32
      %dma_start3A_400 = tpu.memref_slice %arg4[%add3A, %dma_start3A_399] : memref<4x826880xf32, #tpu.memory_space<hbm>> -> memref<1x826880xf32, #tpu.memory_space<hbm>>
      %dma_start3A_401 = tpu.memref_squeeze %dma_start3A_400 : memref<1x826880xf32, #tpu.memory_space<hbm>> -> memref<826880xf32, #tpu.memory_space<hbm>>
      %dma_start3A_402 = tpu.memref_slice %dma_start3A_401[%add3A_369] : memref<826880xf32, #tpu.memory_space<hbm>> -> memref<2560xf32, #tpu.memory_space<hbm>>
      %dma_start3A_403 = tpu.memref_slice %arg12[%dma_start3A_395] : memref<4x!tpu.dma_semaphore, #tpu.memory_space<semaphore_mem>> -> memref<1x!tpu.dma_semaphore, #tpu.memory_space<semaphore_mem>>
      %dma_start3A_404 = tpu.memref_squeeze %dma_start3A_403 : memref<1x!tpu.dma_semaphore, #tpu.memory_space<semaphore_mem>> -> memref<!tpu.dma_semaphore, #tpu.memory_space<semaphore_mem>>
      %dma_start3A_405 = arith.constant 0 : i32
      %dma_start3A_406 = tpu.memref_slice %arg9[%dma_start3A_394, %dma_start3A_405] : memref<4x2560xf32, #tpu.memory_space<vmem>> -> memref<1x2560xf32, #tpu.memory_space<vmem>>
      %dma_start3A_407 = tpu.memref_squeeze %dma_start3A_406 : memref<1x2560xf32, #tpu.memory_space<vmem>> -> memref<2560xf32, #tpu.memory_space<vmem>>
      %dma_start3A_408 = arith.constant 0 : i32
      %dma_start3A_409 = tpu.memref_slice %arg4[%add3A, %dma_start3A_408] : memref<4x826880xf32, #tpu.memory_space<hbm>> -> memref<1x826880xf32, #tpu.memory_space<hbm>>
      %dma_start3A_410 = tpu.memref_squeeze %dma_start3A_409 : memref<1x826880xf32, #tpu.memory_space<hbm>> -> memref<826880xf32, #tpu.memory_space<hbm>>
      %dma_start3A_411 = tpu.memref_slice %dma_start3A_410[%add3A_369] : memref<826880xf32, #tpu.memory_space<hbm>> -> memref<2560xf32, #tpu.memory_space<hbm>>
      tpu.enqueue_dma source(%dma_start3A_411 : memref<2560xf32, #tpu.memory_space<hbm>>) target(%dma_start3A_407 : memref<2560xf32, #tpu.memory_space<vmem>>) target_semaphore(%dma_start3A_404 : memref<!tpu.dma_semaphore, #tpu.memory_space<semaphore_mem>>)
      %dma_wait3A_412 = arith.constant 1 : i32
      %dma_wait3A_413 = arith.constant 1 : i32
      %dma_wait3A_414 = arith.constant 0 : i32
      %dma_wait3A_415 = tpu.memref_slice %arg7[%dma_wait3A_412, %dma_wait3A_414] : memref<4x2560xi32, #tpu.memory_space<vmem>> -> memref<1x2560xi32, #tpu.memory_space<vmem>>
      %dma_wait3A_416 = tpu.memref_squeeze %dma_wait3A_415 : memref<1x2560xi32, #tpu.memory_space<vmem>> -> memref<2560xi32, #tpu.memory_space<vmem>>
      %dma_wait3A_417 = arith.constant 0 : i32
      %dma_wait3A_418 = tpu.memref_slice %arg2[%dma_wait3A_417] : memref<826880xi32, #tpu.memory_space<hbm>> -> memref<2560xi32, #tpu.memory_space<hbm>>
      %dma_wait3A_419 = tpu.memref_slice %arg10[%dma_wait3A_413] : memref<4x!tpu.dma_semaphore, #tpu.memory_space<semaphore_mem>> -> memref<1x!tpu.dma_semaphore, #tpu.memory_space<semaphore_mem>>
      %dma_wait3A_420 = tpu.memref_squeeze %dma_wait3A_419 : memref<1x!tpu.dma_semaphore, #tpu.memory_space<semaphore_mem>> -> memref<!tpu.dma_semaphore, #tpu.memory_space<semaphore_mem>>
      %dma_wait3A_421 = arith.constant 0 : i32
      %dma_wait3A_422 = tpu.memref_slice %arg7[%dma_wait3A_412, %dma_wait3A_421] : memref<4x2560xi32, #tpu.memory_space<vmem>> -> memref<1x2560xi32, #tpu.memory_space<vmem>>
      %dma_wait3A_423 = tpu.memref_squeeze %dma_wait3A_422 : memref<1x2560xi32, #tpu.memory_space<vmem>> -> memref<2560xi32, #tpu.memory_space<vmem>>
      %dma_wait3A_424 = arith.constant 0 : i32
      %dma_wait3A_425 = tpu.memref_slice %arg2[%dma_wait3A_424] : memref<826880xi32, #tpu.memory_space<hbm>> -> memref<2560xi32, #tpu.memory_space<hbm>>
      tpu.wait_dma2 semaphore(%dma_wait3A_420 : memref<!tpu.dma_semaphore, #tpu.memory_space<semaphore_mem>>) src(%dma_wait3A_425 : memref<2560xi32, #tpu.memory_space<hbm>>) dst(%dma_wait3A_423 : memref<2560xi32, #tpu.memory_space<vmem>>)
      %dma_wait3A_426 = arith.constant 1 : i32
      %dma_wait3A_427 = arith.constant 1 : i32
      %dma_wait3A_428 = arith.constant 0 : i32
      %dma_wait3A_429 = tpu.memref_slice %arg8[%dma_wait3A_426, %dma_wait3A_428] : memref<4x2560xi32, #tpu.memory_space<vmem>> -> memref<1x2560xi32, #tpu.memory_space<vmem>>
      %dma_wait3A_430 = tpu.memref_squeeze %dma_wait3A_429 : memref<1x2560xi32, #tpu.memory_space<vmem>> -> memref<2560xi32, #tpu.memory_space<vmem>>
      %dma_wait3A_431 = arith.constant 0 : i32
      %dma_wait3A_432 = tpu.memref_slice %arg3[%dma_wait3A_431] : memref<826880xi32, #tpu.memory_space<hbm>> -> memref<2560xi32, #tpu.memory_space<hbm>>
      %dma_wait3A_433 = tpu.memref_slice %arg11[%dma_wait3A_427] : memref<4x!tpu.dma_semaphore, #tpu.memory_space<semaphore_mem>> -> memref<1x!tpu.dma_semaphore, #tpu.memory_space<semaphore_mem>>
      %dma_wait3A_434 = tpu.memref_squeeze %dma_wait3A_433 : memref<1x!tpu.dma_semaphore, #tpu.memory_space<semaphore_mem>> -> memref<!tpu.dma_semaphore, #tpu.memory_space<semaphore_mem>>
      %dma_wait3A_435 = arith.constant 0 : i32
      %dma_wait3A_436 = tpu.memref_slice %arg8[%dma_wait3A_426, %dma_wait3A_435] : memref<4x2560xi32, #tpu.memory_space<vmem>> -> memref<1x2560xi32, #tpu.memory_space<vmem>>
      %dma_wait3A_437 = tpu.memref_squeeze %dma_wait3A_436 : memref<1x2560xi32, #tpu.memory_space<vmem>> -> memref<2560xi32, #tpu.memory_space<vmem>>
      %dma_wait3A_438 = arith.constant 0 : i32
      %dma_wait3A_439 = tpu.memref_slice %arg3[%dma_wait3A_438] : memref<826880xi32, #tpu.memory_space<hbm>> -> memref<2560xi32, #tpu.memory_space<hbm>>
      tpu.wait_dma2 semaphore(%dma_wait3A_434 : memref<!tpu.dma_semaphore, #tpu.memory_space<semaphore_mem>>) src(%dma_wait3A_439 : memref<2560xi32, #tpu.memory_space<hbm>>) dst(%dma_wait3A_437 : memref<2560xi32, #tpu.memory_space<vmem>>)
      %dma_wait3A_440 = arith.constant 1 : i32
      %dma_wait3A_441 = arith.constant 1 : i32
      %dma_wait3A_442 = arith.constant 0 : i32
      %dma_wait3A_443 = tpu.memref_slice %arg9[%dma_wait3A_440, %dma_wait3A_442] : memref<4x2560xf32, #tpu.memory_space<vmem>> -> memref<1x2560xf32, #tpu.memory_space<vmem>>
      %dma_wait3A_444 = tpu.memref_squeeze %dma_wait3A_443 : memref<1x2560xf32, #tpu.memory_space<vmem>> -> memref<2560xf32, #tpu.memory_space<vmem>>
      %dma_wait3A_445 = arith.constant 0 : i32
      %dma_wait3A_446 = tpu.memref_slice %arg4[%add3A, %dma_wait3A_445] : memref<4x826880xf32, #tpu.memory_space<hbm>> -> memref<1x826880xf32, #tpu.memory_space<hbm>>
      %dma_wait3A_447 = tpu.memref_squeeze %dma_wait3A_446 : memref<1x826880xf32, #tpu.memory_space<hbm>> -> memref<826880xf32, #tpu.memory_space<hbm>>
      %dma_wait3A_448 = arith.constant 0 : i32
      %dma_wait3A_449 = tpu.memref_slice %dma_wait3A_447[%dma_wait3A_448] : memref<826880xf32, #tpu.memory_space<hbm>> -> memref<2560xf32, #tpu.memory_space<hbm>>
      %dma_wait3A_450 = tpu.memref_slice %arg12[%dma_wait3A_441] : memref<4x!tpu.dma_semaphore, #tpu.memory_space<semaphore_mem>> -> memref<1x!tpu.dma_semaphore, #tpu.memory_space<semaphore_mem>>
      %dma_wait3A_451 = tpu.memref_squeeze %dma_wait3A_450 : memref<1x!tpu.dma_semaphore, #tpu.memory_space<semaphore_mem>> -> memref<!tpu.dma_semaphore, #tpu.memory_space<semaphore_mem>>
      %dma_wait3A_452 = arith.constant 0 : i32
      %dma_wait3A_453 = tpu.memref_slice %arg9[%dma_wait3A_440, %dma_wait3A_452] : memref<4x2560xf32, #tpu.memory_space<vmem>> -> memref<1x2560xf32, #tpu.memory_space<vmem>>
      %dma_wait3A_454 = tpu.memref_squeeze %dma_wait3A_453 : memref<1x2560xf32, #tpu.memory_space<vmem>> -> memref<2560xf32, #tpu.memory_space<vmem>>
      %dma_wait3A_455 = arith.constant 0 : i32
      %dma_wait3A_456 = tpu.memref_slice %arg4[%add3A, %dma_wait3A_455] : memref<4x826880xf32, #tpu.memory_space<hbm>> -> memref<1x826880xf32, #tpu.memory_space<hbm>>
      %dma_wait3A_457 = tpu.memref_squeeze %dma_wait3A_456 : memref<1x826880xf32, #tpu.memory_space<hbm>> -> memref<826880xf32, #tpu.memory_space<hbm>>
      %dma_wait3A_458 = arith.constant 0 : i32
      %dma_wait3A_459 = tpu.memref_slice %dma_wait3A_457[%dma_wait3A_458] : memref<826880xf32, #tpu.memory_space<hbm>> -> memref<2560xf32, #tpu.memory_space<hbm>>
      tpu.wait_dma2 semaphore(%dma_wait3A_451 : memref<!tpu.dma_semaphore, #tpu.memory_space<semaphore_mem>>) src(%dma_wait3A_459 : memref<2560xf32, #tpu.memory_space<hbm>>) dst(%dma_wait3A_454 : memref<2560xf32, #tpu.memory_space<vmem>>)
      %add3A_460 = arith.constant 4 : i32
      %add3A_461 = arith.addi %mul3A_316, %add3A_460 : i32
      %mul3A_462 = arith.constant 2560 : i32
      %mul3A_463 = arith.muli %add3A_461, %mul3A_462 : i32
      %add3A_464 = arith.addi %mul3A_34, %mul3A_463 : i32
      %dma_start3A_465 = arith.constant 0 : i32
      %dma_start3A_466 = arith.constant 0 : i32
      %dma_start3A_467 = arith.constant 0 : i32
      %dma_start3A_468 = tpu.memref_slice %arg7[%dma_start3A_465, %dma_start3A_467] : memref<4x2560xi32, #tpu.memory_space<vmem>> -> memref<1x2560xi32, #tpu.memory_space<vmem>>
      %dma_start3A_469 = tpu.memref_squeeze %dma_start3A_468 : memref<1x2560xi32, #tpu.memory_space<vmem>> -> memref<2560xi32, #tpu.memory_space<vmem>>
      %dma_start3A_470 = tpu.memref_slice %arg2[%add3A_464] : memref<826880xi32, #tpu.memory_space<hbm>> -> memref<2560xi32, #tpu.memory_space<hbm>>
      %dma_start3A_471 = tpu.memref_slice %arg10[%dma_start3A_466] : memref<4x!tpu.dma_semaphore, #tpu.memory_space<semaphore_mem>> -> memref<1x!tpu.dma_semaphore, #tpu.memory_space<semaphore_mem>>
      %dma_start3A_472 = tpu.memref_squeeze %dma_start3A_471 : memref<1x!tpu.dma_semaphore, #tpu.memory_space<semaphore_mem>> -> memref<!tpu.dma_semaphore, #tpu.memory_space<semaphore_mem>>
      %dma_start3A_473 = arith.constant 0 : i32
      %dma_start3A_474 = tpu.memref_slice %arg7[%dma_start3A_465, %dma_start3A_473] : memref<4x2560xi32, #tpu.memory_space<vmem>> -> memref<1x2560xi32, #tpu.memory_space<vmem>>
      %dma_start3A_475 = tpu.memref_squeeze %dma_start3A_474 : memref<1x2560xi32, #tpu.memory_space<vmem>> -> memref<2560xi32, #tpu.memory_space<vmem>>
      %dma_start3A_476 = tpu.memref_slice %arg2[%add3A_464] : memref<826880xi32, #tpu.memory_space<hbm>> -> memref<2560xi32, #tpu.memory_space<hbm>>
      tpu.enqueue_dma source(%dma_start3A_476 : memref<2560xi32, #tpu.memory_space<hbm>>) target(%dma_start3A_475 : memref<2560xi32, #tpu.memory_space<vmem>>) target_semaphore(%dma_start3A_472 : memref<!tpu.dma_semaphore, #tpu.memory_space<semaphore_mem>>)
      %dma_start3A_477 = arith.constant 0 : i32
      %dma_start3A_478 = arith.constant 0 : i32
      %dma_start3A_479 = arith.constant 0 : i32
      %dma_start3A_480 = tpu.memref_slice %arg8[%dma_start3A_477, %dma_start3A_479] : memref<4x2560xi32, #tpu.memory_space<vmem>> -> memref<1x2560xi32, #tpu.memory_space<vmem>>
      %dma_start3A_481 = tpu.memref_squeeze %dma_start3A_480 : memref<1x2560xi32, #tpu.memory_space<vmem>> -> memref<2560xi32, #tpu.memory_space<vmem>>
      %dma_start3A_482 = tpu.memref_slice %arg3[%add3A_464] : memref<826880xi32, #tpu.memory_space<hbm>> -> memref<2560xi32, #tpu.memory_space<hbm>>
      %dma_start3A_483 = tpu.memref_slice %arg11[%dma_start3A_478] : memref<4x!tpu.dma_semaphore, #tpu.memory_space<semaphore_mem>> -> memref<1x!tpu.dma_semaphore, #tpu.memory_space<semaphore_mem>>
      %dma_start3A_484 = tpu.memref_squeeze %dma_start3A_483 : memref<1x!tpu.dma_semaphore, #tpu.memory_space<semaphore_mem>> -> memref<!tpu.dma_semaphore, #tpu.memory_space<semaphore_mem>>
      %dma_start3A_485 = arith.constant 0 : i32
      %dma_start3A_486 = tpu.memref_slice %arg8[%dma_start3A_477, %dma_start3A_485] : memref<4x2560xi32, #tpu.memory_space<vmem>> -> memref<1x2560xi32, #tpu.memory_space<vmem>>
      %dma_start3A_487 = tpu.memref_squeeze %dma_start3A_486 : memref<1x2560xi32, #tpu.memory_space<vmem>> -> memref<2560xi32, #tpu.memory_space<vmem>>
      %dma_start3A_488 = tpu.memref_slice %arg3[%add3A_464] : memref<826880xi32, #tpu.memory_space<hbm>> -> memref<2560xi32, #tpu.memory_space<hbm>>
      tpu.enqueue_dma source(%dma_start3A_488 : memref<2560xi32, #tpu.memory_space<hbm>>) target(%dma_start3A_487 : memref<2560xi32, #tpu.memory_space<vmem>>) target_semaphore(%dma_start3A_484 : memref<!tpu.dma_semaphore, #tpu.memory_space<semaphore_mem>>)
      %dma_start3A_489 = arith.constant 0 : i32
      %dma_start3A_490 = arith.constant 0 : i32
      %dma_start3A_491 = arith.constant 0 : i32
      %dma_start3A_492 = tpu.memref_slice %arg9[%dma_start3A_489, %dma_start3A_491] : memref<4x2560xf32, #tpu.memory_space<vmem>> -> memref<1x2560xf32, #tpu.memory_space<vmem>>
      %dma_start3A_493 = tpu.memref_squeeze %dma_start3A_492 : memref<1x2560xf32, #tpu.memory_space<vmem>> -> memref<2560xf32, #tpu.memory_space<vmem>>
      %dma_start3A_494 = arith.constant 0 : i32
      %dma_start3A_495 = tpu.memref_slice %arg4[%add3A, %dma_start3A_494] : memref<4x826880xf32, #tpu.memory_space<hbm>> -> memref<1x826880xf32, #tpu.memory_space<hbm>>
      %dma_start3A_496 = tpu.memref_squeeze %dma_start3A_495 : memref<1x826880xf32, #tpu.memory_space<hbm>> -> memref<826880xf32, #tpu.memory_space<hbm>>
      %dma_start3A_497 = tpu.memref_slice %dma_start3A_496[%add3A_464] : memref<826880xf32, #tpu.memory_space<hbm>> -> memref<2560xf32, #tpu.memory_space<hbm>>
      %dma_start3A_498 = tpu.memref_slice %arg12[%dma_start3A_490] : memref<4x!tpu.dma_semaphore, #tpu.memory_space<semaphore_mem>> -> memref<1x!tpu.dma_semaphore, #tpu.memory_space<semaphore_mem>>
      %dma_start3A_499 = tpu.memref_squeeze %dma_start3A_498 : memref<1x!tpu.dma_semaphore, #tpu.memory_space<semaphore_mem>> -> memref<!tpu.dma_semaphore, #tpu.memory_space<semaphore_mem>>
      %dma_start3A_500 = arith.constant 0 : i32
      %dma_start3A_501 = tpu.memref_slice %arg9[%dma_start3A_489, %dma_start3A_500] : memref<4x2560xf32, #tpu.memory_space<vmem>> -> memref<1x2560xf32, #tpu.memory_space<vmem>>
      %dma_start3A_502 = tpu.memref_squeeze %dma_start3A_501 : memref<1x2560xf32, #tpu.memory_space<vmem>> -> memref<2560xf32, #tpu.memory_space<vmem>>
      %dma_start3A_503 = arith.constant 0 : i32
      %dma_start3A_504 = tpu.memref_slice %arg4[%add3A, %dma_start3A_503] : memref<4x826880xf32, #tpu.memory_space<hbm>> -> memref<1x826880xf32, #tpu.memory_space<hbm>>
      %dma_start3A_505 = tpu.memref_squeeze %dma_start3A_504 : memref<1x826880xf32, #tpu.memory_space<hbm>> -> memref<826880xf32, #tpu.memory_space<hbm>>
      %dma_start3A_506 = tpu.memref_slice %dma_start3A_505[%add3A_464] : memref<826880xf32, #tpu.memory_space<hbm>> -> memref<2560xf32, #tpu.memory_space<hbm>>
      tpu.enqueue_dma source(%dma_start3A_506 : memref<2560xf32, #tpu.memory_space<hbm>>) target(%dma_start3A_502 : memref<2560xf32, #tpu.memory_space<vmem>>) target_semaphore(%dma_start3A_499 : memref<!tpu.dma_semaphore, #tpu.memory_space<semaphore_mem>>)
      %dma_wait3A_507 = arith.constant 2 : i32
      %dma_wait3A_508 = arith.constant 2 : i32
      %dma_wait3A_509 = arith.constant 0 : i32
      %dma_wait3A_510 = tpu.memref_slice %arg7[%dma_wait3A_507, %dma_wait3A_509] : memref<4x2560xi32, #tpu.memory_space<vmem>> -> memref<1x2560xi32, #tpu.memory_space<vmem>>
      %dma_wait3A_511 = tpu.memref_squeeze %dma_wait3A_510 : memref<1x2560xi32, #tpu.memory_space<vmem>> -> memref<2560xi32, #tpu.memory_space<vmem>>
      %dma_wait3A_512 = arith.constant 0 : i32
      %dma_wait3A_513 = tpu.memref_slice %arg2[%dma_wait3A_512] : memref<826880xi32, #tpu.memory_space<hbm>> -> memref<2560xi32, #tpu.memory_space<hbm>>
      %dma_wait3A_514 = tpu.memref_slice %arg10[%dma_wait3A_508] : memref<4x!tpu.dma_semaphore, #tpu.memory_space<semaphore_mem>> -> memref<1x!tpu.dma_semaphore, #tpu.memory_space<semaphore_mem>>
      %dma_wait3A_515 = tpu.memref_squeeze %dma_wait3A_514 : memref<1x!tpu.dma_semaphore, #tpu.memory_space<semaphore_mem>> -> memref<!tpu.dma_semaphore, #tpu.memory_space<semaphore_mem>>
      %dma_wait3A_516 = arith.constant 0 : i32
      %dma_wait3A_517 = tpu.memref_slice %arg7[%dma_wait3A_507, %dma_wait3A_516] : memref<4x2560xi32, #tpu.memory_space<vmem>> -> memref<1x2560xi32, #tpu.memory_space<vmem>>
      %dma_wait3A_518 = tpu.memref_squeeze %dma_wait3A_517 : memref<1x2560xi32, #tpu.memory_space<vmem>> -> memref<2560xi32, #tpu.memory_space<vmem>>
      %dma_wait3A_519 = arith.constant 0 : i32
      %dma_wait3A_520 = tpu.memref_slice %arg2[%dma_wait3A_519] : memref<826880xi32, #tpu.memory_space<hbm>> -> memref<2560xi32, #tpu.memory_space<hbm>>
      tpu.wait_dma2 semaphore(%dma_wait3A_515 : memref<!tpu.dma_semaphore, #tpu.memory_space<semaphore_mem>>) src(%dma_wait3A_520 : memref<2560xi32, #tpu.memory_space<hbm>>) dst(%dma_wait3A_518 : memref<2560xi32, #tpu.memory_space<vmem>>)
      %dma_wait3A_521 = arith.constant 2 : i32
      %dma_wait3A_522 = arith.constant 2 : i32
      %dma_wait3A_523 = arith.constant 0 : i32
      %dma_wait3A_524 = tpu.memref_slice %arg8[%dma_wait3A_521, %dma_wait3A_523] : memref<4x2560xi32, #tpu.memory_space<vmem>> -> memref<1x2560xi32, #tpu.memory_space<vmem>>
      %dma_wait3A_525 = tpu.memref_squeeze %dma_wait3A_524 : memref<1x2560xi32, #tpu.memory_space<vmem>> -> memref<2560xi32, #tpu.memory_space<vmem>>
      %dma_wait3A_526 = arith.constant 0 : i32
      %dma_wait3A_527 = tpu.memref_slice %arg3[%dma_wait3A_526] : memref<826880xi32, #tpu.memory_space<hbm>> -> memref<2560xi32, #tpu.memory_space<hbm>>
      %dma_wait3A_528 = tpu.memref_slice %arg11[%dma_wait3A_522] : memref<4x!tpu.dma_semaphore, #tpu.memory_space<semaphore_mem>> -> memref<1x!tpu.dma_semaphore, #tpu.memory_space<semaphore_mem>>
      %dma_wait3A_529 = tpu.memref_squeeze %dma_wait3A_528 : memref<1x!tpu.dma_semaphore, #tpu.memory_space<semaphore_mem>> -> memref<!tpu.dma_semaphore, #tpu.memory_space<semaphore_mem>>
      %dma_wait3A_530 = arith.constant 0 : i32
      %dma_wait3A_531 = tpu.memref_slice %arg8[%dma_wait3A_521, %dma_wait3A_530] : memref<4x2560xi32, #tpu.memory_space<vmem>> -> memref<1x2560xi32, #tpu.memory_space<vmem>>
      %dma_wait3A_532 = tpu.memref_squeeze %dma_wait3A_531 : memref<1x2560xi32, #tpu.memory_space<vmem>> -> memref<2560xi32, #tpu.memory_space<vmem>>
      %dma_wait3A_533 = arith.constant 0 : i32
      %dma_wait3A_534 = tpu.memref_slice %arg3[%dma_wait3A_533] : memref<826880xi32, #tpu.memory_space<hbm>> -> memref<2560xi32, #tpu.memory_space<hbm>>
      tpu.wait_dma2 semaphore(%dma_wait3A_529 : memref<!tpu.dma_semaphore, #tpu.memory_space<semaphore_mem>>) src(%dma_wait3A_534 : memref<2560xi32, #tpu.memory_space<hbm>>) dst(%dma_wait3A_532 : memref<2560xi32, #tpu.memory_space<vmem>>)
      %dma_wait3A_535 = arith.constant 2 : i32
      %dma_wait3A_536 = arith.constant 2 : i32
      %dma_wait3A_537 = arith.constant 0 : i32
      %dma_wait3A_538 = tpu.memref_slice %arg9[%dma_wait3A_535, %dma_wait3A_537] : memref<4x2560xf32, #tpu.memory_space<vmem>> -> memref<1x2560xf32, #tpu.memory_space<vmem>>
      %dma_wait3A_539 = tpu.memref_squeeze %dma_wait3A_538 : memref<1x2560xf32, #tpu.memory_space<vmem>> -> memref<2560xf32, #tpu.memory_space<vmem>>
      %dma_wait3A_540 = arith.constant 0 : i32
      %dma_wait3A_541 = tpu.memref_slice %arg4[%add3A, %dma_wait3A_540] : memref<4x826880xf32, #tpu.memory_space<hbm>> -> memref<1x826880xf32, #tpu.memory_space<hbm>>
      %dma_wait3A_542 = tpu.memref_squeeze %dma_wait3A_541 : memref<1x826880xf32, #tpu.memory_space<hbm>> -> memref<826880xf32, #tpu.memory_space<hbm>>
      %dma_wait3A_543 = arith.constant 0 : i32
      %dma_wait3A_544 = tpu.memref_slice %dma_wait3A_542[%dma_wait3A_543] : memref<826880xf32, #tpu.memory_space<hbm>> -> memref<2560xf32, #tpu.memory_space<hbm>>
      %dma_wait3A_545 = tpu.memref_slice %arg12[%dma_wait3A_536] : memref<4x!tpu.dma_semaphore, #tpu.memory_space<semaphore_mem>> -> memref<1x!tpu.dma_semaphore, #tpu.memory_space<semaphore_mem>>
      %dma_wait3A_546 = tpu.memref_squeeze %dma_wait3A_545 : memref<1x!tpu.dma_semaphore, #tpu.memory_space<semaphore_mem>> -> memref<!tpu.dma_semaphore, #tpu.memory_space<semaphore_mem>>
      %dma_wait3A_547 = arith.constant 0 : i32
      %dma_wait3A_548 = tpu.memref_slice %arg9[%dma_wait3A_535, %dma_wait3A_547] : memref<4x2560xf32, #tpu.memory_space<vmem>> -> memref<1x2560xf32, #tpu.memory_space<vmem>>
      %dma_wait3A_549 = tpu.memref_squeeze %dma_wait3A_548 : memref<1x2560xf32, #tpu.memory_space<vmem>> -> memref<2560xf32, #tpu.memory_space<vmem>>
      %dma_wait3A_550 = arith.constant 0 : i32
      %dma_wait3A_551 = tpu.memref_slice %arg4[%add3A, %dma_wait3A_550] : memref<4x826880xf32, #tpu.memory_space<hbm>> -> memref<1x826880xf32, #tpu.memory_space<hbm>>
      %dma_wait3A_552 = tpu.memref_squeeze %dma_wait3A_551 : memref<1x826880xf32, #tpu.memory_space<hbm>> -> memref<826880xf32, #tpu.memory_space<hbm>>
      %dma_wait3A_553 = arith.constant 0 : i32
      %dma_wait3A_554 = tpu.memref_slice %dma_wait3A_552[%dma_wait3A_553] : memref<826880xf32, #tpu.memory_space<hbm>> -> memref<2560xf32, #tpu.memory_space<hbm>>
      tpu.wait_dma2 semaphore(%dma_wait3A_546 : memref<!tpu.dma_semaphore, #tpu.memory_space<semaphore_mem>>) src(%dma_wait3A_554 : memref<2560xf32, #tpu.memory_space<hbm>>) dst(%dma_wait3A_549 : memref<2560xf32, #tpu.memory_space<vmem>>)
      %add3A_555 = arith.constant 5 : i32
      %add3A_556 = arith.addi %mul3A_316, %add3A_555 : i32
      %mul3A_557 = arith.constant 2560 : i32
      %mul3A_558 = arith.muli %add3A_556, %mul3A_557 : i32
      %add3A_559 = arith.addi %mul3A_34, %mul3A_558 : i32
      %dma_start3A_560 = arith.constant 1 : i32
      %dma_start3A_561 = arith.constant 1 : i32
      %dma_start3A_562 = arith.constant 0 : i32
      %dma_start3A_563 = tpu.memref_slice %arg7[%dma_start3A_560, %dma_start3A_562] : memref<4x2560xi32, #tpu.memory_space<vmem>> -> memref<1x2560xi32, #tpu.memory_space<vmem>>
      %dma_start3A_564 = tpu.memref_squeeze %dma_start3A_563 : memref<1x2560xi32, #tpu.memory_space<vmem>> -> memref<2560xi32, #tpu.memory_space<vmem>>
      %dma_start3A_565 = tpu.memref_slice %arg2[%add3A_559] : memref<826880xi32, #tpu.memory_space<hbm>> -> memref<2560xi32, #tpu.memory_space<hbm>>
      %dma_start3A_566 = tpu.memref_slice %arg10[%dma_start3A_561] : memref<4x!tpu.dma_semaphore, #tpu.memory_space<semaphore_mem>> -> memref<1x!tpu.dma_semaphore, #tpu.memory_space<semaphore_mem>>
      %dma_start3A_567 = tpu.memref_squeeze %dma_start3A_566 : memref<1x!tpu.dma_semaphore, #tpu.memory_space<semaphore_mem>> -> memref<!tpu.dma_semaphore, #tpu.memory_space<semaphore_mem>>
      %dma_start3A_568 = arith.constant 0 : i32
      %dma_start3A_569 = tpu.memref_slice %arg7[%dma_start3A_560, %dma_start3A_568] : memref<4x2560xi32, #tpu.memory_space<vmem>> -> memref<1x2560xi32, #tpu.memory_space<vmem>>
      %dma_start3A_570 = tpu.memref_squeeze %dma_start3A_569 : memref<1x2560xi32, #tpu.memory_space<vmem>> -> memref<2560xi32, #tpu.memory_space<vmem>>
      %dma_start3A_571 = tpu.memref_slice %arg2[%add3A_559] : memref<826880xi32, #tpu.memory_space<hbm>> -> memref<2560xi32, #tpu.memory_space<hbm>>
      tpu.enqueue_dma source(%dma_start3A_571 : memref<2560xi32, #tpu.memory_space<hbm>>) target(%dma_start3A_570 : memref<2560xi32, #tpu.memory_space<vmem>>) target_semaphore(%dma_start3A_567 : memref<!tpu.dma_semaphore, #tpu.memory_space<semaphore_mem>>)
      %dma_start3A_572 = arith.constant 1 : i32
      %dma_start3A_573 = arith.constant 1 : i32
      %dma_start3A_574 = arith.constant 0 : i32
      %dma_start3A_575 = tpu.memref_slice %arg8[%dma_start3A_572, %dma_start3A_574] : memref<4x2560xi32, #tpu.memory_space<vmem>> -> memref<1x2560xi32, #tpu.memory_space<vmem>>
      %dma_start3A_576 = tpu.memref_squeeze %dma_start3A_575 : memref<1x2560xi32, #tpu.memory_space<vmem>> -> memref<2560xi32, #tpu.memory_space<vmem>>
      %dma_start3A_577 = tpu.memref_slice %arg3[%add3A_559] : memref<826880xi32, #tpu.memory_space<hbm>> -> memref<2560xi32, #tpu.memory_space<hbm>>
      %dma_start3A_578 = tpu.memref_slice %arg11[%dma_start3A_573] : memref<4x!tpu.dma_semaphore, #tpu.memory_space<semaphore_mem>> -> memref<1x!tpu.dma_semaphore, #tpu.memory_space<semaphore_mem>>
      %dma_start3A_579 = tpu.memref_squeeze %dma_start3A_578 : memref<1x!tpu.dma_semaphore, #tpu.memory_space<semaphore_mem>> -> memref<!tpu.dma_semaphore, #tpu.memory_space<semaphore_mem>>
      %dma_start3A_580 = arith.constant 0 : i32
      %dma_start3A_581 = tpu.memref_slice %arg8[%dma_start3A_572, %dma_start3A_580] : memref<4x2560xi32, #tpu.memory_space<vmem>> -> memref<1x2560xi32, #tpu.memory_space<vmem>>
      %dma_start3A_582 = tpu.memref_squeeze %dma_start3A_581 : memref<1x2560xi32, #tpu.memory_space<vmem>> -> memref<2560xi32, #tpu.memory_space<vmem>>
      %dma_start3A_583 = tpu.memref_slice %arg3[%add3A_559] : memref<826880xi32, #tpu.memory_space<hbm>> -> memref<2560xi32, #tpu.memory_space<hbm>>
      tpu.enqueue_dma source(%dma_start3A_583 : memref<2560xi32, #tpu.memory_space<hbm>>) target(%dma_start3A_582 : memref<2560xi32, #tpu.memory_space<vmem>>) target_semaphore(%dma_start3A_579 : memref<!tpu.dma_semaphore, #tpu.memory_space<semaphore_mem>>)
      %dma_start3A_584 = arith.constant 1 : i32
      %dma_start3A_585 = arith.constant 1 : i32
      %dma_start3A_586 = arith.constant 0 : i32
      %dma_start3A_587 = tpu.memref_slice %arg9[%dma_start3A_584, %dma_start3A_586] : memref<4x2560xf32, #tpu.memory_space<vmem>> -> memref<1x2560xf32, #tpu.memory_space<vmem>>
      %dma_start3A_588 = tpu.memref_squeeze %dma_start3A_587 : memref<1x2560xf32, #tpu.memory_space<vmem>> -> memref<2560xf32, #tpu.memory_space<vmem>>
      %dma_start3A_589 = arith.constant 0 : i32
      %dma_start3A_590 = tpu.memref_slice %arg4[%add3A, %dma_start3A_589] : memref<4x826880xf32, #tpu.memory_space<hbm>> -> memref<1x826880xf32, #tpu.memory_space<hbm>>
      %dma_start3A_591 = tpu.memref_squeeze %dma_start3A_590 : memref<1x826880xf32, #tpu.memory_space<hbm>> -> memref<826880xf32, #tpu.memory_space<hbm>>
      %dma_start3A_592 = tpu.memref_slice %dma_start3A_591[%add3A_559] : memref<826880xf32, #tpu.memory_space<hbm>> -> memref<2560xf32, #tpu.memory_space<hbm>>
      %dma_start3A_593 = tpu.memref_slice %arg12[%dma_start3A_585] : memref<4x!tpu.dma_semaphore, #tpu.memory_space<semaphore_mem>> -> memref<1x!tpu.dma_semaphore, #tpu.memory_space<semaphore_mem>>
      %dma_start3A_594 = tpu.memref_squeeze %dma_start3A_593 : memref<1x!tpu.dma_semaphore, #tpu.memory_space<semaphore_mem>> -> memref<!tpu.dma_semaphore, #tpu.memory_space<semaphore_mem>>
      %dma_start3A_595 = arith.constant 0 : i32
      %dma_start3A_596 = tpu.memref_slice %arg9[%dma_start3A_584, %dma_start3A_595] : memref<4x2560xf32, #tpu.memory_space<vmem>> -> memref<1x2560xf32, #tpu.memory_space<vmem>>
      %dma_start3A_597 = tpu.memref_squeeze %dma_start3A_596 : memref<1x2560xf32, #tpu.memory_space<vmem>> -> memref<2560xf32, #tpu.memory_space<vmem>>
      %dma_start3A_598 = arith.constant 0 : i32
      %dma_start3A_599 = tpu.memref_slice %arg4[%add3A, %dma_start3A_598] : memref<4x826880xf32, #tpu.memory_space<hbm>> -> memref<1x826880xf32, #tpu.memory_space<hbm>>
      %dma_start3A_600 = tpu.memref_squeeze %dma_start3A_599 : memref<1x826880xf32, #tpu.memory_space<hbm>> -> memref<826880xf32, #tpu.memory_space<hbm>>
      %dma_start3A_601 = tpu.memref_slice %dma_start3A_600[%add3A_559] : memref<826880xf32, #tpu.memory_space<hbm>> -> memref<2560xf32, #tpu.memory_space<hbm>>
      tpu.enqueue_dma source(%dma_start3A_601 : memref<2560xf32, #tpu.memory_space<hbm>>) target(%dma_start3A_597 : memref<2560xf32, #tpu.memory_space<vmem>>) target_semaphore(%dma_start3A_594 : memref<!tpu.dma_semaphore, #tpu.memory_space<semaphore_mem>>)
      %dma_wait3A_602 = arith.constant 3 : i32
      %dma_wait3A_603 = arith.constant 3 : i32
      %dma_wait3A_604 = arith.constant 0 : i32
      %dma_wait3A_605 = tpu.memref_slice %arg7[%dma_wait3A_602, %dma_wait3A_604] : memref<4x2560xi32, #tpu.memory_space<vmem>> -> memref<1x2560xi32, #tpu.memory_space<vmem>>
      %dma_wait3A_606 = tpu.memref_squeeze %dma_wait3A_605 : memref<1x2560xi32, #tpu.memory_space<vmem>> -> memref<2560xi32, #tpu.memory_space<vmem>>
      %dma_wait3A_607 = arith.constant 0 : i32
      %dma_wait3A_608 = tpu.memref_slice %arg2[%dma_wait3A_607] : memref<826880xi32, #tpu.memory_space<hbm>> -> memref<2560xi32, #tpu.memory_space<hbm>>
      %dma_wait3A_609 = tpu.memref_slice %arg10[%dma_wait3A_603] : memref<4x!tpu.dma_semaphore, #tpu.memory_space<semaphore_mem>> -> memref<1x!tpu.dma_semaphore, #tpu.memory_space<semaphore_mem>>
      %dma_wait3A_610 = tpu.memref_squeeze %dma_wait3A_609 : memref<1x!tpu.dma_semaphore, #tpu.memory_space<semaphore_mem>> -> memref<!tpu.dma_semaphore, #tpu.memory_space<semaphore_mem>>
      %dma_wait3A_611 = arith.constant 0 : i32
      %dma_wait3A_612 = tpu.memref_slice %arg7[%dma_wait3A_602, %dma_wait3A_611] : memref<4x2560xi32, #tpu.memory_space<vmem>> -> memref<1x2560xi32, #tpu.memory_space<vmem>>
      %dma_wait3A_613 = tpu.memref_squeeze %dma_wait3A_612 : memref<1x2560xi32, #tpu.memory_space<vmem>> -> memref<2560xi32, #tpu.memory_space<vmem>>
      %dma_wait3A_614 = arith.constant 0 : i32
      %dma_wait3A_615 = tpu.memref_slice %arg2[%dma_wait3A_614] : memref<826880xi32, #tpu.memory_space<hbm>> -> memref<2560xi32, #tpu.memory_space<hbm>>
      tpu.wait_dma2 semaphore(%dma_wait3A_610 : memref<!tpu.dma_semaphore, #tpu.memory_space<semaphore_mem>>) src(%dma_wait3A_615 : memref<2560xi32, #tpu.memory_space<hbm>>) dst(%dma_wait3A_613 : memref<2560xi32, #tpu.memory_space<vmem>>)
      %dma_wait3A_616 = arith.constant 3 : i32
      %dma_wait3A_617 = arith.constant 3 : i32
      %dma_wait3A_618 = arith.constant 0 : i32
      %dma_wait3A_619 = tpu.memref_slice %arg8[%dma_wait3A_616, %dma_wait3A_618] : memref<4x2560xi32, #tpu.memory_space<vmem>> -> memref<1x2560xi32, #tpu.memory_space<vmem>>
      %dma_wait3A_620 = tpu.memref_squeeze %dma_wait3A_619 : memref<1x2560xi32, #tpu.memory_space<vmem>> -> memref<2560xi32, #tpu.memory_space<vmem>>
      %dma_wait3A_621 = arith.constant 0 : i32
      %dma_wait3A_622 = tpu.memref_slice %arg3[%dma_wait3A_621] : memref<826880xi32, #tpu.memory_space<hbm>> -> memref<2560xi32, #tpu.memory_space<hbm>>
      %dma_wait3A_623 = tpu.memref_slice %arg11[%dma_wait3A_617] : memref<4x!tpu.dma_semaphore, #tpu.memory_space<semaphore_mem>> -> memref<1x!tpu.dma_semaphore, #tpu.memory_space<semaphore_mem>>
      %dma_wait3A_624 = tpu.memref_squeeze %dma_wait3A_623 : memref<1x!tpu.dma_semaphore, #tpu.memory_space<semaphore_mem>> -> memref<!tpu.dma_semaphore, #tpu.memory_space<semaphore_mem>>
      %dma_wait3A_625 = arith.constant 0 : i32
      %dma_wait3A_626 = tpu.memref_slice %arg8[%dma_wait3A_616, %dma_wait3A_625] : memref<4x2560xi32, #tpu.memory_space<vmem>> -> memref<1x2560xi32, #tpu.memory_space<vmem>>
      %dma_wait3A_627 = tpu.memref_squeeze %dma_wait3A_626 : memref<1x2560xi32, #tpu.memory_space<vmem>> -> memref<2560xi32, #tpu.memory_space<vmem>>
      %dma_wait3A_628 = arith.constant 0 : i32
      %dma_wait3A_629 = tpu.memref_slice %arg3[%dma_wait3A_628] : memref<826880xi32, #tpu.memory_space<hbm>> -> memref<2560xi32, #tpu.memory_space<hbm>>
      tpu.wait_dma2 semaphore(%dma_wait3A_624 : memref<!tpu.dma_semaphore, #tpu.memory_space<semaphore_mem>>) src(%dma_wait3A_629 : memref<2560xi32, #tpu.memory_space<hbm>>) dst(%dma_wait3A_627 : memref<2560xi32, #tpu.memory_space<vmem>>)
      %dma_wait3A_630 = arith.constant 3 : i32
      %dma_wait3A_631 = arith.constant 3 : i32
      %dma_wait3A_632 = arith.constant 0 : i32
      %dma_wait3A_633 = tpu.memref_slice %arg9[%dma_wait3A_630, %dma_wait3A_632] : memref<4x2560xf32, #tpu.memory_space<vmem>> -> memref<1x2560xf32, #tpu.memory_space<vmem>>
      %dma_wait3A_634 = tpu.memref_squeeze %dma_wait3A_633 : memref<1x2560xf32, #tpu.memory_space<vmem>> -> memref<2560xf32, #tpu.memory_space<vmem>>
      %dma_wait3A_635 = arith.constant 0 : i32
      %dma_wait3A_636 = tpu.memref_slice %arg4[%add3A, %dma_wait3A_635] : memref<4x826880xf32, #tpu.memory_space<hbm>> -> memref<1x826880xf32, #tpu.memory_space<hbm>>
      %dma_wait3A_637 = tpu.memref_squeeze %dma_wait3A_636 : memref<1x826880xf32, #tpu.memory_space<hbm>> -> memref<826880xf32, #tpu.memory_space<hbm>>
      %dma_wait3A_638 = arith.constant 0 : i32
      %dma_wait3A_639 = tpu.memref_slice %dma_wait3A_637[%dma_wait3A_638] : memref<826880xf32, #tpu.memory_space<hbm>> -> memref<2560xf32, #tpu.memory_space<hbm>>
      %dma_wait3A_640 = tpu.memref_slice %arg12[%dma_wait3A_631] : memref<4x!tpu.dma_semaphore, #tpu.memory_space<semaphore_mem>> -> memref<1x!tpu.dma_semaphore, #tpu.memory_space<semaphore_mem>>
      %dma_wait3A_641 = tpu.memref_squeeze %dma_wait3A_640 : memref<1x!tpu.dma_semaphore, #tpu.memory_space<semaphore_mem>> -> memref<!tpu.dma_semaphore, #tpu.memory_space<semaphore_mem>>
      %dma_wait3A_642 = arith.constant 0 : i32
      %dma_wait3A_643 = tpu.memref_slice %arg9[%dma_wait3A_630, %dma_wait3A_642] : memref<4x2560xf32, #tpu.memory_space<vmem>> -> memref<1x2560xf32, #tpu.memory_space<vmem>>
      %dma_wait3A_644 = tpu.memref_squeeze %dma_wait3A_643 : memref<1x2560xf32, #tpu.memory_space<vmem>> -> memref<2560xf32, #tpu.memory_space<vmem>>
      %dma_wait3A_645 = arith.constant 0 : i32
      %dma_wait3A_646 = tpu.memref_slice %arg4[%add3A, %dma_wait3A_645] : memref<4x826880xf32, #tpu.memory_space<hbm>> -> memref<1x826880xf32, #tpu.memory_space<hbm>>
      %dma_wait3A_647 = tpu.memref_squeeze %dma_wait3A_646 : memref<1x826880xf32, #tpu.memory_space<hbm>> -> memref<826880xf32, #tpu.memory_space<hbm>>
      %dma_wait3A_648 = arith.constant 0 : i32
      %dma_wait3A_649 = tpu.memref_slice %dma_wait3A_647[%dma_wait3A_648] : memref<826880xf32, #tpu.memory_space<hbm>> -> memref<2560xf32, #tpu.memory_space<hbm>>
      tpu.wait_dma2 semaphore(%dma_wait3A_641 : memref<!tpu.dma_semaphore, #tpu.memory_space<semaphore_mem>>) src(%dma_wait3A_649 : memref<2560xf32, #tpu.memory_space<hbm>>) dst(%dma_wait3A_644 : memref<2560xf32, #tpu.memory_space<vmem>>)
      %add3A_650 = arith.constant 6 : i32
      %add3A_651 = arith.addi %mul3A_316, %add3A_650 : i32
      %mul3A_652 = arith.constant 2560 : i32
      %mul3A_653 = arith.muli %add3A_651, %mul3A_652 : i32
      %add3A_654 = arith.addi %mul3A_34, %mul3A_653 : i32
      %dma_start3A_655 = arith.constant 2 : i32
      %dma_start3A_656 = arith.constant 2 : i32
      %dma_start3A_657 = arith.constant 0 : i32
      %dma_start3A_658 = tpu.memref_slice %arg7[%dma_start3A_655, %dma_start3A_657] : memref<4x2560xi32, #tpu.memory_space<vmem>> -> memref<1x2560xi32, #tpu.memory_space<vmem>>
      %dma_start3A_659 = tpu.memref_squeeze %dma_start3A_658 : memref<1x2560xi32, #tpu.memory_space<vmem>> -> memref<2560xi32, #tpu.memory_space<vmem>>
      %dma_start3A_660 = tpu.memref_slice %arg2[%add3A_654] : memref<826880xi32, #tpu.memory_space<hbm>> -> memref<2560xi32, #tpu.memory_space<hbm>>
      %dma_start3A_661 = tpu.memref_slice %arg10[%dma_start3A_656] : memref<4x!tpu.dma_semaphore, #tpu.memory_space<semaphore_mem>> -> memref<1x!tpu.dma_semaphore, #tpu.memory_space<semaphore_mem>>
      %dma_start3A_662 = tpu.memref_squeeze %dma_start3A_661 : memref<1x!tpu.dma_semaphore, #tpu.memory_space<semaphore_mem>> -> memref<!tpu.dma_semaphore, #tpu.memory_space<semaphore_mem>>
      %dma_start3A_663 = arith.constant 0 : i32
      %dma_start3A_664 = tpu.memref_slice %arg7[%dma_start3A_655, %dma_start3A_663] : memref<4x2560xi32, #tpu.memory_space<vmem>> -> memref<1x2560xi32, #tpu.memory_space<vmem>>
      %dma_start3A_665 = tpu.memref_squeeze %dma_start3A_664 : memref<1x2560xi32, #tpu.memory_space<vmem>> -> memref<2560xi32, #tpu.memory_space<vmem>>
      %dma_start3A_666 = tpu.memref_slice %arg2[%add3A_654] : memref<826880xi32, #tpu.memory_space<hbm>> -> memref<2560xi32, #tpu.memory_space<hbm>>
      tpu.enqueue_dma source(%dma_start3A_666 : memref<2560xi32, #tpu.memory_space<hbm>>) target(%dma_start3A_665 : memref<2560xi32, #tpu.memory_space<vmem>>) target_semaphore(%dma_start3A_662 : memref<!tpu.dma_semaphore, #tpu.memory_space<semaphore_mem>>)
      %dma_start3A_667 = arith.constant 2 : i32
      %dma_start3A_668 = arith.constant 2 : i32
      %dma_start3A_669 = arith.constant 0 : i32
      %dma_start3A_670 = tpu.memref_slice %arg8[%dma_start3A_667, %dma_start3A_669] : memref<4x2560xi32, #tpu.memory_space<vmem>> -> memref<1x2560xi32, #tpu.memory_space<vmem>>
      %dma_start3A_671 = tpu.memref_squeeze %dma_start3A_670 : memref<1x2560xi32, #tpu.memory_space<vmem>> -> memref<2560xi32, #tpu.memory_space<vmem>>
      %dma_start3A_672 = tpu.memref_slice %arg3[%add3A_654] : memref<826880xi32, #tpu.memory_space<hbm>> -> memref<2560xi32, #tpu.memory_space<hbm>>
      %dma_start3A_673 = tpu.memref_slice %arg11[%dma_start3A_668] : memref<4x!tpu.dma_semaphore, #tpu.memory_space<semaphore_mem>> -> memref<1x!tpu.dma_semaphore, #tpu.memory_space<semaphore_mem>>
      %dma_start3A_674 = tpu.memref_squeeze %dma_start3A_673 : memref<1x!tpu.dma_semaphore, #tpu.memory_space<semaphore_mem>> -> memref<!tpu.dma_semaphore, #tpu.memory_space<semaphore_mem>>
      %dma_start3A_675 = arith.constant 0 : i32
      %dma_start3A_676 = tpu.memref_slice %arg8[%dma_start3A_667, %dma_start3A_675] : memref<4x2560xi32, #tpu.memory_space<vmem>> -> memref<1x2560xi32, #tpu.memory_space<vmem>>
      %dma_start3A_677 = tpu.memref_squeeze %dma_start3A_676 : memref<1x2560xi32, #tpu.memory_space<vmem>> -> memref<2560xi32, #tpu.memory_space<vmem>>
      %dma_start3A_678 = tpu.memref_slice %arg3[%add3A_654] : memref<826880xi32, #tpu.memory_space<hbm>> -> memref<2560xi32, #tpu.memory_space<hbm>>
      tpu.enqueue_dma source(%dma_start3A_678 : memref<2560xi32, #tpu.memory_space<hbm>>) target(%dma_start3A_677 : memref<2560xi32, #tpu.memory_space<vmem>>) target_semaphore(%dma_start3A_674 : memref<!tpu.dma_semaphore, #tpu.memory_space<semaphore_mem>>)
      %dma_start3A_679 = arith.constant 2 : i32
      %dma_start3A_680 = arith.constant 2 : i32
      %dma_start3A_681 = arith.constant 0 : i32
      %dma_start3A_682 = tpu.memref_slice %arg9[%dma_start3A_679, %dma_start3A_681] : memref<4x2560xf32, #tpu.memory_space<vmem>> -> memref<1x2560xf32, #tpu.memory_space<vmem>>
      %dma_start3A_683 = tpu.memref_squeeze %dma_start3A_682 : memref<1x2560xf32, #tpu.memory_space<vmem>> -> memref<2560xf32, #tpu.memory_space<vmem>>
      %dma_start3A_684 = arith.constant 0 : i32
      %dma_start3A_685 = tpu.memref_slice %arg4[%add3A, %dma_start3A_684] : memref<4x826880xf32, #tpu.memory_space<hbm>> -> memref<1x826880xf32, #tpu.memory_space<hbm>>
      %dma_start3A_686 = tpu.memref_squeeze %dma_start3A_685 : memref<1x826880xf32, #tpu.memory_space<hbm>> -> memref<826880xf32, #tpu.memory_space<hbm>>
      %dma_start3A_687 = tpu.memref_slice %dma_start3A_686[%add3A_654] : memref<826880xf32, #tpu.memory_space<hbm>> -> memref<2560xf32, #tpu.memory_space<hbm>>
      %dma_start3A_688 = tpu.memref_slice %arg12[%dma_start3A_680] : memref<4x!tpu.dma_semaphore, #tpu.memory_space<semaphore_mem>> -> memref<1x!tpu.dma_semaphore, #tpu.memory_space<semaphore_mem>>
      %dma_start3A_689 = tpu.memref_squeeze %dma_start3A_688 : memref<1x!tpu.dma_semaphore, #tpu.memory_space<semaphore_mem>> -> memref<!tpu.dma_semaphore, #tpu.memory_space<semaphore_mem>>
      %dma_start3A_690 = arith.constant 0 : i32
      %dma_start3A_691 = tpu.memref_slice %arg9[%dma_start3A_679, %dma_start3A_690] : memref<4x2560xf32, #tpu.memory_space<vmem>> -> memref<1x2560xf32, #tpu.memory_space<vmem>>
      %dma_start3A_692 = tpu.memref_squeeze %dma_start3A_691 : memref<1x2560xf32, #tpu.memory_space<vmem>> -> memref<2560xf32, #tpu.memory_space<vmem>>
      %dma_start3A_693 = arith.constant 0 : i32
      %dma_start3A_694 = tpu.memref_slice %arg4[%add3A, %dma_start3A_693] : memref<4x826880xf32, #tpu.memory_space<hbm>> -> memref<1x826880xf32, #tpu.memory_space<hbm>>
      %dma_start3A_695 = tpu.memref_squeeze %dma_start3A_694 : memref<1x826880xf32, #tpu.memory_space<hbm>> -> memref<826880xf32, #tpu.memory_space<hbm>>
      %dma_start3A_696 = tpu.memref_slice %dma_start3A_695[%add3A_654] : memref<826880xf32, #tpu.memory_space<hbm>> -> memref<2560xf32, #tpu.memory_space<hbm>>
      tpu.enqueue_dma source(%dma_start3A_696 : memref<2560xf32, #tpu.memory_space<hbm>>) target(%dma_start3A_692 : memref<2560xf32, #tpu.memory_space<vmem>>) target_semaphore(%dma_start3A_689 : memref<!tpu.dma_semaphore, #tpu.memory_space<semaphore_mem>>)
    }
    %scan3A_170 = arith.constant 10 : i32
    %dma_wait3A = arith.constant 0 : i32
    %dma_wait3A_171 = arith.constant 0 : i32
    %dma_wait3A_172 = arith.constant 0 : i32
    %dma_wait3A_173 = tpu.memref_slice %arg7[%dma_wait3A, %dma_wait3A_172] : memref<4x2560xi32, #tpu.memory_space<vmem>> -> memref<1x2560xi32, #tpu.memory_space<vmem>>
    %dma_wait3A_174 = tpu.memref_squeeze %dma_wait3A_173 : memref<1x2560xi32, #tpu.memory_space<vmem>> -> memref<2560xi32, #tpu.memory_space<vmem>>
    %dma_wait3A_175 = arith.constant 0 : i32
    %dma_wait3A_176 = tpu.memref_slice %arg2[%dma_wait3A_175] : memref<826880xi32, #tpu.memory_space<hbm>> -> memref<2560xi32, #tpu.memory_space<hbm>>
    %dma_wait3A_177 = tpu.memref_slice %arg10[%dma_wait3A_171] : memref<4x!tpu.dma_semaphore, #tpu.memory_space<semaphore_mem>> -> memref<1x!tpu.dma_semaphore, #tpu.memory_space<semaphore_mem>>
    %dma_wait3A_178 = tpu.memref_squeeze %dma_wait3A_177 : memref<1x!tpu.dma_semaphore, #tpu.memory_space<semaphore_mem>> -> memref<!tpu.dma_semaphore, #tpu.memory_space<semaphore_mem>>
    %dma_wait3A_179 = arith.constant 0 : i32
    %dma_wait3A_180 = tpu.memref_slice %arg7[%dma_wait3A, %dma_wait3A_179] : memref<4x2560xi32, #tpu.memory_space<vmem>> -> memref<1x2560xi32, #tpu.memory_space<vmem>>
    %dma_wait3A_181 = tpu.memref_squeeze %dma_wait3A_180 : memref<1x2560xi32, #tpu.memory_space<vmem>> -> memref<2560xi32, #tpu.memory_space<vmem>>
    %dma_wait3A_182 = arith.constant 0 : i32
    %dma_wait3A_183 = tpu.memref_slice %arg2[%dma_wait3A_182] : memref<826880xi32, #tpu.memory_space<hbm>> -> memref<2560xi32, #tpu.memory_space<hbm>>
    tpu.wait_dma2 semaphore(%dma_wait3A_178 : memref<!tpu.dma_semaphore, #tpu.memory_space<semaphore_mem>>) src(%dma_wait3A_183 : memref<2560xi32, #tpu.memory_space<hbm>>) dst(%dma_wait3A_181 : memref<2560xi32, #tpu.memory_space<vmem>>)
    %dma_wait3A_184 = arith.constant 0 : i32
    %dma_wait3A_185 = arith.constant 0 : i32
    %dma_wait3A_186 = arith.constant 0 : i32
    %dma_wait3A_187 = tpu.memref_slice %arg8[%dma_wait3A_184, %dma_wait3A_186] : memref<4x2560xi32, #tpu.memory_space<vmem>> -> memref<1x2560xi32, #tpu.memory_space<vmem>>
    %dma_wait3A_188 = tpu.memref_squeeze %dma_wait3A_187 : memref<1x2560xi32, #tpu.memory_space<vmem>> -> memref<2560xi32, #tpu.memory_space<vmem>>
    %dma_wait3A_189 = arith.constant 0 : i32
    %dma_wait3A_190 = tpu.memref_slice %arg3[%dma_wait3A_189] : memref<826880xi32, #tpu.memory_space<hbm>> -> memref<2560xi32, #tpu.memory_space<hbm>>
    %dma_wait3A_191 = tpu.memref_slice %arg11[%dma_wait3A_185] : memref<4x!tpu.dma_semaphore, #tpu.memory_space<semaphore_mem>> -> memref<1x!tpu.dma_semaphore, #tpu.memory_space<semaphore_mem>>
    %dma_wait3A_192 = tpu.memref_squeeze %dma_wait3A_191 : memref<1x!tpu.dma_semaphore, #tpu.memory_space<semaphore_mem>> -> memref<!tpu.dma_semaphore, #tpu.memory_space<semaphore_mem>>
    %dma_wait3A_193 = arith.constant 0 : i32
    %dma_wait3A_194 = tpu.memref_slice %arg8[%dma_wait3A_184, %dma_wait3A_193] : memref<4x2560xi32, #tpu.memory_space<vmem>> -> memref<1x2560xi32, #tpu.memory_space<vmem>>
    %dma_wait3A_195 = tpu.memref_squeeze %dma_wait3A_194 : memref<1x2560xi32, #tpu.memory_space<vmem>> -> memref<2560xi32, #tpu.memory_space<vmem>>
    %dma_wait3A_196 = arith.constant 0 : i32
    %dma_wait3A_197 = tpu.memref_slice %arg3[%dma_wait3A_196] : memref<826880xi32, #tpu.memory_space<hbm>> -> memref<2560xi32, #tpu.memory_space<hbm>>
    tpu.wait_dma2 semaphore(%dma_wait3A_192 : memref<!tpu.dma_semaphore, #tpu.memory_space<semaphore_mem>>) src(%dma_wait3A_197 : memref<2560xi32, #tpu.memory_space<hbm>>) dst(%dma_wait3A_195 : memref<2560xi32, #tpu.memory_space<vmem>>)
    %dma_wait3A_198 = arith.constant 0 : i32
    %dma_wait3A_199 = arith.constant 0 : i32
    %dma_wait3A_200 = arith.constant 0 : i32
    %dma_wait3A_201 = tpu.memref_slice %arg9[%dma_wait3A_198, %dma_wait3A_200] : memref<4x2560xf32, #tpu.memory_space<vmem>> -> memref<1x2560xf32, #tpu.memory_space<vmem>>
    %dma_wait3A_202 = tpu.memref_squeeze %dma_wait3A_201 : memref<1x2560xf32, #tpu.memory_space<vmem>> -> memref<2560xf32, #tpu.memory_space<vmem>>
    %dma_wait3A_203 = arith.constant 0 : i32
    %dma_wait3A_204 = tpu.memref_slice %arg4[%add3A, %dma_wait3A_203] : memref<4x826880xf32, #tpu.memory_space<hbm>> -> memref<1x826880xf32, #tpu.memory_space<hbm>>
    %dma_wait3A_205 = tpu.memref_squeeze %dma_wait3A_204 : memref<1x826880xf32, #tpu.memory_space<hbm>> -> memref<826880xf32, #tpu.memory_space<hbm>>
    %dma_wait3A_206 = arith.constant 0 : i32
    %dma_wait3A_207 = tpu.memref_slice %dma_wait3A_205[%dma_wait3A_206] : memref<826880xf32, #tpu.memory_space<hbm>> -> memref<2560xf32, #tpu.memory_space<hbm>>
    %dma_wait3A_208 = tpu.memref_slice %arg12[%dma_wait3A_199] : memref<4x!tpu.dma_semaphore, #tpu.memory_space<semaphore_mem>> -> memref<1x!tpu.dma_semaphore, #tpu.memory_space<semaphore_mem>>
    %dma_wait3A_209 = tpu.memref_squeeze %dma_wait3A_208 : memref<1x!tpu.dma_semaphore, #tpu.memory_space<semaphore_mem>> -> memref<!tpu.dma_semaphore, #tpu.memory_space<semaphore_mem>>
    %dma_wait3A_210 = arith.constant 0 : i32
    %dma_wait3A_211 = tpu.memref_slice %arg9[%dma_wait3A_198, %dma_wait3A_210] : memref<4x2560xf32, #tpu.memory_space<vmem>> -> memref<1x2560xf32, #tpu.memory_space<vmem>>
    %dma_wait3A_212 = tpu.memref_squeeze %dma_wait3A_211 : memref<1x2560xf32, #tpu.memory_space<vmem>> -> memref<2560xf32, #tpu.memory_space<vmem>>
    %dma_wait3A_213 = arith.constant 0 : i32
    %dma_wait3A_214 = tpu.memref_slice %arg4[%add3A, %dma_wait3A_213] : memref<4x826880xf32, #tpu.memory_space<hbm>> -> memref<1x826880xf32, #tpu.memory_space<hbm>>
    %dma_wait3A_215 = tpu.memref_squeeze %dma_wait3A_214 : memref<1x826880xf32, #tpu.memory_space<hbm>> -> memref<826880xf32, #tpu.memory_space<hbm>>
    %dma_wait3A_216 = arith.constant 0 : i32
    %dma_wait3A_217 = tpu.memref_slice %dma_wait3A_215[%dma_wait3A_216] : memref<826880xf32, #tpu.memory_space<hbm>> -> memref<2560xf32, #tpu.memory_space<hbm>>
    tpu.wait_dma2 semaphore(%dma_wait3A_209 : memref<!tpu.dma_semaphore, #tpu.memory_space<semaphore_mem>>) src(%dma_wait3A_217 : memref<2560xf32, #tpu.memory_space<hbm>>) dst(%dma_wait3A_212 : memref<2560xf32, #tpu.memory_space<vmem>>)
    %dma_wait3A_218 = arith.constant 1 : i32
    %dma_wait3A_219 = arith.constant 1 : i32
    %dma_wait3A_220 = arith.constant 0 : i32
    %dma_wait3A_221 = tpu.memref_slice %arg7[%dma_wait3A_218, %dma_wait3A_220] : memref<4x2560xi32, #tpu.memory_space<vmem>> -> memref<1x2560xi32, #tpu.memory_space<vmem>>
    %dma_wait3A_222 = tpu.memref_squeeze %dma_wait3A_221 : memref<1x2560xi32, #tpu.memory_space<vmem>> -> memref<2560xi32, #tpu.memory_space<vmem>>
    %dma_wait3A_223 = arith.constant 0 : i32
    %dma_wait3A_224 = tpu.memref_slice %arg2[%dma_wait3A_223] : memref<826880xi32, #tpu.memory_space<hbm>> -> memref<2560xi32, #tpu.memory_space<hbm>>
    %dma_wait3A_225 = tpu.memref_slice %arg10[%dma_wait3A_219] : memref<4x!tpu.dma_semaphore, #tpu.memory_space<semaphore_mem>> -> memref<1x!tpu.dma_semaphore, #tpu.memory_space<semaphore_mem>>
    %dma_wait3A_226 = tpu.memref_squeeze %dma_wait3A_225 : memref<1x!tpu.dma_semaphore, #tpu.memory_space<semaphore_mem>> -> memref<!tpu.dma_semaphore, #tpu.memory_space<semaphore_mem>>
    %dma_wait3A_227 = arith.constant 0 : i32
    %dma_wait3A_228 = tpu.memref_slice %arg7[%dma_wait3A_218, %dma_wait3A_227] : memref<4x2560xi32, #tpu.memory_space<vmem>> -> memref<1x2560xi32, #tpu.memory_space<vmem>>
    %dma_wait3A_229 = tpu.memref_squeeze %dma_wait3A_228 : memref<1x2560xi32, #tpu.memory_space<vmem>> -> memref<2560xi32, #tpu.memory_space<vmem>>
    %dma_wait3A_230 = arith.constant 0 : i32
    %dma_wait3A_231 = tpu.memref_slice %arg2[%dma_wait3A_230] : memref<826880xi32, #tpu.memory_space<hbm>> -> memref<2560xi32, #tpu.memory_space<hbm>>
    tpu.wait_dma2 semaphore(%dma_wait3A_226 : memref<!tpu.dma_semaphore, #tpu.memory_space<semaphore_mem>>) src(%dma_wait3A_231 : memref<2560xi32, #tpu.memory_space<hbm>>) dst(%dma_wait3A_229 : memref<2560xi32, #tpu.memory_space<vmem>>)
    %dma_wait3A_232 = arith.constant 1 : i32
    %dma_wait3A_233 = arith.constant 1 : i32
    %dma_wait3A_234 = arith.constant 0 : i32
    %dma_wait3A_235 = tpu.memref_slice %arg8[%dma_wait3A_232, %dma_wait3A_234] : memref<4x2560xi32, #tpu.memory_space<vmem>> -> memref<1x2560xi32, #tpu.memory_space<vmem>>
    %dma_wait3A_236 = tpu.memref_squeeze %dma_wait3A_235 : memref<1x2560xi32, #tpu.memory_space<vmem>> -> memref<2560xi32, #tpu.memory_space<vmem>>
    %dma_wait3A_237 = arith.constant 0 : i32
    %dma_wait3A_238 = tpu.memref_slice %arg3[%dma_wait3A_237] : memref<826880xi32, #tpu.memory_space<hbm>> -> memref<2560xi32, #tpu.memory_space<hbm>>
    %dma_wait3A_239 = tpu.memref_slice %arg11[%dma_wait3A_233] : memref<4x!tpu.dma_semaphore, #tpu.memory_space<semaphore_mem>> -> memref<1x!tpu.dma_semaphore, #tpu.memory_space<semaphore_mem>>
    %dma_wait3A_240 = tpu.memref_squeeze %dma_wait3A_239 : memref<1x!tpu.dma_semaphore, #tpu.memory_space<semaphore_mem>> -> memref<!tpu.dma_semaphore, #tpu.memory_space<semaphore_mem>>
    %dma_wait3A_241 = arith.constant 0 : i32
    %dma_wait3A_242 = tpu.memref_slice %arg8[%dma_wait3A_232, %dma_wait3A_241] : memref<4x2560xi32, #tpu.memory_space<vmem>> -> memref<1x2560xi32, #tpu.memory_space<vmem>>
    %dma_wait3A_243 = tpu.memref_squeeze %dma_wait3A_242 : memref<1x2560xi32, #tpu.memory_space<vmem>> -> memref<2560xi32, #tpu.memory_space<vmem>>
    %dma_wait3A_244 = arith.constant 0 : i32
    %dma_wait3A_245 = tpu.memref_slice %arg3[%dma_wait3A_244] : memref<826880xi32, #tpu.memory_space<hbm>> -> memref<2560xi32, #tpu.memory_space<hbm>>
    tpu.wait_dma2 semaphore(%dma_wait3A_240 : memref<!tpu.dma_semaphore, #tpu.memory_space<semaphore_mem>>) src(%dma_wait3A_245 : memref<2560xi32, #tpu.memory_space<hbm>>) dst(%dma_wait3A_243 : memref<2560xi32, #tpu.memory_space<vmem>>)
    %dma_wait3A_246 = arith.constant 1 : i32
    %dma_wait3A_247 = arith.constant 1 : i32
    %dma_wait3A_248 = arith.constant 0 : i32
    %dma_wait3A_249 = tpu.memref_slice %arg9[%dma_wait3A_246, %dma_wait3A_248] : memref<4x2560xf32, #tpu.memory_space<vmem>> -> memref<1x2560xf32, #tpu.memory_space<vmem>>
    %dma_wait3A_250 = tpu.memref_squeeze %dma_wait3A_249 : memref<1x2560xf32, #tpu.memory_space<vmem>> -> memref<2560xf32, #tpu.memory_space<vmem>>
    %dma_wait3A_251 = arith.constant 0 : i32
    %dma_wait3A_252 = tpu.memref_slice %arg4[%add3A, %dma_wait3A_251] : memref<4x826880xf32, #tpu.memory_space<hbm>> -> memref<1x826880xf32, #tpu.memory_space<hbm>>
    %dma_wait3A_253 = tpu.memref_squeeze %dma_wait3A_252 : memref<1x826880xf32, #tpu.memory_space<hbm>> -> memref<826880xf32, #tpu.memory_space<hbm>>
    %dma_wait3A_254 = arith.constant 0 : i32
    %dma_wait3A_255 = tpu.memref_slice %dma_wait3A_253[%dma_wait3A_254] : memref<826880xf32, #tpu.memory_space<hbm>> -> memref<2560xf32, #tpu.memory_space<hbm>>
    %dma_wait3A_256 = tpu.memref_slice %arg12[%dma_wait3A_247] : memref<4x!tpu.dma_semaphore, #tpu.memory_space<semaphore_mem>> -> memref<1x!tpu.dma_semaphore, #tpu.memory_space<semaphore_mem>>
    %dma_wait3A_257 = tpu.memref_squeeze %dma_wait3A_256 : memref<1x!tpu.dma_semaphore, #tpu.memory_space<semaphore_mem>> -> memref<!tpu.dma_semaphore, #tpu.memory_space<semaphore_mem>>
    %dma_wait3A_258 = arith.constant 0 : i32
    %dma_wait3A_259 = tpu.memref_slice %arg9[%dma_wait3A_246, %dma_wait3A_258] : memref<4x2560xf32, #tpu.memory_space<vmem>> -> memref<1x2560xf32, #tpu.memory_space<vmem>>
    %dma_wait3A_260 = tpu.memref_squeeze %dma_wait3A_259 : memref<1x2560xf32, #tpu.memory_space<vmem>> -> memref<2560xf32, #tpu.memory_space<vmem>>
    %dma_wait3A_261 = arith.constant 0 : i32
    %dma_wait3A_262 = tpu.memref_slice %arg4[%add3A, %dma_wait3A_261] : memref<4x826880xf32, #tpu.memory_space<hbm>> -> memref<1x826880xf32, #tpu.memory_space<hbm>>
    %dma_wait3A_263 = tpu.memref_squeeze %dma_wait3A_262 : memref<1x826880xf32, #tpu.memory_space<hbm>> -> memref<826880xf32, #tpu.memory_space<hbm>>
    %dma_wait3A_264 = arith.constant 0 : i32
    %dma_wait3A_265 = tpu.memref_slice %dma_wait3A_263[%dma_wait3A_264] : memref<826880xf32, #tpu.memory_space<hbm>> -> memref<2560xf32, #tpu.memory_space<hbm>>
    tpu.wait_dma2 semaphore(%dma_wait3A_257 : memref<!tpu.dma_semaphore, #tpu.memory_space<semaphore_mem>>) src(%dma_wait3A_265 : memref<2560xf32, #tpu.memory_space<hbm>>) dst(%dma_wait3A_260 : memref<2560xf32, #tpu.memory_space<vmem>>)
    %dma_wait3A_266 = arith.constant 2 : i32
    %dma_wait3A_267 = arith.constant 2 : i32
    %dma_wait3A_268 = arith.constant 0 : i32
    %dma_wait3A_269 = tpu.memref_slice %arg7[%dma_wait3A_266, %dma_wait3A_268] : memref<4x2560xi32, #tpu.memory_space<vmem>> -> memref<1x2560xi32, #tpu.memory_space<vmem>>
    %dma_wait3A_270 = tpu.memref_squeeze %dma_wait3A_269 : memref<1x2560xi32, #tpu.memory_space<vmem>> -> memref<2560xi32, #tpu.memory_space<vmem>>
    %dma_wait3A_271 = arith.constant 0 : i32
    %dma_wait3A_272 = tpu.memref_slice %arg2[%dma_wait3A_271] : memref<826880xi32, #tpu.memory_space<hbm>> -> memref<2560xi32, #tpu.memory_space<hbm>>
    %dma_wait3A_273 = tpu.memref_slice %arg10[%dma_wait3A_267] : memref<4x!tpu.dma_semaphore, #tpu.memory_space<semaphore_mem>> -> memref<1x!tpu.dma_semaphore, #tpu.memory_space<semaphore_mem>>
    %dma_wait3A_274 = tpu.memref_squeeze %dma_wait3A_273 : memref<1x!tpu.dma_semaphore, #tpu.memory_space<semaphore_mem>> -> memref<!tpu.dma_semaphore, #tpu.memory_space<semaphore_mem>>
    %dma_wait3A_275 = arith.constant 0 : i32
    %dma_wait3A_276 = tpu.memref_slice %arg7[%dma_wait3A_266, %dma_wait3A_275] : memref<4x2560xi32, #tpu.memory_space<vmem>> -> memref<1x2560xi32, #tpu.memory_space<vmem>>
    %dma_wait3A_277 = tpu.memref_squeeze %dma_wait3A_276 : memref<1x2560xi32, #tpu.memory_space<vmem>> -> memref<2560xi32, #tpu.memory_space<vmem>>
    %dma_wait3A_278 = arith.constant 0 : i32
    %dma_wait3A_279 = tpu.memref_slice %arg2[%dma_wait3A_278] : memref<826880xi32, #tpu.memory_space<hbm>> -> memref<2560xi32, #tpu.memory_space<hbm>>
    tpu.wait_dma2 semaphore(%dma_wait3A_274 : memref<!tpu.dma_semaphore, #tpu.memory_space<semaphore_mem>>) src(%dma_wait3A_279 : memref<2560xi32, #tpu.memory_space<hbm>>) dst(%dma_wait3A_277 : memref<2560xi32, #tpu.memory_space<vmem>>)
    %dma_wait3A_280 = arith.constant 2 : i32
    %dma_wait3A_281 = arith.constant 2 : i32
    %dma_wait3A_282 = arith.constant 0 : i32
    %dma_wait3A_283 = tpu.memref_slice %arg8[%dma_wait3A_280, %dma_wait3A_282] : memref<4x2560xi32, #tpu.memory_space<vmem>> -> memref<1x2560xi32, #tpu.memory_space<vmem>>
    %dma_wait3A_284 = tpu.memref_squeeze %dma_wait3A_283 : memref<1x2560xi32, #tpu.memory_space<vmem>> -> memref<2560xi32, #tpu.memory_space<vmem>>
    %dma_wait3A_285 = arith.constant 0 : i32
    %dma_wait3A_286 = tpu.memref_slice %arg3[%dma_wait3A_285] : memref<826880xi32, #tpu.memory_space<hbm>> -> memref<2560xi32, #tpu.memory_space<hbm>>
    %dma_wait3A_287 = tpu.memref_slice %arg11[%dma_wait3A_281] : memref<4x!tpu.dma_semaphore, #tpu.memory_space<semaphore_mem>> -> memref<1x!tpu.dma_semaphore, #tpu.memory_space<semaphore_mem>>
    %dma_wait3A_288 = tpu.memref_squeeze %dma_wait3A_287 : memref<1x!tpu.dma_semaphore, #tpu.memory_space<semaphore_mem>> -> memref<!tpu.dma_semaphore, #tpu.memory_space<semaphore_mem>>
    %dma_wait3A_289 = arith.constant 0 : i32
    %dma_wait3A_290 = tpu.memref_slice %arg8[%dma_wait3A_280, %dma_wait3A_289] : memref<4x2560xi32, #tpu.memory_space<vmem>> -> memref<1x2560xi32, #tpu.memory_space<vmem>>
    %dma_wait3A_291 = tpu.memref_squeeze %dma_wait3A_290 : memref<1x2560xi32, #tpu.memory_space<vmem>> -> memref<2560xi32, #tpu.memory_space<vmem>>
    %dma_wait3A_292 = arith.constant 0 : i32
    %dma_wait3A_293 = tpu.memref_slice %arg3[%dma_wait3A_292] : memref<826880xi32, #tpu.memory_space<hbm>> -> memref<2560xi32, #tpu.memory_space<hbm>>
    tpu.wait_dma2 semaphore(%dma_wait3A_288 : memref<!tpu.dma_semaphore, #tpu.memory_space<semaphore_mem>>) src(%dma_wait3A_293 : memref<2560xi32, #tpu.memory_space<hbm>>) dst(%dma_wait3A_291 : memref<2560xi32, #tpu.memory_space<vmem>>)
    %dma_wait3A_294 = arith.constant 2 : i32
    %dma_wait3A_295 = arith.constant 2 : i32
    %dma_wait3A_296 = arith.constant 0 : i32
    %dma_wait3A_297 = tpu.memref_slice %arg9[%dma_wait3A_294, %dma_wait3A_296] : memref<4x2560xf32, #tpu.memory_space<vmem>> -> memref<1x2560xf32, #tpu.memory_space<vmem>>
    %dma_wait3A_298 = tpu.memref_squeeze %dma_wait3A_297 : memref<1x2560xf32, #tpu.memory_space<vmem>> -> memref<2560xf32, #tpu.memory_space<vmem>>
    %dma_wait3A_299 = arith.constant 0 : i32
    %dma_wait3A_300 = tpu.memref_slice %arg4[%add3A, %dma_wait3A_299] : memref<4x826880xf32, #tpu.memory_space<hbm>> -> memref<1x826880xf32, #tpu.memory_space<hbm>>
    %dma_wait3A_301 = tpu.memref_squeeze %dma_wait3A_300 : memref<1x826880xf32, #tpu.memory_space<hbm>> -> memref<826880xf32, #tpu.memory_space<hbm>>
    %dma_wait3A_302 = arith.constant 0 : i32
    %dma_wait3A_303 = tpu.memref_slice %dma_wait3A_301[%dma_wait3A_302] : memref<826880xf32, #tpu.memory_space<hbm>> -> memref<2560xf32, #tpu.memory_space<hbm>>
    %dma_wait3A_304 = tpu.memref_slice %arg12[%dma_wait3A_295] : memref<4x!tpu.dma_semaphore, #tpu.memory_space<semaphore_mem>> -> memref<1x!tpu.dma_semaphore, #tpu.memory_space<semaphore_mem>>
    %dma_wait3A_305 = tpu.memref_squeeze %dma_wait3A_304 : memref<1x!tpu.dma_semaphore, #tpu.memory_space<semaphore_mem>> -> memref<!tpu.dma_semaphore, #tpu.memory_space<semaphore_mem>>
    %dma_wait3A_306 = arith.constant 0 : i32
    %dma_wait3A_307 = tpu.memref_slice %arg9[%dma_wait3A_294, %dma_wait3A_306] : memref<4x2560xf32, #tpu.memory_space<vmem>> -> memref<1x2560xf32, #tpu.memory_space<vmem>>
    %dma_wait3A_308 = tpu.memref_squeeze %dma_wait3A_307 : memref<1x2560xf32, #tpu.memory_space<vmem>> -> memref<2560xf32, #tpu.memory_space<vmem>>
    %dma_wait3A_309 = arith.constant 0 : i32
    %dma_wait3A_310 = tpu.memref_slice %arg4[%add3A, %dma_wait3A_309] : memref<4x826880xf32, #tpu.memory_space<hbm>> -> memref<1x826880xf32, #tpu.memory_space<hbm>>
    %dma_wait3A_311 = tpu.memref_squeeze %dma_wait3A_310 : memref<1x826880xf32, #tpu.memory_space<hbm>> -> memref<826880xf32, #tpu.memory_space<hbm>>
    %dma_wait3A_312 = arith.constant 0 : i32
    %dma_wait3A_313 = tpu.memref_slice %dma_wait3A_311[%dma_wait3A_312] : memref<826880xf32, #tpu.memory_space<hbm>> -> memref<2560xf32, #tpu.memory_space<hbm>>
    tpu.wait_dma2 semaphore(%dma_wait3A_305 : memref<!tpu.dma_semaphore, #tpu.memory_space<semaphore_mem>>) src(%dma_wait3A_313 : memref<2560xf32, #tpu.memory_space<hbm>>) dst(%dma_wait3A_308 : memref<2560xf32, #tpu.memory_space<vmem>>)
    %barrier3A = arith.constant 0 : index
    tpu.barrier barrier_id(%barrier3A)
    "tpu.region"() ({
      %run_scoped3A = tpu.sem_alloc : memref<!tpu.dma_semaphore, #tpu.memory_space<semaphore_mem>>
      %dma_start3A_314 = arith.constant 0 : i32
      %dma_start3A_315 = arith.constant 0 : i32
      %dma_start3A_316 = tpu.memref_slice %arg5[%select_n3A_30, %dma_start3A_314, %dma_start3A_315] : memref<8x4x50176xf32, #tpu.memory_space<hbm>> -> memref<1x4x50176xf32, #tpu.memory_space<hbm>>
      %dma_start3A_317 = tpu.memref_squeeze %dma_start3A_316 : memref<1x4x50176xf32, #tpu.memory_space<hbm>> -> memref<4x50176xf32, #tpu.memory_space<hbm>>
      %dma_start3A_318 = arith.constant 0 : i32
      %dma_start3A_319 = tpu.memref_slice %dma_start3A_317[%add3A, %dma_start3A_318] : memref<4x50176xf32, #tpu.memory_space<hbm>> -> memref<1x50176xf32, #tpu.memory_space<hbm>>
      %dma_start3A_320 = tpu.memref_squeeze %dma_start3A_319 : memref<1x50176xf32, #tpu.memory_space<hbm>> -> memref<50176xf32, #tpu.memory_space<hbm>>
      %dma_start3A_321 = arith.constant 0 : i32
      %dma_start3A_322 = arith.constant 0 : i32
      %dma_start3A_323 = tpu.memref_slice %arg5[%select_n3A_30, %dma_start3A_321, %dma_start3A_322] : memref<8x4x50176xf32, #tpu.memory_space<hbm>> -> memref<1x4x50176xf32, #tpu.memory_space<hbm>>
      %dma_start3A_324 = tpu.memref_squeeze %dma_start3A_323 : memref<1x4x50176xf32, #tpu.memory_space<hbm>> -> memref<4x50176xf32, #tpu.memory_space<hbm>>
      %dma_start3A_325 = arith.constant 0 : i32
      %dma_start3A_326 = tpu.memref_slice %dma_start3A_324[%add3A, %dma_start3A_325] : memref<4x50176xf32, #tpu.memory_space<hbm>> -> memref<1x50176xf32, #tpu.memory_space<hbm>>
      %dma_start3A_327 = tpu.memref_squeeze %dma_start3A_326 : memref<1x50176xf32, #tpu.memory_space<hbm>> -> memref<50176xf32, #tpu.memory_space<hbm>>
      tpu.enqueue_dma source(%arg6 : memref<50176xf32, #tpu.memory_space<vmem>>) target(%dma_start3A_327 : memref<50176xf32, #tpu.memory_space<hbm>>) target_semaphore(%run_scoped3A : memref<!tpu.dma_semaphore, #tpu.memory_space<semaphore_mem>>)
      %dma_wait3A_328 = arith.constant 0 : i32
      %dma_wait3A_329 = arith.constant 0 : i32
      %dma_wait3A_330 = tpu.memref_slice %arg5[%select_n3A_30, %dma_wait3A_328, %dma_wait3A_329] : memref<8x4x50176xf32, #tpu.memory_space<hbm>> -> memref<1x4x50176xf32, #tpu.memory_space<hbm>>
      %dma_wait3A_331 = tpu.memref_squeeze %dma_wait3A_330 : memref<1x4x50176xf32, #tpu.memory_space<hbm>> -> memref<4x50176xf32, #tpu.memory_space<hbm>>
      %dma_wait3A_332 = arith.constant 0 : i32
      %dma_wait3A_333 = tpu.memref_slice %dma_wait3A_331[%add3A, %dma_wait3A_332] : memref<4x50176xf32, #tpu.memory_space<hbm>> -> memref<1x50176xf32, #tpu.memory_space<hbm>>
      %dma_wait3A_334 = tpu.memref_squeeze %dma_wait3A_333 : memref<1x50176xf32, #tpu.memory_space<hbm>> -> memref<50176xf32, #tpu.memory_space<hbm>>
      %dma_wait3A_335 = arith.constant 0 : i32
      %dma_wait3A_336 = arith.constant 0 : i32
      %dma_wait3A_337 = tpu.memref_slice %arg5[%select_n3A_30, %dma_wait3A_335, %dma_wait3A_336] : memref<8x4x50176xf32, #tpu.memory_space<hbm>> -> memref<1x4x50176xf32, #tpu.memory_space<hbm>>
      %dma_wait3A_338 = tpu.memref_squeeze %dma_wait3A_337 : memref<1x4x50176xf32, #tpu.memory_space<hbm>> -> memref<4x50176xf32, #tpu.memory_space<hbm>>
      %dma_wait3A_339 = arith.constant 0 : i32
      %dma_wait3A_340 = tpu.memref_slice %dma_wait3A_338[%add3A, %dma_wait3A_339] : memref<4x50176xf32, #tpu.memory_space<hbm>> -> memref<1x50176xf32, #tpu.memory_space<hbm>>
      %dma_wait3A_341 = tpu.memref_squeeze %dma_wait3A_340 : memref<1x50176xf32, #tpu.memory_space<hbm>> -> memref<50176xf32, #tpu.memory_space<hbm>>
      tpu.wait_dma2 semaphore(%run_scoped3A : memref<!tpu.dma_semaphore, #tpu.memory_space<semaphore_mem>>) src(%arg6 : memref<50176xf32, #tpu.memory_space<vmem>>) dst(%dma_wait3A_341 : memref<50176xf32, #tpu.memory_space<hbm>>)
      tpu.yield
    }) : () -> ()
    return
  }
}

#map = affine_map<(d0, d1) -> (0, 0)>
#map1 = affine_map<(d0, d1) -> (0)>
#map2 = affine_map<(d0, d1) -> (0, 0, 0)>
module attributes {stable_mosaic.version = 14 : i64} {
  func.func @k(%arg0: i32, %arg1: i32, %arg2: memref<4x50176xf32, #tpu.memory_space<hbm>>, %arg3: memref<826880xi32, #tpu.memory_space<hbm>>, %arg4: memref<826880xi32, #tpu.memory_space<hbm>>, %arg5: memref<8x4x50176xf32, #tpu.memory_space<hbm>>, %arg6: memref<50176xf32, #tpu.memory_space<vmem>>, %arg7: memref<50176xf32, #tpu.memory_space<vmem>>, %arg8: memref<4x2560xi32, #tpu.memory_space<vmem>>, %arg9: memref<4x2560xi32, #tpu.memory_space<vmem>>, %arg10: memref<4x!tpu.dma_semaphore, #tpu.memory_space<semaphore_mem>>, %arg11: memref<4x!tpu.dma_semaphore, #tpu.memory_space<semaphore_mem>>) attributes {dimension_semantics = [#tpu.dimension_semantics<core_parallel>, #tpu.dimension_semantics<subcore_parallel>], iteration_bounds = array<i64: 2, 16>, scalar_prefetch = 0 : i64, scratch_operands = 6 : i64, tpu.core_type = #tpu.core_type<sc_vector_subcore>, window_params = [{transform_indices = #map}, {transform_indices = #map1}, {transform_indices = #map1}, {transform_indices = #map2}]} {
    %mul3A = arith.constant 2 : i32
    %mul3A_0 = arith.muli %mul3A, %arg0 : i32
    %jit3A = arith.constant 8 : i32
    %div3A = arith.divsi %arg1, %jit3A : i32
    %sign3A = arith.constant 0 : i32
    %sign3A_1 = arith.cmpi sgt, %arg1, %sign3A : i32
    %sign3A_2 = arith.extui %sign3A_1 : i1 to i32
    %sign3A_3 = arith.constant 0 : i32
    %sign3A_4 = arith.cmpi slt, %arg1, %sign3A_3 : i32
    %sign3A_5 = arith.extui %sign3A_4 : i1 to i32
    %sign3A_6 = arith.subi %sign3A_2, %sign3A_5 : i32
    %sign3A_7 = arith.constant 0 : i32
    %sign3A_8 = arith.cmpi sgt, %jit3A, %sign3A_7 : i32
    %sign3A_9 = arith.extui %sign3A_8 : i1 to i32
    %sign3A_10 = arith.constant 0 : i32
    %sign3A_11 = arith.cmpi slt, %jit3A, %sign3A_10 : i32
    %sign3A_12 = arith.extui %sign3A_11 : i1 to i32
    %sign3A_13 = arith.subi %sign3A_9, %sign3A_12 : i32
    %ne3A = arith.cmpi ne, %sign3A_6, %sign3A_13 : i32
    %rem3A = arith.remsi %arg1, %jit3A : i32
    %ne3A_14 = arith.constant 0 : i32
    %ne3A_15 = arith.cmpi ne, %rem3A, %ne3A_14 : i32
    %and3A = arith.andi %ne3A, %ne3A_15 : i1
    %sub3A = arith.constant 1 : i32
    %sub3A_16 = arith.subi %div3A, %sub3A : i32
    %select_n3A = arith.select %and3A, %sub3A_16, %div3A : i32
    %add3A = arith.addi %mul3A_0, %select_n3A : i32
    %jit3A_17 = arith.constant 8 : i32
    %eq3A = arith.constant 0 : i32
    %eq3A_18 = arith.cmpi eq, %jit3A_17, %eq3A : i32
    %jit3A_19 = arith.constant 1 : i32
    %select_n3A_20 = arith.select %eq3A_18, %jit3A_19, %jit3A_17 : i32
    %rem3A_21 = arith.remsi %arg1, %select_n3A_20 : i32
    %ne3A_22 = arith.constant 0 : i32
    %ne3A_23 = arith.cmpi ne, %rem3A_21, %ne3A_22 : i32
    %lt3A = arith.constant 0 : i32
    %lt3A_24 = arith.cmpi slt, %rem3A_21, %lt3A : i32
    %lt3A_25 = arith.constant 0 : i32
    %lt3A_26 = arith.cmpi slt, %select_n3A_20, %lt3A_25 : i32
    %ne3A_27 = arith.xori %lt3A_24, %lt3A_26 : i1
    %and3A_28 = arith.andi %ne3A_27, %ne3A_23 : i1
    %add3A_29 = arith.addi %rem3A_21, %select_n3A_20 : i32
    %select_n3A_30 = arith.select %and3A_28, %add3A_29, %rem3A_21 : i32
    %mul3A_31 = arith.constant 800 : i32
    %mul3A_32 = arith.muli %select_n3A_30, %mul3A_31 : i32
    %mul3A_33 = arith.constant 128 : i32
    %mul3A_34 = arith.muli %mul3A_32, %mul3A_33 : i32
    "tpu.region"() ({
      %run_scoped3A = tpu.sem_alloc : memref<!tpu.dma_semaphore, #tpu.memory_space<semaphore_mem>>
      %dma_start3A_200 = arith.constant 0 : i32
      %dma_start3A_201 = tpu.memref_slice %arg2[%add3A, %dma_start3A_200] : memref<4x50176xf32, #tpu.memory_space<hbm>> -> memref<1x50176xf32, #tpu.memory_space<hbm>>
      %dma_start3A_202 = tpu.memref_squeeze %dma_start3A_201 : memref<1x50176xf32, #tpu.memory_space<hbm>> -> memref<50176xf32, #tpu.memory_space<hbm>>
      %dma_start3A_203 = arith.constant 0 : i32
      %dma_start3A_204 = tpu.memref_slice %arg2[%add3A, %dma_start3A_203] : memref<4x50176xf32, #tpu.memory_space<hbm>> -> memref<1x50176xf32, #tpu.memory_space<hbm>>
      %dma_start3A_205 = tpu.memref_squeeze %dma_start3A_204 : memref<1x50176xf32, #tpu.memory_space<hbm>> -> memref<50176xf32, #tpu.memory_space<hbm>>
      tpu.enqueue_dma source(%dma_start3A_205 : memref<50176xf32, #tpu.memory_space<hbm>>) target(%arg6 : memref<50176xf32, #tpu.memory_space<vmem>>) target_semaphore(%run_scoped3A : memref<!tpu.dma_semaphore, #tpu.memory_space<semaphore_mem>>)
      %dma_wait3A_206 = arith.constant 0 : i32
      %dma_wait3A_207 = tpu.memref_slice %arg2[%add3A, %dma_wait3A_206] : memref<4x50176xf32, #tpu.memory_space<hbm>> -> memref<1x50176xf32, #tpu.memory_space<hbm>>
      %dma_wait3A_208 = tpu.memref_squeeze %dma_wait3A_207 : memref<1x50176xf32, #tpu.memory_space<hbm>> -> memref<50176xf32, #tpu.memory_space<hbm>>
      %dma_wait3A_209 = arith.constant 0 : i32
      %dma_wait3A_210 = tpu.memref_slice %arg2[%add3A, %dma_wait3A_209] : memref<4x50176xf32, #tpu.memory_space<hbm>> -> memref<1x50176xf32, #tpu.memory_space<hbm>>
      %dma_wait3A_211 = tpu.memref_squeeze %dma_wait3A_210 : memref<1x50176xf32, #tpu.memory_space<hbm>> -> memref<50176xf32, #tpu.memory_space<hbm>>
      tpu.wait_dma2 semaphore(%run_scoped3A : memref<!tpu.dma_semaphore, #tpu.memory_space<semaphore_mem>>) src(%dma_wait3A_211 : memref<50176xf32, #tpu.memory_space<hbm>>) dst(%arg6 : memref<50176xf32, #tpu.memory_space<vmem>>)
      tpu.yield
    }) : () -> ()
    %add3A_35 = arith.constant 0 : i32
    %add3A_36 = arith.addi %mul3A_34, %add3A_35 : i32
    %dma_start3A = arith.constant 0 : i32
    %dma_start3A_37 = arith.constant 0 : i32
    %dma_start3A_38 = arith.constant 0 : i32
    %dma_start3A_39 = tpu.memref_slice %arg8[%dma_start3A, %dma_start3A_38] : memref<4x2560xi32, #tpu.memory_space<vmem>> -> memref<1x2560xi32, #tpu.memory_space<vmem>>
    %dma_start3A_40 = tpu.memref_squeeze %dma_start3A_39 : memref<1x2560xi32, #tpu.memory_space<vmem>> -> memref<2560xi32, #tpu.memory_space<vmem>>
    %dma_start3A_41 = tpu.memref_slice %arg3[%add3A_36] : memref<826880xi32, #tpu.memory_space<hbm>> -> memref<2560xi32, #tpu.memory_space<hbm>>
    %dma_start3A_42 = tpu.memref_slice %arg10[%dma_start3A_37] : memref<4x!tpu.dma_semaphore, #tpu.memory_space<semaphore_mem>> -> memref<1x!tpu.dma_semaphore, #tpu.memory_space<semaphore_mem>>
    %dma_start3A_43 = tpu.memref_squeeze %dma_start3A_42 : memref<1x!tpu.dma_semaphore, #tpu.memory_space<semaphore_mem>> -> memref<!tpu.dma_semaphore, #tpu.memory_space<semaphore_mem>>
    %dma_start3A_44 = arith.constant 0 : i32
    %dma_start3A_45 = tpu.memref_slice %arg8[%dma_start3A, %dma_start3A_44] : memref<4x2560xi32, #tpu.memory_space<vmem>> -> memref<1x2560xi32, #tpu.memory_space<vmem>>
    %dma_start3A_46 = tpu.memref_squeeze %dma_start3A_45 : memref<1x2560xi32, #tpu.memory_space<vmem>> -> memref<2560xi32, #tpu.memory_space<vmem>>
    %dma_start3A_47 = tpu.memref_slice %arg3[%add3A_36] : memref<826880xi32, #tpu.memory_space<hbm>> -> memref<2560xi32, #tpu.memory_space<hbm>>
    tpu.enqueue_dma source(%dma_start3A_47 : memref<2560xi32, #tpu.memory_space<hbm>>) target(%dma_start3A_46 : memref<2560xi32, #tpu.memory_space<vmem>>) target_semaphore(%dma_start3A_43 : memref<!tpu.dma_semaphore, #tpu.memory_space<semaphore_mem>>)
    %dma_start3A_48 = arith.constant 0 : i32
    %dma_start3A_49 = arith.constant 0 : i32
    %dma_start3A_50 = arith.constant 0 : i32
    %dma_start3A_51 = tpu.memref_slice %arg9[%dma_start3A_48, %dma_start3A_50] : memref<4x2560xi32, #tpu.memory_space<vmem>> -> memref<1x2560xi32, #tpu.memory_space<vmem>>
    %dma_start3A_52 = tpu.memref_squeeze %dma_start3A_51 : memref<1x2560xi32, #tpu.memory_space<vmem>> -> memref<2560xi32, #tpu.memory_space<vmem>>
    %dma_start3A_53 = tpu.memref_slice %arg4[%add3A_36] : memref<826880xi32, #tpu.memory_space<hbm>> -> memref<2560xi32, #tpu.memory_space<hbm>>
    %dma_start3A_54 = tpu.memref_slice %arg11[%dma_start3A_49] : memref<4x!tpu.dma_semaphore, #tpu.memory_space<semaphore_mem>> -> memref<1x!tpu.dma_semaphore, #tpu.memory_space<semaphore_mem>>
    %dma_start3A_55 = tpu.memref_squeeze %dma_start3A_54 : memref<1x!tpu.dma_semaphore, #tpu.memory_space<semaphore_mem>> -> memref<!tpu.dma_semaphore, #tpu.memory_space<semaphore_mem>>
    %dma_start3A_56 = arith.constant 0 : i32
    %dma_start3A_57 = tpu.memref_slice %arg9[%dma_start3A_48, %dma_start3A_56] : memref<4x2560xi32, #tpu.memory_space<vmem>> -> memref<1x2560xi32, #tpu.memory_space<vmem>>
    %dma_start3A_58 = tpu.memref_squeeze %dma_start3A_57 : memref<1x2560xi32, #tpu.memory_space<vmem>> -> memref<2560xi32, #tpu.memory_space<vmem>>
    %dma_start3A_59 = tpu.memref_slice %arg4[%add3A_36] : memref<826880xi32, #tpu.memory_space<hbm>> -> memref<2560xi32, #tpu.memory_space<hbm>>
    tpu.enqueue_dma source(%dma_start3A_59 : memref<2560xi32, #tpu.memory_space<hbm>>) target(%dma_start3A_58 : memref<2560xi32, #tpu.memory_space<vmem>>) target_semaphore(%dma_start3A_55 : memref<!tpu.dma_semaphore, #tpu.memory_space<semaphore_mem>>)
    %add3A_60 = arith.constant 2560 : i32
    %add3A_61 = arith.addi %mul3A_34, %add3A_60 : i32
    %dma_start3A_62 = arith.constant 1 : i32
    %dma_start3A_63 = arith.constant 1 : i32
    %dma_start3A_64 = arith.constant 0 : i32
    %dma_start3A_65 = tpu.memref_slice %arg8[%dma_start3A_62, %dma_start3A_64] : memref<4x2560xi32, #tpu.memory_space<vmem>> -> memref<1x2560xi32, #tpu.memory_space<vmem>>
    %dma_start3A_66 = tpu.memref_squeeze %dma_start3A_65 : memref<1x2560xi32, #tpu.memory_space<vmem>> -> memref<2560xi32, #tpu.memory_space<vmem>>
    %dma_start3A_67 = tpu.memref_slice %arg3[%add3A_61] : memref<826880xi32, #tpu.memory_space<hbm>> -> memref<2560xi32, #tpu.memory_space<hbm>>
    %dma_start3A_68 = tpu.memref_slice %arg10[%dma_start3A_63] : memref<4x!tpu.dma_semaphore, #tpu.memory_space<semaphore_mem>> -> memref<1x!tpu.dma_semaphore, #tpu.memory_space<semaphore_mem>>
    %dma_start3A_69 = tpu.memref_squeeze %dma_start3A_68 : memref<1x!tpu.dma_semaphore, #tpu.memory_space<semaphore_mem>> -> memref<!tpu.dma_semaphore, #tpu.memory_space<semaphore_mem>>
    %dma_start3A_70 = arith.constant 0 : i32
    %dma_start3A_71 = tpu.memref_slice %arg8[%dma_start3A_62, %dma_start3A_70] : memref<4x2560xi32, #tpu.memory_space<vmem>> -> memref<1x2560xi32, #tpu.memory_space<vmem>>
    %dma_start3A_72 = tpu.memref_squeeze %dma_start3A_71 : memref<1x2560xi32, #tpu.memory_space<vmem>> -> memref<2560xi32, #tpu.memory_space<vmem>>
    %dma_start3A_73 = tpu.memref_slice %arg3[%add3A_61] : memref<826880xi32, #tpu.memory_space<hbm>> -> memref<2560xi32, #tpu.memory_space<hbm>>
    tpu.enqueue_dma source(%dma_start3A_73 : memref<2560xi32, #tpu.memory_space<hbm>>) target(%dma_start3A_72 : memref<2560xi32, #tpu.memory_space<vmem>>) target_semaphore(%dma_start3A_69 : memref<!tpu.dma_semaphore, #tpu.memory_space<semaphore_mem>>)
    %dma_start3A_74 = arith.constant 1 : i32
    %dma_start3A_75 = arith.constant 1 : i32
    %dma_start3A_76 = arith.constant 0 : i32
    %dma_start3A_77 = tpu.memref_slice %arg9[%dma_start3A_74, %dma_start3A_76] : memref<4x2560xi32, #tpu.memory_space<vmem>> -> memref<1x2560xi32, #tpu.memory_space<vmem>>
    %dma_start3A_78 = tpu.memref_squeeze %dma_start3A_77 : memref<1x2560xi32, #tpu.memory_space<vmem>> -> memref<2560xi32, #tpu.memory_space<vmem>>
    %dma_start3A_79 = tpu.memref_slice %arg4[%add3A_61] : memref<826880xi32, #tpu.memory_space<hbm>> -> memref<2560xi32, #tpu.memory_space<hbm>>
    %dma_start3A_80 = tpu.memref_slice %arg11[%dma_start3A_75] : memref<4x!tpu.dma_semaphore, #tpu.memory_space<semaphore_mem>> -> memref<1x!tpu.dma_semaphore, #tpu.memory_space<semaphore_mem>>
    %dma_start3A_81 = tpu.memref_squeeze %dma_start3A_80 : memref<1x!tpu.dma_semaphore, #tpu.memory_space<semaphore_mem>> -> memref<!tpu.dma_semaphore, #tpu.memory_space<semaphore_mem>>
    %dma_start3A_82 = arith.constant 0 : i32
    %dma_start3A_83 = tpu.memref_slice %arg9[%dma_start3A_74, %dma_start3A_82] : memref<4x2560xi32, #tpu.memory_space<vmem>> -> memref<1x2560xi32, #tpu.memory_space<vmem>>
    %dma_start3A_84 = tpu.memref_squeeze %dma_start3A_83 : memref<1x2560xi32, #tpu.memory_space<vmem>> -> memref<2560xi32, #tpu.memory_space<vmem>>
    %dma_start3A_85 = tpu.memref_slice %arg4[%add3A_61] : memref<826880xi32, #tpu.memory_space<hbm>> -> memref<2560xi32, #tpu.memory_space<hbm>>
    tpu.enqueue_dma source(%dma_start3A_85 : memref<2560xi32, #tpu.memory_space<hbm>>) target(%dma_start3A_84 : memref<2560xi32, #tpu.memory_space<vmem>>) target_semaphore(%dma_start3A_81 : memref<!tpu.dma_semaphore, #tpu.memory_space<semaphore_mem>>)
    %add3A_86 = arith.constant 5120 : i32
    %add3A_87 = arith.addi %mul3A_34, %add3A_86 : i32
    %dma_start3A_88 = arith.constant 2 : i32
    %dma_start3A_89 = arith.constant 2 : i32
    %dma_start3A_90 = arith.constant 0 : i32
    %dma_start3A_91 = tpu.memref_slice %arg8[%dma_start3A_88, %dma_start3A_90] : memref<4x2560xi32, #tpu.memory_space<vmem>> -> memref<1x2560xi32, #tpu.memory_space<vmem>>
    %dma_start3A_92 = tpu.memref_squeeze %dma_start3A_91 : memref<1x2560xi32, #tpu.memory_space<vmem>> -> memref<2560xi32, #tpu.memory_space<vmem>>
    %dma_start3A_93 = tpu.memref_slice %arg3[%add3A_87] : memref<826880xi32, #tpu.memory_space<hbm>> -> memref<2560xi32, #tpu.memory_space<hbm>>
    %dma_start3A_94 = tpu.memref_slice %arg10[%dma_start3A_89] : memref<4x!tpu.dma_semaphore, #tpu.memory_space<semaphore_mem>> -> memref<1x!tpu.dma_semaphore, #tpu.memory_space<semaphore_mem>>
    %dma_start3A_95 = tpu.memref_squeeze %dma_start3A_94 : memref<1x!tpu.dma_semaphore, #tpu.memory_space<semaphore_mem>> -> memref<!tpu.dma_semaphore, #tpu.memory_space<semaphore_mem>>
    %dma_start3A_96 = arith.constant 0 : i32
    %dma_start3A_97 = tpu.memref_slice %arg8[%dma_start3A_88, %dma_start3A_96] : memref<4x2560xi32, #tpu.memory_space<vmem>> -> memref<1x2560xi32, #tpu.memory_space<vmem>>
    %dma_start3A_98 = tpu.memref_squeeze %dma_start3A_97 : memref<1x2560xi32, #tpu.memory_space<vmem>> -> memref<2560xi32, #tpu.memory_space<vmem>>
    %dma_start3A_99 = tpu.memref_slice %arg3[%add3A_87] : memref<826880xi32, #tpu.memory_space<hbm>> -> memref<2560xi32, #tpu.memory_space<hbm>>
    tpu.enqueue_dma source(%dma_start3A_99 : memref<2560xi32, #tpu.memory_space<hbm>>) target(%dma_start3A_98 : memref<2560xi32, #tpu.memory_space<vmem>>) target_semaphore(%dma_start3A_95 : memref<!tpu.dma_semaphore, #tpu.memory_space<semaphore_mem>>)
    %dma_start3A_100 = arith.constant 2 : i32
    %dma_start3A_101 = arith.constant 2 : i32
    %dma_start3A_102 = arith.constant 0 : i32
    %dma_start3A_103 = tpu.memref_slice %arg9[%dma_start3A_100, %dma_start3A_102] : memref<4x2560xi32, #tpu.memory_space<vmem>> -> memref<1x2560xi32, #tpu.memory_space<vmem>>
    %dma_start3A_104 = tpu.memref_squeeze %dma_start3A_103 : memref<1x2560xi32, #tpu.memory_space<vmem>> -> memref<2560xi32, #tpu.memory_space<vmem>>
    %dma_start3A_105 = tpu.memref_slice %arg4[%add3A_87] : memref<826880xi32, #tpu.memory_space<hbm>> -> memref<2560xi32, #tpu.memory_space<hbm>>
    %dma_start3A_106 = tpu.memref_slice %arg11[%dma_start3A_101] : memref<4x!tpu.dma_semaphore, #tpu.memory_space<semaphore_mem>> -> memref<1x!tpu.dma_semaphore, #tpu.memory_space<semaphore_mem>>
    %dma_start3A_107 = tpu.memref_squeeze %dma_start3A_106 : memref<1x!tpu.dma_semaphore, #tpu.memory_space<semaphore_mem>> -> memref<!tpu.dma_semaphore, #tpu.memory_space<semaphore_mem>>
    %dma_start3A_108 = arith.constant 0 : i32
    %dma_start3A_109 = tpu.memref_slice %arg9[%dma_start3A_100, %dma_start3A_108] : memref<4x2560xi32, #tpu.memory_space<vmem>> -> memref<1x2560xi32, #tpu.memory_space<vmem>>
    %dma_start3A_110 = tpu.memref_squeeze %dma_start3A_109 : memref<1x2560xi32, #tpu.memory_space<vmem>> -> memref<2560xi32, #tpu.memory_space<vmem>>
    %dma_start3A_111 = tpu.memref_slice %arg4[%add3A_87] : memref<826880xi32, #tpu.memory_space<hbm>> -> memref<2560xi32, #tpu.memory_space<hbm>>
    tpu.enqueue_dma source(%dma_start3A_111 : memref<2560xi32, #tpu.memory_space<hbm>>) target(%dma_start3A_110 : memref<2560xi32, #tpu.memory_space<vmem>>) target_semaphore(%dma_start3A_107 : memref<!tpu.dma_semaphore, #tpu.memory_space<semaphore_mem>>)
    %scan3A = arith.constant 0 : i32
    %scan3A_112 = arith.constant 0 : i32
    %scan3A_113 = arith.constant 10 : i32
    %scan3A_114 = arith.addi %scan3A_112, %scan3A_113 : i32
    %scan3A_115 = arith.constant 1 : i32
    scf.for %scan3A_200 = %scan3A_112 to %scan3A_114 step %scan3A_115  : i32 {
      %mul3A_201 = arith.constant 4 : i32
      %mul3A_202 = arith.muli %mul3A_201, %scan3A_200 : i32
      %dma_wait3A_203 = arith.constant 0 : i32
      %dma_wait3A_204 = arith.constant 0 : i32
      %dma_wait3A_205 = arith.constant 0 : i32
      %dma_wait3A_206 = tpu.memref_slice %arg8[%dma_wait3A_203, %dma_wait3A_205] : memref<4x2560xi32, #tpu.memory_space<vmem>> -> memref<1x2560xi32, #tpu.memory_space<vmem>>
      %dma_wait3A_207 = tpu.memref_squeeze %dma_wait3A_206 : memref<1x2560xi32, #tpu.memory_space<vmem>> -> memref<2560xi32, #tpu.memory_space<vmem>>
      %dma_wait3A_208 = arith.constant 0 : i32
      %dma_wait3A_209 = tpu.memref_slice %arg3[%dma_wait3A_208] : memref<826880xi32, #tpu.memory_space<hbm>> -> memref<2560xi32, #tpu.memory_space<hbm>>
      %dma_wait3A_210 = tpu.memref_slice %arg10[%dma_wait3A_204] : memref<4x!tpu.dma_semaphore, #tpu.memory_space<semaphore_mem>> -> memref<1x!tpu.dma_semaphore, #tpu.memory_space<semaphore_mem>>
      %dma_wait3A_211 = tpu.memref_squeeze %dma_wait3A_210 : memref<1x!tpu.dma_semaphore, #tpu.memory_space<semaphore_mem>> -> memref<!tpu.dma_semaphore, #tpu.memory_space<semaphore_mem>>
      %dma_wait3A_212 = arith.constant 0 : i32
      %dma_wait3A_213 = tpu.memref_slice %arg8[%dma_wait3A_203, %dma_wait3A_212] : memref<4x2560xi32, #tpu.memory_space<vmem>> -> memref<1x2560xi32, #tpu.memory_space<vmem>>
      %dma_wait3A_214 = tpu.memref_squeeze %dma_wait3A_213 : memref<1x2560xi32, #tpu.memory_space<vmem>> -> memref<2560xi32, #tpu.memory_space<vmem>>
      %dma_wait3A_215 = arith.constant 0 : i32
      %dma_wait3A_216 = tpu.memref_slice %arg3[%dma_wait3A_215] : memref<826880xi32, #tpu.memory_space<hbm>> -> memref<2560xi32, #tpu.memory_space<hbm>>
      tpu.wait_dma2 semaphore(%dma_wait3A_211 : memref<!tpu.dma_semaphore, #tpu.memory_space<semaphore_mem>>) src(%dma_wait3A_216 : memref<2560xi32, #tpu.memory_space<hbm>>) dst(%dma_wait3A_214 : memref<2560xi32, #tpu.memory_space<vmem>>)
      %dma_wait3A_217 = arith.constant 0 : i32
      %dma_wait3A_218 = arith.constant 0 : i32
      %dma_wait3A_219 = arith.constant 0 : i32
      %dma_wait3A_220 = tpu.memref_slice %arg9[%dma_wait3A_217, %dma_wait3A_219] : memref<4x2560xi32, #tpu.memory_space<vmem>> -> memref<1x2560xi32, #tpu.memory_space<vmem>>
      %dma_wait3A_221 = tpu.memref_squeeze %dma_wait3A_220 : memref<1x2560xi32, #tpu.memory_space<vmem>> -> memref<2560xi32, #tpu.memory_space<vmem>>
      %dma_wait3A_222 = arith.constant 0 : i32
      %dma_wait3A_223 = tpu.memref_slice %arg4[%dma_wait3A_222] : memref<826880xi32, #tpu.memory_space<hbm>> -> memref<2560xi32, #tpu.memory_space<hbm>>
      %dma_wait3A_224 = tpu.memref_slice %arg11[%dma_wait3A_218] : memref<4x!tpu.dma_semaphore, #tpu.memory_space<semaphore_mem>> -> memref<1x!tpu.dma_semaphore, #tpu.memory_space<semaphore_mem>>
      %dma_wait3A_225 = tpu.memref_squeeze %dma_wait3A_224 : memref<1x!tpu.dma_semaphore, #tpu.memory_space<semaphore_mem>> -> memref<!tpu.dma_semaphore, #tpu.memory_space<semaphore_mem>>
      %dma_wait3A_226 = arith.constant 0 : i32
      %dma_wait3A_227 = tpu.memref_slice %arg9[%dma_wait3A_217, %dma_wait3A_226] : memref<4x2560xi32, #tpu.memory_space<vmem>> -> memref<1x2560xi32, #tpu.memory_space<vmem>>
      %dma_wait3A_228 = tpu.memref_squeeze %dma_wait3A_227 : memref<1x2560xi32, #tpu.memory_space<vmem>> -> memref<2560xi32, #tpu.memory_space<vmem>>
      %dma_wait3A_229 = arith.constant 0 : i32
      %dma_wait3A_230 = tpu.memref_slice %arg4[%dma_wait3A_229] : memref<826880xi32, #tpu.memory_space<hbm>> -> memref<2560xi32, #tpu.memory_space<hbm>>
      tpu.wait_dma2 semaphore(%dma_wait3A_225 : memref<!tpu.dma_semaphore, #tpu.memory_space<semaphore_mem>>) src(%dma_wait3A_230 : memref<2560xi32, #tpu.memory_space<hbm>>) dst(%dma_wait3A_228 : memref<2560xi32, #tpu.memory_space<vmem>>)
      %add3A_231 = arith.constant 3 : i32
      %add3A_232 = arith.addi %mul3A_202, %add3A_231 : i32
      %mul3A_233 = arith.constant 2560 : i32
      %mul3A_234 = arith.muli %add3A_232, %mul3A_233 : i32
      %add3A_235 = arith.addi %mul3A_34, %mul3A_234 : i32
      %dma_start3A_236 = arith.constant 3 : i32
      %dma_start3A_237 = arith.constant 3 : i32
      %dma_start3A_238 = arith.constant 0 : i32
      %dma_start3A_239 = tpu.memref_slice %arg8[%dma_start3A_236, %dma_start3A_238] : memref<4x2560xi32, #tpu.memory_space<vmem>> -> memref<1x2560xi32, #tpu.memory_space<vmem>>
      %dma_start3A_240 = tpu.memref_squeeze %dma_start3A_239 : memref<1x2560xi32, #tpu.memory_space<vmem>> -> memref<2560xi32, #tpu.memory_space<vmem>>
      %dma_start3A_241 = tpu.memref_slice %arg3[%add3A_235] : memref<826880xi32, #tpu.memory_space<hbm>> -> memref<2560xi32, #tpu.memory_space<hbm>>
      %dma_start3A_242 = tpu.memref_slice %arg10[%dma_start3A_237] : memref<4x!tpu.dma_semaphore, #tpu.memory_space<semaphore_mem>> -> memref<1x!tpu.dma_semaphore, #tpu.memory_space<semaphore_mem>>
      %dma_start3A_243 = tpu.memref_squeeze %dma_start3A_242 : memref<1x!tpu.dma_semaphore, #tpu.memory_space<semaphore_mem>> -> memref<!tpu.dma_semaphore, #tpu.memory_space<semaphore_mem>>
      %dma_start3A_244 = arith.constant 0 : i32
      %dma_start3A_245 = tpu.memref_slice %arg8[%dma_start3A_236, %dma_start3A_244] : memref<4x2560xi32, #tpu.memory_space<vmem>> -> memref<1x2560xi32, #tpu.memory_space<vmem>>
      %dma_start3A_246 = tpu.memref_squeeze %dma_start3A_245 : memref<1x2560xi32, #tpu.memory_space<vmem>> -> memref<2560xi32, #tpu.memory_space<vmem>>
      %dma_start3A_247 = tpu.memref_slice %arg3[%add3A_235] : memref<826880xi32, #tpu.memory_space<hbm>> -> memref<2560xi32, #tpu.memory_space<hbm>>
      tpu.enqueue_dma source(%dma_start3A_247 : memref<2560xi32, #tpu.memory_space<hbm>>) target(%dma_start3A_246 : memref<2560xi32, #tpu.memory_space<vmem>>) target_semaphore(%dma_start3A_243 : memref<!tpu.dma_semaphore, #tpu.memory_space<semaphore_mem>>)
      %dma_start3A_248 = arith.constant 3 : i32
      %dma_start3A_249 = arith.constant 3 : i32
      %dma_start3A_250 = arith.constant 0 : i32
      %dma_start3A_251 = tpu.memref_slice %arg9[%dma_start3A_248, %dma_start3A_250] : memref<4x2560xi32, #tpu.memory_space<vmem>> -> memref<1x2560xi32, #tpu.memory_space<vmem>>
      %dma_start3A_252 = tpu.memref_squeeze %dma_start3A_251 : memref<1x2560xi32, #tpu.memory_space<vmem>> -> memref<2560xi32, #tpu.memory_space<vmem>>
      %dma_start3A_253 = tpu.memref_slice %arg4[%add3A_235] : memref<826880xi32, #tpu.memory_space<hbm>> -> memref<2560xi32, #tpu.memory_space<hbm>>
      %dma_start3A_254 = tpu.memref_slice %arg11[%dma_start3A_249] : memref<4x!tpu.dma_semaphore, #tpu.memory_space<semaphore_mem>> -> memref<1x!tpu.dma_semaphore, #tpu.memory_space<semaphore_mem>>
      %dma_start3A_255 = tpu.memref_squeeze %dma_start3A_254 : memref<1x!tpu.dma_semaphore, #tpu.memory_space<semaphore_mem>> -> memref<!tpu.dma_semaphore, #tpu.memory_space<semaphore_mem>>
      %dma_start3A_256 = arith.constant 0 : i32
      %dma_start3A_257 = tpu.memref_slice %arg9[%dma_start3A_248, %dma_start3A_256] : memref<4x2560xi32, #tpu.memory_space<vmem>> -> memref<1x2560xi32, #tpu.memory_space<vmem>>
      %dma_start3A_258 = tpu.memref_squeeze %dma_start3A_257 : memref<1x2560xi32, #tpu.memory_space<vmem>> -> memref<2560xi32, #tpu.memory_space<vmem>>
      %dma_start3A_259 = tpu.memref_slice %arg4[%add3A_235] : memref<826880xi32, #tpu.memory_space<hbm>> -> memref<2560xi32, #tpu.memory_space<hbm>>
      tpu.enqueue_dma source(%dma_start3A_259 : memref<2560xi32, #tpu.memory_space<hbm>>) target(%dma_start3A_258 : memref<2560xi32, #tpu.memory_space<vmem>>) target_semaphore(%dma_start3A_255 : memref<!tpu.dma_semaphore, #tpu.memory_space<semaphore_mem>>)
      %dma_wait3A_260 = arith.constant 1 : i32
      %dma_wait3A_261 = arith.constant 1 : i32
      %dma_wait3A_262 = arith.constant 0 : i32
      %dma_wait3A_263 = tpu.memref_slice %arg8[%dma_wait3A_260, %dma_wait3A_262] : memref<4x2560xi32, #tpu.memory_space<vmem>> -> memref<1x2560xi32, #tpu.memory_space<vmem>>
      %dma_wait3A_264 = tpu.memref_squeeze %dma_wait3A_263 : memref<1x2560xi32, #tpu.memory_space<vmem>> -> memref<2560xi32, #tpu.memory_space<vmem>>
      %dma_wait3A_265 = arith.constant 0 : i32
      %dma_wait3A_266 = tpu.memref_slice %arg3[%dma_wait3A_265] : memref<826880xi32, #tpu.memory_space<hbm>> -> memref<2560xi32, #tpu.memory_space<hbm>>
      %dma_wait3A_267 = tpu.memref_slice %arg10[%dma_wait3A_261] : memref<4x!tpu.dma_semaphore, #tpu.memory_space<semaphore_mem>> -> memref<1x!tpu.dma_semaphore, #tpu.memory_space<semaphore_mem>>
      %dma_wait3A_268 = tpu.memref_squeeze %dma_wait3A_267 : memref<1x!tpu.dma_semaphore, #tpu.memory_space<semaphore_mem>> -> memref<!tpu.dma_semaphore, #tpu.memory_space<semaphore_mem>>
      %dma_wait3A_269 = arith.constant 0 : i32
      %dma_wait3A_270 = tpu.memref_slice %arg8[%dma_wait3A_260, %dma_wait3A_269] : memref<4x2560xi32, #tpu.memory_space<vmem>> -> memref<1x2560xi32, #tpu.memory_space<vmem>>
      %dma_wait3A_271 = tpu.memref_squeeze %dma_wait3A_270 : memref<1x2560xi32, #tpu.memory_space<vmem>> -> memref<2560xi32, #tpu.memory_space<vmem>>
      %dma_wait3A_272 = arith.constant 0 : i32
      %dma_wait3A_273 = tpu.memref_slice %arg3[%dma_wait3A_272] : memref<826880xi32, #tpu.memory_space<hbm>> -> memref<2560xi32, #tpu.memory_space<hbm>>
      tpu.wait_dma2 semaphore(%dma_wait3A_268 : memref<!tpu.dma_semaphore, #tpu.memory_space<semaphore_mem>>) src(%dma_wait3A_273 : memref<2560xi32, #tpu.memory_space<hbm>>) dst(%dma_wait3A_271 : memref<2560xi32, #tpu.memory_space<vmem>>)
      %dma_wait3A_274 = arith.constant 1 : i32
      %dma_wait3A_275 = arith.constant 1 : i32
      %dma_wait3A_276 = arith.constant 0 : i32
      %dma_wait3A_277 = tpu.memref_slice %arg9[%dma_wait3A_274, %dma_wait3A_276] : memref<4x2560xi32, #tpu.memory_space<vmem>> -> memref<1x2560xi32, #tpu.memory_space<vmem>>
      %dma_wait3A_278 = tpu.memref_squeeze %dma_wait3A_277 : memref<1x2560xi32, #tpu.memory_space<vmem>> -> memref<2560xi32, #tpu.memory_space<vmem>>
      %dma_wait3A_279 = arith.constant 0 : i32
      %dma_wait3A_280 = tpu.memref_slice %arg4[%dma_wait3A_279] : memref<826880xi32, #tpu.memory_space<hbm>> -> memref<2560xi32, #tpu.memory_space<hbm>>
      %dma_wait3A_281 = tpu.memref_slice %arg11[%dma_wait3A_275] : memref<4x!tpu.dma_semaphore, #tpu.memory_space<semaphore_mem>> -> memref<1x!tpu.dma_semaphore, #tpu.memory_space<semaphore_mem>>
      %dma_wait3A_282 = tpu.memref_squeeze %dma_wait3A_281 : memref<1x!tpu.dma_semaphore, #tpu.memory_space<semaphore_mem>> -> memref<!tpu.dma_semaphore, #tpu.memory_space<semaphore_mem>>
      %dma_wait3A_283 = arith.constant 0 : i32
      %dma_wait3A_284 = tpu.memref_slice %arg9[%dma_wait3A_274, %dma_wait3A_283] : memref<4x2560xi32, #tpu.memory_space<vmem>> -> memref<1x2560xi32, #tpu.memory_space<vmem>>
      %dma_wait3A_285 = tpu.memref_squeeze %dma_wait3A_284 : memref<1x2560xi32, #tpu.memory_space<vmem>> -> memref<2560xi32, #tpu.memory_space<vmem>>
      %dma_wait3A_286 = arith.constant 0 : i32
      %dma_wait3A_287 = tpu.memref_slice %arg4[%dma_wait3A_286] : memref<826880xi32, #tpu.memory_space<hbm>> -> memref<2560xi32, #tpu.memory_space<hbm>>
      tpu.wait_dma2 semaphore(%dma_wait3A_282 : memref<!tpu.dma_semaphore, #tpu.memory_space<semaphore_mem>>) src(%dma_wait3A_287 : memref<2560xi32, #tpu.memory_space<hbm>>) dst(%dma_wait3A_285 : memref<2560xi32, #tpu.memory_space<vmem>>)
      %add3A_288 = arith.constant 4 : i32
      %add3A_289 = arith.addi %mul3A_202, %add3A_288 : i32
      %mul3A_290 = arith.constant 2560 : i32
      %mul3A_291 = arith.muli %add3A_289, %mul3A_290 : i32
      %add3A_292 = arith.addi %mul3A_34, %mul3A_291 : i32
      %dma_start3A_293 = arith.constant 0 : i32
      %dma_start3A_294 = arith.constant 0 : i32
      %dma_start3A_295 = arith.constant 0 : i32
      %dma_start3A_296 = tpu.memref_slice %arg8[%dma_start3A_293, %dma_start3A_295] : memref<4x2560xi32, #tpu.memory_space<vmem>> -> memref<1x2560xi32, #tpu.memory_space<vmem>>
      %dma_start3A_297 = tpu.memref_squeeze %dma_start3A_296 : memref<1x2560xi32, #tpu.memory_space<vmem>> -> memref<2560xi32, #tpu.memory_space<vmem>>
      %dma_start3A_298 = tpu.memref_slice %arg3[%add3A_292] : memref<826880xi32, #tpu.memory_space<hbm>> -> memref<2560xi32, #tpu.memory_space<hbm>>
      %dma_start3A_299 = tpu.memref_slice %arg10[%dma_start3A_294] : memref<4x!tpu.dma_semaphore, #tpu.memory_space<semaphore_mem>> -> memref<1x!tpu.dma_semaphore, #tpu.memory_space<semaphore_mem>>
      %dma_start3A_300 = tpu.memref_squeeze %dma_start3A_299 : memref<1x!tpu.dma_semaphore, #tpu.memory_space<semaphore_mem>> -> memref<!tpu.dma_semaphore, #tpu.memory_space<semaphore_mem>>
      %dma_start3A_301 = arith.constant 0 : i32
      %dma_start3A_302 = tpu.memref_slice %arg8[%dma_start3A_293, %dma_start3A_301] : memref<4x2560xi32, #tpu.memory_space<vmem>> -> memref<1x2560xi32, #tpu.memory_space<vmem>>
      %dma_start3A_303 = tpu.memref_squeeze %dma_start3A_302 : memref<1x2560xi32, #tpu.memory_space<vmem>> -> memref<2560xi32, #tpu.memory_space<vmem>>
      %dma_start3A_304 = tpu.memref_slice %arg3[%add3A_292] : memref<826880xi32, #tpu.memory_space<hbm>> -> memref<2560xi32, #tpu.memory_space<hbm>>
      tpu.enqueue_dma source(%dma_start3A_304 : memref<2560xi32, #tpu.memory_space<hbm>>) target(%dma_start3A_303 : memref<2560xi32, #tpu.memory_space<vmem>>) target_semaphore(%dma_start3A_300 : memref<!tpu.dma_semaphore, #tpu.memory_space<semaphore_mem>>)
      %dma_start3A_305 = arith.constant 0 : i32
      %dma_start3A_306 = arith.constant 0 : i32
      %dma_start3A_307 = arith.constant 0 : i32
      %dma_start3A_308 = tpu.memref_slice %arg9[%dma_start3A_305, %dma_start3A_307] : memref<4x2560xi32, #tpu.memory_space<vmem>> -> memref<1x2560xi32, #tpu.memory_space<vmem>>
      %dma_start3A_309 = tpu.memref_squeeze %dma_start3A_308 : memref<1x2560xi32, #tpu.memory_space<vmem>> -> memref<2560xi32, #tpu.memory_space<vmem>>
      %dma_start3A_310 = tpu.memref_slice %arg4[%add3A_292] : memref<826880xi32, #tpu.memory_space<hbm>> -> memref<2560xi32, #tpu.memory_space<hbm>>
      %dma_start3A_311 = tpu.memref_slice %arg11[%dma_start3A_306] : memref<4x!tpu.dma_semaphore, #tpu.memory_space<semaphore_mem>> -> memref<1x!tpu.dma_semaphore, #tpu.memory_space<semaphore_mem>>
      %dma_start3A_312 = tpu.memref_squeeze %dma_start3A_311 : memref<1x!tpu.dma_semaphore, #tpu.memory_space<semaphore_mem>> -> memref<!tpu.dma_semaphore, #tpu.memory_space<semaphore_mem>>
      %dma_start3A_313 = arith.constant 0 : i32
      %dma_start3A_314 = tpu.memref_slice %arg9[%dma_start3A_305, %dma_start3A_313] : memref<4x2560xi32, #tpu.memory_space<vmem>> -> memref<1x2560xi32, #tpu.memory_space<vmem>>
      %dma_start3A_315 = tpu.memref_squeeze %dma_start3A_314 : memref<1x2560xi32, #tpu.memory_space<vmem>> -> memref<2560xi32, #tpu.memory_space<vmem>>
      %dma_start3A_316 = tpu.memref_slice %arg4[%add3A_292] : memref<826880xi32, #tpu.memory_space<hbm>> -> memref<2560xi32, #tpu.memory_space<hbm>>
      tpu.enqueue_dma source(%dma_start3A_316 : memref<2560xi32, #tpu.memory_space<hbm>>) target(%dma_start3A_315 : memref<2560xi32, #tpu.memory_space<vmem>>) target_semaphore(%dma_start3A_312 : memref<!tpu.dma_semaphore, #tpu.memory_space<semaphore_mem>>)
      %dma_wait3A_317 = arith.constant 2 : i32
      %dma_wait3A_318 = arith.constant 2 : i32
      %dma_wait3A_319 = arith.constant 0 : i32
      %dma_wait3A_320 = tpu.memref_slice %arg8[%dma_wait3A_317, %dma_wait3A_319] : memref<4x2560xi32, #tpu.memory_space<vmem>> -> memref<1x2560xi32, #tpu.memory_space<vmem>>
      %dma_wait3A_321 = tpu.memref_squeeze %dma_wait3A_320 : memref<1x2560xi32, #tpu.memory_space<vmem>> -> memref<2560xi32, #tpu.memory_space<vmem>>
      %dma_wait3A_322 = arith.constant 0 : i32
      %dma_wait3A_323 = tpu.memref_slice %arg3[%dma_wait3A_322] : memref<826880xi32, #tpu.memory_space<hbm>> -> memref<2560xi32, #tpu.memory_space<hbm>>
      %dma_wait3A_324 = tpu.memref_slice %arg10[%dma_wait3A_318] : memref<4x!tpu.dma_semaphore, #tpu.memory_space<semaphore_mem>> -> memref<1x!tpu.dma_semaphore, #tpu.memory_space<semaphore_mem>>
      %dma_wait3A_325 = tpu.memref_squeeze %dma_wait3A_324 : memref<1x!tpu.dma_semaphore, #tpu.memory_space<semaphore_mem>> -> memref<!tpu.dma_semaphore, #tpu.memory_space<semaphore_mem>>
      %dma_wait3A_326 = arith.constant 0 : i32
      %dma_wait3A_327 = tpu.memref_slice %arg8[%dma_wait3A_317, %dma_wait3A_326] : memref<4x2560xi32, #tpu.memory_space<vmem>> -> memref<1x2560xi32, #tpu.memory_space<vmem>>
      %dma_wait3A_328 = tpu.memref_squeeze %dma_wait3A_327 : memref<1x2560xi32, #tpu.memory_space<vmem>> -> memref<2560xi32, #tpu.memory_space<vmem>>
      %dma_wait3A_329 = arith.constant 0 : i32
      %dma_wait3A_330 = tpu.memref_slice %arg3[%dma_wait3A_329] : memref<826880xi32, #tpu.memory_space<hbm>> -> memref<2560xi32, #tpu.memory_space<hbm>>
      tpu.wait_dma2 semaphore(%dma_wait3A_325 : memref<!tpu.dma_semaphore, #tpu.memory_space<semaphore_mem>>) src(%dma_wait3A_330 : memref<2560xi32, #tpu.memory_space<hbm>>) dst(%dma_wait3A_328 : memref<2560xi32, #tpu.memory_space<vmem>>)
      %dma_wait3A_331 = arith.constant 2 : i32
      %dma_wait3A_332 = arith.constant 2 : i32
      %dma_wait3A_333 = arith.constant 0 : i32
      %dma_wait3A_334 = tpu.memref_slice %arg9[%dma_wait3A_331, %dma_wait3A_333] : memref<4x2560xi32, #tpu.memory_space<vmem>> -> memref<1x2560xi32, #tpu.memory_space<vmem>>
      %dma_wait3A_335 = tpu.memref_squeeze %dma_wait3A_334 : memref<1x2560xi32, #tpu.memory_space<vmem>> -> memref<2560xi32, #tpu.memory_space<vmem>>
      %dma_wait3A_336 = arith.constant 0 : i32
      %dma_wait3A_337 = tpu.memref_slice %arg4[%dma_wait3A_336] : memref<826880xi32, #tpu.memory_space<hbm>> -> memref<2560xi32, #tpu.memory_space<hbm>>
      %dma_wait3A_338 = tpu.memref_slice %arg11[%dma_wait3A_332] : memref<4x!tpu.dma_semaphore, #tpu.memory_space<semaphore_mem>> -> memref<1x!tpu.dma_semaphore, #tpu.memory_space<semaphore_mem>>
      %dma_wait3A_339 = tpu.memref_squeeze %dma_wait3A_338 : memref<1x!tpu.dma_semaphore, #tpu.memory_space<semaphore_mem>> -> memref<!tpu.dma_semaphore, #tpu.memory_space<semaphore_mem>>
      %dma_wait3A_340 = arith.constant 0 : i32
      %dma_wait3A_341 = tpu.memref_slice %arg9[%dma_wait3A_331, %dma_wait3A_340] : memref<4x2560xi32, #tpu.memory_space<vmem>> -> memref<1x2560xi32, #tpu.memory_space<vmem>>
      %dma_wait3A_342 = tpu.memref_squeeze %dma_wait3A_341 : memref<1x2560xi32, #tpu.memory_space<vmem>> -> memref<2560xi32, #tpu.memory_space<vmem>>
      %dma_wait3A_343 = arith.constant 0 : i32
      %dma_wait3A_344 = tpu.memref_slice %arg4[%dma_wait3A_343] : memref<826880xi32, #tpu.memory_space<hbm>> -> memref<2560xi32, #tpu.memory_space<hbm>>
      tpu.wait_dma2 semaphore(%dma_wait3A_339 : memref<!tpu.dma_semaphore, #tpu.memory_space<semaphore_mem>>) src(%dma_wait3A_344 : memref<2560xi32, #tpu.memory_space<hbm>>) dst(%dma_wait3A_342 : memref<2560xi32, #tpu.memory_space<vmem>>)
      %add3A_345 = arith.constant 5 : i32
      %add3A_346 = arith.addi %mul3A_202, %add3A_345 : i32
      %mul3A_347 = arith.constant 2560 : i32
      %mul3A_348 = arith.muli %add3A_346, %mul3A_347 : i32
      %add3A_349 = arith.addi %mul3A_34, %mul3A_348 : i32
      %dma_start3A_350 = arith.constant 1 : i32
      %dma_start3A_351 = arith.constant 1 : i32
      %dma_start3A_352 = arith.constant 0 : i32
      %dma_start3A_353 = tpu.memref_slice %arg8[%dma_start3A_350, %dma_start3A_352] : memref<4x2560xi32, #tpu.memory_space<vmem>> -> memref<1x2560xi32, #tpu.memory_space<vmem>>
      %dma_start3A_354 = tpu.memref_squeeze %dma_start3A_353 : memref<1x2560xi32, #tpu.memory_space<vmem>> -> memref<2560xi32, #tpu.memory_space<vmem>>
      %dma_start3A_355 = tpu.memref_slice %arg3[%add3A_349] : memref<826880xi32, #tpu.memory_space<hbm>> -> memref<2560xi32, #tpu.memory_space<hbm>>
      %dma_start3A_356 = tpu.memref_slice %arg10[%dma_start3A_351] : memref<4x!tpu.dma_semaphore, #tpu.memory_space<semaphore_mem>> -> memref<1x!tpu.dma_semaphore, #tpu.memory_space<semaphore_mem>>
      %dma_start3A_357 = tpu.memref_squeeze %dma_start3A_356 : memref<1x!tpu.dma_semaphore, #tpu.memory_space<semaphore_mem>> -> memref<!tpu.dma_semaphore, #tpu.memory_space<semaphore_mem>>
      %dma_start3A_358 = arith.constant 0 : i32
      %dma_start3A_359 = tpu.memref_slice %arg8[%dma_start3A_350, %dma_start3A_358] : memref<4x2560xi32, #tpu.memory_space<vmem>> -> memref<1x2560xi32, #tpu.memory_space<vmem>>
      %dma_start3A_360 = tpu.memref_squeeze %dma_start3A_359 : memref<1x2560xi32, #tpu.memory_space<vmem>> -> memref<2560xi32, #tpu.memory_space<vmem>>
      %dma_start3A_361 = tpu.memref_slice %arg3[%add3A_349] : memref<826880xi32, #tpu.memory_space<hbm>> -> memref<2560xi32, #tpu.memory_space<hbm>>
      tpu.enqueue_dma source(%dma_start3A_361 : memref<2560xi32, #tpu.memory_space<hbm>>) target(%dma_start3A_360 : memref<2560xi32, #tpu.memory_space<vmem>>) target_semaphore(%dma_start3A_357 : memref<!tpu.dma_semaphore, #tpu.memory_space<semaphore_mem>>)
      %dma_start3A_362 = arith.constant 1 : i32
      %dma_start3A_363 = arith.constant 1 : i32
      %dma_start3A_364 = arith.constant 0 : i32
      %dma_start3A_365 = tpu.memref_slice %arg9[%dma_start3A_362, %dma_start3A_364] : memref<4x2560xi32, #tpu.memory_space<vmem>> -> memref<1x2560xi32, #tpu.memory_space<vmem>>
      %dma_start3A_366 = tpu.memref_squeeze %dma_start3A_365 : memref<1x2560xi32, #tpu.memory_space<vmem>> -> memref<2560xi32, #tpu.memory_space<vmem>>
      %dma_start3A_367 = tpu.memref_slice %arg4[%add3A_349] : memref<826880xi32, #tpu.memory_space<hbm>> -> memref<2560xi32, #tpu.memory_space<hbm>>
      %dma_start3A_368 = tpu.memref_slice %arg11[%dma_start3A_363] : memref<4x!tpu.dma_semaphore, #tpu.memory_space<semaphore_mem>> -> memref<1x!tpu.dma_semaphore, #tpu.memory_space<semaphore_mem>>
      %dma_start3A_369 = tpu.memref_squeeze %dma_start3A_368 : memref<1x!tpu.dma_semaphore, #tpu.memory_space<semaphore_mem>> -> memref<!tpu.dma_semaphore, #tpu.memory_space<semaphore_mem>>
      %dma_start3A_370 = arith.constant 0 : i32
      %dma_start3A_371 = tpu.memref_slice %arg9[%dma_start3A_362, %dma_start3A_370] : memref<4x2560xi32, #tpu.memory_space<vmem>> -> memref<1x2560xi32, #tpu.memory_space<vmem>>
      %dma_start3A_372 = tpu.memref_squeeze %dma_start3A_371 : memref<1x2560xi32, #tpu.memory_space<vmem>> -> memref<2560xi32, #tpu.memory_space<vmem>>
      %dma_start3A_373 = tpu.memref_slice %arg4[%add3A_349] : memref<826880xi32, #tpu.memory_space<hbm>> -> memref<2560xi32, #tpu.memory_space<hbm>>
      tpu.enqueue_dma source(%dma_start3A_373 : memref<2560xi32, #tpu.memory_space<hbm>>) target(%dma_start3A_372 : memref<2560xi32, #tpu.memory_space<vmem>>) target_semaphore(%dma_start3A_369 : memref<!tpu.dma_semaphore, #tpu.memory_space<semaphore_mem>>)
      %dma_wait3A_374 = arith.constant 3 : i32
      %dma_wait3A_375 = arith.constant 3 : i32
      %dma_wait3A_376 = arith.constant 0 : i32
      %dma_wait3A_377 = tpu.memref_slice %arg8[%dma_wait3A_374, %dma_wait3A_376] : memref<4x2560xi32, #tpu.memory_space<vmem>> -> memref<1x2560xi32, #tpu.memory_space<vmem>>
      %dma_wait3A_378 = tpu.memref_squeeze %dma_wait3A_377 : memref<1x2560xi32, #tpu.memory_space<vmem>> -> memref<2560xi32, #tpu.memory_space<vmem>>
      %dma_wait3A_379 = arith.constant 0 : i32
      %dma_wait3A_380 = tpu.memref_slice %arg3[%dma_wait3A_379] : memref<826880xi32, #tpu.memory_space<hbm>> -> memref<2560xi32, #tpu.memory_space<hbm>>
      %dma_wait3A_381 = tpu.memref_slice %arg10[%dma_wait3A_375] : memref<4x!tpu.dma_semaphore, #tpu.memory_space<semaphore_mem>> -> memref<1x!tpu.dma_semaphore, #tpu.memory_space<semaphore_mem>>
      %dma_wait3A_382 = tpu.memref_squeeze %dma_wait3A_381 : memref<1x!tpu.dma_semaphore, #tpu.memory_space<semaphore_mem>> -> memref<!tpu.dma_semaphore, #tpu.memory_space<semaphore_mem>>
      %dma_wait3A_383 = arith.constant 0 : i32
      %dma_wait3A_384 = tpu.memref_slice %arg8[%dma_wait3A_374, %dma_wait3A_383] : memref<4x2560xi32, #tpu.memory_space<vmem>> -> memref<1x2560xi32, #tpu.memory_space<vmem>>
      %dma_wait3A_385 = tpu.memref_squeeze %dma_wait3A_384 : memref<1x2560xi32, #tpu.memory_space<vmem>> -> memref<2560xi32, #tpu.memory_space<vmem>>
      %dma_wait3A_386 = arith.constant 0 : i32
      %dma_wait3A_387 = tpu.memref_slice %arg3[%dma_wait3A_386] : memref<826880xi32, #tpu.memory_space<hbm>> -> memref<2560xi32, #tpu.memory_space<hbm>>
      tpu.wait_dma2 semaphore(%dma_wait3A_382 : memref<!tpu.dma_semaphore, #tpu.memory_space<semaphore_mem>>) src(%dma_wait3A_387 : memref<2560xi32, #tpu.memory_space<hbm>>) dst(%dma_wait3A_385 : memref<2560xi32, #tpu.memory_space<vmem>>)
      %dma_wait3A_388 = arith.constant 3 : i32
      %dma_wait3A_389 = arith.constant 3 : i32
      %dma_wait3A_390 = arith.constant 0 : i32
      %dma_wait3A_391 = tpu.memref_slice %arg9[%dma_wait3A_388, %dma_wait3A_390] : memref<4x2560xi32, #tpu.memory_space<vmem>> -> memref<1x2560xi32, #tpu.memory_space<vmem>>
      %dma_wait3A_392 = tpu.memref_squeeze %dma_wait3A_391 : memref<1x2560xi32, #tpu.memory_space<vmem>> -> memref<2560xi32, #tpu.memory_space<vmem>>
      %dma_wait3A_393 = arith.constant 0 : i32
      %dma_wait3A_394 = tpu.memref_slice %arg4[%dma_wait3A_393] : memref<826880xi32, #tpu.memory_space<hbm>> -> memref<2560xi32, #tpu.memory_space<hbm>>
      %dma_wait3A_395 = tpu.memref_slice %arg11[%dma_wait3A_389] : memref<4x!tpu.dma_semaphore, #tpu.memory_space<semaphore_mem>> -> memref<1x!tpu.dma_semaphore, #tpu.memory_space<semaphore_mem>>
      %dma_wait3A_396 = tpu.memref_squeeze %dma_wait3A_395 : memref<1x!tpu.dma_semaphore, #tpu.memory_space<semaphore_mem>> -> memref<!tpu.dma_semaphore, #tpu.memory_space<semaphore_mem>>
      %dma_wait3A_397 = arith.constant 0 : i32
      %dma_wait3A_398 = tpu.memref_slice %arg9[%dma_wait3A_388, %dma_wait3A_397] : memref<4x2560xi32, #tpu.memory_space<vmem>> -> memref<1x2560xi32, #tpu.memory_space<vmem>>
      %dma_wait3A_399 = tpu.memref_squeeze %dma_wait3A_398 : memref<1x2560xi32, #tpu.memory_space<vmem>> -> memref<2560xi32, #tpu.memory_space<vmem>>
      %dma_wait3A_400 = arith.constant 0 : i32
      %dma_wait3A_401 = tpu.memref_slice %arg4[%dma_wait3A_400] : memref<826880xi32, #tpu.memory_space<hbm>> -> memref<2560xi32, #tpu.memory_space<hbm>>
      tpu.wait_dma2 semaphore(%dma_wait3A_396 : memref<!tpu.dma_semaphore, #tpu.memory_space<semaphore_mem>>) src(%dma_wait3A_401 : memref<2560xi32, #tpu.memory_space<hbm>>) dst(%dma_wait3A_399 : memref<2560xi32, #tpu.memory_space<vmem>>)
      %add3A_402 = arith.constant 6 : i32
      %add3A_403 = arith.addi %mul3A_202, %add3A_402 : i32
      %mul3A_404 = arith.constant 2560 : i32
      %mul3A_405 = arith.muli %add3A_403, %mul3A_404 : i32
      %add3A_406 = arith.addi %mul3A_34, %mul3A_405 : i32
      %dma_start3A_407 = arith.constant 2 : i32
      %dma_start3A_408 = arith.constant 2 : i32
      %dma_start3A_409 = arith.constant 0 : i32
      %dma_start3A_410 = tpu.memref_slice %arg8[%dma_start3A_407, %dma_start3A_409] : memref<4x2560xi32, #tpu.memory_space<vmem>> -> memref<1x2560xi32, #tpu.memory_space<vmem>>
      %dma_start3A_411 = tpu.memref_squeeze %dma_start3A_410 : memref<1x2560xi32, #tpu.memory_space<vmem>> -> memref<2560xi32, #tpu.memory_space<vmem>>
      %dma_start3A_412 = tpu.memref_slice %arg3[%add3A_406] : memref<826880xi32, #tpu.memory_space<hbm>> -> memref<2560xi32, #tpu.memory_space<hbm>>
      %dma_start3A_413 = tpu.memref_slice %arg10[%dma_start3A_408] : memref<4x!tpu.dma_semaphore, #tpu.memory_space<semaphore_mem>> -> memref<1x!tpu.dma_semaphore, #tpu.memory_space<semaphore_mem>>
      %dma_start3A_414 = tpu.memref_squeeze %dma_start3A_413 : memref<1x!tpu.dma_semaphore, #tpu.memory_space<semaphore_mem>> -> memref<!tpu.dma_semaphore, #tpu.memory_space<semaphore_mem>>
      %dma_start3A_415 = arith.constant 0 : i32
      %dma_start3A_416 = tpu.memref_slice %arg8[%dma_start3A_407, %dma_start3A_415] : memref<4x2560xi32, #tpu.memory_space<vmem>> -> memref<1x2560xi32, #tpu.memory_space<vmem>>
      %dma_start3A_417 = tpu.memref_squeeze %dma_start3A_416 : memref<1x2560xi32, #tpu.memory_space<vmem>> -> memref<2560xi32, #tpu.memory_space<vmem>>
      %dma_start3A_418 = tpu.memref_slice %arg3[%add3A_406] : memref<826880xi32, #tpu.memory_space<hbm>> -> memref<2560xi32, #tpu.memory_space<hbm>>
      tpu.enqueue_dma source(%dma_start3A_418 : memref<2560xi32, #tpu.memory_space<hbm>>) target(%dma_start3A_417 : memref<2560xi32, #tpu.memory_space<vmem>>) target_semaphore(%dma_start3A_414 : memref<!tpu.dma_semaphore, #tpu.memory_space<semaphore_mem>>)
      %dma_start3A_419 = arith.constant 2 : i32
      %dma_start3A_420 = arith.constant 2 : i32
      %dma_start3A_421 = arith.constant 0 : i32
      %dma_start3A_422 = tpu.memref_slice %arg9[%dma_start3A_419, %dma_start3A_421] : memref<4x2560xi32, #tpu.memory_space<vmem>> -> memref<1x2560xi32, #tpu.memory_space<vmem>>
      %dma_start3A_423 = tpu.memref_squeeze %dma_start3A_422 : memref<1x2560xi32, #tpu.memory_space<vmem>> -> memref<2560xi32, #tpu.memory_space<vmem>>
      %dma_start3A_424 = tpu.memref_slice %arg4[%add3A_406] : memref<826880xi32, #tpu.memory_space<hbm>> -> memref<2560xi32, #tpu.memory_space<hbm>>
      %dma_start3A_425 = tpu.memref_slice %arg11[%dma_start3A_420] : memref<4x!tpu.dma_semaphore, #tpu.memory_space<semaphore_mem>> -> memref<1x!tpu.dma_semaphore, #tpu.memory_space<semaphore_mem>>
      %dma_start3A_426 = tpu.memref_squeeze %dma_start3A_425 : memref<1x!tpu.dma_semaphore, #tpu.memory_space<semaphore_mem>> -> memref<!tpu.dma_semaphore, #tpu.memory_space<semaphore_mem>>
      %dma_start3A_427 = arith.constant 0 : i32
      %dma_start3A_428 = tpu.memref_slice %arg9[%dma_start3A_419, %dma_start3A_427] : memref<4x2560xi32, #tpu.memory_space<vmem>> -> memref<1x2560xi32, #tpu.memory_space<vmem>>
      %dma_start3A_429 = tpu.memref_squeeze %dma_start3A_428 : memref<1x2560xi32, #tpu.memory_space<vmem>> -> memref<2560xi32, #tpu.memory_space<vmem>>
      %dma_start3A_430 = tpu.memref_slice %arg4[%add3A_406] : memref<826880xi32, #tpu.memory_space<hbm>> -> memref<2560xi32, #tpu.memory_space<hbm>>
      tpu.enqueue_dma source(%dma_start3A_430 : memref<2560xi32, #tpu.memory_space<hbm>>) target(%dma_start3A_429 : memref<2560xi32, #tpu.memory_space<vmem>>) target_semaphore(%dma_start3A_426 : memref<!tpu.dma_semaphore, #tpu.memory_space<semaphore_mem>>)
    }
    %scan3A_116 = arith.constant 10 : i32
    %dma_wait3A = arith.constant 0 : i32
    %dma_wait3A_117 = arith.constant 0 : i32
    %dma_wait3A_118 = arith.constant 0 : i32
    %dma_wait3A_119 = tpu.memref_slice %arg8[%dma_wait3A, %dma_wait3A_118] : memref<4x2560xi32, #tpu.memory_space<vmem>> -> memref<1x2560xi32, #tpu.memory_space<vmem>>
    %dma_wait3A_120 = tpu.memref_squeeze %dma_wait3A_119 : memref<1x2560xi32, #tpu.memory_space<vmem>> -> memref<2560xi32, #tpu.memory_space<vmem>>
    %dma_wait3A_121 = arith.constant 0 : i32
    %dma_wait3A_122 = tpu.memref_slice %arg3[%dma_wait3A_121] : memref<826880xi32, #tpu.memory_space<hbm>> -> memref<2560xi32, #tpu.memory_space<hbm>>
    %dma_wait3A_123 = tpu.memref_slice %arg10[%dma_wait3A_117] : memref<4x!tpu.dma_semaphore, #tpu.memory_space<semaphore_mem>> -> memref<1x!tpu.dma_semaphore, #tpu.memory_space<semaphore_mem>>
    %dma_wait3A_124 = tpu.memref_squeeze %dma_wait3A_123 : memref<1x!tpu.dma_semaphore, #tpu.memory_space<semaphore_mem>> -> memref<!tpu.dma_semaphore, #tpu.memory_space<semaphore_mem>>
    %dma_wait3A_125 = arith.constant 0 : i32
    %dma_wait3A_126 = tpu.memref_slice %arg8[%dma_wait3A, %dma_wait3A_125] : memref<4x2560xi32, #tpu.memory_space<vmem>> -> memref<1x2560xi32, #tpu.memory_space<vmem>>
    %dma_wait3A_127 = tpu.memref_squeeze %dma_wait3A_126 : memref<1x2560xi32, #tpu.memory_space<vmem>> -> memref<2560xi32, #tpu.memory_space<vmem>>
    %dma_wait3A_128 = arith.constant 0 : i32
    %dma_wait3A_129 = tpu.memref_slice %arg3[%dma_wait3A_128] : memref<826880xi32, #tpu.memory_space<hbm>> -> memref<2560xi32, #tpu.memory_space<hbm>>
    tpu.wait_dma2 semaphore(%dma_wait3A_124 : memref<!tpu.dma_semaphore, #tpu.memory_space<semaphore_mem>>) src(%dma_wait3A_129 : memref<2560xi32, #tpu.memory_space<hbm>>) dst(%dma_wait3A_127 : memref<2560xi32, #tpu.memory_space<vmem>>)
    %dma_wait3A_130 = arith.constant 0 : i32
    %dma_wait3A_131 = arith.constant 0 : i32
    %dma_wait3A_132 = arith.constant 0 : i32
    %dma_wait3A_133 = tpu.memref_slice %arg9[%dma_wait3A_130, %dma_wait3A_132] : memref<4x2560xi32, #tpu.memory_space<vmem>> -> memref<1x2560xi32, #tpu.memory_space<vmem>>
    %dma_wait3A_134 = tpu.memref_squeeze %dma_wait3A_133 : memref<1x2560xi32, #tpu.memory_space<vmem>> -> memref<2560xi32, #tpu.memory_space<vmem>>
    %dma_wait3A_135 = arith.constant 0 : i32
    %dma_wait3A_136 = tpu.memref_slice %arg4[%dma_wait3A_135] : memref<826880xi32, #tpu.memory_space<hbm>> -> memref<2560xi32, #tpu.memory_space<hbm>>
    %dma_wait3A_137 = tpu.memref_slice %arg11[%dma_wait3A_131] : memref<4x!tpu.dma_semaphore, #tpu.memory_space<semaphore_mem>> -> memref<1x!tpu.dma_semaphore, #tpu.memory_space<semaphore_mem>>
    %dma_wait3A_138 = tpu.memref_squeeze %dma_wait3A_137 : memref<1x!tpu.dma_semaphore, #tpu.memory_space<semaphore_mem>> -> memref<!tpu.dma_semaphore, #tpu.memory_space<semaphore_mem>>
    %dma_wait3A_139 = arith.constant 0 : i32
    %dma_wait3A_140 = tpu.memref_slice %arg9[%dma_wait3A_130, %dma_wait3A_139] : memref<4x2560xi32, #tpu.memory_space<vmem>> -> memref<1x2560xi32, #tpu.memory_space<vmem>>
    %dma_wait3A_141 = tpu.memref_squeeze %dma_wait3A_140 : memref<1x2560xi32, #tpu.memory_space<vmem>> -> memref<2560xi32, #tpu.memory_space<vmem>>
    %dma_wait3A_142 = arith.constant 0 : i32
    %dma_wait3A_143 = tpu.memref_slice %arg4[%dma_wait3A_142] : memref<826880xi32, #tpu.memory_space<hbm>> -> memref<2560xi32, #tpu.memory_space<hbm>>
    tpu.wait_dma2 semaphore(%dma_wait3A_138 : memref<!tpu.dma_semaphore, #tpu.memory_space<semaphore_mem>>) src(%dma_wait3A_143 : memref<2560xi32, #tpu.memory_space<hbm>>) dst(%dma_wait3A_141 : memref<2560xi32, #tpu.memory_space<vmem>>)
    %dma_wait3A_144 = arith.constant 1 : i32
    %dma_wait3A_145 = arith.constant 1 : i32
    %dma_wait3A_146 = arith.constant 0 : i32
    %dma_wait3A_147 = tpu.memref_slice %arg8[%dma_wait3A_144, %dma_wait3A_146] : memref<4x2560xi32, #tpu.memory_space<vmem>> -> memref<1x2560xi32, #tpu.memory_space<vmem>>
    %dma_wait3A_148 = tpu.memref_squeeze %dma_wait3A_147 : memref<1x2560xi32, #tpu.memory_space<vmem>> -> memref<2560xi32, #tpu.memory_space<vmem>>
    %dma_wait3A_149 = arith.constant 0 : i32
    %dma_wait3A_150 = tpu.memref_slice %arg3[%dma_wait3A_149] : memref<826880xi32, #tpu.memory_space<hbm>> -> memref<2560xi32, #tpu.memory_space<hbm>>
    %dma_wait3A_151 = tpu.memref_slice %arg10[%dma_wait3A_145] : memref<4x!tpu.dma_semaphore, #tpu.memory_space<semaphore_mem>> -> memref<1x!tpu.dma_semaphore, #tpu.memory_space<semaphore_mem>>
    %dma_wait3A_152 = tpu.memref_squeeze %dma_wait3A_151 : memref<1x!tpu.dma_semaphore, #tpu.memory_space<semaphore_mem>> -> memref<!tpu.dma_semaphore, #tpu.memory_space<semaphore_mem>>
    %dma_wait3A_153 = arith.constant 0 : i32
    %dma_wait3A_154 = tpu.memref_slice %arg8[%dma_wait3A_144, %dma_wait3A_153] : memref<4x2560xi32, #tpu.memory_space<vmem>> -> memref<1x2560xi32, #tpu.memory_space<vmem>>
    %dma_wait3A_155 = tpu.memref_squeeze %dma_wait3A_154 : memref<1x2560xi32, #tpu.memory_space<vmem>> -> memref<2560xi32, #tpu.memory_space<vmem>>
    %dma_wait3A_156 = arith.constant 0 : i32
    %dma_wait3A_157 = tpu.memref_slice %arg3[%dma_wait3A_156] : memref<826880xi32, #tpu.memory_space<hbm>> -> memref<2560xi32, #tpu.memory_space<hbm>>
    tpu.wait_dma2 semaphore(%dma_wait3A_152 : memref<!tpu.dma_semaphore, #tpu.memory_space<semaphore_mem>>) src(%dma_wait3A_157 : memref<2560xi32, #tpu.memory_space<hbm>>) dst(%dma_wait3A_155 : memref<2560xi32, #tpu.memory_space<vmem>>)
    %dma_wait3A_158 = arith.constant 1 : i32
    %dma_wait3A_159 = arith.constant 1 : i32
    %dma_wait3A_160 = arith.constant 0 : i32
    %dma_wait3A_161 = tpu.memref_slice %arg9[%dma_wait3A_158, %dma_wait3A_160] : memref<4x2560xi32, #tpu.memory_space<vmem>> -> memref<1x2560xi32, #tpu.memory_space<vmem>>
    %dma_wait3A_162 = tpu.memref_squeeze %dma_wait3A_161 : memref<1x2560xi32, #tpu.memory_space<vmem>> -> memref<2560xi32, #tpu.memory_space<vmem>>
    %dma_wait3A_163 = arith.constant 0 : i32
    %dma_wait3A_164 = tpu.memref_slice %arg4[%dma_wait3A_163] : memref<826880xi32, #tpu.memory_space<hbm>> -> memref<2560xi32, #tpu.memory_space<hbm>>
    %dma_wait3A_165 = tpu.memref_slice %arg11[%dma_wait3A_159] : memref<4x!tpu.dma_semaphore, #tpu.memory_space<semaphore_mem>> -> memref<1x!tpu.dma_semaphore, #tpu.memory_space<semaphore_mem>>
    %dma_wait3A_166 = tpu.memref_squeeze %dma_wait3A_165 : memref<1x!tpu.dma_semaphore, #tpu.memory_space<semaphore_mem>> -> memref<!tpu.dma_semaphore, #tpu.memory_space<semaphore_mem>>
    %dma_wait3A_167 = arith.constant 0 : i32
    %dma_wait3A_168 = tpu.memref_slice %arg9[%dma_wait3A_158, %dma_wait3A_167] : memref<4x2560xi32, #tpu.memory_space<vmem>> -> memref<1x2560xi32, #tpu.memory_space<vmem>>
    %dma_wait3A_169 = tpu.memref_squeeze %dma_wait3A_168 : memref<1x2560xi32, #tpu.memory_space<vmem>> -> memref<2560xi32, #tpu.memory_space<vmem>>
    %dma_wait3A_170 = arith.constant 0 : i32
    %dma_wait3A_171 = tpu.memref_slice %arg4[%dma_wait3A_170] : memref<826880xi32, #tpu.memory_space<hbm>> -> memref<2560xi32, #tpu.memory_space<hbm>>
    tpu.wait_dma2 semaphore(%dma_wait3A_166 : memref<!tpu.dma_semaphore, #tpu.memory_space<semaphore_mem>>) src(%dma_wait3A_171 : memref<2560xi32, #tpu.memory_space<hbm>>) dst(%dma_wait3A_169 : memref<2560xi32, #tpu.memory_space<vmem>>)
    %dma_wait3A_172 = arith.constant 2 : i32
    %dma_wait3A_173 = arith.constant 2 : i32
    %dma_wait3A_174 = arith.constant 0 : i32
    %dma_wait3A_175 = tpu.memref_slice %arg8[%dma_wait3A_172, %dma_wait3A_174] : memref<4x2560xi32, #tpu.memory_space<vmem>> -> memref<1x2560xi32, #tpu.memory_space<vmem>>
    %dma_wait3A_176 = tpu.memref_squeeze %dma_wait3A_175 : memref<1x2560xi32, #tpu.memory_space<vmem>> -> memref<2560xi32, #tpu.memory_space<vmem>>
    %dma_wait3A_177 = arith.constant 0 : i32
    %dma_wait3A_178 = tpu.memref_slice %arg3[%dma_wait3A_177] : memref<826880xi32, #tpu.memory_space<hbm>> -> memref<2560xi32, #tpu.memory_space<hbm>>
    %dma_wait3A_179 = tpu.memref_slice %arg10[%dma_wait3A_173] : memref<4x!tpu.dma_semaphore, #tpu.memory_space<semaphore_mem>> -> memref<1x!tpu.dma_semaphore, #tpu.memory_space<semaphore_mem>>
    %dma_wait3A_180 = tpu.memref_squeeze %dma_wait3A_179 : memref<1x!tpu.dma_semaphore, #tpu.memory_space<semaphore_mem>> -> memref<!tpu.dma_semaphore, #tpu.memory_space<semaphore_mem>>
    %dma_wait3A_181 = arith.constant 0 : i32
    %dma_wait3A_182 = tpu.memref_slice %arg8[%dma_wait3A_172, %dma_wait3A_181] : memref<4x2560xi32, #tpu.memory_space<vmem>> -> memref<1x2560xi32, #tpu.memory_space<vmem>>
    %dma_wait3A_183 = tpu.memref_squeeze %dma_wait3A_182 : memref<1x2560xi32, #tpu.memory_space<vmem>> -> memref<2560xi32, #tpu.memory_space<vmem>>
    %dma_wait3A_184 = arith.constant 0 : i32
    %dma_wait3A_185 = tpu.memref_slice %arg3[%dma_wait3A_184] : memref<826880xi32, #tpu.memory_space<hbm>> -> memref<2560xi32, #tpu.memory_space<hbm>>
    tpu.wait_dma2 semaphore(%dma_wait3A_180 : memref<!tpu.dma_semaphore, #tpu.memory_space<semaphore_mem>>) src(%dma_wait3A_185 : memref<2560xi32, #tpu.memory_space<hbm>>) dst(%dma_wait3A_183 : memref<2560xi32, #tpu.memory_space<vmem>>)
    %dma_wait3A_186 = arith.constant 2 : i32
    %dma_wait3A_187 = arith.constant 2 : i32
    %dma_wait3A_188 = arith.constant 0 : i32
    %dma_wait3A_189 = tpu.memref_slice %arg9[%dma_wait3A_186, %dma_wait3A_188] : memref<4x2560xi32, #tpu.memory_space<vmem>> -> memref<1x2560xi32, #tpu.memory_space<vmem>>
    %dma_wait3A_190 = tpu.memref_squeeze %dma_wait3A_189 : memref<1x2560xi32, #tpu.memory_space<vmem>> -> memref<2560xi32, #tpu.memory_space<vmem>>
    %dma_wait3A_191 = arith.constant 0 : i32
    %dma_wait3A_192 = tpu.memref_slice %arg4[%dma_wait3A_191] : memref<826880xi32, #tpu.memory_space<hbm>> -> memref<2560xi32, #tpu.memory_space<hbm>>
    %dma_wait3A_193 = tpu.memref_slice %arg11[%dma_wait3A_187] : memref<4x!tpu.dma_semaphore, #tpu.memory_space<semaphore_mem>> -> memref<1x!tpu.dma_semaphore, #tpu.memory_space<semaphore_mem>>
    %dma_wait3A_194 = tpu.memref_squeeze %dma_wait3A_193 : memref<1x!tpu.dma_semaphore, #tpu.memory_space<semaphore_mem>> -> memref<!tpu.dma_semaphore, #tpu.memory_space<semaphore_mem>>
    %dma_wait3A_195 = arith.constant 0 : i32
    %dma_wait3A_196 = tpu.memref_slice %arg9[%dma_wait3A_186, %dma_wait3A_195] : memref<4x2560xi32, #tpu.memory_space<vmem>> -> memref<1x2560xi32, #tpu.memory_space<vmem>>
    %dma_wait3A_197 = tpu.memref_squeeze %dma_wait3A_196 : memref<1x2560xi32, #tpu.memory_space<vmem>> -> memref<2560xi32, #tpu.memory_space<vmem>>
    %dma_wait3A_198 = arith.constant 0 : i32
    %dma_wait3A_199 = tpu.memref_slice %arg4[%dma_wait3A_198] : memref<826880xi32, #tpu.memory_space<hbm>> -> memref<2560xi32, #tpu.memory_space<hbm>>
    tpu.wait_dma2 semaphore(%dma_wait3A_194 : memref<!tpu.dma_semaphore, #tpu.memory_space<semaphore_mem>>) src(%dma_wait3A_199 : memref<2560xi32, #tpu.memory_space<hbm>>) dst(%dma_wait3A_197 : memref<2560xi32, #tpu.memory_space<vmem>>)
    %barrier3A = arith.constant 0 : index
    tpu.barrier barrier_id(%barrier3A)
    "tpu.region"() ({
      %run_scoped3A = tpu.sem_alloc : memref<!tpu.dma_semaphore, #tpu.memory_space<semaphore_mem>>
      %dma_start3A_200 = arith.constant 0 : i32
      %dma_start3A_201 = arith.constant 0 : i32
      %dma_start3A_202 = tpu.memref_slice %arg5[%select_n3A_30, %dma_start3A_200, %dma_start3A_201] : memref<8x4x50176xf32, #tpu.memory_space<hbm>> -> memref<1x4x50176xf32, #tpu.memory_space<hbm>>
      %dma_start3A_203 = tpu.memref_squeeze %dma_start3A_202 : memref<1x4x50176xf32, #tpu.memory_space<hbm>> -> memref<4x50176xf32, #tpu.memory_space<hbm>>
      %dma_start3A_204 = arith.constant 0 : i32
      %dma_start3A_205 = tpu.memref_slice %dma_start3A_203[%add3A, %dma_start3A_204] : memref<4x50176xf32, #tpu.memory_space<hbm>> -> memref<1x50176xf32, #tpu.memory_space<hbm>>
      %dma_start3A_206 = tpu.memref_squeeze %dma_start3A_205 : memref<1x50176xf32, #tpu.memory_space<hbm>> -> memref<50176xf32, #tpu.memory_space<hbm>>
      %dma_start3A_207 = arith.constant 0 : i32
      %dma_start3A_208 = arith.constant 0 : i32
      %dma_start3A_209 = tpu.memref_slice %arg5[%select_n3A_30, %dma_start3A_207, %dma_start3A_208] : memref<8x4x50176xf32, #tpu.memory_space<hbm>> -> memref<1x4x50176xf32, #tpu.memory_space<hbm>>
      %dma_start3A_210 = tpu.memref_squeeze %dma_start3A_209 : memref<1x4x50176xf32, #tpu.memory_space<hbm>> -> memref<4x50176xf32, #tpu.memory_space<hbm>>
      %dma_start3A_211 = arith.constant 0 : i32
      %dma_start3A_212 = tpu.memref_slice %dma_start3A_210[%add3A, %dma_start3A_211] : memref<4x50176xf32, #tpu.memory_space<hbm>> -> memref<1x50176xf32, #tpu.memory_space<hbm>>
      %dma_start3A_213 = tpu.memref_squeeze %dma_start3A_212 : memref<1x50176xf32, #tpu.memory_space<hbm>> -> memref<50176xf32, #tpu.memory_space<hbm>>
      tpu.enqueue_dma source(%arg7 : memref<50176xf32, #tpu.memory_space<vmem>>) target(%dma_start3A_213 : memref<50176xf32, #tpu.memory_space<hbm>>) target_semaphore(%run_scoped3A : memref<!tpu.dma_semaphore, #tpu.memory_space<semaphore_mem>>)
      %dma_wait3A_214 = arith.constant 0 : i32
      %dma_wait3A_215 = arith.constant 0 : i32
      %dma_wait3A_216 = tpu.memref_slice %arg5[%select_n3A_30, %dma_wait3A_214, %dma_wait3A_215] : memref<8x4x50176xf32, #tpu.memory_space<hbm>> -> memref<1x4x50176xf32, #tpu.memory_space<hbm>>
      %dma_wait3A_217 = tpu.memref_squeeze %dma_wait3A_216 : memref<1x4x50176xf32, #tpu.memory_space<hbm>> -> memref<4x50176xf32, #tpu.memory_space<hbm>>
      %dma_wait3A_218 = arith.constant 0 : i32
      %dma_wait3A_219 = tpu.memref_slice %dma_wait3A_217[%add3A, %dma_wait3A_218] : memref<4x50176xf32, #tpu.memory_space<hbm>> -> memref<1x50176xf32, #tpu.memory_space<hbm>>
      %dma_wait3A_220 = tpu.memref_squeeze %dma_wait3A_219 : memref<1x50176xf32, #tpu.memory_space<hbm>> -> memref<50176xf32, #tpu.memory_space<hbm>>
      %dma_wait3A_221 = arith.constant 0 : i32
      %dma_wait3A_222 = arith.constant 0 : i32
      %dma_wait3A_223 = tpu.memref_slice %arg5[%select_n3A_30, %dma_wait3A_221, %dma_wait3A_222] : memref<8x4x50176xf32, #tpu.memory_space<hbm>> -> memref<1x4x50176xf32, #tpu.memory_space<hbm>>
      %dma_wait3A_224 = tpu.memref_squeeze %dma_wait3A_223 : memref<1x4x50176xf32, #tpu.memory_space<hbm>> -> memref<4x50176xf32, #tpu.memory_space<hbm>>
      %dma_wait3A_225 = arith.constant 0 : i32
      %dma_wait3A_226 = tpu.memref_slice %dma_wait3A_224[%add3A, %dma_wait3A_225] : memref<4x50176xf32, #tpu.memory_space<hbm>> -> memref<1x50176xf32, #tpu.memory_space<hbm>>
      %dma_wait3A_227 = tpu.memref_squeeze %dma_wait3A_226 : memref<1x50176xf32, #tpu.memory_space<hbm>> -> memref<50176xf32, #tpu.memory_space<hbm>>
      tpu.wait_dma2 semaphore(%run_scoped3A : memref<!tpu.dma_semaphore, #tpu.memory_space<semaphore_mem>>) src(%arg7 : memref<50176xf32, #tpu.memory_space<vmem>>) dst(%dma_wait3A_227 : memref<50176xf32, #tpu.memory_space<hbm>>)
      tpu.yield
    }) : () -> ()
    return
  }
}

module attributes {stable_mosaic.version = 14 : i64} {
  func.func @body(%arg0: memref<8x4x50176xf32, #tpu.memory_space<vmem>>, %arg1: memref<4x50176xf32, #tpu.memory_space<vmem>>, %arg2: memref<4x128xf32, #tpu.memory_space<vmem>>, %arg3: memref<4x128xf32, #tpu.memory_space<vmem>>) attributes {dimension_semantics = [], scalar_prefetch = 0 : i64, scratch_operands = 0 : i64, tpu.core_type = #tpu.core_type<tc>} {
    %iota3A = tpu.iota {dimensions = array<i32: 1>} : vector<4x50176xi32>
    %lt3A = arith.constant 50000 : i32
    %lt3A_0 = vector.broadcast %lt3A : i32 to vector<4x50176xi32>
    %lt3A_1 = arith.cmpi slt, %iota3A, %lt3A_0 : vector<4x50176xi32>
    %convert_element_type3A = arith.extui %lt3A_1 : vector<4x50176xi1> to vector<4x50176xi32>
    %convert_element_type3A_2 = arith.sitofp %convert_element_type3A : vector<4x50176xi32> to vector<4x50176xf32>
    %get3A = arith.constant 0 : index
    %get3A_3 = arith.constant 0 : index
    %get3A_4 = arith.constant 0 : index
    %get3A_5 = vector.load %arg0[%get3A, %get3A_3, %get3A_4] : memref<8x4x50176xf32, #tpu.memory_space<vmem>>, vector<8x4x50176xf32>
    %reduce_sum3A = arith.constant dense<0.000000e+00> : vector<4x50176xf32>
    %reduce_sum3A_6 = vector.multi_reduction <add>, %get3A_5, %reduce_sum3A [0] : vector<8x4x50176xf32> to vector<4x50176xf32>
    %reduce_sum3A_7 = arith.constant dense<0.000000e+00> : vector<4xf32>
    %reduce_sum3A_8 = vector.multi_reduction <add>, %reduce_sum3A_6, %reduce_sum3A_7 [1] : vector<4x50176xf32> to vector<4xf32>
    %broadcast_in_dim3A = vector.shape_cast %reduce_sum3A_8 : vector<4xf32> to vector<4x1xf32>
    %mul3A = arith.constant 2.000000e-05 : f32
    %mul3A_9 = vector.broadcast %mul3A : f32 to vector<4x1xf32>
    %mul3A_10 = arith.mulf %broadcast_in_dim3A, %mul3A_9 : vector<4x1xf32>
    %sub3A = vector.broadcast %mul3A_10 : vector<4x1xf32> to vector<4x50176xf32>
    %sub3A_11 = arith.subf %reduce_sum3A_6, %sub3A : vector<4x50176xf32>
    %mul3A_12 = arith.mulf %sub3A_11, %convert_element_type3A_2 : vector<4x50176xf32>
    %mul3A_13 = arith.mulf %mul3A_12, %mul3A_12 : vector<4x50176xf32>
    %reduce_sum3A_14 = arith.constant dense<0.000000e+00> : vector<4xf32>
    %reduce_sum3A_15 = vector.multi_reduction <add>, %mul3A_13, %reduce_sum3A_14 [1] : vector<4x50176xf32> to vector<4xf32>
    %broadcast_in_dim3A_16 = vector.shape_cast %reduce_sum3A_15 : vector<4xf32> to vector<4x1xf32>
    %reduce_sum3A_17 = arith.constant dense<0.000000e+00> : vector<4xf32>
    %reduce_sum3A_18 = vector.multi_reduction <add>, %mul3A_12, %reduce_sum3A_17 [1] : vector<4x50176xf32> to vector<4xf32>
    %broadcast_in_dim3A_19 = vector.shape_cast %reduce_sum3A_18 : vector<4xf32> to vector<4x1xf32>
    %mul3A_20 = arith.constant 2.000000e-05 : f32
    %mul3A_21 = vector.broadcast %mul3A_20 : f32 to vector<4x1xf32>
    %mul3A_22 = arith.mulf %broadcast_in_dim3A_19, %mul3A_21 : vector<4x1xf32>
    %sub3A_23 = vector.broadcast %mul3A_22 : vector<4x1xf32> to vector<4x50176xf32>
    %sub3A_24 = arith.subf %mul3A_12, %sub3A_23 : vector<4x50176xf32>
    %mul3A_25 = arith.mulf %sub3A_24, %convert_element_type3A_2 : vector<4x50176xf32>
    %mul3A_26 = arith.mulf %mul3A_25, %mul3A_25 : vector<4x50176xf32>
    %reduce_sum3A_27 = arith.constant dense<0.000000e+00> : vector<4xf32>
    %reduce_sum3A_28 = vector.multi_reduction <add>, %mul3A_26, %reduce_sum3A_27 [1] : vector<4x50176xf32> to vector<4xf32>
    %broadcast_in_dim3A_29 = vector.shape_cast %reduce_sum3A_28 : vector<4xf32> to vector<4x1xf32>
    %swap3A = arith.constant 0 : index
    %swap3A_30 = arith.constant 0 : index
    %swap3A_31 = vector.load %arg1[%swap3A, %swap3A_30] : memref<4x50176xf32, #tpu.memory_space<vmem>>, vector<4x50176xf32>
    tpu.vector_store %arg1[%swap3A, %swap3A_30], %mul3A_25 {strides = array<i32>} : memref<4x50176xf32, #tpu.memory_space<vmem>>, vector<4x50176xf32>,
    %broadcast_in_dim3A_32 = vector.shape_cast %broadcast_in_dim3A_29 : vector<4x1xf32> to vector<4x1xf32>
    %broadcast_in_dim3A_33 = vector.broadcast %broadcast_in_dim3A_32 : vector<4x1xf32> to vector<4x128xf32>
    %swap3A_34 = arith.constant 0 : index
    %swap3A_35 = arith.constant 0 : index
    %swap3A_36 = vector.load %arg2[%swap3A_34, %swap3A_35] : memref<4x128xf32, #tpu.memory_space<vmem>>, vector<4x128xf32>
    tpu.vector_store %arg2[%swap3A_34, %swap3A_35], %broadcast_in_dim3A_33 {strides = array<i32>} : memref<4x128xf32, #tpu.memory_space<vmem>>, vector<4x128xf32>,
    %broadcast_in_dim3A_37 = vector.shape_cast %broadcast_in_dim3A_16 : vector<4x1xf32> to vector<4x1xf32>
    %broadcast_in_dim3A_38 = vector.broadcast %broadcast_in_dim3A_37 : vector<4x1xf32> to vector<4x128xf32>
    %swap3A_39 = arith.constant 0 : index
    %swap3A_40 = arith.constant 0 : index
    %swap3A_41 = vector.load %arg3[%swap3A_39, %swap3A_40] : memref<4x128xf32, #tpu.memory_space<vmem>>, vector<4x128xf32>
    tpu.vector_store %arg3[%swap3A_39, %swap3A_40], %broadcast_in_dim3A_38 {strides = array<i32>} : memref<4x128xf32, #tpu.memory_space<vmem>>, vector<4x128xf32>,
    return
  }
}

module attributes {stable_mosaic.version = 14 : i64} {
  func.func @body(%arg0: memref<8x4x50176xf32, #tpu.memory_space<vmem>>, %arg1: memref<4x50176xf32, #tpu.memory_space<vmem>>, %arg2: memref<4x50176xf32, #tpu.memory_space<vmem>>, %arg3: memref<4x50176xf32, #tpu.memory_space<vmem>>, %arg4: memref<4x128xf32, #tpu.memory_space<vmem>>, %arg5: memref<4x128xf32, #tpu.memory_space<vmem>>, %arg6: memref<4x128xf32, #tpu.memory_space<vmem>>, %arg7: memref<4x50176xf32, #tpu.memory_space<vmem>>, %arg8: memref<4x50176xf32, #tpu.memory_space<vmem>>, %arg9: memref<4x50176xf32, #tpu.memory_space<vmem>>, %arg10: memref<4x128xf32, #tpu.memory_space<vmem>>, %arg11: memref<4x128xf32, #tpu.memory_space<vmem>>) attributes {dimension_semantics = [], scalar_prefetch = 0 : i64, scratch_operands = 0 : i64, tpu.core_type = #tpu.core_type<tc>} {
    %iota3A = tpu.iota {dimensions = array<i32: 1>} : vector<4x50176xi32>
    %lt3A = arith.constant 50000 : i32
    %lt3A_0 = vector.broadcast %lt3A : i32 to vector<4x50176xi32>
    %lt3A_1 = arith.cmpi slt, %iota3A, %lt3A_0 : vector<4x50176xi32>
    %convert_element_type3A = arith.extui %lt3A_1 : vector<4x50176xi1> to vector<4x50176xi32>
    %convert_element_type3A_2 = arith.sitofp %convert_element_type3A : vector<4x50176xi32> to vector<4x50176xf32>
    %get3A = arith.constant 0 : index
    %get3A_3 = arith.constant 0 : index
    %get3A_4 = arith.constant 0 : index
    %get3A_5 = vector.load %arg0[%get3A, %get3A_3, %get3A_4] : memref<8x4x50176xf32, #tpu.memory_space<vmem>>, vector<8x4x50176xf32>
    %reduce_sum3A = arith.constant dense<0.000000e+00> : vector<4x50176xf32>
    %reduce_sum3A_6 = vector.multi_reduction <add>, %get3A_5, %reduce_sum3A [0] : vector<8x4x50176xf32> to vector<4x50176xf32>
    %reduce_sum3A_7 = arith.constant dense<0.000000e+00> : vector<4xf32>
    %reduce_sum3A_8 = vector.multi_reduction <add>, %reduce_sum3A_6, %reduce_sum3A_7 [1] : vector<4x50176xf32> to vector<4xf32>
    %broadcast_in_dim3A = vector.shape_cast %reduce_sum3A_8 : vector<4xf32> to vector<4x1xf32>
    %mul3A = arith.constant 2.000000e-05 : f32
    %mul3A_9 = vector.broadcast %mul3A : f32 to vector<4x1xf32>
    %mul3A_10 = arith.mulf %broadcast_in_dim3A, %mul3A_9 : vector<4x1xf32>
    %sub3A = vector.broadcast %mul3A_10 : vector<4x1xf32> to vector<4x50176xf32>
    %sub3A_11 = arith.subf %reduce_sum3A_6, %sub3A : vector<4x50176xf32>
    %mul3A_12 = arith.mulf %sub3A_11, %convert_element_type3A_2 : vector<4x50176xf32>
    %get3A_13 = arith.constant 0 : index
    %get3A_14 = arith.constant 0 : index
    %get3A_15 = vector.load %arg3[%get3A_13, %get3A_14] : memref<4x50176xf32, #tpu.memory_space<vmem>>, vector<4x50176xf32>
    %mul3A_16 = arith.mulf %get3A_15, %mul3A_12 : vector<4x50176xf32>
    %reduce_sum3A_17 = arith.constant dense<0.000000e+00> : vector<4xf32>
    %reduce_sum3A_18 = vector.multi_reduction <add>, %mul3A_16, %reduce_sum3A_17 [1] : vector<4x50176xf32> to vector<4xf32>
    %broadcast_in_dim3A_19 = vector.shape_cast %reduce_sum3A_18 : vector<4xf32> to vector<4x1xf32>
    %get3A_20 = arith.constant 0 : index
    %get3A_21 = arith.constant 0 : index
    %get3A_22 = vector.load %arg4[%get3A_20, %get3A_21] : memref<4x128xf32, #tpu.memory_space<vmem>>, vector<4x1xf32>
    %gt3A = arith.constant 9.99999996E-13 : f32
    %gt3A_23 = vector.broadcast %gt3A : f32 to vector<4x1xf32>
    %gt3A_24 = arith.cmpf ogt, %get3A_22, %gt3A_23 : vector<4x1xf32>
    %abs3A = math.absf %broadcast_in_dim3A_19 : vector<4x1xf32>
    %gt3A_25 = arith.constant 9.99999996E-13 : f32
    %gt3A_26 = vector.broadcast %gt3A_25 : f32 to vector<4x1xf32>
    %gt3A_27 = arith.cmpf ogt, %abs3A, %gt3A_26 : vector<4x1xf32>
    %and3A = arith.andi %gt3A_24, %gt3A_27 : vector<4x1xi1>
    %jit3A = arith.constant 1.000000e+00 : f32
    %broadcast_in_dim3A_28 = vector.broadcast %jit3A : f32 to vector<4x1xf32>
    %select_n3A = arith.select %and3A, %broadcast_in_dim3A_19, %broadcast_in_dim3A_28 : vector<4x1xi1>, vector<4x1xf32>
    %div3A = arith.divf %get3A_22, %select_n3A : vector<4x1xf32>
    %jit3A_29 = arith.constant 0.000000e+00 : f32
    %broadcast_in_dim3A_30 = vector.broadcast %jit3A_29 : f32 to vector<4x1xf32>
    %select_n3A_31 = arith.select %and3A, %div3A, %broadcast_in_dim3A_30 : vector<4x1xi1>, vector<4x1xf32>
    %get3A_32 = arith.constant 0 : index
    %get3A_33 = arith.constant 0 : index
    %get3A_34 = vector.load %arg1[%get3A_32, %get3A_33] : memref<4x50176xf32, #tpu.memory_space<vmem>>, vector<4x50176xf32>
    %mul3A_35 = vector.broadcast %select_n3A_31 : vector<4x1xf32> to vector<4x50176xf32>
    %mul3A_36 = arith.mulf %mul3A_35, %get3A_15 : vector<4x50176xf32>
    %add3A = arith.addf %get3A_34, %mul3A_36 : vector<4x50176xf32>
    %get3A_37 = arith.constant 0 : index
    %get3A_38 = arith.constant 0 : index
    %get3A_39 = vector.load %arg2[%get3A_37, %get3A_38] : memref<4x50176xf32, #tpu.memory_space<vmem>>, vector<4x50176xf32>
    %mul3A_40 = vector.broadcast %select_n3A_31 : vector<4x1xf32> to vector<4x50176xf32>
    %mul3A_41 = arith.mulf %mul3A_40, %mul3A_12 : vector<4x50176xf32>
    %sub3A_42 = arith.subf %get3A_39, %mul3A_41 : vector<4x50176xf32>
    %reduce_sum3A_43 = arith.constant dense<0.000000e+00> : vector<4xf32>
    %reduce_sum3A_44 = vector.multi_reduction <add>, %sub3A_42, %reduce_sum3A_43 [1] : vector<4x50176xf32> to vector<4xf32>
    %broadcast_in_dim3A_45 = vector.shape_cast %reduce_sum3A_44 : vector<4xf32> to vector<4x1xf32>
    %mul3A_46 = arith.constant 2.000000e-05 : f32
    %mul3A_47 = vector.broadcast %mul3A_46 : f32 to vector<4x1xf32>
    %mul3A_48 = arith.mulf %broadcast_in_dim3A_45, %mul3A_47 : vector<4x1xf32>
    %sub3A_49 = vector.broadcast %mul3A_48 : vector<4x1xf32> to vector<4x50176xf32>
    %sub3A_50 = arith.subf %sub3A_42, %sub3A_49 : vector<4x50176xf32>
    %mul3A_51 = arith.mulf %sub3A_50, %convert_element_type3A_2 : vector<4x50176xf32>
    %mul3A_52 = arith.mulf %mul3A_51, %mul3A_51 : vector<4x50176xf32>
    %reduce_sum3A_53 = arith.constant dense<0.000000e+00> : vector<4xf32>
    %reduce_sum3A_54 = vector.multi_reduction <add>, %mul3A_52, %reduce_sum3A_53 [1] : vector<4x50176xf32> to vector<4xf32>
    %broadcast_in_dim3A_55 = vector.shape_cast %reduce_sum3A_54 : vector<4xf32> to vector<4x1xf32>
    %get3A_56 = arith.constant 0 : index
    %get3A_57 = arith.constant 0 : index
    %get3A_58 = vector.load %arg6[%get3A_56, %get3A_57] : memref<4x128xf32, #tpu.memory_space<vmem>>, vector<4x1xf32>
    %jit3A_59 = arith.constant 9.99999996E-13 : f32
    %max3A = vector.broadcast %jit3A_59 : f32 to vector<4x1xf32>
    %max3A_60 = arith.maximumf %max3A, %get3A_58 : vector<4x1xf32>
    %div3A_61 = arith.divf %broadcast_in_dim3A_55, %max3A_60 : vector<4x1xf32>
    %reduce_max3A = vector.shape_cast %broadcast_in_dim3A_55 : vector<4x1xf32> to vector<1x4x1xf32>
    %reduce_max3A_62 = arith.constant dense<0xFF800000> : vector<1xf32>
    %reduce_max3A_63 = vector.multi_reduction <maximumf>, %reduce_max3A, %reduce_max3A_62 [1, 2] : vector<1x4x1xf32> to vector<1xf32>
    %reduce_max3A_64 = vector.shape_cast %reduce_max3A_63 : vector<1xf32> to vector<1x1x1xf32>
    %reduce_max3A_65 = vector.extract %reduce_max3A_64[0, 0, 0] : f32 from vector<1x1x1xf32>
    %lt3A_66 = arith.constant 9.99999993E-9 : f32
    %lt3A_67 = arith.cmpf olt, %reduce_max3A_65, %lt3A_66 : f32
    %reduce_max3A_68 = vector.shape_cast %div3A_61 : vector<4x1xf32> to vector<1x4x1xf32>
    %reduce_max3A_69 = arith.constant dense<0xFF800000> : vector<1xf32>
    %reduce_max3A_70 = vector.multi_reduction <maximumf>, %reduce_max3A_68, %reduce_max3A_69 [1, 2] : vector<1x4x1xf32> to vector<1xf32>
    %reduce_max3A_71 = vector.shape_cast %reduce_max3A_70 : vector<1xf32> to vector<1x1x1xf32>
    %reduce_max3A_72 = vector.extract %reduce_max3A_71[0, 0, 0] : f32 from vector<1x1x1xf32>
    %lt3A_73 = arith.constant 9.99999993E-9 : f32
    %lt3A_74 = arith.cmpf olt, %reduce_max3A_72, %lt3A_73 : f32
    %and3A_75 = arith.andi %lt3A_67, %lt3A_74 : i1
    %jit3A_76 = arith.constant 1.000000e+00 : f32
    %broadcast_in_dim3A_77 = vector.broadcast %jit3A_76 : f32 to vector<4x1xf32>
    %select_n3A_78 = arith.select %and3A, %get3A_22, %broadcast_in_dim3A_77 : vector<4x1xi1>, vector<4x1xf32>
    %div3A_79 = arith.divf %broadcast_in_dim3A_55, %select_n3A_78 : vector<4x1xf32>
    %jit3A_80 = arith.constant 0.000000e+00 : f32
    %broadcast_in_dim3A_81 = vector.broadcast %jit3A_80 : f32 to vector<4x1xf32>
    %select_n3A_82 = arith.select %and3A, %div3A_79, %broadcast_in_dim3A_81 : vector<4x1xi1>, vector<4x1xf32>
    %mul3A_83 = vector.broadcast %select_n3A_82 : vector<4x1xf32> to vector<4x50176xf32>
    %mul3A_84 = arith.mulf %mul3A_83, %get3A_15 : vector<4x50176xf32>
    %add3A_85 = arith.addf %mul3A_51, %mul3A_84 : vector<4x50176xf32>
    %get3A_86 = arith.constant 0 : index
    %get3A_87 = arith.constant 0 : index
    %get3A_88 = vector.load %arg5[%get3A_86, %get3A_87] : memref<4x128xf32, #tpu.memory_space<vmem>>, vector<4x1xf32>
    %gt3A_89 = arith.constant 5.000000e-01 : f32
    %gt3A_90 = vector.broadcast %gt3A_89 : f32 to vector<4x1xf32>
    %gt3A_91 = arith.cmpf ogt, %get3A_88, %gt3A_90 : vector<4x1xf32>
    %get3A_92 = arith.constant 0 : index
    %get3A_93 = arith.constant 0 : index
    %get3A_94 = vector.load %arg1[%get3A_92, %get3A_93] : memref<4x50176xf32, #tpu.memory_space<vmem>>, vector<4x50176xf32>
    %broadcast_in_dim3A_95 = vector.shape_cast %gt3A_91 : vector<4x1xi1> to vector<4x1xi1>
    %broadcast_in_dim3A_96 = vector.broadcast %broadcast_in_dim3A_95 : vector<4x1xi1> to vector<4x50176xi1>
    %select_n3A_97 = arith.select %broadcast_in_dim3A_96, %get3A_94, %add3A : vector<4x50176xi1>, vector<4x50176xf32>
    %swap3A = arith.constant 0 : index
    %swap3A_98 = arith.constant 0 : index
    %swap3A_99 = vector.load %arg7[%swap3A, %swap3A_98] : memref<4x50176xf32, #tpu.memory_space<vmem>>, vector<4x50176xf32>
    tpu.vector_store %arg7[%swap3A, %swap3A_98], %select_n3A_97 {strides = array<i32>} : memref<4x50176xf32, #tpu.memory_space<vmem>>, vector<4x50176xf32>,
    %get3A_100 = arith.constant 0 : index
    %get3A_101 = arith.constant 0 : index
    %get3A_102 = vector.load %arg2[%get3A_100, %get3A_101] : memref<4x50176xf32, #tpu.memory_space<vmem>>, vector<4x50176xf32>
    %broadcast_in_dim3A_103 = vector.shape_cast %gt3A_91 : vector<4x1xi1> to vector<4x1xi1>
    %broadcast_in_dim3A_104 = vector.broadcast %broadcast_in_dim3A_103 : vector<4x1xi1> to vector<4x50176xi1>
    %select_n3A_105 = arith.select %broadcast_in_dim3A_104, %get3A_102, %mul3A_51 : vector<4x50176xi1>, vector<4x50176xf32>
    %swap3A_106 = arith.constant 0 : index
    %swap3A_107 = arith.constant 0 : index
    %swap3A_108 = vector.load %arg8[%swap3A_106, %swap3A_107] : memref<4x50176xf32, #tpu.memory_space<vmem>>, vector<4x50176xf32>
    tpu.vector_store %arg8[%swap3A_106, %swap3A_107], %select_n3A_105 {strides = array<i32>} : memref<4x50176xf32, #tpu.memory_space<vmem>>, vector<4x50176xf32>,
    %broadcast_in_dim3A_109 = vector.shape_cast %gt3A_91 : vector<4x1xi1> to vector<4x1xi1>
    %broadcast_in_dim3A_110 = vector.broadcast %broadcast_in_dim3A_109 : vector<4x1xi1> to vector<4x50176xi1>
    %select_n3A_111 = arith.select %broadcast_in_dim3A_110, %get3A_15, %add3A_85 : vector<4x50176xi1>, vector<4x50176xf32>
    %swap3A_112 = arith.constant 0 : index
    %swap3A_113 = arith.constant 0 : index
    %swap3A_114 = vector.load %arg9[%swap3A_112, %swap3A_113] : memref<4x50176xf32, #tpu.memory_space<vmem>>, vector<4x50176xf32>
    tpu.vector_store %arg9[%swap3A_112, %swap3A_113], %select_n3A_111 {strides = array<i32>} : memref<4x50176xf32, #tpu.memory_space<vmem>>, vector<4x50176xf32>,
    %select_n3A_115 = arith.select %gt3A_91, %get3A_22, %broadcast_in_dim3A_55 : vector<4x1xi1>, vector<4x1xf32>
    %broadcast_in_dim3A_116 = vector.shape_cast %select_n3A_115 : vector<4x1xf32> to vector<4x1xf32>
    %broadcast_in_dim3A_117 = vector.broadcast %broadcast_in_dim3A_116 : vector<4x1xf32> to vector<4x128xf32>
    %swap3A_118 = arith.constant 0 : index
    %swap3A_119 = arith.constant 0 : index
    %swap3A_120 = vector.load %arg10[%swap3A_118, %swap3A_119] : memref<4x128xf32, #tpu.memory_space<vmem>>, vector<4x128xf32>
    tpu.vector_store %arg10[%swap3A_118, %swap3A_119], %broadcast_in_dim3A_117 {strides = array<i32>} : memref<4x128xf32, #tpu.memory_space<vmem>>, vector<4x128xf32>,
    %get3A_121 = arith.constant 0 : index
    %get3A_122 = arith.constant 0 : index
    %get3A_123 = vector.load %arg5[%get3A_121, %get3A_122] : memref<4x128xf32, #tpu.memory_space<vmem>>, vector<4x128xf32>
    %jit3A_124 = arith.constant 1.000000e+00 : f32
    %jit3A_125 = arith.constant 0.000000e+00 : f32
    %select_n3A_126 = arith.select %and3A_75, %jit3A_124, %jit3A_125 : f32
    %max3A_127 = vector.broadcast %select_n3A_126 : f32 to vector<4x128xf32>
    %max3A_128 = arith.maximumf %get3A_123, %max3A_127 : vector<4x128xf32>
    %swap3A_129 = arith.constant 0 : index
    %swap3A_130 = arith.constant 0 : index
    %swap3A_131 = vector.load %arg11[%swap3A_129, %swap3A_130] : memref<4x128xf32, #tpu.memory_space<vmem>>, vector<4x128xf32>
    tpu.vector_store %arg11[%swap3A_129, %swap3A_130], %max3A_128 {strides = array<i32>} : memref<4x128xf32, #tpu.memory_space<vmem>>, vector<4x128xf32>,
    return
  }
}

module attributes {stable_mosaic.version = 14 : i64} {
  func.func @body(%arg0: memref<4x50176xf32, #tpu.memory_space<vmem>>, %arg1: memref<4x50176xf32, #tpu.memory_space<vmem>>) attributes {dimension_semantics = [], scalar_prefetch = 0 : i64, scratch_operands = 0 : i64, tpu.core_type = #tpu.core_type<tc>} {
    %iota3A = tpu.iota {dimensions = array<i32: 1>} : vector<4x50176xi32>
    %lt3A = arith.constant 50000 : i32
    %lt3A_0 = vector.broadcast %lt3A : i32 to vector<4x50176xi32>
    %lt3A_1 = arith.cmpi slt, %iota3A, %lt3A_0 : vector<4x50176xi32>
    %convert_element_type3A = arith.extui %lt3A_1 : vector<4x50176xi1> to vector<4x50176xi32>
    %convert_element_type3A_2 = arith.sitofp %convert_element_type3A : vector<4x50176xi32> to vector<4x50176xf32>
    %get3A = arith.constant 0 : index
    %get3A_3 = arith.constant 0 : index
    %get3A_4 = vector.load %arg0[%get3A, %get3A_3] : memref<4x50176xf32, #tpu.memory_space<vmem>>, vector<4x50176xf32>
    %reduce_sum3A = arith.constant dense<0.000000e+00> : vector<4xf32>
    %reduce_sum3A_5 = vector.multi_reduction <add>, %get3A_4, %reduce_sum3A [1] : vector<4x50176xf32> to vector<4xf32>
    %broadcast_in_dim3A = vector.shape_cast %reduce_sum3A_5 : vector<4xf32> to vector<4x1xf32>
    %mul3A = arith.constant 2.000000e-05 : f32
    %mul3A_6 = vector.broadcast %mul3A : f32 to vector<4x1xf32>
    %mul3A_7 = arith.mulf %broadcast_in_dim3A, %mul3A_6 : vector<4x1xf32>
    %get3A_8 = arith.constant 0 : index
    %get3A_9 = arith.constant 0 : index
    %get3A_10 = vector.load %arg0[%get3A_8, %get3A_9] : memref<4x50176xf32, #tpu.memory_space<vmem>>, vector<4x50176xf32>
    %sub3A = vector.broadcast %mul3A_7 : vector<4x1xf32> to vector<4x50176xf32>
    %sub3A_11 = arith.subf %get3A_10, %sub3A : vector<4x50176xf32>
    %mul3A_12 = arith.mulf %sub3A_11, %convert_element_type3A_2 : vector<4x50176xf32>
    %swap3A = arith.constant 0 : index
    %swap3A_13 = arith.constant 0 : index
    %swap3A_14 = vector.load %arg1[%swap3A, %swap3A_13] : memref<4x50176xf32, #tpu.memory_space<vmem>>, vector<4x50176xf32>
    tpu.vector_store %arg1[%swap3A, %swap3A_13], %mul3A_12 {strides = array<i32>} : memref<4x50176xf32, #tpu.memory_space<vmem>>, vector<4x50176xf32>,
    return
  }
}

</mosaic_0001>

<sc_bundles>
// kernel: closed_call.19.cloned.1.call-start
scs
__scs_entry_jumppad:
0x0: {  	(pc) =	sbr.rel $0x88, $3  }
0x1: {  	(tag) =	ssettag $0x0;
	lr =	simm.s32 $0x1  }
0x2: {  	[smem:$0x3F9F] =	sst lr;
	_ =	strace $0xD0000000  }
0x3: {  	_ = 	snop  }
0x4: {  	_ = 	snop  }
0x5: {  	_ = 	snop  }
0x6: {  	_ = 	snop  }
0x7: {  	_ = 	snop  }
__scs_overlays_trampoline_lowered:
0x8: {  	[smem:$0x3FAE] =	sst s0  }
0x9: {  	[smem:$0x3FAF] =	sst s1  }
0xa: {  	[smem:$0x3FB0] =	sst s2  }
0xb: {  	[smem:$0x3FB1] =	sst s3  }
0xc: {  	[smem:$0x3FB2] =	sst s4  }
0xd: {  	[smem:$0x3FB3] =	sst s5  }
0xe: {  	[smem:$0x3FB4] =	sst s6  }
0xf: {  	[smem:$0x3FB5] =	sst s7  }
0x10: {  	[smem:$0x3FB6] =	sst s8  }
0x11: {  	[smem:$0x3FB7] =	sst s9;
	s0 =	simm.s32 @!p0 $0x0  }
0x12: {  	s1 =	sld [smem:$0x3F9D];
	s0 =	simm.s32 @p0 $0x1  }
0x13: {  	[smem:$0x3FB8] =	sst s0;
	s0 =	simm.s32 @!p1 $0x0  }
0x14: {  	s2 =	sld [smem:$0x3F9C];
	s0 =	simm.s32 @p1 $0x1  }
0x15: {  	[smem:$0x3FB9] =	sst s0;
	s0 =	simm.s32 @!p2 $0x0  }
0x16: {  	s3 =	sld [smem:$0x3FDB];
	s0 =	simm.s32 @p2 $0x1  }
0x17: {  	s4 =	simm.s32 $0x1BF5;
	[smem:$0x3FBB] =	sst s0  }
0x18: {  	s0 =	sld [smem:$0x3F9E];
	_ =	swait.ge [sflag:s4], $0x0  }
0x19: {  	s7 =	sld [smem:$0x3F9F]  }
0x1a: {  	s8 =	sadd.s32 $0xFFFFE003, lr  }
0x1b: {  	s9 =	sadd.s32 $0xFFFFFEF7, lr;
	s5 =	simm.s32 $0xFFFFFFFF;
	p2 =	slt.u32 s8, $0xFFFFF086  }
0x1c: {  	p1 =	slt.u32 s9, $0xF7A;
	s5 =	simm.s32 @!p2 $0x0  }
0x1d: {  	s5 =	simm.s32 @p1 $0x1;
	p0 =	seq.s32 s7, s2  }
0x1e: {  	s7 =	smul.u32 @!p0 $0xF7A, s2;
	p2 =	seq.s32 @!p0 s5, $0x0  }
0x1f: {  	s9 =	smul.u32 $0xF7A, s1;
	s8 =	simm.s32 @!p0 $0x1BF5;
	p2 =	por !p2, p0  }
0x20: {  	[sflag:s8] =	ssyncset.s32 @!p0 $0xFFFFF086;
	s6 =	sadd.s32 @!p0 s3, s7;
	s7 =	simm.s32 @!p0 $0x108  }
0x21: {  	s3 =	sadd.s32 s3, s9;
	s6 =	sadd.s32 @!p0 $0x88, s6;
	s7 =	simm.s32 @p2 $0x1082  }
0x22: {  	[simem:s7], [sflag:s8] =	dma.local @!p0 [hbm:s6], $0xF7A  }
0x23: {  	s9 =	sor.u32 $0xD0000000, s2;
	s6 =	simm.s32 $0x108;
	_ =	swait.ge @!p0 [sflag:s8], $0x0  }
0x24: {  	s3 =	sadd.s32 $0x88, s3;
	s6 =	simm.s32 @!p1 $0x1082;
	[sflag:s4] =	ssyncset.s32 $0xFFFFF086  }
0x25: {  	[simem:s6], [sflag:s4] =	dma.local [hbm:s3], $0xF7A  }
0x26: {  	[smem:$0x3F9F] =	sst s1;
	(tag) =	ssettag s2;
	_ =	strace s9  }
0x27: {  	s1 =	sld [smem:$0x3FAF]  }
0x28: {  	s2 =	sld [smem:$0x3FB0]  }
0x29: {  	s4 =	sld [smem:$0x3FB2]  }
0x2a: {  	p0 =	seq.s32 s5, $0x0;
	s5 =	sld [smem:$0x3FB3]  }
0x2b: {  	s6 =	sld [smem:$0x3FB4]  }
0x2c: {  	s7 =	sld [smem:$0x3FB5]  }
0x2d: {  	s3 =	simm.s32 $0x108;
	s8 =	sld [smem:$0x3FB6]  }
0x2e: {  	s3 =	simm.s32 @!p0 $0x1082;
	s9 =	sld [smem:$0x3FB7]  }
0x2f: {  	lr =	sadd.s32 s0, s3;
	s0 =	sld [smem:$0x3FAE]  }
0x30: {  	s3 =	sld [smem:$0x3FB1]  }
0x31: {  	[smem:$0x3FBA] =	sst s10  }
0x32: {  	s10 =	sld [smem:$0x3FB8];
	_ =	sdelay $0x3  }
0x33: {  	p0 =	seq.s32 s10, $0x1;
	s10 =	sld [smem:$0x3FBA];
	_ =	sdelay $0x3  }
0x34: {  	[smem:$0x3FBA] =	sst s10  }
0x35: {  	s10 =	sld [smem:$0x3FB9];
	_ =	sdelay $0x3  }
0x36: {  	p1 =	seq.s32 s10, $0x1;
	s10 =	sld [smem:$0x3FBA];
	_ =	sdelay $0x3  }
0x37: {  	[smem:$0x3FBA] =	sst s10  }
0x38: {  	s10 =	sld [smem:$0x3FBB]  }
0x39: {  	_ = 	snop;
	(pc) =	sbr.ind lr, $3  }
0x3a: {  	_ = 	snop  }
0x3b: {  	_ = 	snop  }
0x3c: {  	p2 =	seq.s32 s10, $0x1;
	s10 =	sld [smem:$0x3FBA]  }
0x3d: {  	_ =	shalt  }
0x3e: {  	_ =	shalt  }
0x3f: {  	_ =	shalt  }
0x40: {  	_ =	shalt  }
0x41: {  	_ =	shalt  }
0x42: {  	_ =	shalt  }
0x43: {  	_ =	shalt  }
0x44: {  	_ =	shalt  }
0x45: {  	_ =	shalt  }
0x46: {  	_ =	shalt  }
0x47: {  	_ =	shalt  }
0x48: {  	_ =	shalt  }
0x49: {  	_ =	shalt  }
0x4a: {  	_ =	shalt  }
0x4b: {  	_ =	shalt  }
0x4c: {  	_ =	shalt  }
0x4d: {  	_ =	shalt  }
0x4e: {  	_ =	shalt  }
0x4f: {  	_ =	shalt  }
0x50: {  	_ =	shalt  }
0x51: {  	_ =	shalt  }
0x52: {  	_ =	shalt  }
0x53: {  	_ =	shalt  }
0x54: {  	_ =	shalt  }
0x55: {  	_ =	shalt  }
0x56: {  	_ =	shalt  }
0x57: {  	_ =	shalt  }
0x58: {  	_ =	shalt  }
0x59: {  	_ =	shalt  }
0x5a: {  	_ =	shalt  }
0x5b: {  	_ =	shalt  }
0x5c: {  	_ =	shalt  }
0x5d: {  	_ =	shalt  }
0x5e: {  	_ =	shalt  }
0x5f: {  	_ =	shalt  }
0x60: {  	_ =	shalt  }
0x61: {  	_ =	shalt  }
0x62: {  	_ =	shalt  }
0x63: {  	_ =	shalt  }
0x64: {  	_ =	shalt  }
0x65: {  	_ =	shalt  }
0x66: {  	_ =	shalt  }
0x67: {  	_ =	shalt  }
0x68: {  	_ =	shalt  }
0x69: {  	_ =	shalt  }
0x6a: {  	_ =	shalt  }
0x6b: {  	_ =	shalt  }
0x6c: {  	_ =	shalt  }
0x6d: {  	_ =	shalt  }
0x6e: {  	_ =	shalt  }
0x6f: {  	_ =	shalt  }
0x70: {  	_ =	shalt  }
0x71: {  	_ =	shalt  }
0x72: {  	_ =	shalt  }
0x73: {  	_ =	shalt  }
0x74: {  	_ =	shalt  }
0x75: {  	_ =	shalt  }
0x76: {  	_ =	shalt  }
0x77: {  	_ =	shalt  }
0x78: {  	_ =	shalt  }
0x79: {  	_ =	shalt  }
0x7a: {  	_ =	shalt  }
0x7b: {  	_ =	shalt  }
0x7c: {  	_ =	shalt  }
0x7d: {  	_ =	shalt  }
0x7e: {  	_ =	shalt  }
0x7f: {  	_ =	shalt  }
0x80: {  	_ =	shalt  }
0x81: {  	_ =	shalt  }
0x82: {  	_ =	shalt  }
0x83: {  	_ =	shalt  }
0x84: {  	_ =	shalt  }
0x85: {  	_ =	shalt  }
0x86: {  	_ =	shalt  }
0x87: {  	_ =	shalt  }
.Lfunc_end0:
.L_simem_size_0:
called_computation_lowered:
.L_overlay_start_0:
0x88: {  	s2 =	sld [smem:$0x3FD9]  }
0x89: {  	s3 =	sld [smem:$0x3FFE];
	_ =	sdelay $0x1  }
0x8a: {  	s1 =	srdreg.scid  }
0x8b: {  	s0 =	sand.u32 $0x1, s1  }
0x8c: {  	s17 =	sshll.u32 s0, $0xA;
	s2 =	sadd.s32 s3, s2  }
0x8d: {  	s2 =	sadd.s32 s2, s17  }
0x8e: {  	[smem:$0x3FC6] =	sst s2  }
0x8f: {  	_ = 	snop  }
0x90: {  	s2 =	sld [smem:$0x3FD0];
	(tm) =	ssettm $0x1  }
0x91: {  	s18 =	sld [smem:$0x3FFB];
	_ =	sdelay $0x3  }
0x92: {  	_ =	strace s18  }
0x93: {  	s3 =	sld [smem:$0x3FFC];
	_ =	sdelay $0x3  }
0x94: {  	_ =	strace s3  }
0x95: {  	s3 =	sld [smem:$0x3FFD];
	_ =	sdelay $0x3  }
0x96: {  	_ =	strace s3  }
0x97: {  	_ =	strace $0x8FFFFFFF  }
0x98: {  	s19 =	sld [smem:$0x3FDB];
	_ =	sdelay $0x1  }
0x99: {  	s4 =	simm.s32 $_scs_section_size  }
0x9a: {  	s5 =	simm.s32 $_size__tile_overlayer_lowered;
	s6 =	simm.s32 $_tile_overlayer_lowered  }
0x9b: {  	s22 =	simm.s32 $0x1BFF;
	s21 =	sshll.u32 s6, $0x1;
	s3 =	sadd.s32 s4, s19  }
0x9c: {  	s7 =	simm.s32 $0x0;
	s20 =	sshll.u32 s5, $0x1;
	s5 =	sadd.s32 s21, s3  }
0x9d: {  	[timem:s7], [sflag:s22] =	dma.local [hbm:s5], s20  }
0x9e: {  	_ =	swait.ge [sflag:s22], s20  }
0x9f: {  	s4 =	ssub.s32 $0x0, s20;
	[sflag:s22] =	ssyncset.done $0x0  }
0xa0: {  	[sflag:s22] =	ssyncadd.s32 s4;
	_ =	sdelay $0x1  }
0xa1: {  	s23 =	simm.s32 $0x1B8B  }
0xa2: {  	_ =	swait.ge [sflag:s23], $0x1  }
0xa3: {  	[sflag:s23] =	ssyncset.done $0x0  }
0xa4: {  	s25 =	simm.s32 $0x1B8E;
	s24 =	sld [smem:$0x3FFE];
	[sflag:s23] =	ssyncadd.s32 $0xFFFFFFFF  }
0xa5: {  	s26 =	simm.s32 $execute0_lowered;
	[smem:$0x3FD2] =	sst s25  }
0xa6: {  	s5 =	sshll.u32 s26, $0x1;
	_ =	strace $0x8000004C;
	[dreg:$0x1] =	wrdreg $0xFFFFFFFF  }
0xa7: {  	s28 =	simm.s32 $_size_execute0_lowered;
	s3 =	sadd.s32 s3, s5;
	[dreg:$0x0] =	wrdreg $0x0  }
0xa8: {  	s5 =	sshll.u32 s28, $0x1;
	[dreg:$0x2] =	wrdreg s3  }
0xa9: {  	[dreg:$0x3] =	wrdreg s5  }
0xaa: {  	[dreg:$0x4] =	wrdreg $0xC0  }
0xab: {  	_ =	task [dreg:s7], $0x5FFFF  }
0xac: {  	[dreg:$0x1] =	wrdreg $0xFFFFFFFF  }
0xad: {  	[dreg:$0x0] =	wrdreg $0x60  }
0xae: {  	[dreg:$0x2] =	wrdreg s24  }
0xaf: {  	[dreg:$0x3] =	wrdreg s2  }
0xb0: {  	[dreg:$0x4] =	wrdreg $0x9  }
0xb1: {  	_ =	task.clear_ibuf [dreg:s7], $0x5FFFF;
	_ =	strace $0x9000004C  }
0xb2: {  	s29 =	simm.s32 $0x9;
	_ =	strace $0x8000004E  }
0xb3: {  	_ =	swait.ge [sflag:s29], $0x1  }
0xb4: {  	[sflag:s29] =	ssyncadd.s32 $0xFFFFFFFF  }
0xb5: {  	_ =	strace $0x9000004E  }
0xb6: {  	_ =	sfence  }
0xb7: {  	s30 =	sld [smem:$0x0];
	_ =	sdelay $0x2  }
0xb8: {  	s31 =	sshll.u32 s1, $0xD;
	s1 =	sshrl.u32 s1, $0x2  }
0xb9: {  	s3 =	sand.u32 $0x4000, s31;
	s1 =	sadd.s32 s1, s30  }
0xba: {  	s0 =	sor.u32 s3, s0;
	s1 =	sshll.u32 s1, $0x11  }
0xbb: {  	s0 =	sor.u32 s1, s0  }
0xbc: {  	s0 =	sadd.s32 $0x8F2B, s0  }
0xbd: {  	[sflag:s0] =	ssyncadd.remote.s32 $0x1  }
0xbe: {  	_ =	sfence.sel $0xFFFF  }
0xbf: {  	[dreg:$0x0] =	wrdreg $0xFFFFFFFF;
	(pc) =	sbr.abs _section_cstart, $3  }
0xc0: {  	[dreg:$0x1] =	wrdreg $0xFFFFFFFF  }
0xc1: {  	_ =	task.clear_ibuf [dreg:s7], $0x2FFFF;
	_ =	strace $0x9FFFFFFF  }
0xc2: {  	(tm) =	ssettm $0x7FFFFFFF  }
0xc3: {  	_ =	shalt  }
tec
execute0_lowered:
.L_overlay_start_1:
0x0: {  	(tag) =	ssettag $0x1  }
0x1: {  	s0 =	rddreg [dreg:$0x0]  }
0x2: {  	s1 =	rddreg [dreg:$0x1];
	s3 =	srdreg.scid  }
0x3: {  	s6 =	stileid.u32;
	s2 =	simm.s32 $0x0;
	s17 =	simm.s32 $0x200  }
0x4: {  	s19 =	simm.s32 $0x9;
	s20 =	simm.s32 $0x1;
	s21 =	simm.s32 $0x5  }
0x5: {  	s22 =	simm.s32 $0x2;
	s23 =	simm.s32 $0x6;
	s28 =	simm.s32 $0x4  }
0x6: {  	s29 =	simm.s32 $0x8;
	s31 =	simm.s32 $0x0;
	s3 =	sand.u32 $0x1, s3  }
0x7: {  	s4 =	sshll.u32 s6, $0x1;
	[smem:$0x7FF] =	sst s2;
	s11 =	sand.u32 $0x7, s6  }
0x8: {  	s5 =	sshll.u32 s3, $0x5;
	s4 =	sand.u32 $0x10, s4;
	s15 =	smul.u32 $0x19000, s11  }
0x9: {  	_ =	strace $0x8000004D;
	s7 =	ssub.s32 $0x2, s3;
	s9 =	smul.u32 $0x3200, s11  }
0xa: {  	s3 =	sadd.s32 $0x1AA00, s0;
	s16 =	smul.u32 $0x6200, s11;
	s5 =	sor.u32 s5, s4  }
0xb: {  	s8 =	sshrl.u32 s7, $0x1;
	s4 =	sadd.s32 $0x1600, s0;
	s25 =	sadd.s32 s5, s0  }
0xc: {  	s26 =	ssub.s32 s7, s8;
	s10 =	sshrl.u32 s15, $0x3;
	s7 =	sadd.s32 s4, s9  }
0xd: {  	s14 =	sadd.s32 $0x3200, s15;
	s1 =	sadd.s32 s1, s16;
	s16 =	simm.s32 $0x80  }
0xe: {  	s6 =	sadd.s32 $0x98E00, s25;
	s12 =	sor.u32 $0x140, s10;
	s13 =	sadd.s32 $0x280, s10  }
0xf: {  	s0 =	smax.u32 s26, $0x1;
	s30 =	sadd.s32 s5, s1;
	s25 =	simm.s32 $0x3  }
0x10: {  	s26 =	simm.s32 $0x7;
	[dreg:$0x3] =	wrdreg s6;
	s6 =	sadd.s32 s3, s9  }
0x11: {  	s8 =	sadd.s32 s3, s12;
	s9 =	sadd.s32 s4, s12;
	s10 =	sadd.s32 s3, s13  }
0x12: {  	s11 =	sadd.s32 s4, s13;
	s12 =	sadd.s32 $0x1E00, s15;
	[dreg:$0x4] =	wrdreg s0  }
0x13: {  	s13 =	sadd.s32 $0x2800, s15;
	s15 =	sadd.s32 $0x3C00, s15;
	[dreg:$0x5] =	wrdreg s30  }
.LBB2_1:
0x14: {  	s0 =	rddreg [dreg:$0x3]  }
0x15: {  	[tilespmem:s2], [sflag:$0x9] =	stream.strided.gather [hbm4b:s0+s16], $0xC400, s17, s16, $0x38;
	[tilespmem:$0x1D800] =	vst v63  }
0x16: {  	_ =	swait.ge [sflag:s19], $0xC400  }
0x17: {  	s1 =	simm.s32 $0x10;
	s5 =	simm.s32 $0x18A00;
	[sflag:s19] =	ssyncset.done $0x0  }
0x18: {  	s0 =	simm.s32 $0x18800;
	s16 =	sadd.s32 $0x0, s6;
	[sflag:s19] =	ssyncadd.s32 $0xFFFF3C00  }
.LBB2_2:
0x19: {  	[tilespmem:s0], [sflag:$0x1] =	stream.linear.gather [hbm4b:s16+s2], $0x80, $0x38;
	[tilespmem:$0x1D800] =	vst v63  }
0x1a: {  	s16 =	smov.u32 s1;
	s0 =	smov.u32 s5;
	p0 =	sne.s32 s1, $0x130  }
.Ltmp0:
0x1b: {  	s1 =	sadd.s32 $0x10, s1;
	(pc) =	sbr.rel @p0 .LBB2_2-.Ltmp0, $2  }
0x1c: {  	_ =	sdelay $0x2  }
0x1d: {  	s5 =	sadd.s32 $0x200, s5;
	s16 =	sadd.s32 s16, s6  }
0x1e: {  	[tilespmem:s0], [sflag:$0x1] =	stream.linear.gather [hbm4b:s16+s2], $0x80, $0x38;
	[tilespmem:$0x1D800] =	vst v63  }
0x1f: {  	s0 =	simm.s32 $0x1B000  }
0x20: {  	s1 =	simm.s32 $0x10;
	s16 =	sadd.s32 $0x0, s7;
	s5 =	simm.s32 $0x1B200  }
.LBB2_4:
0x21: {  	[tilespmem:s0], [sflag:$0x5] =	stream.linear.gather [hbm4b:s16+s2], $0x80, $0x38;
	[tilespmem:$0x1D800] =	vst v63  }
0x22: {  	s16 =	smov.u32 s1;
	s0 =	smov.u32 s5;
	p0 =	sne.s32 s1, $0x130  }
.Ltmp1:
0x23: {  	s1 =	sadd.s32 $0x10, s1;
	(pc) =	sbr.rel @p0 .LBB2_4-.Ltmp1, $2  }
0x24: {  	_ =	sdelay $0x2  }
0x25: {  	s5 =	sadd.s32 $0x200, s5;
	s16 =	sadd.s32 s16, s7  }
0x26: {  	[tilespmem:s0], [sflag:$0x5] =	stream.linear.gather [hbm4b:s16+s2], $0x80, $0x38;
	[tilespmem:$0x1D800] =	vst v63  }
0x27: {  	s0 =	simm.s32 $0x18880  }
0x28: {  	s1 =	simm.s32 $0x10;
	s16 =	sadd.s32 $0x0, s8;
	s5 =	simm.s32 $0x18A80  }
.LBB2_6:
0x29: {  	[tilespmem:s0], [sflag:$0x2] =	stream.linear.gather [hbm4b:s16+s2], $0x80, $0x38;
	[tilespmem:$0x1D800] =	vst v63  }
0x2a: {  	s16 =	smov.u32 s1;
	s0 =	smov.u32 s5;
	p0 =	sne.s32 s1, $0x130  }
.Ltmp2:
0x2b: {  	s1 =	sadd.s32 $0x10, s1;
	(pc) =	sbr.rel @p0 .LBB2_6-.Ltmp2, $2  }
0x2c: {  	_ =	sdelay $0x2  }
0x2d: {  	s5 =	sadd.s32 $0x200, s5;
	s16 =	sadd.s32 s16, s8  }
0x2e: {  	[tilespmem:s0], [sflag:$0x2] =	stream.linear.gather [hbm4b:s16+s2], $0x80, $0x38;
	[tilespmem:$0x1D800] =	vst v63  }
0x2f: {  	s0 =	simm.s32 $0x1B080  }
0x30: {  	s1 =	simm.s32 $0x10;
	s16 =	sadd.s32 $0x0, s9;
	s5 =	simm.s32 $0x1B280  }
.LBB2_8:
0x31: {  	[tilespmem:s0], [sflag:$0x6] =	stream.linear.gather [hbm4b:s16+s2], $0x80, $0x38;
	[tilespmem:$0x1D800] =	vst v63  }
0x32: {  	s16 =	smov.u32 s1;
	s0 =	smov.u32 s5;
	p0 =	sne.s32 s1, $0x130  }
.Ltmp3:
0x33: {  	s1 =	sadd.s32 $0x10, s1;
	(pc) =	sbr.rel @p0 .LBB2_8-.Ltmp3, $2  }
0x34: {  	_ =	sdelay $0x2  }
0x35: {  	s5 =	sadd.s32 $0x200, s5;
	s16 =	sadd.s32 s16, s9  }
0x36: {  	[tilespmem:s0], [sflag:$0x6] =	stream.linear.gather [hbm4b:s16+s2], $0x80, $0x38;
	[tilespmem:$0x1D800] =	vst v63  }
0x37: {  	s0 =	simm.s32 $0x18900  }
0x38: {  	s1 =	simm.s32 $0x10;
	s16 =	sadd.s32 $0x0, s10;
	s5 =	simm.s32 $0x18B00  }
.LBB2_10:
0x39: {  	[tilespmem:s0], [sflag:$0x3] =	stream.linear.gather [hbm4b:s16+s2], $0x80, $0x38;
	[tilespmem:$0x1D800] =	vst v63  }
0x3a: {  	s16 =	smov.u32 s1;
	s0 =	smov.u32 s5;
	p0 =	sne.s32 s1, $0x130  }
.Ltmp4:
0x3b: {  	s1 =	sadd.s32 $0x10, s1;
	(pc) =	sbr.rel @p0 .LBB2_10-.Ltmp4, $2  }
0x3c: {  	_ =	sdelay $0x2  }
0x3d: {  	s5 =	sadd.s32 $0x200, s5;
	s16 =	sadd.s32 s16, s10  }
0x3e: {  	[tilespmem:s0], [sflag:$0x3] =	stream.linear.gather [hbm4b:s16+s2], $0x80, $0x38;
	[tilespmem:$0x1D800] =	vst v63  }
0x3f: {  	s0 =	simm.s32 $0x0;
	s1 =	simm.s32 $0x1B100  }
0x40: {  	s5 =	simm.s32 $0x10;
	s16 =	sadd.s32 $0x0, s11;
	s17 =	simm.s32 $0x1B300  }
.LBB2_12:
0x41: {  	[tilespmem:s1], [sflag:$0x7] =	stream.linear.gather [hbm4b:s16+s0], $0x80, $0x38;
	[tilespmem:$0x1D800] =	vst v63  }
0x42: {  	s16 =	smov.u32 s5;
	s1 =	smov.u32 s17;
	p0 =	sne.s32 s5, $0x130  }
.Ltmp5:
0x43: {  	s5 =	sadd.s32 $0x10, s5;
	(pc) =	sbr.rel @p0 .LBB2_12-.Ltmp5, $2  }
0x44: {  	_ =	sdelay $0x2  }
0x45: {  	s17 =	sadd.s32 $0x200, s17;
	s16 =	sadd.s32 s16, s11  }
0x46: {  	[tilespmem:s1], [sflag:$0x7] =	stream.linear.gather [hbm4b:s16+s0], $0x80, $0x38;
	[tilespmem:$0x1D800] =	vst v63  }
.LBB2_14:
0x47: {  	_ =	swait.ge [sflag:s20], $0xA00;
	s1 =	smul.u32 $0x2800, s0  }
0x48: {  	[sflag:s20] =	ssyncset.done $0x0  }
0x49: {  	[sflag:s20] =	ssyncadd.s32 $0xFFFFF600;
	s5 =	sadd.s32 s1, s12  }
0x4a: {  	s17 =	simm.s32 $0x18980;
	_ =	swait.ge [sflag:s21], $0xA00;
	s30 =	sshrl.u32 s5, $0x3  }
0x4b: {  	s18 =	simm.s32 $0x10;
	[sflag:s21] =	ssyncset.done $0x0;
	s5 =	sadd.s32 s3, s30  }
0x4c: {  	s16 =	simm.s32 $0x18B80;
	[sflag:s21] =	ssyncadd.s32 $0xFFFFF600;
	s24 =	sadd.s32 $0x0, s5  }
.LBB2_15:
0x4d: {  	[tilespmem:s17], [sflag:$0x4] =	stream.linear.gather [hbm4b:s24+s2], $0x80, $0x38;
	[tilespmem:$0x1D800] =	vst v63  }
0x4e: {  	s24 =	smov.u32 s18;
	s17 =	smov.u32 s16;
	p0 =	sne.s32 s18, $0x130  }
.Ltmp6:
0x4f: {  	s18 =	sadd.s32 $0x10, s18;
	(pc) =	sbr.rel @p0 .LBB2_15-.Ltmp6, $2  }
0x50: {  	_ =	sdelay $0x2  }
0x51: {  	s16 =	sadd.s32 $0x200, s16;
	s24 =	sadd.s32 s24, s5  }
0x52: {  	[tilespmem:s17], [sflag:$0x4] =	stream.linear.gather [hbm4b:s24+s2], $0x80, $0x38;
	[tilespmem:$0x1D800] =	vst v63  }
0x53: {  	s5 =	sadd.s32 s4, s30;
	s17 =	simm.s32 $0x1B180  }
0x54: {  	s18 =	simm.s32 $0x10;
	s16 =	simm.s32 $0x1B380;
	s24 =	sadd.s32 $0x0, s5  }
.LBB2_17:
0x55: {  	[tilespmem:s17], [sflag:$0x8] =	stream.linear.gather [hbm4b:s24+s2], $0x80, $0x38;
	[tilespmem:$0x1D800] =	vst v63  }
0x56: {  	s24 =	smov.u32 s18;
	s17 =	smov.u32 s16;
	p0 =	sne.s32 s18, $0x130  }
.Ltmp7:
0x57: {  	s18 =	sadd.s32 $0x10, s18;
	(pc) =	sbr.rel @p0 .LBB2_17-.Ltmp7, $2  }
0x58: {  	_ =	sdelay $0x2  }
0x59: {  	s16 =	sadd.s32 $0x200, s16;
	s24 =	sadd.s32 s24, s5  }
0x5a: {  	[tilespmem:s17], [sflag:$0x8] =	stream.linear.gather [hbm4b:s24+s2], $0x80, $0x38;
	[tilespmem:$0x1D800] =	vst v63  }
0x5b: {  	_ =	swait.ge [sflag:s22], $0xA00  }
0x5c: {  	[sflag:s22] =	ssyncset.done $0x0  }
0x5d: {  	s5 =	sadd.s32 s1, s13;
	[sflag:s22] =	ssyncadd.s32 $0xFFFFF600  }
0x5e: {  	s17 =	simm.s32 $0x18800;
	s30 =	sshrl.u32 s5, $0x3;
	_ =	swait.ge [sflag:s23], $0xA00  }
0x5f: {  	s18 =	simm.s32 $0x10;
	s5 =	sadd.s32 s3, s30;
	[sflag:s23] =	ssyncset.done $0x0  }
0x60: {  	s16 =	simm.s32 $0x18A00;
	s24 =	sadd.s32 $0x0, s5;
	[sflag:s23] =	ssyncadd.s32 $0xFFFFF600  }
.LBB2_19:
0x61: {  	[tilespmem:s17], [sflag:$0x1] =	stream.linear.gather [hbm4b:s24+s2], $0x80, $0x38;
	[tilespmem:$0x1D800] =	vst v63  }
0x62: {  	s24 =	smov.u32 s18;
	s17 =	smov.u32 s16;
	p0 =	sne.s32 s18, $0x130  }
.Ltmp8:
0x63: {  	s18 =	sadd.s32 $0x10, s18;
	(pc) =	sbr.rel @p0 .LBB2_19-.Ltmp8, $2  }
0x64: {  	_ =	sdelay $0x2  }
0x65: {  	s16 =	sadd.s32 $0x200, s16;
	s24 =	sadd.s32 s24, s5  }
0x66: {  	[tilespmem:s17], [sflag:$0x1] =	stream.linear.gather [hbm4b:s24+s2], $0x80, $0x38;
	[tilespmem:$0x1D800] =	vst v63  }
0x67: {  	s5 =	sadd.s32 s4, s30;
	s17 =	simm.s32 $0x1B000  }
0x68: {  	s18 =	simm.s32 $0x10;
	s16 =	simm.s32 $0x1B200;
	s24 =	sadd.s32 $0x0, s5  }
.LBB2_21:
0x69: {  	[tilespmem:s17], [sflag:$0x5] =	stream.linear.gather [hbm4b:s24+s2], $0x80, $0x38;
	[tilespmem:$0x1D800] =	vst v63  }
0x6a: {  	s24 =	smov.u32 s18;
	s17 =	smov.u32 s16;
	p0 =	sne.s32 s18, $0x130  }
.Ltmp9:
0x6b: {  	s18 =	sadd.s32 $0x10, s18;
	(pc) =	sbr.rel @p0 .LBB2_21-.Ltmp9, $2  }
0x6c: {  	_ =	sdelay $0x2  }
0x6d: {  	s16 =	sadd.s32 $0x200, s16;
	s24 =	sadd.s32 s24, s5  }
0x6e: {  	[tilespmem:s17], [sflag:$0x5] =	stream.linear.gather [hbm4b:s24+s2], $0x80, $0x38;
	[tilespmem:$0x1D800] =	vst v63  }
0x6f: {  	_ =	swait.ge [sflag:s25], $0xA00  }
0x70: {  	[sflag:s25] =	ssyncset.done $0x0  }
0x71: {  	s5 =	sadd.s32 s1, s14;
	[sflag:s25] =	ssyncadd.s32 $0xFFFFF600  }
0x72: {  	s17 =	simm.s32 $0x18880;
	s30 =	sshrl.u32 s5, $0x3;
	_ =	swait.ge [sflag:s26], $0xA00  }
0x73: {  	s18 =	simm.s32 $0x10;
	s5 =	sadd.s32 s3, s30;
	[sflag:s26] =	ssyncset.done $0x0  }
0x74: {  	s16 =	simm.s32 $0x18A80;
	s24 =	sadd.s32 $0x0, s5;
	[sflag:s26] =	ssyncadd.s32 $0xFFFFF600  }
.LBB2_23:
0x75: {  	[tilespmem:s17], [sflag:$0x2] =	stream.linear.gather [hbm4b:s24+s2], $0x80, $0x38;
	[tilespmem:$0x1D800] =	vst v63  }
0x76: {  	s24 =	smov.u32 s18;
	s17 =	smov.u32 s16;
	p0 =	sne.s32 s18, $0x130  }
.Ltmp10:
0x77: {  	s18 =	sadd.s32 $0x10, s18;
	(pc) =	sbr.rel @p0 .LBB2_23-.Ltmp10, $2  }
0x78: {  	_ =	sdelay $0x2  }
0x79: {  	s16 =	sadd.s32 $0x200, s16;
	s24 =	sadd.s32 s24, s5  }
0x7a: {  	[tilespmem:s17], [sflag:$0x2] =	stream.linear.gather [hbm4b:s24+s2], $0x80, $0x38;
	[tilespmem:$0x1D800] =	vst v63  }
0x7b: {  	s5 =	sadd.s32 s4, s30;
	s17 =	simm.s32 $0x1B080  }
0x7c: {  	s18 =	simm.s32 $0x10;
	s16 =	simm.s32 $0x1B280;
	s24 =	sadd.s32 $0x0, s5  }
.LBB2_25:
0x7d: {  	[tilespmem:s17], [sflag:$0x6] =	stream.linear.gather [hbm4b:s24+s2], $0x80, $0x38;
	[tilespmem:$0x1D800] =	vst v63  }
0x7e: {  	s24 =	smov.u32 s18;
	s17 =	smov.u32 s16;
	p0 =	sne.s32 s18, $0x130  }
.Ltmp11:
0x7f: {  	s18 =	sadd.s32 $0x10, s18;
	(pc) =	sbr.rel @p0 .LBB2_25-.Ltmp11, $2  }
0x80: {  	_ =	sdelay $0x2  }
0x81: {  	s16 =	sadd.s32 $0x200, s16;
	s24 =	sadd.s32 s24, s5  }
0x82: {  	[tilespmem:s17], [sflag:$0x6] =	stream.linear.gather [hbm4b:s24+s2], $0x80, $0x38;
	[tilespmem:$0x1D800] =	vst v63  }
0x83: {  	_ =	swait.ge [sflag:s28], $0xA00  }
0x84: {  	[sflag:s28] =	ssyncset.done $0x0  }
0x85: {  	s1 =	sadd.s32 s1, s15;
	[sflag:s28] =	ssyncadd.s32 $0xFFFFF600  }
0x86: {  	s17 =	simm.s32 $0x18900;
	s1 =	sshrl.u32 s1, $0x3;
	_ =	swait.ge [sflag:s29], $0xA00  }
0x87: {  	s18 =	simm.s32 $0x10;
	s5 =	sadd.s32 s3, s1;
	[sflag:s29] =	ssyncset.done $0x0  }
0x88: {  	s16 =	simm.s32 $0x18B00;
	s24 =	sadd.s32 $0x0, s5;
	[sflag:s29] =	ssyncadd.s32 $0xFFFFF600  }
.LBB2_27:
0x89: {  	[tilespmem:s17], [sflag:$0x3] =	stream.linear.gather [hbm4b:s24+s2], $0x80, $0x38;
	[tilespmem:$0x1D800] =	vst v63  }
0x8a: {  	s24 =	smov.u32 s18;
	s17 =	smov.u32 s16;
	p0 =	sne.s32 s18, $0x130  }
.Ltmp12:
0x8b: {  	s18 =	sadd.s32 $0x10, s18;
	(pc) =	sbr.rel @p0 .LBB2_27-.Ltmp12, $2  }
0x8c: {  	_ =	sdelay $0x2  }
0x8d: {  	s16 =	sadd.s32 $0x200, s16;
	s24 =	sadd.s32 s24, s5  }
0x8e: {  	[tilespmem:s17], [sflag:$0x3] =	stream.linear.gather [hbm4b:s24+s2], $0x80, $0x38;
	[tilespmem:$0x1D800] =	vst v63  }
0x8f: {  	s1 =	sadd.s32 s4, s1;
	s5 =	simm.s32 $0x1B100  }
0x90: {  	s17 =	simm.s32 $0x10;
	s16 =	simm.s32 $0x1B300;
	s18 =	sadd.s32 $0x0, s1  }
.LBB2_29:
0x91: {  	[tilespmem:s5], [sflag:$0x7] =	stream.linear.gather [hbm4b:s18+s2], $0x80, $0x38;
	[tilespmem:$0x1D800] =	vst v63  }
0x92: {  	s18 =	smov.u32 s17;
	s5 =	smov.u32 s16;
	p0 =	sne.s32 s17, $0x130  }
.Ltmp13:
0x93: {  	s17 =	sadd.s32 $0x10, s17;
	(pc) =	sbr.rel @p0 .LBB2_29-.Ltmp13, $2  }
0x94: {  	_ =	sdelay $0x2  }
0x95: {  	s16 =	sadd.s32 $0x200, s16;
	s18 =	sadd.s32 s18, s1  }
0x96: {  	s0 =	sadd.s32 $0x1, s0  }
0x97: {  	p0 =	sne.s32 s0, $0xA  }
.Ltmp14:
0x98: {  	_ = 	snop;
	(pc) =	sbr.rel @p0 .LBB2_14-.Ltmp14, $2  }
0x99: {  	_ =	sdelay $0x2  }
0x9a: {  	[tilespmem:s5], [sflag:$0x7] =	stream.linear.gather [hbm4b:s18+s2], $0x80, $0x38;
	[tilespmem:$0x1D800] =	vst v63  }
0x9b: {  	_ =	swait.ge [sflag:s20], $0xA00  }
0x9c: {  	[sflag:s20] =	ssyncset.done $0x0  }
0x9d: {  	[sflag:s20] =	ssyncadd.s32 $0xFFFFF600  }
0x9e: {  	_ =	swait.ge [sflag:s21], $0xA00  }
0x9f: {  	[sflag:s21] =	ssyncset.done $0x0  }
0xa0: {  	[sflag:s21] =	ssyncadd.s32 $0xFFFFF600  }
0xa1: {  	_ =	swait.ge [sflag:s22], $0xA00  }
0xa2: {  	[sflag:s22] =	ssyncset.done $0x0  }
0xa3: {  	[sflag:s22] =	ssyncadd.s32 $0xFFFFF600  }
0xa4: {  	_ =	swait.ge [sflag:s23], $0xA00  }
0xa5: {  	[sflag:s23] =	ssyncset.done $0x0  }
0xa6: {  	[sflag:s23] =	ssyncadd.s32 $0xFFFFF600  }
0xa7: {  	_ =	swait.ge [sflag:s25], $0xA00  }
0xa8: {  	[sflag:s25] =	ssyncset.done $0x0  }
0xa9: {  	[sflag:s25] =	ssyncadd.s32 $0xFFFFF600  }
0xaa: {  	_ =	swait.ge [sflag:s26], $0xA00  }
0xab: {  	[sflag:s26] =	ssyncset.done $0x0  }
0xac: {  	[sflag:s26] =	ssyncadd.s32 $0xFFFFF600  }
0xad: {  	s16 =	simm.s32 $0x80;
	[bflag:$0x0] =	sbarrier.arrive $0xFFFF  }
0xae: {  	s17 =	simm.s32 $0x200;
	s1 =	simm.s32 $0xC400;
	s0 =	rddreg [dreg:$0x5]  }
0xaf: {  	[hbm4b:s0+s16] =	stream.strided.scatter [tilespmem:s1], [sflag:$0x9], $0xC400, s17, s16, $0x38;
	[tilespmem:$0x1D800] =	vst v63  }
0xb0: {  	_ =	swait.ge [sflag:s19], $0xC400  }
0xb1: {  	s31 =	sadd.s32 $0x1, s31;
	s30 =	rddreg [dreg:$0x4]  }
0xb2: {  	p0 =	sne.s32 s31, s30  }
.Ltmp15:
0xb3: {  	_ = 	snop;
	(pc) =	sbr.rel @p0 .LBB2_1-.Ltmp15, $3  }
0xb4: {  	_ =	sdelay $0x1  }
0xb5: {  	[sflag:s19] =	ssyncset.done $0x0  }
0xb6: {  	[sflag:s19] =	ssyncadd.s32 $0xFFFF3C00  }
0xb7: {  	_ =	sfence.sel $0x180000  }
0xb8: {  	[bflag:$0x0] =	sbarrier.arrive $0xFFFF  }
0xb9: {  	_ =	strace $0x9000004D  }
0xba: {  	s0 =	stileid.u32;
	[bflag:$0x2] =	sbarrier.arrive $0xFFFF  }
0xbb: {  	p0 =	sne.s32 s0, $0x0;
	s0 =	rddreg [dreg:$0x2]  }
0xbc: {  	s0 =	sadd.s32 @!p0 $0x100000, s0  }
0xbd: {  	[sflag:s0] =	ssyncadd.tile.s32 @!p0 $0x1;
	_ =	shalt  }
.Lfunc_end2:
_tile_overlayer_lowered:
.L_overlay_start_2:
0xbe: {  	(tag) =	ssettag $0x2  }
0xbf: {  	s0 =	rddreg [dreg:$0x0];
	s2 =	stileid.u32  }
0xc0: {  	s1 =	rddreg [dreg:$0x1];
	p0 =	sne.s32 s2, $0x0  }
0xc1: {  	s3 =	rddreg [dreg:$0x2];
	[bflag:$0x3] =	sbarrier.arrive $0xFFFF;
	s2 =	simm.s32 @!p0 $0x1C09  }
0xc2: {  	[timem:s3], [sflag:s2] =	dma.local @!p0 [hbm:s0], s1  }
0xc3: {  	s0 =	simm.s32 @!p0 $0x9  }
0xc4: {  	_ =	swait.ge @!p0 [sflag:s0], s1  }
0xc5: {  	s1 =	ssub.s32 @!p0 $0x0, s1;
	[sflag:s0] =	ssyncset.done @!p0 $0x0  }
0xc6: {  	[sflag:s0] =	ssyncadd.s32 @!p0 s1  }
0xc7: {  	[bflag:$0x3] =	sbarrier.arrive $0xFFFF  }
0xc8: {  	_ =	shalt  }

// kernel: kernel.6.cloned.1.call-start
scs
__scs_entry_jumppad:
0x0: {  	(pc) =	sbr.rel $0x88, $3  }
0x1: {  	(tag) =	ssettag $0x0;
	lr =	simm.s32 $0x1  }
0x2: {  	[smem:$0x3F9F] =	sst lr;
	_ =	strace $0xD0000000  }
0x3: {  	_ = 	snop  }
0x4: {  	_ = 	snop  }
0x5: {  	_ = 	snop  }
0x6: {  	_ = 	snop  }
0x7: {  	_ = 	snop  }
__scs_overlays_trampoline_lowered:
0x8: {  	[smem:$0x3FAE] =	sst s0  }
0x9: {  	[smem:$0x3FAF] =	sst s1  }
0xa: {  	[smem:$0x3FB0] =	sst s2  }
0xb: {  	[smem:$0x3FB1] =	sst s3  }
0xc: {  	[smem:$0x3FB2] =	sst s4  }
0xd: {  	[smem:$0x3FB3] =	sst s5  }
0xe: {  	[smem:$0x3FB4] =	sst s6  }
0xf: {  	[smem:$0x3FB5] =	sst s7  }
0x10: {  	[smem:$0x3FB6] =	sst s8  }
0x11: {  	[smem:$0x3FB7] =	sst s9;
	s0 =	simm.s32 @!p0 $0x0  }
0x12: {  	s1 =	sld [smem:$0x3F9D];
	s0 =	simm.s32 @p0 $0x1  }
0x13: {  	[smem:$0x3FB8] =	sst s0;
	s0 =	simm.s32 @!p1 $0x0  }
0x14: {  	s2 =	sld [smem:$0x3F9C];
	s0 =	simm.s32 @p1 $0x1  }
0x15: {  	[smem:$0x3FB9] =	sst s0;
	s0 =	simm.s32 @!p2 $0x0  }
0x16: {  	s3 =	sld [smem:$0x3FDB];
	s0 =	simm.s32 @p2 $0x1  }
0x17: {  	s4 =	simm.s32 $0x1BF5;
	[smem:$0x3FBB] =	sst s0  }
0x18: {  	s0 =	sld [smem:$0x3F9E];
	_ =	swait.ge [sflag:s4], $0x0  }
0x19: {  	s7 =	sld [smem:$0x3F9F]  }
0x1a: {  	s8 =	sadd.s32 $0xFFFFE003, lr  }
0x1b: {  	s9 =	sadd.s32 $0xFFFFFEF7, lr;
	s5 =	simm.s32 $0xFFFFFFFF;
	p2 =	slt.u32 s8, $0xFFFFF086  }
0x1c: {  	p1 =	slt.u32 s9, $0xF7A;
	s5 =	simm.s32 @!p2 $0x0  }
0x1d: {  	s5 =	simm.s32 @p1 $0x1;
	p0 =	seq.s32 s7, s2  }
0x1e: {  	s7 =	smul.u32 @!p0 $0xF7A, s2;
	p2 =	seq.s32 @!p0 s5, $0x0  }
0x1f: {  	s9 =	smul.u32 $0xF7A, s1;
	s8 =	simm.s32 @!p0 $0x1BF5;
	p2 =	por !p2, p0  }
0x20: {  	[sflag:s8] =	ssyncset.s32 @!p0 $0xFFFFF086;
	s6 =	sadd.s32 @!p0 s3, s7;
	s7 =	simm.s32 @!p0 $0x108  }
0x21: {  	s3 =	sadd.s32 s3, s9;
	s6 =	sadd.s32 @!p0 $0x88, s6;
	s7 =	simm.s32 @p2 $0x1082  }
0x22: {  	[simem:s7], [sflag:s8] =	dma.local @!p0 [hbm:s6], $0xF7A  }
0x23: {  	s9 =	sor.u32 $0xD0000000, s2;
	s6 =	simm.s32 $0x108;
	_ =	swait.ge @!p0 [sflag:s8], $0x0  }
0x24: {  	s3 =	sadd.s32 $0x88, s3;
	s6 =	simm.s32 @!p1 $0x1082;
	[sflag:s4] =	ssyncset.s32 $0xFFFFF086  }
0x25: {  	[simem:s6], [sflag:s4] =	dma.local [hbm:s3], $0xF7A  }
0x26: {  	[smem:$0x3F9F] =	sst s1;
	(tag) =	ssettag s2;
	_ =	strace s9  }
0x27: {  	s1 =	sld [smem:$0x3FAF]  }
0x28: {  	s2 =	sld [smem:$0x3FB0]  }
0x29: {  	s4 =	sld [smem:$0x3FB2]  }
0x2a: {  	p0 =	seq.s32 s5, $0x0;
	s5 =	sld [smem:$0x3FB3]  }
0x2b: {  	s6 =	sld [smem:$0x3FB4]  }
0x2c: {  	s7 =	sld [smem:$0x3FB5]  }
0x2d: {  	s3 =	simm.s32 $0x108;
	s8 =	sld [smem:$0x3FB6]  }
0x2e: {  	s3 =	simm.s32 @!p0 $0x1082;
	s9 =	sld [smem:$0x3FB7]  }
0x2f: {  	lr =	sadd.s32 s0, s3;
	s0 =	sld [smem:$0x3FAE]  }
0x30: {  	s3 =	sld [smem:$0x3FB1]  }
0x31: {  	[smem:$0x3FBA] =	sst s10  }
0x32: {  	s10 =	sld [smem:$0x3FB8];
	_ =	sdelay $0x3  }
0x33: {  	p0 =	seq.s32 s10, $0x1;
	s10 =	sld [smem:$0x3FBA];
	_ =	sdelay $0x3  }
0x34: {  	[smem:$0x3FBA] =	sst s10  }
0x35: {  	s10 =	sld [smem:$0x3FB9];
	_ =	sdelay $0x3  }
0x36: {  	p1 =	seq.s32 s10, $0x1;
	s10 =	sld [smem:$0x3FBA];
	_ =	sdelay $0x3  }
0x37: {  	[smem:$0x3FBA] =	sst s10  }
0x38: {  	s10 =	sld [smem:$0x3FBB]  }
0x39: {  	_ = 	snop;
	(pc) =	sbr.ind lr, $3  }
0x3a: {  	_ = 	snop  }
0x3b: {  	_ = 	snop  }
0x3c: {  	p2 =	seq.s32 s10, $0x1;
	s10 =	sld [smem:$0x3FBA]  }
0x3d: {  	_ =	shalt  }
0x3e: {  	_ =	shalt  }
0x3f: {  	_ =	shalt  }
0x40: {  	_ =	shalt  }
0x41: {  	_ =	shalt  }
0x42: {  	_ =	shalt  }
0x43: {  	_ =	shalt  }
0x44: {  	_ =	shalt  }
0x45: {  	_ =	shalt  }
0x46: {  	_ =	shalt  }
0x47: {  	_ =	shalt  }
0x48: {  	_ =	shalt  }
0x49: {  	_ =	shalt  }
0x4a: {  	_ =	shalt  }
0x4b: {  	_ =	shalt  }
0x4c: {  	_ =	shalt  }
0x4d: {  	_ =	shalt  }
0x4e: {  	_ =	shalt  }
0x4f: {  	_ =	shalt  }
0x50: {  	_ =	shalt  }
0x51: {  	_ =	shalt  }
0x52: {  	_ =	shalt  }
0x53: {  	_ =	shalt  }
0x54: {  	_ =	shalt  }
0x55: {  	_ =	shalt  }
0x56: {  	_ =	shalt  }
0x57: {  	_ =	shalt  }
0x58: {  	_ =	shalt  }
0x59: {  	_ =	shalt  }
0x5a: {  	_ =	shalt  }
0x5b: {  	_ =	shalt  }
0x5c: {  	_ =	shalt  }
0x5d: {  	_ =	shalt  }
0x5e: {  	_ =	shalt  }
0x5f: {  	_ =	shalt  }
0x60: {  	_ =	shalt  }
0x61: {  	_ =	shalt  }
0x62: {  	_ =	shalt  }
0x63: {  	_ =	shalt  }
0x64: {  	_ =	shalt  }
0x65: {  	_ =	shalt  }
0x66: {  	_ =	shalt  }
0x67: {  	_ =	shalt  }
0x68: {  	_ =	shalt  }
0x69: {  	_ =	shalt  }
0x6a: {  	_ =	shalt  }
0x6b: {  	_ =	shalt  }
0x6c: {  	_ =	shalt  }
0x6d: {  	_ =	shalt  }
0x6e: {  	_ =	shalt  }
0x6f: {  	_ =	shalt  }
0x70: {  	_ =	shalt  }
0x71: {  	_ =	shalt  }
0x72: {  	_ =	shalt  }
0x73: {  	_ =	shalt  }
0x74: {  	_ =	shalt  }
0x75: {  	_ =	shalt  }
0x76: {  	_ =	shalt  }
0x77: {  	_ =	shalt  }
0x78: {  	_ =	shalt  }
0x79: {  	_ =	shalt  }
0x7a: {  	_ =	shalt  }
0x7b: {  	_ =	shalt  }
0x7c: {  	_ =	shalt  }
0x7d: {  	_ =	shalt  }
0x7e: {  	_ =	shalt  }
0x7f: {  	_ =	shalt  }
0x80: {  	_ =	shalt  }
0x81: {  	_ =	shalt  }
0x82: {  	_ =	shalt  }
0x83: {  	_ =	shalt  }
0x84: {  	_ =	shalt  }
0x85: {  	_ =	shalt  }
0x86: {  	_ =	shalt  }
0x87: {  	_ =	shalt  }
.Lfunc_end0:
.L_simem_size_0:
called_computation.1_lowered:
.L_overlay_start_0:
0x88: {  	s2 =	sld [smem:$0x3FD9]  }
0x89: {  	s3 =	sld [smem:$0x3FFE];
	_ =	sdelay $0x1  }
0x8a: {  	s1 =	srdreg.scid  }
0x8b: {  	s0 =	sand.u32 $0x1, s1  }
0x8c: {  	s17 =	sshll.u32 s0, $0xA;
	s2 =	sadd.s32 s3, s2  }
0x8d: {  	s2 =	sadd.s32 s2, s17  }
0x8e: {  	[smem:$0x3FC6] =	sst s2  }
0x8f: {  	_ = 	snop  }
0x90: {  	s2 =	sld [smem:$0x3FD0];
	(tm) =	ssettm $0x1  }
0x91: {  	s18 =	sld [smem:$0x3FFB];
	_ =	sdelay $0x3  }
0x92: {  	_ =	strace s18  }
0x93: {  	s3 =	sld [smem:$0x3FFC];
	_ =	sdelay $0x3  }
0x94: {  	_ =	strace s3  }
0x95: {  	s3 =	sld [smem:$0x3FFD];
	_ =	sdelay $0x3  }
0x96: {  	_ =	strace s3  }
0x97: {  	_ =	strace $0x8FFFFFFF  }
0x98: {  	s19 =	sld [smem:$0x3FDB];
	_ =	sdelay $0x1  }
0x99: {  	s4 =	simm.s32 $_scs_section_size  }
0x9a: {  	s5 =	simm.s32 $_size__tile_overlayer_lowered;
	s6 =	simm.s32 $_tile_overlayer_lowered  }
0x9b: {  	s22 =	simm.s32 $0x1BFF;
	s21 =	sshll.u32 s6, $0x1;
	s3 =	sadd.s32 s4, s19  }
0x9c: {  	s7 =	simm.s32 $0x0;
	s20 =	sshll.u32 s5, $0x1;
	s5 =	sadd.s32 s21, s3  }
0x9d: {  	[timem:s7], [sflag:s22] =	dma.local [hbm:s5], s20  }
0x9e: {  	_ =	swait.ge [sflag:s22], s20  }
0x9f: {  	s4 =	ssub.s32 $0x0, s20;
	[sflag:s22] =	ssyncset.done $0x0  }
0xa0: {  	[sflag:s22] =	ssyncadd.s32 s4;
	_ =	sdelay $0x1  }
0xa1: {  	s23 =	simm.s32 $0x1B8B  }
0xa2: {  	_ =	swait.ge [sflag:s23], $0x1  }
0xa3: {  	[sflag:s23] =	ssyncset.done $0x0  }
0xa4: {  	s25 =	simm.s32 $0x1B8E;
	s24 =	sld [smem:$0x3FFE];
	[sflag:s23] =	ssyncadd.s32 $0xFFFFFFFF  }
0xa5: {  	s26 =	simm.s32 $execute0_lowered;
	[smem:$0x3FD2] =	sst s25  }
0xa6: {  	s5 =	sshll.u32 s26, $0x1;
	_ =	strace $0x80000046;
	[dreg:$0x1] =	wrdreg $0xFFFFFFFF  }
0xa7: {  	s28 =	simm.s32 $_size_execute0_lowered;
	s3 =	sadd.s32 s3, s5;
	[dreg:$0x0] =	wrdreg $0x0  }
0xa8: {  	s5 =	sshll.u32 s28, $0x1;
	[dreg:$0x2] =	wrdreg s3  }
0xa9: {  	[dreg:$0x3] =	wrdreg s5  }
0xaa: {  	[dreg:$0x4] =	wrdreg $0xC0  }
0xab: {  	_ =	task [dreg:s7], $0x5FFFF  }
0xac: {  	[dreg:$0x1] =	wrdreg $0xFFFFFFFF  }
0xad: {  	[dreg:$0x0] =	wrdreg $0x60  }
0xae: {  	[dreg:$0x2] =	wrdreg s24  }
0xaf: {  	[dreg:$0x3] =	wrdreg s2  }
0xb0: {  	[dreg:$0x4] =	wrdreg $0x9  }
0xb1: {  	_ =	task.clear_ibuf [dreg:s7], $0x5FFFF;
	_ =	strace $0x90000046  }
0xb2: {  	s29 =	simm.s32 $0x9;
	_ =	strace $0x80000048  }
0xb3: {  	_ =	swait.ge [sflag:s29], $0x1  }
0xb4: {  	[sflag:s29] =	ssyncadd.s32 $0xFFFFFFFF  }
0xb5: {  	_ =	strace $0x90000048  }
0xb6: {  	_ =	sfence  }
0xb7: {  	s30 =	sld [smem:$0x0];
	_ =	sdelay $0x2  }
0xb8: {  	s31 =	sshll.u32 s1, $0xD;
	s1 =	sshrl.u32 s1, $0x2  }
0xb9: {  	s3 =	sand.u32 $0x4000, s31;
	s1 =	sadd.s32 s1, s30  }
0xba: {  	s0 =	sor.u32 s3, s0;
	s1 =	sshll.u32 s1, $0x11  }
0xbb: {  	s0 =	sor.u32 s1, s0  }
0xbc: {  	s0 =	sadd.s32 $0x8F2B, s0  }
0xbd: {  	[sflag:s0] =	ssyncadd.remote.s32 $0x1  }
0xbe: {  	_ =	sfence.sel $0xFFFF  }
0xbf: {  	[dreg:$0x0] =	wrdreg $0xFFFFFFFF;
	(pc) =	sbr.abs _section_cstart, $3  }
0xc0: {  	[dreg:$0x1] =	wrdreg $0xFFFFFFFF  }
0xc1: {  	_ =	task.clear_ibuf [dreg:s7], $0x2FFFF;
	_ =	strace $0x9FFFFFFF  }
0xc2: {  	(tm) =	ssettm $0x7FFFFFFF  }
0xc3: {  	_ =	shalt  }
tec
execute0_lowered:
.L_overlay_start_1:
0x0: {  	(tag) =	ssettag $0x1  }
0x1: {  	s0 =	rddreg [dreg:$0x0]  }
0x2: {  	s2 =	rddreg [dreg:$0x1];
	s1 =	simm.s32 $0x0  }
0x3: {  	s5 =	srdreg.scid;
	s7 =	stileid.u32;
	s28 =	simm.s32 $0x3  }
0x4: {  	s29 =	simm.s32 $0x7;
	s30 =	simm.s32 $0xB;
	[smem:$0x7FF] =	sst s1  }
0x5: {  	s3 =	sadd.s32 $0x1AA00, s0;
	s4 =	sadd.s32 $0x1600, s0;
	s12 =	sand.u32 $0x7, s7  }
0x6: {  	s5 =	sand.u32 $0x1, s5;
	s6 =	sshll.u32 s7, $0x1;
	s13 =	smul.u32 $0x19000, s12  }
0x7: {  	_ =	strace $0x80000047;
	s18 =	sshll.u32 s5, $0x5;
	s19 =	smul.u32 $0x3200, s12  }
0x8: {  	s6 =	sand.u32 $0x10, s6;
	s5 =	ssub.s32 $0x2, s5;
	s16 =	smul.u32 $0xC800, s12  }
0x9: {  	s12 =	smul.u32 $0x6200, s12;
	s14 =	sor.u32 s18, s6;
	s20 =	sshrl.u32 s5, $0x1  }
0xa: {  	s0 =	sadd.s32 s14, s0;
	s8 =	sshrl.u32 s13, $0x7;
	s15 =	ssub.s32 s5, s20  }
0xb: {  	s5 =	sadd.s32 s3, s19;
	s6 =	sadd.s32 s4, s19;
	s17 =	sadd.s32 $0x1400, s13  }
0xc: {  	s23 =	sadd.s32 $0x1E00, s13;
	s24 =	sadd.s32 $0x2800, s13;
	s25 =	sadd.s32 $0x3200, s13  }
0xd: {  	s13 =	sadd.s32 $0x3C00, s13;
	s2 =	sadd.s32 s2, s12;
	[dreg:$0x3] =	wrdreg s23  }
0xe: {  	s20 =	simm.s32 $0x1;
	s12 =	simm.s32 $0x0;
	[dreg:$0x4] =	wrdreg s24  }
0xf: {  	s10 =	sor.u32 $0x14, s8;
	s7 =	sadd.s32 $0x33E00, s0;
	[dreg:$0x5] =	wrdreg s25  }
0x10: {  	s11 =	sshrl.u32 s17, $0x3;
	s19 =	sshrl.u32 s17, $0x1;
	[dreg:$0x6] =	wrdreg s13  }
0x11: {  	s26 =	smax.u32 s15, $0x1;
	s23 =	simm.s32 $0x2;
	s31 =	sadd.s32 s14, s2  }
0x12: {  	s25 =	simm.s32 $0x6;
	s21 =	sshll.u32 s10, $0x4;
	s22 =	sshll.u32 s10, $0x6  }
0x13: {  	s10 =	sadd.s32 s3, s11;
	s11 =	sadd.s32 s4, s11;
	[dreg:$0x7] =	wrdreg s26  }
0x14: {  	s17 =	sadd.s32 s16, s7;
	s19 =	sadd.s32 s19, s7;
	[dreg:$0x8] =	wrdreg s31  }
0x15: {  	s26 =	simm.s32 $0xA;
	s8 =	sadd.s32 s3, s21;
	s9 =	sadd.s32 s4, s21  }
0x16: {  	s18 =	sadd.s32 s22, s7;
	s21 =	simm.s32 $0x5;
	s22 =	simm.s32 $0x9  }
.LBB2_1:
0x17: {  	[dreg:$0x9] =	wrdreg s12;
	s12 =	simm.s32 $0xC400  }
0x18: {  	s13 =	simm.s32 $0x10;
	s0 =	sadd.s32 $0x0, s5;
	s14 =	simm.s32 $0xC600  }
.LBB2_2:
0x19: {  	[tilespmem:s12], [sflag:$0x1] =	stream.linear.gather [hbm4b:s0+s1], $0x80, $0x38;
	[tilespmem:$0x13C00] =	vst v63  }
0x1a: {  	s0 =	smov.u32 s13;
	s12 =	smov.u32 s14;
	p0 =	sne.s32 s13, $0x130  }
.Ltmp0:
0x1b: {  	s13 =	sadd.s32 $0x10, s13;
	(pc) =	sbr.rel @p0 .LBB2_2-.Ltmp0, $2  }
0x1c: {  	_ =	sdelay $0x2  }
0x1d: {  	s14 =	sadd.s32 $0x200, s14;
	s0 =	sadd.s32 s0, s5  }
0x1e: {  	[tilespmem:s12], [sflag:$0x1] =	stream.linear.gather [hbm4b:s0+s1], $0x80, $0x38;
	[tilespmem:$0x13C00] =	vst v63  }
0x1f: {  	s12 =	simm.s32 $0xEC00  }
0x20: {  	s13 =	simm.s32 $0x10;
	s0 =	sadd.s32 $0x0, s6;
	s14 =	simm.s32 $0xEE00  }
.LBB2_4:
0x21: {  	[tilespmem:s12], [sflag:$0x5] =	stream.linear.gather [hbm4b:s0+s1], $0x80, $0x38;
	[tilespmem:$0x13C00] =	vst v63  }
0x22: {  	s0 =	smov.u32 s13;
	s12 =	smov.u32 s14;
	p0 =	sne.s32 s13, $0x130  }
.Ltmp1:
0x23: {  	s13 =	sadd.s32 $0x10, s13;
	(pc) =	sbr.rel @p0 .LBB2_4-.Ltmp1, $2  }
0x24: {  	_ =	sdelay $0x2  }
0x25: {  	s14 =	sadd.s32 $0x200, s14;
	s0 =	sadd.s32 s0, s6  }
0x26: {  	[tilespmem:s12], [sflag:$0x5] =	stream.linear.gather [hbm4b:s0+s1], $0x80, $0x38;
	[tilespmem:$0x13C00] =	vst v63  }
0x27: {  	s12 =	simm.s32 $0x11400  }
0x28: {  	s13 =	simm.s32 $0x40;
	s0 =	sadd.s32 $0x0, s17;
	s14 =	simm.s32 $0x11600  }
.LBB2_6:
0x29: {  	[tilespmem:s12], [sflag:$0x9] =	stream.linear.gather [hbm4b:s0+s1], $0x80, $0x38;
	[tilespmem:$0x13C00] =	vst v63  }
0x2a: {  	s0 =	smov.u32 s13;
	s12 =	smov.u32 s14;
	p0 =	sne.s32 s13, $0x4C0  }
.Ltmp2:
0x2b: {  	s13 =	sadd.s32 $0x40, s13;
	(pc) =	sbr.rel @p0 .LBB2_6-.Ltmp2, $2  }
0x2c: {  	_ =	sdelay $0x2  }
0x2d: {  	s14 =	sadd.s32 $0x200, s14;
	s0 =	sadd.s32 s0, s17  }
0x2e: {  	[tilespmem:s12], [sflag:$0x9] =	stream.linear.gather [hbm4b:s0+s1], $0x80, $0x38;
	[tilespmem:$0x13C00] =	vst v63  }
0x2f: {  	s12 =	simm.s32 $0xC480  }
0x30: {  	s13 =	simm.s32 $0x10;
	s0 =	sadd.s32 $0x0, s8;
	s14 =	simm.s32 $0xC680  }
.LBB2_8:
0x31: {  	[tilespmem:s12], [sflag:$0x2] =	stream.linear.gather [hbm4b:s0+s1], $0x80, $0x38;
	[tilespmem:$0x13C00] =	vst v63  }
0x32: {  	s0 =	smov.u32 s13;
	s12 =	smov.u32 s14;
	p0 =	sne.s32 s13, $0x130  }
.Ltmp3:
0x33: {  	s13 =	sadd.s32 $0x10, s13;
	(pc) =	sbr.rel @p0 .LBB2_8-.Ltmp3, $2  }
0x34: {  	_ =	sdelay $0x2  }
0x35: {  	s14 =	sadd.s32 $0x200, s14;
	s0 =	sadd.s32 s0, s8  }
0x36: {  	[tilespmem:s12], [sflag:$0x2] =	stream.linear.gather [hbm4b:s0+s1], $0x80, $0x38;
	[tilespmem:$0x13C00] =	vst v63  }
0x37: {  	s12 =	simm.s32 $0xEC80  }
0x38: {  	s13 =	simm.s32 $0x10;
	s0 =	sadd.s32 $0x0, s9;
	s14 =	simm.s32 $0xEE80  }
.LBB2_10:
0x39: {  	[tilespmem:s12], [sflag:$0x6] =	stream.linear.gather [hbm4b:s0+s1], $0x80, $0x38;
	[tilespmem:$0x13C00] =	vst v63  }
0x3a: {  	s0 =	smov.u32 s13;
	s12 =	smov.u32 s14;
	p0 =	sne.s32 s13, $0x130  }
.Ltmp4:
0x3b: {  	s13 =	sadd.s32 $0x10, s13;
	(pc) =	sbr.rel @p0 .LBB2_10-.Ltmp4, $2  }
0x3c: {  	_ =	sdelay $0x2  }
0x3d: {  	s14 =	sadd.s32 $0x200, s14;
	s0 =	sadd.s32 s0, s9  }
0x3e: {  	[tilespmem:s12], [sflag:$0x6] =	stream.linear.gather [hbm4b:s0+s1], $0x80, $0x38;
	[tilespmem:$0x13C00] =	vst v63  }
0x3f: {  	s12 =	simm.s32 $0x11480  }
0x40: {  	s13 =	simm.s32 $0x40;
	s0 =	sadd.s32 $0x0, s18;
	s14 =	simm.s32 $0x11680  }
.LBB2_12:
0x41: {  	[tilespmem:s12], [sflag:$0xA] =	stream.linear.gather [hbm4b:s0+s1], $0x80, $0x38;
	[tilespmem:$0x13C00] =	vst v63  }
0x42: {  	s0 =	smov.u32 s13;
	s12 =	smov.u32 s14;
	p0 =	sne.s32 s13, $0x4C0  }
.Ltmp5:
0x43: {  	s13 =	sadd.s32 $0x40, s13;
	(pc) =	sbr.rel @p0 .LBB2_12-.Ltmp5, $2  }
0x44: {  	_ =	sdelay $0x2  }
0x45: {  	s14 =	sadd.s32 $0x200, s14;
	s0 =	sadd.s32 s0, s18  }
0x46: {  	[tilespmem:s12], [sflag:$0xA] =	stream.linear.gather [hbm4b:s0+s1], $0x80, $0x38;
	[tilespmem:$0x13C00] =	vst v63  }
0x47: {  	s12 =	simm.s32 $0xC500  }
0x48: {  	s13 =	simm.s32 $0x10;
	s0 =	sadd.s32 $0x0, s10;
	s14 =	simm.s32 $0xC700  }
.LBB2_14:
0x49: {  	[tilespmem:s12], [sflag:$0x3] =	stream.linear.gather [hbm4b:s0+s1], $0x80, $0x38;
	[tilespmem:$0x13C00] =	vst v63  }
0x4a: {  	s0 =	smov.u32 s13;
	s12 =	smov.u32 s14;
	p0 =	sne.s32 s13, $0x130  }
.Ltmp6:
0x4b: {  	s13 =	sadd.s32 $0x10, s13;
	(pc) =	sbr.rel @p0 .LBB2_14-.Ltmp6, $2  }
0x4c: {  	_ =	sdelay $0x2  }
0x4d: {  	s14 =	sadd.s32 $0x200, s14;
	s0 =	sadd.s32 s0, s10  }
0x4e: {  	[tilespmem:s12], [sflag:$0x3] =	stream.linear.gather [hbm4b:s0+s1], $0x80, $0x38;
	[tilespmem:$0x13C00] =	vst v63  }
0x4f: {  	s12 =	simm.s32 $0xED00  }
0x50: {  	s13 =	simm.s32 $0x10;
	s0 =	sadd.s32 $0x0, s11;
	s14 =	simm.s32 $0xEF00  }
.LBB2_16:
0x51: {  	[tilespmem:s12], [sflag:$0x7] =	stream.linear.gather [hbm4b:s0+s1], $0x80, $0x38;
	[tilespmem:$0x13C00] =	vst v63  }
0x52: {  	s0 =	smov.u32 s13;
	s12 =	smov.u32 s14;
	p0 =	sne.s32 s13, $0x130  }
.Ltmp7:
0x53: {  	s13 =	sadd.s32 $0x10, s13;
	(pc) =	sbr.rel @p0 .LBB2_16-.Ltmp7, $2  }
0x54: {  	_ =	sdelay $0x2  }
0x55: {  	s14 =	sadd.s32 $0x200, s14;
	s0 =	sadd.s32 s0, s11  }
0x56: {  	[tilespmem:s12], [sflag:$0x7] =	stream.linear.gather [hbm4b:s0+s1], $0x80, $0x38;
	[tilespmem:$0x13C00] =	vst v63  }
0x57: {  	s16 =	simm.s32 $0x0;
	s12 =	simm.s32 $0x11500  }
0x58: {  	s13 =	simm.s32 $0x40;
	s0 =	sadd.s32 $0x0, s19;
	s14 =	simm.s32 $0x11700  }
.LBB2_18:
0x59: {  	[tilespmem:s12], [sflag:$0xB] =	stream.linear.gather [hbm4b:s0+s16], $0x80, $0x38;
	[tilespmem:$0x13C00] =	vst v63  }
0x5a: {  	s0 =	smov.u32 s13;
	s12 =	smov.u32 s14;
	p0 =	sne.s32 s13, $0x4C0  }
.Ltmp8:
0x5b: {  	s13 =	sadd.s32 $0x40, s13;
	(pc) =	sbr.rel @p0 .LBB2_18-.Ltmp8, $2  }
0x5c: {  	_ =	sdelay $0x2  }
0x5d: {  	s14 =	sadd.s32 $0x200, s14;
	s0 =	sadd.s32 s0, s19  }
0x5e: {  	[tilespmem:s12], [sflag:$0xB] =	stream.linear.gather [hbm4b:s0+s16], $0x80, $0x38;
	[tilespmem:$0x13C00] =	vst v63  }
.LBB2_20:
0x5f: {  	_ =	swait.ge [sflag:s20], $0xA00  }
0x60: {  	[sflag:s20] =	ssyncset.done $0x0  }
0x61: {  	[sflag:s20] =	ssyncadd.s32 $0xFFFFF600  }
0x62: {  	_ =	swait.ge [sflag:s21], $0xA00  }
0x63: {  	[sflag:s21] =	ssyncset.done $0x0  }
0x64: {  	[sflag:s21] =	ssyncadd.s32 $0xFFFFF600  }
0x65: {  	s24 =	smul.u32 $0x2800, s16;
	_ =	swait.ge [sflag:s22], $0xA00  }
0x66: {  	s0 =	rddreg [dreg:$0x3]  }
0x67: {  	s12 =	sadd.s32 s24, s0  }
0x68: {  	s15 =	simm.s32 $0xC580;
	s13 =	sshrl.u32 s12, $0x3  }
0x69: {  	s31 =	simm.s32 $0x10;
	[sflag:s22] =	ssyncset.done $0x0;
	s14 =	sadd.s32 s3, s13  }
0x6a: {  	[sflag:s22] =	ssyncadd.s32 $0xFFFFF600;
	s0 =	simm.s32 $0xC780;
	s2 =	sadd.s32 $0x0, s14  }
.LBB2_21:
0x6b: {  	[tilespmem:s15], [sflag:$0x4] =	stream.linear.gather [hbm4b:s2+s1], $0x80, $0x38;
	[tilespmem:$0x13C00] =	vst v63  }
0x6c: {  	s2 =	smov.u32 s31;
	s15 =	smov.u32 s0;
	p0 =	sne.s32 s31, $0x130  }
.Ltmp9:
0x6d: {  	s31 =	sadd.s32 $0x10, s31;
	(pc) =	sbr.rel @p0 .LBB2_21-.Ltmp9, $2  }
0x6e: {  	_ =	sdelay $0x2  }
0x6f: {  	s0 =	sadd.s32 $0x200, s0;
	s2 =	sadd.s32 s2, s14  }
0x70: {  	[tilespmem:s15], [sflag:$0x4] =	stream.linear.gather [hbm4b:s2+s1], $0x80, $0x38;
	[tilespmem:$0x13C00] =	vst v63  }
0x71: {  	s13 =	sadd.s32 s4, s13;
	s14 =	simm.s32 $0xED80  }
0x72: {  	s15 =	simm.s32 $0x10;
	s0 =	simm.s32 $0xEF80;
	s2 =	sadd.s32 $0x0, s13  }
.LBB2_23:
0x73: {  	[tilespmem:s14], [sflag:$0x8] =	stream.linear.gather [hbm4b:s2+s1], $0x80, $0x38;
	[tilespmem:$0x13C00] =	vst v63  }
0x74: {  	s2 =	smov.u32 s15;
	s14 =	smov.u32 s0;
	p0 =	sne.s32 s15, $0x130  }
.Ltmp10:
0x75: {  	s15 =	sadd.s32 $0x10, s15;
	(pc) =	sbr.rel @p0 .LBB2_23-.Ltmp10, $2  }
0x76: {  	_ =	sdelay $0x2  }
0x77: {  	s0 =	sadd.s32 $0x200, s0;
	s2 =	sadd.s32 s2, s13  }
0x78: {  	[tilespmem:s14], [sflag:$0x8] =	stream.linear.gather [hbm4b:s2+s1], $0x80, $0x38;
	[tilespmem:$0x13C00] =	vst v63  }
0x79: {  	s0 =	sshrl.u32 s12, $0x1  }
0x7a: {  	s13 =	simm.s32 $0x11580;
	s12 =	sadd.s32 s7, s0  }
0x7b: {  	s14 =	simm.s32 $0x40;
	s0 =	simm.s32 $0x11780;
	s2 =	sadd.s32 $0x0, s12  }
.LBB2_25:
0x7c: {  	[tilespmem:s13], [sflag:$0xC] =	stream.linear.gather [hbm4b:s2+s1], $0x80, $0x38;
	[tilespmem:$0x13C00] =	vst v63  }
0x7d: {  	s2 =	smov.u32 s14;
	s13 =	smov.u32 s0;
	p0 =	sne.s32 s14, $0x4C0  }
.Ltmp11:
0x7e: {  	s14 =	sadd.s32 $0x40, s14;
	(pc) =	sbr.rel @p0 .LBB2_25-.Ltmp11, $2  }
0x7f: {  	_ =	sdelay $0x2  }
0x80: {  	s0 =	sadd.s32 $0x200, s0;
	s2 =	sadd.s32 s2, s12  }
0x81: {  	[tilespmem:s13], [sflag:$0xC] =	stream.linear.gather [hbm4b:s2+s1], $0x80, $0x38;
	[tilespmem:$0x13C00] =	vst v63  }
0x82: {  	_ =	swait.ge [sflag:s23], $0xA00  }
0x83: {  	[sflag:s23] =	ssyncset.done $0x0  }
0x84: {  	[sflag:s23] =	ssyncadd.s32 $0xFFFFF600  }
0x85: {  	_ =	swait.ge [sflag:s25], $0xA00  }
0x86: {  	[sflag:s25] =	ssyncset.done $0x0  }
0x87: {  	[sflag:s25] =	ssyncadd.s32 $0xFFFFF600  }
0x88: {  	_ =	swait.ge [sflag:s26], $0xA00  }
0x89: {  	s0 =	rddreg [dreg:$0x4]  }
0x8a: {  	s12 =	sadd.s32 s24, s0  }
0x8b: {  	s15 =	simm.s32 $0xC400;
	s13 =	sshrl.u32 s12, $0x3  }
0x8c: {  	s31 =	simm.s32 $0x10;
	[sflag:s26] =	ssyncset.done $0x0;
	s14 =	sadd.s32 s3, s13  }
0x8d: {  	[sflag:s26] =	ssyncadd.s32 $0xFFFFF600;
	s0 =	simm.s32 $0xC600;
	s2 =	sadd.s32 $0x0, s14  }
.LBB2_27:
0x8e: {  	[tilespmem:s15], [sflag:$0x1] =	stream.linear.gather [hbm4b:s2+s1], $0x80, $0x38;
	[tilespmem:$0x13C00] =	vst v63  }
0x8f: {  	s2 =	smov.u32 s31;
	s15 =	smov.u32 s0;
	p0 =	sne.s32 s31, $0x130  }
.Ltmp12:
0x90: {  	s31 =	sadd.s32 $0x10, s31;
	(pc) =	sbr.rel @p0 .LBB2_27-.Ltmp12, $2  }
0x91: {  	_ =	sdelay $0x2  }
0x92: {  	s0 =	sadd.s32 $0x200, s0;
	s2 =	sadd.s32 s2, s14  }
0x93: {  	[tilespmem:s15], [sflag:$0x1] =	stream.linear.gather [hbm4b:s2+s1], $0x80, $0x38;
	[tilespmem:$0x13C00] =	vst v63  }
0x94: {  	s13 =	sadd.s32 s4, s13;
	s14 =	simm.s32 $0xEC00  }
0x95: {  	s15 =	simm.s32 $0x10;
	s0 =	simm.s32 $0xEE00;
	s2 =	sadd.s32 $0x0, s13  }
.LBB2_29:
0x96: {  	[tilespmem:s14], [sflag:$0x5] =	stream.linear.gather [hbm4b:s2+s1], $0x80, $0x38;
	[tilespmem:$0x13C00] =	vst v63  }
0x97: {  	s2 =	smov.u32 s15;
	s14 =	smov.u32 s0;
	p0 =	sne.s32 s15, $0x130  }
.Ltmp13:
0x98: {  	s15 =	sadd.s32 $0x10, s15;
	(pc) =	sbr.rel @p0 .LBB2_29-.Ltmp13, $2  }
0x99: {  	_ =	sdelay $0x2  }
0x9a: {  	s0 =	sadd.s32 $0x200, s0;
	s2 =	sadd.s32 s2, s13  }
0x9b: {  	[tilespmem:s14], [sflag:$0x5] =	stream.linear.gather [hbm4b:s2+s1], $0x80, $0x38;
	[tilespmem:$0x13C00] =	vst v63  }
0x9c: {  	s0 =	sshrl.u32 s12, $0x1  }
0x9d: {  	s13 =	simm.s32 $0x11400;
	s12 =	sadd.s32 s7, s0  }
0x9e: {  	s14 =	simm.s32 $0x40;
	s0 =	simm.s32 $0x11600;
	s2 =	sadd.s32 $0x0, s12  }
.LBB2_31:
0x9f: {  	[tilespmem:s13], [sflag:$0x9] =	stream.linear.gather [hbm4b:s2+s1], $0x80, $0x38;
	[tilespmem:$0x13C00] =	vst v63  }
0xa0: {  	s2 =	smov.u32 s14;
	s13 =	smov.u32 s0;
	p0 =	sne.s32 s14, $0x4C0  }
.Ltmp14:
0xa1: {  	s14 =	sadd.s32 $0x40, s14;
	(pc) =	sbr.rel @p0 .LBB2_31-.Ltmp14, $2  }
0xa2: {  	_ =	sdelay $0x2  }
0xa3: {  	s0 =	sadd.s32 $0x200, s0;
	s2 =	sadd.s32 s2, s12  }
0xa4: {  	[tilespmem:s13], [sflag:$0x9] =	stream.linear.gather [hbm4b:s2+s1], $0x80, $0x38;
	[tilespmem:$0x13C00] =	vst v63  }
0xa5: {  	_ =	swait.ge [sflag:s28], $0xA00  }
0xa6: {  	[sflag:s28] =	ssyncset.done $0x0  }
0xa7: {  	[sflag:s28] =	ssyncadd.s32 $0xFFFFF600  }
0xa8: {  	_ =	swait.ge [sflag:s29], $0xA00  }
0xa9: {  	[sflag:s29] =	ssyncset.done $0x0  }
0xaa: {  	[sflag:s29] =	ssyncadd.s32 $0xFFFFF600  }
0xab: {  	_ =	swait.ge [sflag:s30], $0xA00  }
0xac: {  	s0 =	rddreg [dreg:$0x5]  }
0xad: {  	s12 =	sadd.s32 s24, s0  }
0xae: {  	s15 =	simm.s32 $0xC480;
	s13 =	sshrl.u32 s12, $0x3  }
0xaf: {  	s31 =	simm.s32 $0x10;
	[sflag:s30] =	ssyncset.done $0x0;
	s14 =	sadd.s32 s3, s13  }
0xb0: {  	[sflag:s30] =	ssyncadd.s32 $0xFFFFF600;
	s0 =	simm.s32 $0xC680;
	s2 =	sadd.s32 $0x0, s14  }
.LBB2_33:
0xb1: {  	[tilespmem:s15], [sflag:$0x2] =	stream.linear.gather [hbm4b:s2+s1], $0x80, $0x38;
	[tilespmem:$0x13C00] =	vst v63  }
0xb2: {  	s2 =	smov.u32 s31;
	s15 =	smov.u32 s0;
	p0 =	sne.s32 s31, $0x130  }
.Ltmp15:
0xb3: {  	s31 =	sadd.s32 $0x10, s31;
	(pc) =	sbr.rel @p0 .LBB2_33-.Ltmp15, $2  }
0xb4: {  	_ =	sdelay $0x2  }
0xb5: {  	s0 =	sadd.s32 $0x200, s0;
	s2 =	sadd.s32 s2, s14  }
0xb6: {  	[tilespmem:s15], [sflag:$0x2] =	stream.linear.gather [hbm4b:s2+s1], $0x80, $0x38;
	[tilespmem:$0x13C00] =	vst v63  }
0xb7: {  	s13 =	sadd.s32 s4, s13;
	s14 =	simm.s32 $0xEC80  }
0xb8: {  	s15 =	simm.s32 $0x10;
	s0 =	simm.s32 $0xEE80;
	s2 =	sadd.s32 $0x0, s13  }
.LBB2_35:
0xb9: {  	[tilespmem:s14], [sflag:$0x6] =	stream.linear.gather [hbm4b:s2+s1], $0x80, $0x38;
	[tilespmem:$0x13C00] =	vst v63  }
0xba: {  	s2 =	smov.u32 s15;
	s14 =	smov.u32 s0;
	p0 =	sne.s32 s15, $0x130  }
.Ltmp16:
0xbb: {  	s15 =	sadd.s32 $0x10, s15;
	(pc) =	sbr.rel @p0 .LBB2_35-.Ltmp16, $2  }
0xbc: {  	_ =	sdelay $0x2  }
0xbd: {  	s0 =	sadd.s32 $0x200, s0;
	s2 =	sadd.s32 s2, s13  }
0xbe: {  	[tilespmem:s14], [sflag:$0x6] =	stream.linear.gather [hbm4b:s2+s1], $0x80, $0x38;
	[tilespmem:$0x13C00] =	vst v63  }
0xbf: {  	s0 =	sshrl.u32 s12, $0x1  }
0xc0: {  	s13 =	simm.s32 $0x11480;
	s12 =	sadd.s32 s7, s0  }
0xc1: {  	s14 =	simm.s32 $0x40;
	s0 =	simm.s32 $0x11680;
	s2 =	sadd.s32 $0x0, s12  }
.LBB2_37:
0xc2: {  	[tilespmem:s13], [sflag:$0xA] =	stream.linear.gather [hbm4b:s2+s1], $0x80, $0x38;
	[tilespmem:$0x13C00] =	vst v63  }
0xc3: {  	s2 =	smov.u32 s14;
	s13 =	smov.u32 s0;
	p0 =	sne.s32 s14, $0x4C0  }
.Ltmp17:
0xc4: {  	s14 =	sadd.s32 $0x40, s14;
	(pc) =	sbr.rel @p0 .LBB2_37-.Ltmp17, $2  }
0xc5: {  	_ =	sdelay $0x2  }
0xc6: {  	s0 =	sadd.s32 $0x200, s0;
	s2 =	sadd.s32 s2, s12  }
0xc7: {  	[tilespmem:s13], [sflag:$0xA] =	stream.linear.gather [hbm4b:s2+s1], $0x80, $0x38;
	[tilespmem:$0x13C00] =	vst v63  }
0xc8: {  	s0 =	simm.s32 $0x4  }
0xc9: {  	_ =	swait.ge [sflag:s0], $0xA00  }
0xca: {  	[sflag:s0] =	ssyncset.done $0x0  }
0xcb: {  	s14 =	simm.s32 $0x8;
	[sflag:s0] =	ssyncadd.s32 $0xFFFFF600  }
0xcc: {  	_ =	swait.ge [sflag:s14], $0xA00  }
0xcd: {  	[sflag:s14] =	ssyncset.done $0x0  }
0xce: {  	s15 =	simm.s32 $0xC;
	[sflag:s14] =	ssyncadd.s32 $0xFFFFF600  }
0xcf: {  	_ =	swait.ge [sflag:s15], $0xA00  }
0xd0: {  	s31 =	rddreg [dreg:$0x6]  }
0xd1: {  	s12 =	sadd.s32 s24, s31  }
0xd2: {  	[sflag:s15] =	ssyncset.done $0x0;
	s13 =	sshrl.u32 s12, $0x3  }
0xd3: {  	s0 =	simm.s32 $0xC700;
	[sflag:s15] =	ssyncadd.s32 $0xFFFFF600;
	s14 =	sadd.s32 s3, s13  }
0xd4: {  	s15 =	simm.s32 $0xC500;
	s24 =	simm.s32 $0x10;
	s2 =	sadd.s32 $0x0, s14  }
.LBB2_39:
0xd5: {  	[tilespmem:s15], [sflag:$0x3] =	stream.linear.gather [hbm4b:s2+s1], $0x80, $0x38;
	[tilespmem:$0x13C00] =	vst v63  }
0xd6: {  	s2 =	smov.u32 s24;
	s15 =	smov.u32 s0;
	p0 =	sne.s32 s24, $0x130  }
.Ltmp18:
0xd7: {  	s24 =	sadd.s32 $0x10, s24;
	(pc) =	sbr.rel @p0 .LBB2_39-.Ltmp18, $2  }
0xd8: {  	_ =	sdelay $0x2  }
0xd9: {  	s0 =	sadd.s32 $0x200, s0;
	s2 =	sadd.s32 s2, s14  }
0xda: {  	[tilespmem:s15], [sflag:$0x3] =	stream.linear.gather [hbm4b:s2+s1], $0x80, $0x38;
	[tilespmem:$0x13C00] =	vst v63  }
0xdb: {  	s13 =	sadd.s32 s4, s13;
	s14 =	simm.s32 $0xED00  }
0xdc: {  	s15 =	simm.s32 $0x10;
	s0 =	simm.s32 $0xEF00;
	s2 =	sadd.s32 $0x0, s13  }
.LBB2_41:
0xdd: {  	[tilespmem:s14], [sflag:$0x7] =	stream.linear.gather [hbm4b:s2+s1], $0x80, $0x38;
	[tilespmem:$0x13C00] =	vst v63  }
0xde: {  	s2 =	smov.u32 s15;
	s14 =	smov.u32 s0;
	p0 =	sne.s32 s15, $0x130  }
.Ltmp19:
0xdf: {  	s15 =	sadd.s32 $0x10, s15;
	(pc) =	sbr.rel @p0 .LBB2_41-.Ltmp19, $2  }
0xe0: {  	_ =	sdelay $0x2  }
0xe1: {  	s0 =	sadd.s32 $0x200, s0;
	s2 =	sadd.s32 s2, s13  }
0xe2: {  	[tilespmem:s14], [sflag:$0x7] =	stream.linear.gather [hbm4b:s2+s1], $0x80, $0x38;
	[tilespmem:$0x13C00] =	vst v63  }
0xe3: {  	s0 =	sshrl.u32 s12, $0x1  }
0xe4: {  	s13 =	simm.s32 $0x11500;
	s12 =	sadd.s32 s7, s0  }
0xe5: {  	s14 =	simm.s32 $0x40;
	s0 =	simm.s32 $0x11700;
	s2 =	sadd.s32 $0x0, s12  }
.LBB2_43:
0xe6: {  	[tilespmem:s13], [sflag:$0xB] =	stream.linear.gather [hbm4b:s2+s1], $0x80, $0x38;
	[tilespmem:$0x13C00] =	vst v63  }
0xe7: {  	s2 =	smov.u32 s14;
	s13 =	smov.u32 s0;
	p0 =	sne.s32 s14, $0x4C0  }
.Ltmp20:
0xe8: {  	s14 =	sadd.s32 $0x40, s14;
	(pc) =	sbr.rel @p0 .LBB2_43-.Ltmp20, $2  }
0xe9: {  	_ =	sdelay $0x2  }
0xea: {  	s0 =	sadd.s32 $0x200, s0;
	s2 =	sadd.s32 s2, s12  }
0xeb: {  	s16 =	sadd.s32 $0x1, s16  }
0xec: {  	p0 =	sne.s32 s16, $0xA  }
.Ltmp21:
0xed: {  	_ = 	snop;
	(pc) =	sbr.rel @p0 .LBB2_20-.Ltmp21, $2  }
0xee: {  	_ =	sdelay $0x2  }
0xef: {  	[tilespmem:s13], [sflag:$0xB] =	stream.linear.gather [hbm4b:s2+s1], $0x80, $0x38;
	[tilespmem:$0x13C00] =	vst v63  }
0xf0: {  	_ =	swait.ge [sflag:s20], $0xA00  }
0xf1: {  	[sflag:s20] =	ssyncset.done $0x0  }
0xf2: {  	[sflag:s20] =	ssyncadd.s32 $0xFFFFF600  }
0xf3: {  	_ =	swait.ge [sflag:s21], $0xA00  }
0xf4: {  	[sflag:s21] =	ssyncset.done $0x0  }
0xf5: {  	[sflag:s21] =	ssyncadd.s32 $0xFFFFF600  }
0xf6: {  	_ =	swait.ge [sflag:s22], $0xA00  }
0xf7: {  	[sflag:s22] =	ssyncset.done $0x0  }
0xf8: {  	[sflag:s22] =	ssyncadd.s32 $0xFFFFF600  }
0xf9: {  	_ =	swait.ge [sflag:s23], $0xA00  }
0xfa: {  	[sflag:s23] =	ssyncset.done $0x0  }
0xfb: {  	[sflag:s23] =	ssyncadd.s32 $0xFFFFF600  }
0xfc: {  	_ =	swait.ge [sflag:s25], $0xA00  }
0xfd: {  	[sflag:s25] =	ssyncset.done $0x0  }
0xfe: {  	[sflag:s25] =	ssyncadd.s32 $0xFFFFF600  }
0xff: {  	_ =	swait.ge [sflag:s26], $0xA00  }
0x100: {  	[sflag:s26] =	ssyncset.done $0x0  }
0x101: {  	[sflag:s26] =	ssyncadd.s32 $0xFFFFF600  }
0x102: {  	_ =	swait.ge [sflag:s28], $0xA00  }
0x103: {  	[sflag:s28] =	ssyncset.done $0x0  }
0x104: {  	[sflag:s28] =	ssyncadd.s32 $0xFFFFF600  }
0x105: {  	_ =	swait.ge [sflag:s29], $0xA00  }
0x106: {  	[sflag:s29] =	ssyncset.done $0x0  }
0x107: {  	[sflag:s29] =	ssyncadd.s32 $0xFFFFF600  }
0x108: {  	_ =	swait.ge [sflag:s30], $0xA00  }
0x109: {  	[sflag:s30] =	ssyncset.done $0x0  }
0x10a: {  	[sflag:s30] =	ssyncadd.s32 $0xFFFFF600  }
0x10b: {  	s2 =	simm.s32 $0x80;
	[bflag:$0x0] =	sbarrier.arrive $0xFFFF  }
0x10c: {  	s12 =	simm.s32 $0x200;
	s16 =	simm.s32 $0xD;
	s0 =	rddreg [dreg:$0x8]  }
0x10d: {  	[hbm4b:s0+s2] =	stream.strided.scatter [tilespmem:s1], [sflag:$0xD], $0xC400, s12, s2, $0x38;
	[tilespmem:$0x13C00] =	vst v63  }
0x10e: {  	_ =	swait.ge [sflag:s16], $0xC400  }
0x10f: {  	s24 =	rddreg [dreg:$0x9]  }
0x110: {  	s31 =	rddreg [dreg:$0x7];
	s12 =	sadd.s32 $0x1, s24  }
0x111: {  	p0 =	sne.s32 s12, s31  }
.Ltmp22:
0x112: {  	_ = 	snop;
	(pc) =	sbr.rel @p0 .LBB2_1-.Ltmp22, $3  }
0x113: {  	_ =	sdelay $0x1  }
0x114: {  	[sflag:s16] =	ssyncset.done $0x0  }
0x115: {  	[sflag:s16] =	ssyncadd.s32 $0xFFFF3C00  }
0x116: {  	_ =	sfence.sel $0x180000  }
0x117: {  	[bflag:$0x0] =	sbarrier.arrive $0xFFFF  }
0x118: {  	_ =	strace $0x90000047  }
0x119: {  	s0 =	stileid.u32;
	[bflag:$0x2] =	sbarrier.arrive $0xFFFF  }
0x11a: {  	p0 =	sne.s32 s0, $0x0;
	s0 =	rddreg [dreg:$0x2]  }
0x11b: {  	s0 =	sadd.s32 @!p0 $0x100000, s0  }
0x11c: {  	[sflag:s0] =	ssyncadd.tile.s32 @!p0 $0x1;
	_ =	shalt  }
.Lfunc_end2:
_tile_overlayer_lowered:
.L_overlay_start_2:
0x11d: {  	(tag) =	ssettag $0x2  }
0x11e: {  	s0 =	rddreg [dreg:$0x0];
	s2 =	stileid.u32  }
0x11f: {  	s1 =	rddreg [dreg:$0x1];
	p0 =	sne.s32 s2, $0x0  }
0x120: {  	s3 =	rddreg [dreg:$0x2];
	[bflag:$0x3] =	sbarrier.arrive $0xFFFF;
	s2 =	simm.s32 @!p0 $0x1C0D  }
0x121: {  	[timem:s3], [sflag:s2] =	dma.local @!p0 [hbm:s0], s1  }
0x122: {  	s0 =	simm.s32 @!p0 $0xD  }
0x123: {  	_ =	swait.ge @!p0 [sflag:s0], s1  }
0x124: {  	s1 =	ssub.s32 @!p0 $0x0, s1;
	[sflag:s0] =	ssyncset.done @!p0 $0x0  }
0x125: {  	[sflag:s0] =	ssyncadd.s32 @!p0 s1  }
0x126: {  	[bflag:$0x3] =	sbarrier.arrive $0xFFFF  }
0x127: {  	_ =	shalt  }

// kernel: kernel.9.cloned.1.call-start
scs
__scs_entry_jumppad:
0x0: {  	(pc) =	sbr.rel $0x88, $3  }
0x1: {  	(tag) =	ssettag $0x0;
	lr =	simm.s32 $0x1  }
0x2: {  	[smem:$0x3F9F] =	sst lr;
	_ =	strace $0xD0000000  }
0x3: {  	_ = 	snop  }
0x4: {  	_ = 	snop  }
0x5: {  	_ = 	snop  }
0x6: {  	_ = 	snop  }
0x7: {  	_ = 	snop  }
__scs_overlays_trampoline_lowered:
0x8: {  	[smem:$0x3FAE] =	sst s0  }
0x9: {  	[smem:$0x3FAF] =	sst s1  }
0xa: {  	[smem:$0x3FB0] =	sst s2  }
0xb: {  	[smem:$0x3FB1] =	sst s3  }
0xc: {  	[smem:$0x3FB2] =	sst s4  }
0xd: {  	[smem:$0x3FB3] =	sst s5  }
0xe: {  	[smem:$0x3FB4] =	sst s6  }
0xf: {  	[smem:$0x3FB5] =	sst s7  }
0x10: {  	[smem:$0x3FB6] =	sst s8  }
0x11: {  	[smem:$0x3FB7] =	sst s9;
	s0 =	simm.s32 @!p0 $0x0  }
0x12: {  	s1 =	sld [smem:$0x3F9D];
	s0 =	simm.s32 @p0 $0x1  }
0x13: {  	[smem:$0x3FB8] =	sst s0;
	s0 =	simm.s32 @!p1 $0x0  }
0x14: {  	s2 =	sld [smem:$0x3F9C];
	s0 =	simm.s32 @p1 $0x1  }
0x15: {  	[smem:$0x3FB9] =	sst s0;
	s0 =	simm.s32 @!p2 $0x0  }
0x16: {  	s3 =	sld [smem:$0x3FDB];
	s0 =	simm.s32 @p2 $0x1  }
0x17: {  	s4 =	simm.s32 $0x1BF5;
	[smem:$0x3FBB] =	sst s0  }
0x18: {  	s0 =	sld [smem:$0x3F9E];
	_ =	swait.ge [sflag:s4], $0x0  }
0x19: {  	s7 =	sld [smem:$0x3F9F]  }
0x1a: {  	s8 =	sadd.s32 $0xFFFFE003, lr  }
0x1b: {  	s9 =	sadd.s32 $0xFFFFFEF7, lr;
	s5 =	simm.s32 $0xFFFFFFFF;
	p2 =	slt.u32 s8, $0xFFFFF086  }
0x1c: {  	p1 =	slt.u32 s9, $0xF7A;
	s5 =	simm.s32 @!p2 $0x0  }
0x1d: {  	s5 =	simm.s32 @p1 $0x1;
	p0 =	seq.s32 s7, s2  }
0x1e: {  	s7 =	smul.u32 @!p0 $0xF7A, s2;
	p2 =	seq.s32 @!p0 s5, $0x0  }
0x1f: {  	s9 =	smul.u32 $0xF7A, s1;
	s8 =	simm.s32 @!p0 $0x1BF5;
	p2 =	por !p2, p0  }
0x20: {  	[sflag:s8] =	ssyncset.s32 @!p0 $0xFFFFF086;
	s6 =	sadd.s32 @!p0 s3, s7;
	s7 =	simm.s32 @!p0 $0x108  }
0x21: {  	s3 =	sadd.s32 s3, s9;
	s6 =	sadd.s32 @!p0 $0x88, s6;
	s7 =	simm.s32 @p2 $0x1082  }
0x22: {  	[simem:s7], [sflag:s8] =	dma.local @!p0 [hbm:s6], $0xF7A  }
0x23: {  	s9 =	sor.u32 $0xD0000000, s2;
	s6 =	simm.s32 $0x108;
	_ =	swait.ge @!p0 [sflag:s8], $0x0  }
0x24: {  	s3 =	sadd.s32 $0x88, s3;
	s6 =	simm.s32 @!p1 $0x1082;
	[sflag:s4] =	ssyncset.s32 $0xFFFFF086  }
0x25: {  	[simem:s6], [sflag:s4] =	dma.local [hbm:s3], $0xF7A  }
0x26: {  	[smem:$0x3F9F] =	sst s1;
	(tag) =	ssettag s2;
	_ =	strace s9  }
0x27: {  	s1 =	sld [smem:$0x3FAF]  }
0x28: {  	s2 =	sld [smem:$0x3FB0]  }
0x29: {  	s4 =	sld [smem:$0x3FB2]  }
0x2a: {  	p0 =	seq.s32 s5, $0x0;
	s5 =	sld [smem:$0x3FB3]  }
0x2b: {  	s6 =	sld [smem:$0x3FB4]  }
0x2c: {  	s7 =	sld [smem:$0x3FB5]  }
0x2d: {  	s3 =	simm.s32 $0x108;
	s8 =	sld [smem:$0x3FB6]  }
0x2e: {  	s3 =	simm.s32 @!p0 $0x1082;
	s9 =	sld [smem:$0x3FB7]  }
0x2f: {  	lr =	sadd.s32 s0, s3;
	s0 =	sld [smem:$0x3FAE]  }
0x30: {  	s3 =	sld [smem:$0x3FB1]  }
0x31: {  	[smem:$0x3FBA] =	sst s10  }
0x32: {  	s10 =	sld [smem:$0x3FB8];
	_ =	sdelay $0x3  }
0x33: {  	p0 =	seq.s32 s10, $0x1;
	s10 =	sld [smem:$0x3FBA];
	_ =	sdelay $0x3  }
0x34: {  	[smem:$0x3FBA] =	sst s10  }
0x35: {  	s10 =	sld [smem:$0x3FB9];
	_ =	sdelay $0x3  }
0x36: {  	p1 =	seq.s32 s10, $0x1;
	s10 =	sld [smem:$0x3FBA];
	_ =	sdelay $0x3  }
0x37: {  	[smem:$0x3FBA] =	sst s10  }
0x38: {  	s10 =	sld [smem:$0x3FBB]  }
0x39: {  	_ = 	snop;
	(pc) =	sbr.ind lr, $3  }
0x3a: {  	_ = 	snop  }
0x3b: {  	_ = 	snop  }
0x3c: {  	p2 =	seq.s32 s10, $0x1;
	s10 =	sld [smem:$0x3FBA]  }
0x3d: {  	_ =	shalt  }
0x3e: {  	_ =	shalt  }
0x3f: {  	_ =	shalt  }
0x40: {  	_ =	shalt  }
0x41: {  	_ =	shalt  }
0x42: {  	_ =	shalt  }
0x43: {  	_ =	shalt  }
0x44: {  	_ =	shalt  }
0x45: {  	_ =	shalt  }
0x46: {  	_ =	shalt  }
0x47: {  	_ =	shalt  }
0x48: {  	_ =	shalt  }
0x49: {  	_ =	shalt  }
0x4a: {  	_ =	shalt  }
0x4b: {  	_ =	shalt  }
0x4c: {  	_ =	shalt  }
0x4d: {  	_ =	shalt  }
0x4e: {  	_ =	shalt  }
0x4f: {  	_ =	shalt  }
0x50: {  	_ =	shalt  }
0x51: {  	_ =	shalt  }
0x52: {  	_ =	shalt  }
0x53: {  	_ =	shalt  }
0x54: {  	_ =	shalt  }
0x55: {  	_ =	shalt  }
0x56: {  	_ =	shalt  }
0x57: {  	_ =	shalt  }
0x58: {  	_ =	shalt  }
0x59: {  	_ =	shalt  }
0x5a: {  	_ =	shalt  }
0x5b: {  	_ =	shalt  }
0x5c: {  	_ =	shalt  }
0x5d: {  	_ =	shalt  }
0x5e: {  	_ =	shalt  }
0x5f: {  	_ =	shalt  }
0x60: {  	_ =	shalt  }
0x61: {  	_ =	shalt  }
0x62: {  	_ =	shalt  }
0x63: {  	_ =	shalt  }
0x64: {  	_ =	shalt  }
0x65: {  	_ =	shalt  }
0x66: {  	_ =	shalt  }
0x67: {  	_ =	shalt  }
0x68: {  	_ =	shalt  }
0x69: {  	_ =	shalt  }
0x6a: {  	_ =	shalt  }
0x6b: {  	_ =	shalt  }
0x6c: {  	_ =	shalt  }
0x6d: {  	_ =	shalt  }
0x6e: {  	_ =	shalt  }
0x6f: {  	_ =	shalt  }
0x70: {  	_ =	shalt  }
0x71: {  	_ =	shalt  }
0x72: {  	_ =	shalt  }
0x73: {  	_ =	shalt  }
0x74: {  	_ =	shalt  }
0x75: {  	_ =	shalt  }
0x76: {  	_ =	shalt  }
0x77: {  	_ =	shalt  }
0x78: {  	_ =	shalt  }
0x79: {  	_ =	shalt  }
0x7a: {  	_ =	shalt  }
0x7b: {  	_ =	shalt  }
0x7c: {  	_ =	shalt  }
0x7d: {  	_ =	shalt  }
0x7e: {  	_ =	shalt  }
0x7f: {  	_ =	shalt  }
0x80: {  	_ =	shalt  }
0x81: {  	_ =	shalt  }
0x82: {  	_ =	shalt  }
0x83: {  	_ =	shalt  }
0x84: {  	_ =	shalt  }
0x85: {  	_ =	shalt  }
0x86: {  	_ =	shalt  }
0x87: {  	_ =	shalt  }
.Lfunc_end0:
.L_simem_size_0:
called_computation.2_lowered:
.L_overlay_start_0:
0x88: {  	s2 =	sld [smem:$0x3FD9]  }
0x89: {  	s3 =	sld [smem:$0x3FFE];
	_ =	sdelay $0x1  }
0x8a: {  	s1 =	srdreg.scid  }
0x8b: {  	s0 =	sand.u32 $0x1, s1  }
0x8c: {  	s17 =	sshll.u32 s0, $0xA;
	s2 =	sadd.s32 s3, s2  }
0x8d: {  	s2 =	sadd.s32 s2, s17  }
0x8e: {  	[smem:$0x3FC6] =	sst s2  }
0x8f: {  	_ = 	snop  }
0x90: {  	s2 =	sld [smem:$0x3FD0];
	(tm) =	ssettm $0x1  }
0x91: {  	s18 =	sld [smem:$0x3FFB];
	_ =	sdelay $0x3  }
0x92: {  	_ =	strace s18  }
0x93: {  	s3 =	sld [smem:$0x3FFC];
	_ =	sdelay $0x3  }
0x94: {  	_ =	strace s3  }
0x95: {  	s3 =	sld [smem:$0x3FFD];
	_ =	sdelay $0x3  }
0x96: {  	_ =	strace s3  }
0x97: {  	_ =	strace $0x8FFFFFFF  }
0x98: {  	s19 =	sld [smem:$0x3FDB];
	_ =	sdelay $0x1  }
0x99: {  	s4 =	simm.s32 $_scs_section_size  }
0x9a: {  	s5 =	simm.s32 $_size__tile_overlayer_lowered;
	s6 =	simm.s32 $_tile_overlayer_lowered  }
0x9b: {  	s22 =	simm.s32 $0x1BFF;
	s21 =	sshll.u32 s6, $0x1;
	s3 =	sadd.s32 s4, s19  }
0x9c: {  	s7 =	simm.s32 $0x0;
	s20 =	sshll.u32 s5, $0x1;
	s5 =	sadd.s32 s21, s3  }
0x9d: {  	[timem:s7], [sflag:s22] =	dma.local [hbm:s5], s20  }
0x9e: {  	_ =	swait.ge [sflag:s22], s20  }
0x9f: {  	s4 =	ssub.s32 $0x0, s20;
	[sflag:s22] =	ssyncset.done $0x0  }
0xa0: {  	[sflag:s22] =	ssyncadd.s32 s4;
	_ =	sdelay $0x1  }
0xa1: {  	s23 =	simm.s32 $0x1B8B  }
0xa2: {  	_ =	swait.ge [sflag:s23], $0x1  }
0xa3: {  	[sflag:s23] =	ssyncset.done $0x0  }
0xa4: {  	s25 =	simm.s32 $0x1B8E;
	s24 =	sld [smem:$0x3FFE];
	[sflag:s23] =	ssyncadd.s32 $0xFFFFFFFF  }
0xa5: {  	s26 =	simm.s32 $execute0_lowered;
	[smem:$0x3FD2] =	sst s25  }
0xa6: {  	s5 =	sshll.u32 s26, $0x1;
	_ =	strace $0x80000049;
	[dreg:$0x1] =	wrdreg $0xFFFFFFFF  }
0xa7: {  	s28 =	simm.s32 $_size_execute0_lowered;
	s3 =	sadd.s32 s3, s5;
	[dreg:$0x0] =	wrdreg $0x0  }
0xa8: {  	s5 =	sshll.u32 s28, $0x1;
	[dreg:$0x2] =	wrdreg s3  }
0xa9: {  	[dreg:$0x3] =	wrdreg s5  }
0xaa: {  	[dreg:$0x4] =	wrdreg $0xC0  }
0xab: {  	_ =	task [dreg:s7], $0x5FFFF  }
0xac: {  	[dreg:$0x1] =	wrdreg $0xFFFFFFFF  }
0xad: {  	[dreg:$0x0] =	wrdreg $0x60  }
0xae: {  	[dreg:$0x2] =	wrdreg s2  }
0xaf: {  	[dreg:$0x3] =	wrdreg s24  }
0xb0: {  	[dreg:$0x4] =	wrdreg $0x9  }
0xb1: {  	_ =	task.clear_ibuf [dreg:s7], $0x5FFFF;
	_ =	strace $0x90000049  }
0xb2: {  	s29 =	simm.s32 $0x9;
	_ =	strace $0x8000004B  }
0xb3: {  	_ =	swait.ge [sflag:s29], $0x1  }
0xb4: {  	[sflag:s29] =	ssyncadd.s32 $0xFFFFFFFF  }
0xb5: {  	_ =	strace $0x9000004B  }
0xb6: {  	_ =	sfence  }
0xb7: {  	s30 =	sld [smem:$0x0];
	_ =	sdelay $0x2  }
0xb8: {  	s31 =	sshll.u32 s1, $0xD;
	s1 =	sshrl.u32 s1, $0x2  }
0xb9: {  	s3 =	sand.u32 $0x4000, s31;
	s1 =	sadd.s32 s1, s30  }
0xba: {  	s0 =	sor.u32 s3, s0;
	s1 =	sshll.u32 s1, $0x11  }
0xbb: {  	s0 =	sor.u32 s1, s0  }
0xbc: {  	s0 =	sadd.s32 $0x8F2B, s0  }
0xbd: {  	[sflag:s0] =	ssyncadd.remote.s32 $0x1  }
0xbe: {  	_ =	sfence.sel $0xFFFF  }
0xbf: {  	[dreg:$0x0] =	wrdreg $0xFFFFFFFF;
	(pc) =	sbr.abs _section_cstart, $3  }
0xc0: {  	[dreg:$0x1] =	wrdreg $0xFFFFFFFF  }
0xc1: {  	_ =	task.clear_ibuf [dreg:s7], $0x2FFFF;
	_ =	strace $0x9FFFFFFF  }
0xc2: {  	(tm) =	ssettm $0x7FFFFFFF  }
0xc3: {  	_ =	shalt  }
tec
execute0_lowered:
.L_overlay_start_1:
0x0: {  	(tag) =	ssettag $0x1  }
0x1: {  	s0 =	rddreg [dreg:$0x0]  }
0x2: {  	s2 =	rddreg [dreg:$0x1];
	s1 =	simm.s32 $0x0;
	s4 =	srdreg.scid  }
0x3: {  	s7 =	stileid.u32;
	s28 =	simm.s32 $0x2;
	s29 =	simm.s32 $0x6  }
0x4: {  	s30 =	simm.s32 $0x7;
	[smem:$0x7FF] =	sst s1;
	s10 =	sand.u32 $0x7, s7  }
0x5: {  	s3 =	sadd.s32 $0x1AA00, s2;
	s4 =	sand.u32 $0x1, s4;
	s17 =	smul.u32 $0x19000, s10  }
0x6: {  	s6 =	sshll.u32 s7, $0x1;
	_ =	strace $0x8000004A;
	s8 =	smul.u32 $0x3200, s10  }
0x7: {  	s5 =	sshll.u32 s4, $0x5;
	s6 =	sand.u32 $0x10, s6;
	s21 =	smul.u32 $0xC800, s10  }
0x8: {  	s4 =	ssub.s32 $0x2, s4;
	s10 =	smul.u32 $0x64000, s10;
	s6 =	sor.u32 s5, s6  }
0x9: {  	s19 =	sshrl.u32 s4, $0x1;
	s5 =	sadd.s32 $0x1600, s2;
	s2 =	sadd.s32 s6, s2  }
0xa: {  	s4 =	ssub.s32 s4, s19;
	s0 =	sadd.s32 s0, s6;
	s7 =	sadd.s32 s3, s8  }
0xb: {  	s20 =	sshrl.u32 s17, $0x7;
	s8 =	sadd.s32 s5, s8;
	s15 =	sadd.s32 $0x1400, s17  }
0xc: {  	s16 =	sadd.s32 $0xFFFFF600, s17;
	s22 =	sadd.s32 $0x1E00, s17;
	[dreg:$0x3] =	wrdreg s17  }
0xd: {  	s23 =	sadd.s32 $0x2800, s17;
	s24 =	sor.u32 $0xA00, s17;
	[dreg:$0x4] =	wrdreg s0  }
0xe: {  	s25 =	sadd.s32 $0x3200, s17;
	s26 =	sshrl.u32 s10, $0x3;
	[dreg:$0x5] =	wrdreg s15  }
0xf: {  	s31 =	sadd.s32 $0x3C00, s17;
	s6 =	simm.s32 $0xA;
	[dreg:$0x6] =	wrdreg s16  }
0x10: {  	s10 =	simm.s32 $0x0;
	s9 =	sadd.s32 $0x33E00, s2;
	[dreg:$0x7] =	wrdreg s22  }
0x11: {  	s0 =	sor.u32 $0x14, s20;
	s14 =	sshrl.u32 s15, $0x3;
	[dreg:$0x8] =	wrdreg s23  }
0x12: {  	s15 =	sshrl.u32 s15, $0x1;
	s16 =	sadd.s32 $0x98E00, s2;
	[dreg:$0x9] =	wrdreg s24  }
0x13: {  	[dreg:$0xa] =	wrdreg s25;
	s2 =	sadd.s32 $0xC300, s26;
	s4 =	smax.u32 s4, $0x1  }
0x14: {  	[dreg:$0xc] =	wrdreg s31;
	s12 =	sshll.u32 s0, $0x4;
	s0 =	sshll.u32 s0, $0x6  }
0x15: {  	s13 =	sadd.s32 s3, s14;
	s14 =	sadd.s32 s5, s14;
	[dreg:$0xb] =	wrdreg s4  }
0x16: {  	s22 =	sadd.s32 s21, s9;
	s24 =	sadd.s32 s15, s9;
	s25 =	sadd.s32 s2, s16  }
0x17: {  	s2 =	simm.s32 $0x9;
	s21 =	simm.s32 $0x3;
	s15 =	simm.s32 $0xB  }
0x18: {  	s11 =	sadd.s32 s3, s12;
	s12 =	sadd.s32 s5, s12;
	s23 =	sadd.s32 s0, s9  }
.LBB2_1:
0x19: {  	[dreg:$0xd] =	wrdreg s10  }
0x1a: {  	s0 =	rddreg [dreg:$0x4]  }
0x1b: {  	s4 =	simm.s32 $0x80;
	s26 =	simm.s32 $0x200;
	s31 =	simm.s32 $0x11  }
0x1c: {  	[tilespmem:s1], [sflag:$0x11] =	stream.strided.gather [hbm4b:s0+s4], $0xC400, s26, s4, $0x38;
	[tilespmem:$0x16400] =	vst v63  }
0x1d: {  	_ =	swait.ge [sflag:s31], $0xC400  }
0x1e: {  	s10 =	simm.s32 $0x10;
	s18 =	sadd.s32 $0x0, s7;
	[sflag:s31] =	ssyncset.done $0x0  }
0x1f: {  	s17 =	simm.s32 $0xC600;
	s4 =	simm.s32 $0xC400;
	[sflag:s31] =	ssyncadd.s32 $0xFFFF3C00  }
.LBB2_2:
0x20: {  	[tilespmem:s4], [sflag:$0x1] =	stream.linear.gather [hbm4b:s18+s1], $0x80, $0x38;
	[tilespmem:$0x16400] =	vst v63  }
0x21: {  	s0 =	smov.u32 s10;
	s4 =	smov.u32 s17;
	p0 =	sne.s32 s10, $0x130  }
.Ltmp0:
0x22: {  	s10 =	sadd.s32 $0x10, s10;
	(pc) =	sbr.rel @p0 .LBB2_2-.Ltmp0, $2  }
0x23: {  	_ =	sdelay $0x2  }
0x24: {  	s17 =	sadd.s32 $0x200, s17;
	s18 =	sadd.s32 s0, s7  }
0x25: {  	[tilespmem:s4], [sflag:$0x1] =	stream.linear.gather [hbm4b:s18+s1], $0x80, $0x38;
	[tilespmem:$0x16400] =	vst v63  }
0x26: {  	s4 =	simm.s32 $0xEC00  }
0x27: {  	s10 =	simm.s32 $0x10;
	s18 =	sadd.s32 $0x0, s8;
	s17 =	simm.s32 $0xEE00  }
.LBB2_4:
0x28: {  	[tilespmem:s4], [sflag:$0x5] =	stream.linear.gather [hbm4b:s18+s1], $0x80, $0x38;
	[tilespmem:$0x16400] =	vst v63  }
0x29: {  	s0 =	smov.u32 s10;
	s4 =	smov.u32 s17;
	p0 =	sne.s32 s10, $0x130  }
.Ltmp1:
0x2a: {  	s10 =	sadd.s32 $0x10, s10;
	(pc) =	sbr.rel @p0 .LBB2_4-.Ltmp1, $2  }
0x2b: {  	_ =	sdelay $0x2  }
0x2c: {  	s17 =	sadd.s32 $0x200, s17;
	s18 =	sadd.s32 s0, s8  }
0x2d: {  	[tilespmem:s4], [sflag:$0x5] =	stream.linear.gather [hbm4b:s18+s1], $0x80, $0x38;
	[tilespmem:$0x16400] =	vst v63  }
0x2e: {  	s4 =	simm.s32 $0x11400  }
0x2f: {  	s10 =	simm.s32 $0x40;
	s18 =	sadd.s32 $0x0, s22;
	s17 =	simm.s32 $0x11600  }
.LBB2_6:
0x30: {  	[tilespmem:s4], [sflag:$0x9] =	stream.linear.gather [hbm4b:s18+s1], $0x80, $0x38;
	[tilespmem:$0x16400] =	vst v63  }
0x31: {  	s0 =	smov.u32 s10;
	s4 =	smov.u32 s17;
	p0 =	sne.s32 s10, $0x4C0  }
.Ltmp2:
0x32: {  	s10 =	sadd.s32 $0x40, s10;
	(pc) =	sbr.rel @p0 .LBB2_6-.Ltmp2, $2  }
0x33: {  	_ =	sdelay $0x2  }
0x34: {  	s17 =	sadd.s32 $0x200, s17;
	s18 =	sadd.s32 s0, s22  }
0x35: {  	[tilespmem:s4], [sflag:$0x9] =	stream.linear.gather [hbm4b:s18+s1], $0x80, $0x38;
	[tilespmem:$0x16400] =	vst v63  }
0x36: {  	s4 =	simm.s32 $0xC480  }
0x37: {  	s10 =	simm.s32 $0x10;
	s18 =	sadd.s32 $0x0, s11;
	s17 =	simm.s32 $0xC680  }
.LBB2_8:
0x38: {  	[tilespmem:s4], [sflag:$0x2] =	stream.linear.gather [hbm4b:s18+s1], $0x80, $0x38;
	[tilespmem:$0x16400] =	vst v63  }
0x39: {  	s0 =	smov.u32 s10;
	s4 =	smov.u32 s17;
	p0 =	sne.s32 s10, $0x130  }
.Ltmp3:
0x3a: {  	s10 =	sadd.s32 $0x10, s10;
	(pc) =	sbr.rel @p0 .LBB2_8-.Ltmp3, $2  }
0x3b: {  	_ =	sdelay $0x2  }
0x3c: {  	s17 =	sadd.s32 $0x200, s17;
	s18 =	sadd.s32 s0, s11  }
0x3d: {  	[tilespmem:s4], [sflag:$0x2] =	stream.linear.gather [hbm4b:s18+s1], $0x80, $0x38;
	[tilespmem:$0x16400] =	vst v63  }
0x3e: {  	s4 =	simm.s32 $0xEC80  }
0x3f: {  	s10 =	simm.s32 $0x10;
	s18 =	sadd.s32 $0x0, s12;
	s17 =	simm.s32 $0xEE80  }
.LBB2_10:
0x40: {  	[tilespmem:s4], [sflag:$0x6] =	stream.linear.gather [hbm4b:s18+s1], $0x80, $0x38;
	[tilespmem:$0x16400] =	vst v63  }
0x41: {  	s0 =	smov.u32 s10;
	s4 =	smov.u32 s17;
	p0 =	sne.s32 s10, $0x130  }
.Ltmp4:
0x42: {  	s10 =	sadd.s32 $0x10, s10;
	(pc) =	sbr.rel @p0 .LBB2_10-.Ltmp4, $2  }
0x43: {  	_ =	sdelay $0x2  }
0x44: {  	s17 =	sadd.s32 $0x200, s17;
	s18 =	sadd.s32 s0, s12  }
0x45: {  	[tilespmem:s4], [sflag:$0x6] =	stream.linear.gather [hbm4b:s18+s1], $0x80, $0x38;
	[tilespmem:$0x16400] =	vst v63  }
0x46: {  	s4 =	simm.s32 $0x11480  }
0x47: {  	s10 =	simm.s32 $0x40;
	s18 =	sadd.s32 $0x0, s23;
	s17 =	simm.s32 $0x11680  }
.LBB2_12:
0x48: {  	[tilespmem:s4], [sflag:$0xA] =	stream.linear.gather [hbm4b:s18+s1], $0x80, $0x38;
	[tilespmem:$0x16400] =	vst v63  }
0x49: {  	s0 =	smov.u32 s10;
	s4 =	smov.u32 s17;
	p0 =	sne.s32 s10, $0x4C0  }
.Ltmp5:
0x4a: {  	s10 =	sadd.s32 $0x40, s10;
	(pc) =	sbr.rel @p0 .LBB2_12-.Ltmp5, $2  }
0x4b: {  	_ =	sdelay $0x2  }
0x4c: {  	s17 =	sadd.s32 $0x200, s17;
	s18 =	sadd.s32 s0, s23  }
0x4d: {  	[tilespmem:s4], [sflag:$0xA] =	stream.linear.gather [hbm4b:s18+s1], $0x80, $0x38;
	[tilespmem:$0x16400] =	vst v63  }
0x4e: {  	s4 =	simm.s32 $0xC500  }
0x4f: {  	s10 =	simm.s32 $0x10;
	s18 =	sadd.s32 $0x0, s13;
	s17 =	simm.s32 $0xC700  }
.LBB2_14:
0x50: {  	[tilespmem:s4], [sflag:$0x3] =	stream.linear.gather [hbm4b:s18+s1], $0x80, $0x38;
	[tilespmem:$0x16400] =	vst v63  }
0x51: {  	s0 =	smov.u32 s10;
	s4 =	smov.u32 s17;
	p0 =	sne.s32 s10, $0x130  }
.Ltmp6:
0x52: {  	s10 =	sadd.s32 $0x10, s10;
	(pc) =	sbr.rel @p0 .LBB2_14-.Ltmp6, $2  }
0x53: {  	_ =	sdelay $0x2  }
0x54: {  	s17 =	sadd.s32 $0x200, s17;
	s18 =	sadd.s32 s0, s13  }
0x55: {  	[tilespmem:s4], [sflag:$0x3] =	stream.linear.gather [hbm4b:s18+s1], $0x80, $0x38;
	[tilespmem:$0x16400] =	vst v63  }
0x56: {  	s4 =	simm.s32 $0xED00  }
0x57: {  	s10 =	simm.s32 $0x10;
	s18 =	sadd.s32 $0x0, s14;
	s17 =	simm.s32 $0xEF00  }
.LBB2_16:
0x58: {  	[tilespmem:s4], [sflag:$0x7] =	stream.linear.gather [hbm4b:s18+s1], $0x80, $0x38;
	[tilespmem:$0x16400] =	vst v63  }
0x59: {  	s0 =	smov.u32 s10;
	s4 =	smov.u32 s17;
	p0 =	sne.s32 s10, $0x130  }
.Ltmp7:
0x5a: {  	s10 =	sadd.s32 $0x10, s10;
	(pc) =	sbr.rel @p0 .LBB2_16-.Ltmp7, $2  }
0x5b: {  	_ =	sdelay $0x2  }
0x5c: {  	s17 =	sadd.s32 $0x200, s17;
	s18 =	sadd.s32 s0, s14  }
0x5d: {  	[tilespmem:s4], [sflag:$0x7] =	stream.linear.gather [hbm4b:s18+s1], $0x80, $0x38;
	[tilespmem:$0x16400] =	vst v63  }
0x5e: {  	s19 =	simm.s32 $0x0;
	s4 =	simm.s32 $0x11500  }
0x5f: {  	s10 =	simm.s32 $0x40;
	s18 =	sadd.s32 $0x0, s24;
	s17 =	simm.s32 $0x11700  }
.LBB2_18:
0x60: {  	[tilespmem:s4], [sflag:$0xB] =	stream.linear.gather [hbm4b:s18+s19], $0x80, $0x38;
	[tilespmem:$0x16400] =	vst v63  }
0x61: {  	s0 =	smov.u32 s10;
	s4 =	smov.u32 s17;
	p0 =	sne.s32 s10, $0x4C0  }
.Ltmp8:
0x62: {  	s10 =	sadd.s32 $0x40, s10;
	(pc) =	sbr.rel @p0 .LBB2_18-.Ltmp8, $2  }
0x63: {  	_ =	sdelay $0x2  }
0x64: {  	s17 =	sadd.s32 $0x200, s17;
	s18 =	sadd.s32 s0, s24  }
0x65: {  	[tilespmem:s4], [sflag:$0xB] =	stream.linear.gather [hbm4b:s18+s19], $0x80, $0x38;
	[tilespmem:$0x16400] =	vst v63  }
.LBB2_20:
0x66: {  	p0 =	seq.s32 s19, $0x0  }
.Ltmp9:
0x67: {  	_ = 	snop;
	(pc) =	sbr.rel @p0 .LBB2_24-.Ltmp9, $1  }
0x68: {  	_ =	sdelay $0x3  }
0x69: {  	s0 =	simm.s32 $0xD  }
0x6a: {  	_ =	swait.ge [sflag:s0], $0xA00  }
0x6b: {  	[sflag:s0] =	ssyncset.done $0x0  }
0x6c: {  	s20 =	simm.s32 $0x1;
	[sflag:s0] =	ssyncadd.s32 $0xFFFFF600  }
0x6d: {  	_ =	swait.ge [sflag:s20], $0xA00  }
0x6e: {  	[sflag:s20] =	ssyncset.done $0x0  }
0x6f: {  	s26 =	simm.s32 $0x5;
	[sflag:s20] =	ssyncadd.s32 $0xFFFFF600  }
0x70: {  	_ =	swait.ge [sflag:s26], $0xA00  }
0x71: {  	[sflag:s26] =	ssyncset.done $0x0  }
0x72: {  	[sflag:s26] =	ssyncadd.s32 $0xFFFFF600  }
0x73: {  	s20 =	smul.u32 $0x2800, s19;
	_ =	swait.ge [sflag:s2], $0xA00  }
0x74: {  	s31 =	rddreg [dreg:$0x6]  }
0x75: {  	s0 =	sadd.s32 s20, s31  }
0x76: {  	s4 =	simm.s32 $0x13D80;
	s0 =	sshrl.u32 s0, $0x1  }
0x77: {  	s10 =	simm.s32 $0x40;
	[sflag:s2] =	ssyncset.done $0x0;
	s18 =	sadd.s32 s0, s16  }
0x78: {  	s17 =	simm.s32 $0x13F80;
	[sflag:s2] =	ssyncadd.s32 $0xFFFFF600;
	s26 =	sadd.s32 $0x0, s18  }
.LBB2_22:
0x79: {  	[hbm4b:s26+s1] =	stream.linear.scatter [tilespmem:s4], [sflag:$0x10], $0x80, $0x38;
	[tilespmem:$0x16400] =	vst v63  }
0x7a: {  	s0 =	smov.u32 s10;
	s4 =	smov.u32 s17;
	p1 =	seq.s32 s10, $0x4C0  }
.Ltmp10:
0x7b: {  	s10 =	sadd.s32 $0x40, s10;
	(pc) =	sbr.rel @!p1 .LBB2_22-.Ltmp10, $2  }
0x7c: {  	_ =	sdelay $0x2  }
0x7d: {  	s17 =	sadd.s32 $0x200, s17;
	s26 =	sadd.s32 s0, s18  }
.Ltmp11:
0x7e: {  	(pc) =	sbr.rel .LBB2_25-.Ltmp11, $2  }
0x7f: {  	_ =	sdelay $0x2  }
0x80: {  	[hbm4b:s26+s1] =	stream.linear.scatter [tilespmem:s4], [sflag:$0x10], $0x80, $0x38;
	[tilespmem:$0x16400] =	vst v63  }
.LBB2_24:
0x81: {  	s0 =	simm.s32 $0x1  }
0x82: {  	_ =	swait.ge [sflag:s0], $0xA00  }
0x83: {  	[sflag:s0] =	ssyncset.done $0x0  }
0x84: {  	s31 =	simm.s32 $0x5;
	[sflag:s0] =	ssyncadd.s32 $0xFFFFF600  }
0x85: {  	_ =	swait.ge [sflag:s31], $0xA00  }
0x86: {  	[sflag:s31] =	ssyncset.done $0x0  }
0x87: {  	[sflag:s31] =	ssyncadd.s32 $0xFFFFF600  }
0x88: {  	_ =	swait.ge [sflag:s2], $0xA00  }
0x89: {  	[sflag:s2] =	ssyncset.done $0x0  }
0x8a: {  	s20 =	simm.s32 $0x0;
	[sflag:s2] =	ssyncadd.s32 $0xFFFFF600  }
.LBB2_25:
0x8b: {  	s0 =	rddreg [dreg:$0x7]  }
0x8c: {  	s26 =	sadd.s32 s20, s0  }
0x8d: {  	s18 =	sshrl.u32 s26, $0x3  }
0x8e: {  	s10 =	simm.s32 $0xC580;
	s4 =	sadd.s32 s3, s18  }
0x8f: {  	s17 =	simm.s32 $0x10;
	s31 =	simm.s32 $0xC780;
	s0 =	sadd.s32 $0x0, s4  }
.LBB2_26:
0x90: {  	[tilespmem:s10], [sflag:$0x4] =	stream.linear.gather [hbm4b:s0+s1], $0x80, $0x38;
	[tilespmem:$0x16400] =	vst v63  }
0x91: {  	s0 =	smov.u32 s17;
	s10 =	smov.u32 s31;
	p1 =	sne.s32 s17, $0x130  }
.Ltmp12:
0x92: {  	s17 =	sadd.s32 $0x10, s17;
	(pc) =	sbr.rel @p1 .LBB2_26-.Ltmp12, $2  }
0x93: {  	_ =	sdelay $0x2  }
0x94: {  	s31 =	sadd.s32 $0x200, s31;
	s0 =	sadd.s32 s0, s4  }
0x95: {  	[tilespmem:s10], [sflag:$0x4] =	stream.linear.gather [hbm4b:s0+s1], $0x80, $0x38;
	[tilespmem:$0x16400] =	vst v63  }
0x96: {  	s4 =	sadd.s32 s5, s18;
	s10 =	simm.s32 $0xED80  }
0x97: {  	s17 =	simm.s32 $0x10;
	s18 =	simm.s32 $0xEF80;
	s0 =	sadd.s32 $0x0, s4  }
.LBB2_28:
0x98: {  	[tilespmem:s10], [sflag:$0x8] =	stream.linear.gather [hbm4b:s0+s1], $0x80, $0x38;
	[tilespmem:$0x16400] =	vst v63  }
0x99: {  	s0 =	smov.u32 s17;
	s10 =	smov.u32 s18;
	p1 =	sne.s32 s17, $0x130  }
.Ltmp13:
0x9a: {  	s17 =	sadd.s32 $0x10, s17;
	(pc) =	sbr.rel @p1 .LBB2_28-.Ltmp13, $2  }
0x9b: {  	_ =	sdelay $0x2  }
0x9c: {  	s18 =	sadd.s32 $0x200, s18;
	s0 =	sadd.s32 s0, s4  }
0x9d: {  	[tilespmem:s10], [sflag:$0x8] =	stream.linear.gather [hbm4b:s0+s1], $0x80, $0x38;
	[tilespmem:$0x16400] =	vst v63  }
0x9e: {  	s31 =	sshrl.u32 s26, $0x1  }
0x9f: {  	s10 =	simm.s32 $0x11580;
	s4 =	sadd.s32 s9, s31  }
0xa0: {  	s17 =	simm.s32 $0x40;
	s18 =	simm.s32 $0x11780;
	s0 =	sadd.s32 $0x0, s4  }
.LBB2_30:
0xa1: {  	[tilespmem:s10], [sflag:$0xC] =	stream.linear.gather [hbm4b:s0+s1], $0x80, $0x38;
	[tilespmem:$0x16400] =	vst v63  }
0xa2: {  	s0 =	smov.u32 s17;
	s10 =	smov.u32 s18;
	p1 =	sne.s32 s17, $0x4C0  }
.Ltmp14:
0xa3: {  	s17 =	sadd.s32 $0x40, s17;
	(pc) =	sbr.rel @p1 .LBB2_30-.Ltmp14, $2  }
0xa4: {  	_ =	sdelay $0x2  }
0xa5: {  	s18 =	sadd.s32 $0x200, s18;
	s0 =	sadd.s32 s0, s4  }
0xa6: {  	[tilespmem:s10], [sflag:$0xC] =	stream.linear.gather [hbm4b:s0+s1], $0x80, $0x38;
	[tilespmem:$0x16400] =	vst v63  }
0xa7: {  	s0 =	simm.s32 @!p0 $0xE  }
0xa8: {  	_ =	swait.ge @!p0 [sflag:s0], $0xA00  }
0xa9: {  	[sflag:s0] =	ssyncset.done @!p0 $0x0  }
0xaa: {  	[sflag:s0] =	ssyncadd.s32 @!p0 $0xFFFFF600  }
0xab: {  	_ =	swait.ge [sflag:s28], $0xA00  }
0xac: {  	[sflag:s28] =	ssyncset.done $0x0  }
0xad: {  	[sflag:s28] =	ssyncadd.s32 $0xFFFFF600  }
0xae: {  	_ =	swait.ge [sflag:s29], $0xA00  }
0xaf: {  	[sflag:s29] =	ssyncset.done $0x0  }
0xb0: {  	[sflag:s29] =	ssyncadd.s32 $0xFFFFF600  }
0xb1: {  	_ =	swait.ge [sflag:s6], $0xA00  }
0xb2: {  	s31 =	rddreg [dreg:$0x3]  }
0xb3: {  	s0 =	sadd.s32 s31, s20  }
0xb4: {  	s10 =	simm.s32 $0x13C00;
	s0 =	sshrl.u32 s0, $0x1  }
0xb5: {  	s17 =	simm.s32 $0x40;
	[sflag:s6] =	ssyncset.done $0x0;
	s4 =	sadd.s32 s0, s16  }
0xb6: {  	s18 =	simm.s32 $0x13E00;
	[sflag:s6] =	ssyncadd.s32 $0xFFFFF600;
	s0 =	sadd.s32 $0x0, s4  }
.LBB2_32:
0xb7: {  	[hbm4b:s0+s1] =	stream.linear.scatter [tilespmem:s10], [sflag:$0xD], $0x80, $0x38;
	[tilespmem:$0x16400] =	vst v63  }
0xb8: {  	s0 =	smov.u32 s17;
	s10 =	smov.u32 s18;
	p1 =	sne.s32 s17, $0x4C0  }
.Ltmp15:
0xb9: {  	s17 =	sadd.s32 $0x40, s17;
	(pc) =	sbr.rel @p1 .LBB2_32-.Ltmp15, $2  }
0xba: {  	_ =	sdelay $0x2  }
0xbb: {  	s18 =	sadd.s32 $0x200, s18;
	s0 =	sadd.s32 s0, s4  }
0xbc: {  	[hbm4b:s0+s1] =	stream.linear.scatter [tilespmem:s10], [sflag:$0xD], $0x80, $0x38;
	[tilespmem:$0x16400] =	vst v63  }
0xbd: {  	s26 =	rddreg [dreg:$0x8]  }
0xbe: {  	s26 =	sadd.s32 s20, s26  }
0xbf: {  	s18 =	sshrl.u32 s26, $0x3  }
0xc0: {  	s10 =	simm.s32 $0xC400;
	s4 =	sadd.s32 s3, s18  }
0xc1: {  	s17 =	simm.s32 $0x10;
	s31 =	simm.s32 $0xC600;
	s0 =	sadd.s32 $0x0, s4  }
.LBB2_34:
0xc2: {  	[tilespmem:s10], [sflag:$0x1] =	stream.linear.gather [hbm4b:s0+s1], $0x80, $0x38;
	[tilespmem:$0x16400] =	vst v63  }
0xc3: {  	s0 =	smov.u32 s17;
	s10 =	smov.u32 s31;
	p1 =	sne.s32 s17, $0x130  }
.Ltmp16:
0xc4: {  	s17 =	sadd.s32 $0x10, s17;
	(pc) =	sbr.rel @p1 .LBB2_34-.Ltmp16, $2  }
0xc5: {  	_ =	sdelay $0x2  }
0xc6: {  	s31 =	sadd.s32 $0x200, s31;
	s0 =	sadd.s32 s0, s4  }
0xc7: {  	[tilespmem:s10], [sflag:$0x1] =	stream.linear.gather [hbm4b:s0+s1], $0x80, $0x38;
	[tilespmem:$0x16400] =	vst v63  }
0xc8: {  	s4 =	sadd.s32 s5, s18;
	s10 =	simm.s32 $0xEC00  }
0xc9: {  	s17 =	simm.s32 $0x10;
	s18 =	simm.s32 $0xEE00;
	s0 =	sadd.s32 $0x0, s4  }
.LBB2_36:
0xca: {  	[tilespmem:s10], [sflag:$0x5] =	stream.linear.gather [hbm4b:s0+s1], $0x80, $0x38;
	[tilespmem:$0x16400] =	vst v63  }
0xcb: {  	s0 =	smov.u32 s17;
	s10 =	smov.u32 s18;
	p1 =	sne.s32 s17, $0x130  }
.Ltmp17:
0xcc: {  	s17 =	sadd.s32 $0x10, s17;
	(pc) =	sbr.rel @p1 .LBB2_36-.Ltmp17, $2  }
0xcd: {  	_ =	sdelay $0x2  }
0xce: {  	s18 =	sadd.s32 $0x200, s18;
	s0 =	sadd.s32 s0, s4  }
0xcf: {  	[tilespmem:s10], [sflag:$0x5] =	stream.linear.gather [hbm4b:s0+s1], $0x80, $0x38;
	[tilespmem:$0x16400] =	vst v63  }
0xd0: {  	s31 =	sshrl.u32 s26, $0x1  }
0xd1: {  	s10 =	simm.s32 $0x11400;
	s4 =	sadd.s32 s9, s31  }
0xd2: {  	s17 =	simm.s32 $0x40;
	s18 =	simm.s32 $0x11600;
	s0 =	sadd.s32 $0x0, s4  }
.LBB2_38:
0xd3: {  	[tilespmem:s10], [sflag:$0x9] =	stream.linear.gather [hbm4b:s0+s1], $0x80, $0x38;
	[tilespmem:$0x16400] =	vst v63  }
0xd4: {  	s0 =	smov.u32 s17;
	s10 =	smov.u32 s18;
	p1 =	sne.s32 s17, $0x4C0  }
.Ltmp18:
0xd5: {  	s17 =	sadd.s32 $0x40, s17;
	(pc) =	sbr.rel @p1 .LBB2_38-.Ltmp18, $2  }
0xd6: {  	_ =	sdelay $0x2  }
0xd7: {  	s18 =	sadd.s32 $0x200, s18;
	s0 =	sadd.s32 s0, s4  }
0xd8: {  	[tilespmem:s10], [sflag:$0x9] =	stream.linear.gather [hbm4b:s0+s1], $0x80, $0x38;
	[tilespmem:$0x16400] =	vst v63  }
0xd9: {  	s0 =	simm.s32 @!p0 $0xF  }
0xda: {  	_ =	swait.ge @!p0 [sflag:s0], $0xA00  }
0xdb: {  	[sflag:s0] =	ssyncset.done @!p0 $0x0  }
0xdc: {  	[sflag:s0] =	ssyncadd.s32 @!p0 $0xFFFFF600  }
0xdd: {  	_ =	swait.ge [sflag:s21], $0xA00  }
0xde: {  	[sflag:s21] =	ssyncset.done $0x0  }
0xdf: {  	[sflag:s21] =	ssyncadd.s32 $0xFFFFF600  }
0xe0: {  	_ =	swait.ge [sflag:s30], $0xA00  }
0xe1: {  	[sflag:s30] =	ssyncset.done $0x0  }
0xe2: {  	[sflag:s30] =	ssyncadd.s32 $0xFFFFF600  }
0xe3: {  	_ =	swait.ge [sflag:s15], $0xA00  }
0xe4: {  	s31 =	rddreg [dreg:$0x9]  }
0xe5: {  	s0 =	sadd.s32 s20, s31  }
0xe6: {  	s10 =	simm.s32 $0x13C80;
	s0 =	sshrl.u32 s0, $0x1  }
0xe7: {  	s17 =	simm.s32 $0x40;
	[sflag:s15] =	ssyncset.done $0x0;
	s4 =	sadd.s32 s0, s16  }
0xe8: {  	s18 =	simm.s32 $0x13E80;
	[sflag:s15] =	ssyncadd.s32 $0xFFFFF600;
	s0 =	sadd.s32 $0x0, s4  }
.LBB2_40:
0xe9: {  	[hbm4b:s0+s1] =	stream.linear.scatter [tilespmem:s10], [sflag:$0xE], $0x80, $0x38;
	[tilespmem:$0x16400] =	vst v63  }
0xea: {  	s0 =	smov.u32 s17;
	s10 =	smov.u32 s18;
	p1 =	sne.s32 s17, $0x4C0  }
.Ltmp19:
0xeb: {  	s17 =	sadd.s32 $0x40, s17;
	(pc) =	sbr.rel @p1 .LBB2_40-.Ltmp19, $2  }
0xec: {  	_ =	sdelay $0x2  }
0xed: {  	s18 =	sadd.s32 $0x200, s18;
	s0 =	sadd.s32 s0, s4  }
0xee: {  	[hbm4b:s0+s1] =	stream.linear.scatter [tilespmem:s10], [sflag:$0xE], $0x80, $0x38;
	[tilespmem:$0x16400] =	vst v63  }
0xef: {  	s26 =	rddreg [dreg:$0xa]  }
0xf0: {  	s26 =	sadd.s32 s20, s26  }
0xf1: {  	s18 =	sshrl.u32 s26, $0x3  }
0xf2: {  	s10 =	simm.s32 $0xC480;
	s4 =	sadd.s32 s3, s18  }
0xf3: {  	s17 =	simm.s32 $0x10;
	s31 =	simm.s32 $0xC680;
	s0 =	sadd.s32 $0x0, s4  }
.LBB2_42:
0xf4: {  	[tilespmem:s10], [sflag:$0x2] =	stream.linear.gather [hbm4b:s0+s1], $0x80, $0x38;
	[tilespmem:$0x16400] =	vst v63  }
0xf5: {  	s0 =	smov.u32 s17;
	s10 =	smov.u32 s31;
	p1 =	sne.s32 s17, $0x130  }
.Ltmp20:
0xf6: {  	s17 =	sadd.s32 $0x10, s17;
	(pc) =	sbr.rel @p1 .LBB2_42-.Ltmp20, $2  }
0xf7: {  	_ =	sdelay $0x2  }
0xf8: {  	s31 =	sadd.s32 $0x200, s31;
	s0 =	sadd.s32 s0, s4  }
0xf9: {  	[tilespmem:s10], [sflag:$0x2] =	stream.linear.gather [hbm4b:s0+s1], $0x80, $0x38;
	[tilespmem:$0x16400] =	vst v63  }
0xfa: {  	s4 =	sadd.s32 s5, s18;
	s10 =	simm.s32 $0xEC80  }
0xfb: {  	s17 =	simm.s32 $0x10;
	s18 =	simm.s32 $0xEE80;
	s0 =	sadd.s32 $0x0, s4  }
.LBB2_44:
0xfc: {  	[tilespmem:s10], [sflag:$0x6] =	stream.linear.gather [hbm4b:s0+s1], $0x80, $0x38;
	[tilespmem:$0x16400] =	vst v63  }
0xfd: {  	s0 =	smov.u32 s17;
	s10 =	smov.u32 s18;
	p1 =	sne.s32 s17, $0x130  }
.Ltmp21:
0xfe: {  	s17 =	sadd.s32 $0x10, s17;
	(pc) =	sbr.rel @p1 .LBB2_44-.Ltmp21, $2  }
0xff: {  	_ =	sdelay $0x2  }
0x100: {  	s18 =	sadd.s32 $0x200, s18;
	s0 =	sadd.s32 s0, s4  }
0x101: {  	[tilespmem:s10], [sflag:$0x6] =	stream.linear.gather [hbm4b:s0+s1], $0x80, $0x38;
	[tilespmem:$0x16400] =	vst v63  }
0x102: {  	s31 =	sshrl.u32 s26, $0x1  }
0x103: {  	s10 =	simm.s32 $0x11480;
	s4 =	sadd.s32 s9, s31  }
0x104: {  	s17 =	simm.s32 $0x40;
	s18 =	simm.s32 $0x11680;
	s0 =	sadd.s32 $0x0, s4  }
.LBB2_46:
0x105: {  	[tilespmem:s10], [sflag:$0xA] =	stream.linear.gather [hbm4b:s0+s1], $0x80, $0x38;
	[tilespmem:$0x16400] =	vst v63  }
0x106: {  	s0 =	smov.u32 s17;
	s10 =	smov.u32 s18;
	p1 =	sne.s32 s17, $0x4C0  }
.Ltmp22:
0x107: {  	s17 =	sadd.s32 $0x40, s17;
	(pc) =	sbr.rel @p1 .LBB2_46-.Ltmp22, $2  }
0x108: {  	_ =	sdelay $0x2  }
0x109: {  	s18 =	sadd.s32 $0x200, s18;
	s0 =	sadd.s32 s0, s4  }
0x10a: {  	[tilespmem:s10], [sflag:$0xA] =	stream.linear.gather [hbm4b:s0+s1], $0x80, $0x38;
	[tilespmem:$0x16400] =	vst v63  }
0x10b: {  	s0 =	simm.s32 @!p0 $0x10  }
0x10c: {  	_ =	swait.ge @!p0 [sflag:s0], $0xA00  }
0x10d: {  	[sflag:s0] =	ssyncset.done @!p0 $0x0  }
0x10e: {  	s18 =	simm.s32 $0x4;
	[sflag:s0] =	ssyncadd.s32 @!p0 $0xFFFFF600  }
0x10f: {  	_ =	swait.ge [sflag:s18], $0xA00  }
0x110: {  	[sflag:s18] =	ssyncset.done $0x0  }
0x111: {  	s26 =	simm.s32 $0x8;
	[sflag:s18] =	ssyncadd.s32 $0xFFFFF600  }
0x112: {  	_ =	swait.ge [sflag:s26], $0xA00  }
0x113: {  	[sflag:s26] =	ssyncset.done $0x0  }
0x114: {  	s4 =	simm.s32 $0xC;
	[sflag:s26] =	ssyncadd.s32 $0xFFFFF600  }
0x115: {  	_ =	swait.ge [sflag:s4], $0xA00  }
0x116: {  	s31 =	rddreg [dreg:$0x5]  }
0x117: {  	s0 =	sadd.s32 s20, s31  }
0x118: {  	[sflag:s4] =	ssyncset.done $0x0;
	s0 =	sshrl.u32 s0, $0x1  }
0x119: {  	s10 =	simm.s32 $0x13D00;
	[sflag:s4] =	ssyncadd.s32 $0xFFFFF600;
	s4 =	sadd.s32 s0, s16  }
0x11a: {  	s17 =	simm.s32 $0x40;
	s18 =	simm.s32 $0x13F00;
	s0 =	sadd.s32 $0x0, s4  }
.LBB2_48:
0x11b: {  	[hbm4b:s0+s1] =	stream.linear.scatter [tilespmem:s10], [sflag:$0xF], $0x80, $0x38;
	[tilespmem:$0x16400] =	vst v63  }
0x11c: {  	s0 =	smov.u32 s17;
	s10 =	smov.u32 s18;
	p0 =	sne.s32 s17, $0x4C0  }
.Ltmp23:
0x11d: {  	s17 =	sadd.s32 $0x40, s17;
	(pc) =	sbr.rel @p0 .LBB2_48-.Ltmp23, $2  }
0x11e: {  	_ =	sdelay $0x2  }
0x11f: {  	s18 =	sadd.s32 $0x200, s18;
	s0 =	sadd.s32 s0, s4  }
0x120: {  	[hbm4b:s0+s1] =	stream.linear.scatter [tilespmem:s10], [sflag:$0xF], $0x80, $0x38;
	[tilespmem:$0x16400] =	vst v63  }
0x121: {  	s31 =	rddreg [dreg:$0xc]  }
0x122: {  	s20 =	sadd.s32 s20, s31  }
0x123: {  	s18 =	sshrl.u32 s20, $0x3  }
0x124: {  	s10 =	simm.s32 $0xC500;
	s4 =	sadd.s32 s3, s18  }
0x125: {  	s17 =	simm.s32 $0x10;
	s26 =	simm.s32 $0xC700;
	s0 =	sadd.s32 $0x0, s4  }
.LBB2_50:
0x126: {  	[tilespmem:s10], [sflag:$0x3] =	stream.linear.gather [hbm4b:s0+s1], $0x80, $0x38;
	[tilespmem:$0x16400] =	vst v63  }
0x127: {  	s0 =	smov.u32 s17;
	s10 =	smov.u32 s26;
	p0 =	sne.s32 s17, $0x130  }
.Ltmp24:
0x128: {  	s17 =	sadd.s32 $0x10, s17;
	(pc) =	sbr.rel @p0 .LBB2_50-.Ltmp24, $2  }
0x129: {  	_ =	sdelay $0x2  }
0x12a: {  	s26 =	sadd.s32 $0x200, s26;
	s0 =	sadd.s32 s0, s4  }
0x12b: {  	[tilespmem:s10], [sflag:$0x3] =	stream.linear.gather [hbm4b:s0+s1], $0x80, $0x38;
	[tilespmem:$0x16400] =	vst v63  }
0x12c: {  	s4 =	sadd.s32 s5, s18;
	s10 =	simm.s32 $0xED00  }
0x12d: {  	s17 =	simm.s32 $0x10;
	s18 =	simm.s32 $0xEF00;
	s0 =	sadd.s32 $0x0, s4  }
.LBB2_52:
0x12e: {  	[tilespmem:s10], [sflag:$0x7] =	stream.linear.gather [hbm4b:s0+s1], $0x80, $0x38;
	[tilespmem:$0x16400] =	vst v63  }
0x12f: {  	s0 =	smov.u32 s17;
	s10 =	smov.u32 s18;
	p0 =	sne.s32 s17, $0x130  }
.Ltmp25:
0x130: {  	s17 =	sadd.s32 $0x10, s17;
	(pc) =	sbr.rel @p0 .LBB2_52-.Ltmp25, $2  }
0x131: {  	_ =	sdelay $0x2  }
0x132: {  	s18 =	sadd.s32 $0x200, s18;
	s0 =	sadd.s32 s0, s4  }
0x133: {  	[tilespmem:s10], [sflag:$0x7] =	stream.linear.gather [hbm4b:s0+s1], $0x80, $0x38;
	[tilespmem:$0x16400] =	vst v63  }
0x134: {  	s31 =	sshrl.u32 s20, $0x1  }
0x135: {  	s10 =	simm.s32 $0x11500;
	s4 =	sadd.s32 s9, s31  }
0x136: {  	s17 =	simm.s32 $0x40;
	s18 =	simm.s32 $0x11700;
	s0 =	sadd.s32 $0x0, s4  }
.LBB2_54:
0x137: {  	[tilespmem:s10], [sflag:$0xB] =	stream.linear.gather [hbm4b:s0+s1], $0x80, $0x38;
	[tilespmem:$0x16400] =	vst v63  }
0x138: {  	s0 =	smov.u32 s17;
	s10 =	smov.u32 s18;
	p0 =	sne.s32 s17, $0x4C0  }
.Ltmp26:
0x139: {  	s17 =	sadd.s32 $0x40, s17;
	(pc) =	sbr.rel @p0 .LBB2_54-.Ltmp26, $2  }
0x13a: {  	_ =	sdelay $0x2  }
0x13b: {  	s18 =	sadd.s32 $0x200, s18;
	s0 =	sadd.s32 s0, s4  }
0x13c: {  	s19 =	sadd.s32 $0x1, s19  }
0x13d: {  	p0 =	sne.s32 s19, $0xA  }
.Ltmp27:
0x13e: {  	_ = 	snop;
	(pc) =	sbr.rel @p0 .LBB2_20-.Ltmp27, $2  }
0x13f: {  	_ =	sdelay $0x2  }
0x140: {  	[tilespmem:s10], [sflag:$0xB] =	stream.linear.gather [hbm4b:s0+s1], $0x80, $0x38;
	[tilespmem:$0x16400] =	vst v63  }
0x141: {  	s0 =	simm.s32 $0x1  }
0x142: {  	_ =	swait.ge [sflag:s0], $0xA00  }
0x143: {  	[sflag:s0] =	ssyncset.done $0x0  }
0x144: {  	s31 =	simm.s32 $0x5;
	[sflag:s0] =	ssyncadd.s32 $0xFFFFF600  }
0x145: {  	_ =	swait.ge [sflag:s31], $0xA00  }
0x146: {  	[sflag:s31] =	ssyncset.done $0x0  }
0x147: {  	[sflag:s31] =	ssyncadd.s32 $0xFFFFF600  }
0x148: {  	_ =	swait.ge [sflag:s2], $0xA00  }
0x149: {  	[sflag:s2] =	ssyncset.done $0x0  }
0x14a: {  	[sflag:s2] =	ssyncadd.s32 $0xFFFFF600  }
0x14b: {  	_ =	swait.ge [sflag:s28], $0xA00  }
0x14c: {  	[sflag:s28] =	ssyncset.done $0x0  }
0x14d: {  	[sflag:s28] =	ssyncadd.s32 $0xFFFFF600  }
0x14e: {  	_ =	swait.ge [sflag:s29], $0xA00  }
0x14f: {  	[sflag:s29] =	ssyncset.done $0x0  }
0x150: {  	[sflag:s29] =	ssyncadd.s32 $0xFFFFF600  }
0x151: {  	_ =	swait.ge [sflag:s6], $0xA00  }
0x152: {  	[sflag:s6] =	ssyncset.done $0x0  }
0x153: {  	[sflag:s6] =	ssyncadd.s32 $0xFFFFF600  }
0x154: {  	_ =	swait.ge [sflag:s21], $0xA00  }
0x155: {  	[sflag:s21] =	ssyncset.done $0x0  }
0x156: {  	[sflag:s21] =	ssyncadd.s32 $0xFFFFF600  }
0x157: {  	_ =	swait.ge [sflag:s30], $0xA00  }
0x158: {  	[sflag:s30] =	ssyncset.done $0x0  }
0x159: {  	[sflag:s30] =	ssyncadd.s32 $0xFFFFF600  }
0x15a: {  	_ =	swait.ge [sflag:s15], $0xA00  }
0x15b: {  	s4 =	simm.s32 $0x13D80;
	s10 =	simm.s32 $0x40;
	[sflag:s15] =	ssyncset.done $0x0  }
0x15c: {  	s17 =	simm.s32 $0x13F80;
	s0 =	sadd.s32 $0x0, s25;
	[sflag:s15] =	ssyncadd.s32 $0xFFFFF600  }
.LBB2_57:
0x15d: {  	[hbm4b:s0+s1] =	stream.linear.scatter [tilespmem:s4], [sflag:$0x10], $0x80, $0x38;
	[tilespmem:$0x16400] =	vst v63  }
0x15e: {  	s0 =	smov.u32 s10;
	s4 =	smov.u32 s17;
	p0 =	sne.s32 s10, $0x4C0  }
.Ltmp28:
0x15f: {  	s10 =	sadd.s32 $0x40, s10;
	(pc) =	sbr.rel @p0 .LBB2_57-.Ltmp28, $2  }
0x160: {  	_ =	sdelay $0x2  }
0x161: {  	s17 =	sadd.s32 $0x200, s17;
	s0 =	sadd.s32 s0, s25  }
0x162: {  	[hbm4b:s0+s1] =	stream.linear.scatter [tilespmem:s4], [sflag:$0x10], $0x80, $0x38;
	[tilespmem:$0x16400] =	vst v63  }
0x163: {  	s18 =	simm.s32 $0xD  }
0x164: {  	_ =	swait.ge [sflag:s18], $0xA00  }
0x165: {  	[sflag:s18] =	ssyncset.done $0x0  }
0x166: {  	s19 =	simm.s32 $0xE;
	[sflag:s18] =	ssyncadd.s32 $0xFFFFF600  }
0x167: {  	_ =	swait.ge [sflag:s19], $0xA00  }
0x168: {  	[sflag:s19] =	ssyncset.done $0x0  }
0x169: {  	s20 =	simm.s32 $0xF;
	[sflag:s19] =	ssyncadd.s32 $0xFFFFF600  }
0x16a: {  	_ =	swait.ge [sflag:s20], $0xA00  }
0x16b: {  	[sflag:s20] =	ssyncset.done $0x0  }
0x16c: {  	s26 =	simm.s32 $0x10;
	[sflag:s20] =	ssyncadd.s32 $0xFFFFF600  }
0x16d: {  	_ =	swait.ge [sflag:s26], $0xA00  }
0x16e: {  	s10 =	rddreg [dreg:$0xd]  }
0x16f: {  	s31 =	rddreg [dreg:$0xb];
	s10 =	sadd.s32 $0x1, s10  }
0x170: {  	p0 =	sne.s32 s10, s31  }
.Ltmp29:
0x171: {  	_ = 	snop;
	(pc) =	sbr.rel @p0 .LBB2_1-.Ltmp29, $3  }
0x172: {  	_ =	sdelay $0x1  }
0x173: {  	[sflag:s26] =	ssyncset.done $0x0  }
0x174: {  	[sflag:s26] =	ssyncadd.s32 $0xFFFFF600  }
0x175: {  	_ =	sfence.sel $0x180000  }
0x176: {  	[bflag:$0x0] =	sbarrier.arrive $0xFFFF  }
0x177: {  	_ =	strace $0x9000004A  }
0x178: {  	s0 =	stileid.u32;
	[bflag:$0x2] =	sbarrier.arrive $0xFFFF  }
0x179: {  	p0 =	sne.s32 s0, $0x0;
	s0 =	rddreg [dreg:$0x2]  }
0x17a: {  	s0 =	sadd.s32 @!p0 $0x100000, s0  }
0x17b: {  	[sflag:s0] =	ssyncadd.tile.s32 @!p0 $0x1;
	_ =	shalt  }
.Lfunc_end2:
_tile_overlayer_lowered:
.L_overlay_start_2:
0x17c: {  	(tag) =	ssettag $0x2  }
0x17d: {  	s0 =	rddreg [dreg:$0x0];
	s2 =	stileid.u32  }
0x17e: {  	s1 =	rddreg [dreg:$0x1];
	p0 =	sne.s32 s2, $0x0  }
0x17f: {  	s3 =	rddreg [dreg:$0x2];
	[bflag:$0x3] =	sbarrier.arrive $0xFFFF;
	s2 =	simm.s32 @!p0 $0x1C11  }
0x180: {  	[timem:s3], [sflag:s2] =	dma.local @!p0 [hbm:s0], s1  }
0x181: {  	s0 =	simm.s32 @!p0 $0x11  }
0x182: {  	_ =	swait.ge @!p0 [sflag:s0], s1  }
0x183: {  	s1 =	ssub.s32 @!p0 $0x0, s1;
	[sflag:s0] =	ssyncset.done @!p0 $0x0  }
0x184: {  	[sflag:s0] =	ssyncadd.s32 @!p0 s1  }
0x185: {  	[bflag:$0x3] =	sbarrier.arrive $0xFFFF  }
0x186: {  	_ =	shalt  }

</sc_bundles>
